<compile_context>
chip_gen: v7x
topology: tpu7x:2x2x1
jax: 0.10.2.dev20260603
libtpu: 0.0.44.dev20260713+nightly
codegen_flags: <defaults>
</compile_context>

<pallas_src>
import functools

import jax
import jax.numpy as jnp
import numpy as np
from jax import lax
from jax.experimental import pallas as pl
from jax.experimental.pallas import tpu as pltpu
from jax.experimental.pallas import tpu_sc as plsc

_PCD_RANGE = np.array([-8.0, -8.0, -2.0, 8.0, 8.0, 2.0])
_VOXEL = np.array([1.0, 1.0, 1.0])
_ANG_BINS = 12
_MAX_DIS = 15
_GRID = ((_PCD_RANGE[3:] - _PCD_RANGE[:3]) // _VOXEL + 1).astype(np.int64)
_V = int(np.prod(_GRID))

_VPAD = 1536
_B = 4
_N = 4096
_NB = 1024
_VB = _VPAD
_HPAD = 1456


def _host_consts():
    low = _PCD_RANGE[:3]
    a, b, c = np.meshgrid(
        np.arange(_GRID[0]), np.arange(_GRID[1]), np.arange(_GRID[2]), indexing="ij"
    )
    disp = np.stack([a, b, c], axis=-1).astype(np.float64) * _VOXEL
    locs = (low + disp).reshape(-1, 3).astype(np.float32)
    locs_pad = np.zeros((8, _VPAD), dtype=np.float32)
    locs_far = np.full((_VPAD, 3), 1e4, dtype=np.float32)
    locs_far[:_V] = locs
    locs_pad[0:3, :] = -2.0 * locs_far.T
    locs_pad[3, :] = (locs_far.astype(np.float64) ** 2).sum(-1).astype(np.float32)
    locs_pad[4:7, :] = 1.0
    angs = np.array(
        [np.pi / _ANG_BINS * i - np.pi / 2 for i in range(_ANG_BINS)], dtype=np.float64
    )
    trig = np.zeros((_ANG_BINS, 32), dtype=np.float32)
    trig[:, :16] = np.cos(angs).astype(np.float32)[:, None]
    trig[:, 16:] = np.sin(angs).astype(np.float32)[:, None]
    return locs_pad, trig


_LOCS_PAD, _TRIG = _host_consts()


_N_STEPS = _N // _NB
_CHUNKS = _NB // 8
_FLUSH = 15
_BYTE_MASK = np.int32(0x0F0F0F0F)


def _tc_body(p_ref, l_ref, o_ref, h_ref, b_ref):
    n_step = pl.program_id(1)

    @pl.when(n_step == 0)
    def _():
        h_ref[...] = jnp.zeros((15, 8, _VB), jnp.int32)
        b_ref[...] = jnp.zeros((4, 8, _VB), jnp.int32)

    p3 = p_ref[0]
    paug = jnp.concatenate(
        [p3, jnp.ones((_NB, 1), jnp.float32), p3 * p3,
         jnp.zeros((_NB, 1), jnp.float32)], axis=1)
    d2 = jax.lax.dot_general(
        paug, l_ref[...], (((1,), (0,)), ((), ())),
        preferred_element_type=jnp.float32,
    )
    d2 = jnp.maximum(d2, np.float32(1e-12))
    d = d2 * jax.lax.rsqrt(d2)
    ec = jnp.clip(d, np.float32(0.0), np.float32(15.0)).astype(jnp.int32)
    sh = ec << 2
    vlo = jnp.left_shift(jnp.int32(1), sh)
    vhi = jnp.left_shift(jnp.int32(1), sh - 32)

    a_lo = jnp.zeros((8, _VB), jnp.int32)
    a_hi = jnp.zeros((8, _VB), jnp.int32)
    pending = 0
    for c in range(_CHUNKS):
        a_lo = a_lo + jax.lax.slice(vlo, (8 * c, 0), (8 * c + 8, _VB))
        a_hi = a_hi + jax.lax.slice(vhi, (8 * c, 0), (8 * c + 8, _VB))
        pending += 1
        if pending == _FLUSH or c == _CHUNKS - 1:
            b_ref[0] += a_lo & _BYTE_MASK
            b_ref[1] += (a_lo >> 4) & _BYTE_MASK
            b_ref[2] += a_hi & _BYTE_MASK
            b_ref[3] += (a_hi >> 4) & _BYTE_MASK
            a_lo = jnp.zeros((8, _VB), jnp.int32)
            a_hi = jnp.zeros((8, _VB), jnp.int32)
            pending = 0

    for k in range(_MAX_DIS):
        row = (2 if k >= 8 else 0) + (k & 1)
        jb = (k - 8 if k >= 8 else k) // 2
        h_ref[k] += (b_ref[row] >> (8 * jb)) & 255
    b_ref[...] = jnp.zeros((4, 8, _VB), jnp.int32)

    @pl.when(n_step == _N_STEPS - 1)
    def _():
        inv_n = np.float32(1.0 / _N)
        rows = []
        cum = jnp.zeros((1, _VB), jnp.int32)
        for k in range(_MAX_DIS):
            cum = cum + jnp.sum(h_ref[k], axis=0, keepdims=True)
            rows.append(cum.astype(jnp.float32) * inv_n)
        rows.append(jnp.zeros((1, _VB), jnp.float32))
        o_ref[0] = jnp.concatenate(rows, axis=0)


def _tc_feature(pcd):
    return pl.pallas_call(
        _tc_body,
        grid=(_B, _N_STEPS),
        in_specs=[
            pl.BlockSpec((1, _NB, 3), lambda b, n: (b, n, 0)),
            pl.BlockSpec((8, _VB), lambda b, n: (0, 0)),
        ],
        out_specs=pl.BlockSpec((1, 16, _VB), lambda b, n: (b, 0, 0)),
        out_shape=jax.ShapeDtypeStruct((_B, 16, _VPAD), jnp.float32),
        scratch_shapes=[
            pltpu.VMEM((15, 8, _VB), jnp.int32),
            pltpu.VMEM((4, 8, _VB), jnp.int32),
        ],
    )(pcd, jnp.asarray(_LOCS_PAD))


def _floor_i32(t):
    t = jnp.clip(t, np.float32(-16000.0), np.float32(16000.0))
    i = t.astype(jnp.int32)
    f = i.astype(jnp.float32)
    return jnp.where(f > t, i - 1, i)


def _sc_hist_pair(pts_ref, trig_ref, hist_ref, lo, hi):
    cv = trig_ref[pl.ds(0, 16)]
    sv = trig_ref[pl.ds(16, 16)]
    ones = jnp.full((16,), np.float32(1.0 / _N), jnp.float32)
    iota3 = lax.iota(jnp.int32, 16) * 3

    def one(i):
        xi_idx = iota3 + i * 48
        x = plsc.load_gather(pts_ref, [xi_idx])
        y = plsc.load_gather(pts_ref, [xi_idx + 1])
        z = plsc.load_gather(pts_ref, [xi_idx + 2])
        xr = x * cv - y * sv
        yr = x * sv + y * cv
        xi = _floor_i32(xr + np.float32(8.5))
        yi = _floor_i32(yr + np.float32(8.5))
        zi = _floor_i32(z + np.float32(2.5))
        idx = zi + yi * 5 + xi * 85
        valid = (idx >= 0) & (idx < _V)
        plsc.addupdate_scatter(hist_ref, [idx], ones, mask=valid)

    def chunk4(i, carry):
        for u in range(4):
            one(lo + i * 4 + u)
        return carry

    lax.fori_loop(0, (hi - lo) // 4, chunk4, 0)


def _sc_zero(hist_ref):
    zeros = jnp.zeros((16,), jnp.float32)
    for j in range(_HPAD // 16):
        hist_ref[pl.ds(j * 16, 16)] = zeros


def _sc_rot_hist(pcd_t, trig):
    info = plsc.get_sparse_core_info()
    nc = info.num_cores
    mesh = plsc.VectorSubcoreMesh(core_axis_name="c", subcore_axis_name="s")

    @functools.partial(
        pl.kernel,
        mesh=mesh,
        out_type=jax.ShapeDtypeStruct((48, _HPAD), jnp.float32),
        scratch_types=[
            pltpu.VMEM((_N * 3,), jnp.float32),
            pltpu.VMEM((32,), jnp.float32),
            pltpu.VMEM((_HPAD,), jnp.float32),
            pltpu.VMEM((_HPAD,), jnp.float32),
            pltpu.VMEM_SHARED((8, _HPAD), jnp.float32),
        ],
        compiler_params=pltpu.CompilerParams(needs_layout_passes=False),
    )
    def k(pcd_hbm, trig_hbm, out_hbm, pts_v, trig_v, hist_v, tmp_v, shared):
        sid = lax.axis_index("s")
        wid = sid * nc + lax.axis_index("c")
        b = lax.rem(wid, 4)
        r = lax.div(wid, 4)
        pltpu.sync_copy(pcd_hbm.at[b], pts_v)

        pltpu.sync_copy(trig_hbm.at[r], trig_v)
        _sc_zero(hist_v)
        _sc_hist_pair(pts_v, trig_v, hist_v, 0, _N // 16)
        pltpu.sync_copy(hist_v, out_hbm.at[wid])

        _sc_zero(hist_v)

        @pl.when(wid < 16)
        def _():
            pltpu.sync_copy(trig_hbm.at[r + 8], trig_v)
            _sc_hist_pair(pts_v, trig_v, hist_v, 0, _N // 32)

        @pl.when(wid >= 16)
        def _():
            pltpu.sync_copy(trig_hbm.at[r + 4], trig_v)
            _sc_hist_pair(pts_v, trig_v, hist_v, _N // 32, _N // 16)
            pltpu.sync_copy(hist_v, shared.at[sid - 8])

        plsc.subcore_barrier()

        @pl.when(wid < 16)
        def _():
            pltpu.sync_copy(shared.at[sid], tmp_v)
            for j in range(_HPAD // 16):
                sl = pl.ds(j * 16, 16)
                hist_v[sl] = hist_v[sl] + tmp_v[sl]
            pltpu.sync_copy(hist_v, out_hbm.at[wid + 32])

    return k(pcd_t, trig)


@jax.jit
def kernel(pcd):
    hist = _sc_rot_hist(pcd.reshape(_B, _N * 3), jnp.asarray(_TRIG))
    cnt = _tc_feature(pcd)

    feature = cnt[:, :_MAX_DIS, :_V].transpose(0, 2, 1)
    frot = hist[:, :_V].reshape(_ANG_BINS, _B, _V).transpose(1, 2, 0)
    return jnp.concatenate([feature, frot], axis=-1)

# --- scband reference (transcript-rebuilt; emitter-appended) ---
"""Pipeline reference for scband-manual-feature-rot-3702261809447 (READ-ONLY COPY).

The authoritative reference and input builder live on the scoring server;
editing this copy changes nothing except your own understanding.
"""

import jax, jax.numpy as jnp
import numpy as np

PCD_RANGE = np.array([-8.0, -8.0, -2.0, 8.0, 8.0, 2.0])
VOXEL = np.array([1.0, 1.0, 1.0])
ANG_BINS = 12
MAX_DIS = 15
GRID = ((PCD_RANGE[3:] - PCD_RANGE[:3]) // VOXEL + 1).astype(np.int64)  # [17,17,5]
V = int(np.prod(GRID))  # 1445


def _build_consts():
    low = PCD_RANGE[:3]
    a, b, c = np.meshgrid(np.arange(GRID[0]), np.arange(GRID[1]), np.arange(GRID[2]), indexing='ij')
    disp = np.stack([a, b, c], axis=-1).astype(np.float64) * VOXEL
    locs = (low + disp).reshape(-1, 3).astype(np.float32)
    angs = np.array([np.pi / ANG_BINS * i - np.pi / 2 for i in range(ANG_BINS)], dtype=np.float64)
    mats = np.array([[[np.cos(a_), -np.sin(a_), 0.0],
                      [np.sin(a_), np.cos(a_), 0.0],
                      [0.0, 0.0, 1.0]] for a_ in angs], dtype=np.float32)
    offset = (-low + VOXEL / 2).astype(np.float32)
    return locs, mats, offset


def setup_inputs(seed: int = 0) -> dict:
    key = jax.random.key(seed)
    pcd = jax.random.normal(key, (4, 4096, 3), dtype=jnp.float32) * jnp.array([4.0, 4.0, 1.0], dtype=jnp.float32)
    return {"pcd": pcd}


def reference(pcd):
    locs_np, mats_np, offset_np = _build_consts()
    locs = jnp.asarray(locs_np)
    mats = jnp.asarray(mats_np)
    offset = jnp.asarray(offset_np)
    vs = jnp.asarray(VOXEL.astype(np.float32))
    B = pcd.shape[0]
    N = pcd.shape[1]
    gz = int(GRID[2])
    gy = int(GRID[1])

    # dis: [V, B, N] = ceil(euclidean distance from each voxel center to each point)
    dis = jnp.ceil(jnp.sqrt(jnp.sum((pcd[None, :, :, :] - locs[:, None, None, :]) ** 2, axis=-1)))

    # cumulative radial count feature: [MAX_DIS, V, B]
    feats = []
    for i in range(MAX_DIS):
        feats.append(jnp.sum((dis <= float(i + 1)).astype(jnp.float32), axis=-1))
    feature = jnp.stack(feats, axis=0)
    feature = jnp.transpose(feature, (2, 1, 0))  # [B, V, MAX_DIS]

    # rotated voxel-occupancy histograms: [ANG_BINS, B, V]
    rot_feats = []
    for i in range(ANG_BINS):
        pts = pcd @ mats[i].T + offset
        pts = jnp.floor(pts / vs)
        idx_f = pts[..., 2] + pts[..., 1] * gz + pts[..., 0] * gy * gz
        idx = idx_f.astype(jnp.int32)  # [B, N]
        # torch.histc(bins=V, min=-0.5, max=V-0.5) on integer-valued floats == bincount over [0, V); out-of-range ignored
        valid = (idx >= 0) & (idx < V)
        idx_c = jnp.where(valid, idx, V)
        hists = []
        for j in range(B):
            h = jnp.bincount(idx_c[j], length=V + 1)[:V].astype(jnp.float32)
            hists.append(h)
        rot_feats.append(jnp.stack(hists, axis=0))  # [B, V]
    feature_rot = jnp.stack(rot_feats, axis=0)  # [ANG_BINS, B, V]
    feature_rot = jnp.transpose(feature_rot, (1, 2, 0))  # [B, V, ANG_BINS]

    out = jnp.concatenate([feature, feature_rot], axis=-1) / float(N)
    return out

if __name__ == "__main__":
    import jax
    _d = setup_inputs()
    print(jax.jit(kernel)(*tuple(_d.values())))

</pallas_src>

<mosaic_0001>
#map = affine_map<(d0, d1) -> (0, 0)>
module attributes {stable_mosaic.version = 14 : i64} {
  func.func @k(%arg0: i32, %arg1: i32, %arg2: memref<4x12288xf32, #tpu.memory_space<hbm>>, %arg3: memref<12x32xf32, #tpu.memory_space<hbm>>, %arg4: memref<48x1456xf32, #tpu.memory_space<hbm>>, %arg5: memref<12288xf32, #tpu.memory_space<vmem>>, %arg6: memref<32xf32, #tpu.memory_space<vmem>>, %arg7: memref<1456xf32, #tpu.memory_space<vmem>>, %arg8: memref<1456xf32, #tpu.memory_space<vmem>>, %arg9: memref<8x1456xf32, #tpu.memory_space<vmem_shared>>) attributes {dimension_semantics = [#tpu.dimension_semantics<core_parallel>, #tpu.dimension_semantics<subcore_parallel>], iteration_bounds = array<i64: 2, 16>, scalar_prefetch = 0 : i64, scratch_operands = 5 : i64, tpu.core_type = #tpu.core_type<sc_vector_subcore>, window_params = [{transform_indices = #map}, {transform_indices = #map}, {transform_indices = #map}]} {
    %mul3A = arith.constant 2 : i32
    %mul3A_0 = arith.muli %arg1, %mul3A : i32
    %add3A = arith.addi %mul3A_0, %arg0 : i32
    %rem3A = arith.constant 4 : i32
    %rem3A_1 = arith.remsi %add3A, %rem3A : i32
    %div3A = arith.constant 4 : i32
    %div3A_2 = arith.divsi %add3A, %div3A : i32
    "tpu.region"() ({
      %run_scoped3A = tpu.sem_alloc : memref<!tpu.dma_semaphore, #tpu.memory_space<semaphore_mem>>
      %dma_start3A = arith.constant 0 : i32
      %dma_start3A_393 = tpu.memref_slice %arg2[%rem3A_1, %dma_start3A] : memref<4x12288xf32, #tpu.memory_space<hbm>> -> memref<1x12288xf32, #tpu.memory_space<hbm>>
      %dma_start3A_394 = tpu.memref_squeeze %dma_start3A_393 : memref<1x12288xf32, #tpu.memory_space<hbm>> -> memref<12288xf32, #tpu.memory_space<hbm>>
      %dma_start3A_395 = arith.constant 0 : i32
      %dma_start3A_396 = tpu.memref_slice %arg2[%rem3A_1, %dma_start3A_395] : memref<4x12288xf32, #tpu.memory_space<hbm>> -> memref<1x12288xf32, #tpu.memory_space<hbm>>
      %dma_start3A_397 = tpu.memref_squeeze %dma_start3A_396 : memref<1x12288xf32, #tpu.memory_space<hbm>> -> memref<12288xf32, #tpu.memory_space<hbm>>
      tpu.enqueue_dma source(%dma_start3A_397 : memref<12288xf32, #tpu.memory_space<hbm>>) target(%arg5 : memref<12288xf32, #tpu.memory_space<vmem>>) target_semaphore(%run_scoped3A : memref<!tpu.dma_semaphore, #tpu.memory_space<semaphore_mem>>)
      %dma_wait3A = arith.constant 0 : i32
      %dma_wait3A_398 = tpu.memref_slice %arg2[%rem3A_1, %dma_wait3A] : memref<4x12288xf32, #tpu.memory_space<hbm>> -> memref<1x12288xf32, #tpu.memory_space<hbm>>
      %dma_wait3A_399 = tpu.memref_squeeze %dma_wait3A_398 : memref<1x12288xf32, #tpu.memory_space<hbm>> -> memref<12288xf32, #tpu.memory_space<hbm>>
      %dma_wait3A_400 = arith.constant 0 : i32
      %dma_wait3A_401 = tpu.memref_slice %arg2[%rem3A_1, %dma_wait3A_400] : memref<4x12288xf32, #tpu.memory_space<hbm>> -> memref<1x12288xf32, #tpu.memory_space<hbm>>
      %dma_wait3A_402 = tpu.memref_squeeze %dma_wait3A_401 : memref<1x12288xf32, #tpu.memory_space<hbm>> -> memref<12288xf32, #tpu.memory_space<hbm>>
      tpu.wait_dma2 semaphore(%run_scoped3A : memref<!tpu.dma_semaphore, #tpu.memory_space<semaphore_mem>>) src(%dma_wait3A_402 : memref<12288xf32, #tpu.memory_space<hbm>>) dst(%arg5 : memref<12288xf32, #tpu.memory_space<vmem>>)
      tpu.yield
    }) : () -> ()
    "tpu.region"() ({
      %run_scoped3A = tpu.sem_alloc : memref<!tpu.dma_semaphore, #tpu.memory_space<semaphore_mem>>
      %dma_start3A = arith.constant 0 : i32
      %dma_start3A_393 = tpu.memref_slice %arg3[%div3A_2, %dma_start3A] : memref<12x32xf32, #tpu.memory_space<hbm>> -> memref<1x32xf32, #tpu.memory_space<hbm>>
      %dma_start3A_394 = tpu.memref_squeeze %dma_start3A_393 : memref<1x32xf32, #tpu.memory_space<hbm>> -> memref<32xf32, #tpu.memory_space<hbm>>
      %dma_start3A_395 = arith.constant 0 : i32
      %dma_start3A_396 = tpu.memref_slice %arg3[%div3A_2, %dma_start3A_395] : memref<12x32xf32, #tpu.memory_space<hbm>> -> memref<1x32xf32, #tpu.memory_space<hbm>>
      %dma_start3A_397 = tpu.memref_squeeze %dma_start3A_396 : memref<1x32xf32, #tpu.memory_space<hbm>> -> memref<32xf32, #tpu.memory_space<hbm>>
      tpu.enqueue_dma source(%dma_start3A_397 : memref<32xf32, #tpu.memory_space<hbm>>) target(%arg6 : memref<32xf32, #tpu.memory_space<vmem>>) target_semaphore(%run_scoped3A : memref<!tpu.dma_semaphore, #tpu.memory_space<semaphore_mem>>)
      %dma_wait3A = arith.constant 0 : i32
      %dma_wait3A_398 = tpu.memref_slice %arg3[%div3A_2, %dma_wait3A] : memref<12x32xf32, #tpu.memory_space<hbm>> -> memref<1x32xf32, #tpu.memory_space<hbm>>
      %dma_wait3A_399 = tpu.memref_squeeze %dma_wait3A_398 : memref<1x32xf32, #tpu.memory_space<hbm>> -> memref<32xf32, #tpu.memory_space<hbm>>
      %dma_wait3A_400 = arith.constant 0 : i32
      %dma_wait3A_401 = tpu.memref_slice %arg3[%div3A_2, %dma_wait3A_400] : memref<12x32xf32, #tpu.memory_space<hbm>> -> memref<1x32xf32, #tpu.memory_space<hbm>>
      %dma_wait3A_402 = tpu.memref_squeeze %dma_wait3A_401 : memref<1x32xf32, #tpu.memory_space<hbm>> -> memref<32xf32, #tpu.memory_space<hbm>>
      tpu.wait_dma2 semaphore(%run_scoped3A : memref<!tpu.dma_semaphore, #tpu.memory_space<semaphore_mem>>) src(%dma_wait3A_402 : memref<32xf32, #tpu.memory_space<hbm>>) dst(%arg6 : memref<32xf32, #tpu.memory_space<vmem>>)
      tpu.yield
    }) : () -> ()
    %broadcast_in_dim3A = arith.constant 0.000000e+00 : f32
    %broadcast_in_dim3A_3 = vector.broadcast %broadcast_in_dim3A : f32 to vector<16xf32>
    %swap3A = arith.constant 0 : index
    %swap3A_4 = tpu.vector_load %arg7[%swap3A] {strides = array<i32>} : memref<1456xf32, #tpu.memory_space<vmem>>, vector<16xf32>,
    tpu.vector_store %arg7[%swap3A], %broadcast_in_dim3A_3 {strides = array<i32>} : memref<1456xf32, #tpu.memory_space<vmem>>, vector<16xf32>,
    %swap3A_5 = arith.constant 16 : index
    %swap3A_6 = tpu.vector_load %arg7[%swap3A_5] {strides = array<i32>} : memref<1456xf32, #tpu.memory_space<vmem>>, vector<16xf32>,
    tpu.vector_store %arg7[%swap3A_5], %broadcast_in_dim3A_3 {strides = array<i32>} : memref<1456xf32, #tpu.memory_space<vmem>>, vector<16xf32>,
    %swap3A_7 = arith.constant 32 : index
    %swap3A_8 = tpu.vector_load %arg7[%swap3A_7] {strides = array<i32>} : memref<1456xf32, #tpu.memory_space<vmem>>, vector<16xf32>,
    tpu.vector_store %arg7[%swap3A_7], %broadcast_in_dim3A_3 {strides = array<i32>} : memref<1456xf32, #tpu.memory_space<vmem>>, vector<16xf32>,
    %swap3A_9 = arith.constant 48 : index
    %swap3A_10 = tpu.vector_load %arg7[%swap3A_9] {strides = array<i32>} : memref<1456xf32, #tpu.memory_space<vmem>>, vector<16xf32>,
    tpu.vector_store %arg7[%swap3A_9], %broadcast_in_dim3A_3 {strides = array<i32>} : memref<1456xf32, #tpu.memory_space<vmem>>, vector<16xf32>,
    %swap3A_11 = arith.constant 64 : index
    %swap3A_12 = tpu.vector_load %arg7[%swap3A_11] {strides = array<i32>} : memref<1456xf32, #tpu.memory_space<vmem>>, vector<16xf32>,
    tpu.vector_store %arg7[%swap3A_11], %broadcast_in_dim3A_3 {strides = array<i32>} : memref<1456xf32, #tpu.memory_space<vmem>>, vector<16xf32>,
    %swap3A_13 = arith.constant 80 : index
    %swap3A_14 = tpu.vector_load %arg7[%swap3A_13] {strides = array<i32>} : memref<1456xf32, #tpu.memory_space<vmem>>, vector<16xf32>,
    tpu.vector_store %arg7[%swap3A_13], %broadcast_in_dim3A_3 {strides = array<i32>} : memref<1456xf32, #tpu.memory_space<vmem>>, vector<16xf32>,
    %swap3A_15 = arith.constant 96 : index
    %swap3A_16 = tpu.vector_load %arg7[%swap3A_15] {strides = array<i32>} : memref<1456xf32, #tpu.memory_space<vmem>>, vector<16xf32>,
    tpu.vector_store %arg7[%swap3A_15], %broadcast_in_dim3A_3 {strides = array<i32>} : memref<1456xf32, #tpu.memory_space<vmem>>, vector<16xf32>,
    %swap3A_17 = arith.constant 112 : index
    %swap3A_18 = tpu.vector_load %arg7[%swap3A_17] {strides = array<i32>} : memref<1456xf32, #tpu.memory_space<vmem>>, vector<16xf32>,
    tpu.vector_store %arg7[%swap3A_17], %broadcast_in_dim3A_3 {strides = array<i32>} : memref<1456xf32, #tpu.memory_space<vmem>>, vector<16xf32>,
    %swap3A_19 = arith.constant 128 : index
    %swap3A_20 = tpu.vector_load %arg7[%swap3A_19] {strides = array<i32>} : memref<1456xf32, #tpu.memory_space<vmem>>, vector<16xf32>,
    tpu.vector_store %arg7[%swap3A_19], %broadcast_in_dim3A_3 {strides = array<i32>} : memref<1456xf32, #tpu.memory_space<vmem>>, vector<16xf32>,
    %swap3A_21 = arith.constant 144 : index
    %swap3A_22 = tpu.vector_load %arg7[%swap3A_21] {strides = array<i32>} : memref<1456xf32, #tpu.memory_space<vmem>>, vector<16xf32>,
    tpu.vector_store %arg7[%swap3A_21], %broadcast_in_dim3A_3 {strides = array<i32>} : memref<1456xf32, #tpu.memory_space<vmem>>, vector<16xf32>,
    %swap3A_23 = arith.constant 160 : index
    %swap3A_24 = tpu.vector_load %arg7[%swap3A_23] {strides = array<i32>} : memref<1456xf32, #tpu.memory_space<vmem>>, vector<16xf32>,
    tpu.vector_store %arg7[%swap3A_23], %broadcast_in_dim3A_3 {strides = array<i32>} : memref<1456xf32, #tpu.memory_space<vmem>>, vector<16xf32>,
    %swap3A_25 = arith.constant 176 : index
    %swap3A_26 = tpu.vector_load %arg7[%swap3A_25] {strides = array<i32>} : memref<1456xf32, #tpu.memory_space<vmem>>, vector<16xf32>,
    tpu.vector_store %arg7[%swap3A_25], %broadcast_in_dim3A_3 {strides = array<i32>} : memref<1456xf32, #tpu.memory_space<vmem>>, vector<16xf32>,
    %swap3A_27 = arith.constant 192 : index
    %swap3A_28 = tpu.vector_load %arg7[%swap3A_27] {strides = array<i32>} : memref<1456xf32, #tpu.memory_space<vmem>>, vector<16xf32>,
    tpu.vector_store %arg7[%swap3A_27], %broadcast_in_dim3A_3 {strides = array<i32>} : memref<1456xf32, #tpu.memory_space<vmem>>, vector<16xf32>,
    %swap3A_29 = arith.constant 208 : index
    %swap3A_30 = tpu.vector_load %arg7[%swap3A_29] {strides = array<i32>} : memref<1456xf32, #tpu.memory_space<vmem>>, vector<16xf32>,
    tpu.vector_store %arg7[%swap3A_29], %broadcast_in_dim3A_3 {strides = array<i32>} : memref<1456xf32, #tpu.memory_space<vmem>>, vector<16xf32>,
    %swap3A_31 = arith.constant 224 : index
    %swap3A_32 = tpu.vector_load %arg7[%swap3A_31] {strides = array<i32>} : memref<1456xf32, #tpu.memory_space<vmem>>, vector<16xf32>,
    tpu.vector_store %arg7[%swap3A_31], %broadcast_in_dim3A_3 {strides = array<i32>} : memref<1456xf32, #tpu.memory_space<vmem>>, vector<16xf32>,
    %swap3A_33 = arith.constant 240 : index
    %swap3A_34 = tpu.vector_load %arg7[%swap3A_33] {strides = array<i32>} : memref<1456xf32, #tpu.memory_space<vmem>>, vector<16xf32>,
    tpu.vector_store %arg7[%swap3A_33], %broadcast_in_dim3A_3 {strides = array<i32>} : memref<1456xf32, #tpu.memory_space<vmem>>, vector<16xf32>,
    %swap3A_35 = arith.constant 256 : index
    %swap3A_36 = tpu.vector_load %arg7[%swap3A_35] {strides = array<i32>} : memref<1456xf32, #tpu.memory_space<vmem>>, vector<16xf32>,
    tpu.vector_store %arg7[%swap3A_35], %broadcast_in_dim3A_3 {strides = array<i32>} : memref<1456xf32, #tpu.memory_space<vmem>>, vector<16xf32>,
    %swap3A_37 = arith.constant 272 : index
    %swap3A_38 = tpu.vector_load %arg7[%swap3A_37] {strides = array<i32>} : memref<1456xf32, #tpu.memory_space<vmem>>, vector<16xf32>,
    tpu.vector_store %arg7[%swap3A_37], %broadcast_in_dim3A_3 {strides = array<i32>} : memref<1456xf32, #tpu.memory_space<vmem>>, vector<16xf32>,
    %swap3A_39 = arith.constant 288 : index
    %swap3A_40 = tpu.vector_load %arg7[%swap3A_39] {strides = array<i32>} : memref<1456xf32, #tpu.memory_space<vmem>>, vector<16xf32>,
    tpu.vector_store %arg7[%swap3A_39], %broadcast_in_dim3A_3 {strides = array<i32>} : memref<1456xf32, #tpu.memory_space<vmem>>, vector<16xf32>,
    %swap3A_41 = arith.constant 304 : index
    %swap3A_42 = tpu.vector_load %arg7[%swap3A_41] {strides = array<i32>} : memref<1456xf32, #tpu.memory_space<vmem>>, vector<16xf32>,
    tpu.vector_store %arg7[%swap3A_41], %broadcast_in_dim3A_3 {strides = array<i32>} : memref<1456xf32, #tpu.memory_space<vmem>>, vector<16xf32>,
    %swap3A_43 = arith.constant 320 : index
    %swap3A_44 = tpu.vector_load %arg7[%swap3A_43] {strides = array<i32>} : memref<1456xf32, #tpu.memory_space<vmem>>, vector<16xf32>,
    tpu.vector_store %arg7[%swap3A_43], %broadcast_in_dim3A_3 {strides = array<i32>} : memref<1456xf32, #tpu.memory_space<vmem>>, vector<16xf32>,
    %swap3A_45 = arith.constant 336 : index
    %swap3A_46 = tpu.vector_load %arg7[%swap3A_45] {strides = array<i32>} : memref<1456xf32, #tpu.memory_space<vmem>>, vector<16xf32>,
    tpu.vector_store %arg7[%swap3A_45], %broadcast_in_dim3A_3 {strides = array<i32>} : memref<1456xf32, #tpu.memory_space<vmem>>, vector<16xf32>,
    %swap3A_47 = arith.constant 352 : index
    %swap3A_48 = tpu.vector_load %arg7[%swap3A_47] {strides = array<i32>} : memref<1456xf32, #tpu.memory_space<vmem>>, vector<16xf32>,
    tpu.vector_store %arg7[%swap3A_47], %broadcast_in_dim3A_3 {strides = array<i32>} : memref<1456xf32, #tpu.memory_space<vmem>>, vector<16xf32>,
    %swap3A_49 = arith.constant 368 : index
    %swap3A_50 = tpu.vector_load %arg7[%swap3A_49] {strides = array<i32>} : memref<1456xf32, #tpu.memory_space<vmem>>, vector<16xf32>,
    tpu.vector_store %arg7[%swap3A_49], %broadcast_in_dim3A_3 {strides = array<i32>} : memref<1456xf32, #tpu.memory_space<vmem>>, vector<16xf32>,
    %swap3A_51 = arith.constant 384 : index
    %swap3A_52 = tpu.vector_load %arg7[%swap3A_51] {strides = array<i32>} : memref<1456xf32, #tpu.memory_space<vmem>>, vector<16xf32>,
    tpu.vector_store %arg7[%swap3A_51], %broadcast_in_dim3A_3 {strides = array<i32>} : memref<1456xf32, #tpu.memory_space<vmem>>, vector<16xf32>,
    %swap3A_53 = arith.constant 400 : index
    %swap3A_54 = tpu.vector_load %arg7[%swap3A_53] {strides = array<i32>} : memref<1456xf32, #tpu.memory_space<vmem>>, vector<16xf32>,
    tpu.vector_store %arg7[%swap3A_53], %broadcast_in_dim3A_3 {strides = array<i32>} : memref<1456xf32, #tpu.memory_space<vmem>>, vector<16xf32>,
    %swap3A_55 = arith.constant 416 : index
    %swap3A_56 = tpu.vector_load %arg7[%swap3A_55] {strides = array<i32>} : memref<1456xf32, #tpu.memory_space<vmem>>, vector<16xf32>,
    tpu.vector_store %arg7[%swap3A_55], %broadcast_in_dim3A_3 {strides = array<i32>} : memref<1456xf32, #tpu.memory_space<vmem>>, vector<16xf32>,
    %swap3A_57 = arith.constant 432 : index
    %swap3A_58 = tpu.vector_load %arg7[%swap3A_57] {strides = array<i32>} : memref<1456xf32, #tpu.memory_space<vmem>>, vector<16xf32>,
    tpu.vector_store %arg7[%swap3A_57], %broadcast_in_dim3A_3 {strides = array<i32>} : memref<1456xf32, #tpu.memory_space<vmem>>, vector<16xf32>,
    %swap3A_59 = arith.constant 448 : index
    %swap3A_60 = tpu.vector_load %arg7[%swap3A_59] {strides = array<i32>} : memref<1456xf32, #tpu.memory_space<vmem>>, vector<16xf32>,
    tpu.vector_store %arg7[%swap3A_59], %broadcast_in_dim3A_3 {strides = array<i32>} : memref<1456xf32, #tpu.memory_space<vmem>>, vector<16xf32>,
    %swap3A_61 = arith.constant 464 : index
    %swap3A_62 = tpu.vector_load %arg7[%swap3A_61] {strides = array<i32>} : memref<1456xf32, #tpu.memory_space<vmem>>, vector<16xf32>,
    tpu.vector_store %arg7[%swap3A_61], %broadcast_in_dim3A_3 {strides = array<i32>} : memref<1456xf32, #tpu.memory_space<vmem>>, vector<16xf32>,
    %swap3A_63 = arith.constant 480 : index
    %swap3A_64 = tpu.vector_load %arg7[%swap3A_63] {strides = array<i32>} : memref<1456xf32, #tpu.memory_space<vmem>>, vector<16xf32>,
    tpu.vector_store %arg7[%swap3A_63], %broadcast_in_dim3A_3 {strides = array<i32>} : memref<1456xf32, #tpu.memory_space<vmem>>, vector<16xf32>,
    %swap3A_65 = arith.constant 496 : index
    %swap3A_66 = tpu.vector_load %arg7[%swap3A_65] {strides = array<i32>} : memref<1456xf32, #tpu.memory_space<vmem>>, vector<16xf32>,
    tpu.vector_store %arg7[%swap3A_65], %broadcast_in_dim3A_3 {strides = array<i32>} : memref<1456xf32, #tpu.memory_space<vmem>>, vector<16xf32>,
    %swap3A_67 = arith.constant 512 : index
    %swap3A_68 = tpu.vector_load %arg7[%swap3A_67] {strides = array<i32>} : memref<1456xf32, #tpu.memory_space<vmem>>, vector<16xf32>,
    tpu.vector_store %arg7[%swap3A_67], %broadcast_in_dim3A_3 {strides = array<i32>} : memref<1456xf32, #tpu.memory_space<vmem>>, vector<16xf32>,
    %swap3A_69 = arith.constant 528 : index
    %swap3A_70 = tpu.vector_load %arg7[%swap3A_69] {strides = array<i32>} : memref<1456xf32, #tpu.memory_space<vmem>>, vector<16xf32>,
    tpu.vector_store %arg7[%swap3A_69], %broadcast_in_dim3A_3 {strides = array<i32>} : memref<1456xf32, #tpu.memory_space<vmem>>, vector<16xf32>,
    %swap3A_71 = arith.constant 544 : index
    %swap3A_72 = tpu.vector_load %arg7[%swap3A_71] {strides = array<i32>} : memref<1456xf32, #tpu.memory_space<vmem>>, vector<16xf32>,
    tpu.vector_store %arg7[%swap3A_71], %broadcast_in_dim3A_3 {strides = array<i32>} : memref<1456xf32, #tpu.memory_space<vmem>>, vector<16xf32>,
    %swap3A_73 = arith.constant 560 : index
    %swap3A_74 = tpu.vector_load %arg7[%swap3A_73] {strides = array<i32>} : memref<1456xf32, #tpu.memory_space<vmem>>, vector<16xf32>,
    tpu.vector_store %arg7[%swap3A_73], %broadcast_in_dim3A_3 {strides = array<i32>} : memref<1456xf32, #tpu.memory_space<vmem>>, vector<16xf32>,
    %swap3A_75 = arith.constant 576 : index
    %swap3A_76 = tpu.vector_load %arg7[%swap3A_75] {strides = array<i32>} : memref<1456xf32, #tpu.memory_space<vmem>>, vector<16xf32>,
    tpu.vector_store %arg7[%swap3A_75], %broadcast_in_dim3A_3 {strides = array<i32>} : memref<1456xf32, #tpu.memory_space<vmem>>, vector<16xf32>,
    %swap3A_77 = arith.constant 592 : index
    %swap3A_78 = tpu.vector_load %arg7[%swap3A_77] {strides = array<i32>} : memref<1456xf32, #tpu.memory_space<vmem>>, vector<16xf32>,
    tpu.vector_store %arg7[%swap3A_77], %broadcast_in_dim3A_3 {strides = array<i32>} : memref<1456xf32, #tpu.memory_space<vmem>>, vector<16xf32>,
    %swap3A_79 = arith.constant 608 : index
    %swap3A_80 = tpu.vector_load %arg7[%swap3A_79] {strides = array<i32>} : memref<1456xf32, #tpu.memory_space<vmem>>, vector<16xf32>,
    tpu.vector_store %arg7[%swap3A_79], %broadcast_in_dim3A_3 {strides = array<i32>} : memref<1456xf32, #tpu.memory_space<vmem>>, vector<16xf32>,
    %swap3A_81 = arith.constant 624 : index
    %swap3A_82 = tpu.vector_load %arg7[%swap3A_81] {strides = array<i32>} : memref<1456xf32, #tpu.memory_space<vmem>>, vector<16xf32>,
    tpu.vector_store %arg7[%swap3A_81], %broadcast_in_dim3A_3 {strides = array<i32>} : memref<1456xf32, #tpu.memory_space<vmem>>, vector<16xf32>,
    %swap3A_83 = arith.constant 640 : index
    %swap3A_84 = tpu.vector_load %arg7[%swap3A_83] {strides = array<i32>} : memref<1456xf32, #tpu.memory_space<vmem>>, vector<16xf32>,
    tpu.vector_store %arg7[%swap3A_83], %broadcast_in_dim3A_3 {strides = array<i32>} : memref<1456xf32, #tpu.memory_space<vmem>>, vector<16xf32>,
    %swap3A_85 = arith.constant 656 : index
    %swap3A_86 = tpu.vector_load %arg7[%swap3A_85] {strides = array<i32>} : memref<1456xf32, #tpu.memory_space<vmem>>, vector<16xf32>,
    tpu.vector_store %arg7[%swap3A_85], %broadcast_in_dim3A_3 {strides = array<i32>} : memref<1456xf32, #tpu.memory_space<vmem>>, vector<16xf32>,
    %swap3A_87 = arith.constant 672 : index
    %swap3A_88 = tpu.vector_load %arg7[%swap3A_87] {strides = array<i32>} : memref<1456xf32, #tpu.memory_space<vmem>>, vector<16xf32>,
    tpu.vector_store %arg7[%swap3A_87], %broadcast_in_dim3A_3 {strides = array<i32>} : memref<1456xf32, #tpu.memory_space<vmem>>, vector<16xf32>,
    %swap3A_89 = arith.constant 688 : index
    %swap3A_90 = tpu.vector_load %arg7[%swap3A_89] {strides = array<i32>} : memref<1456xf32, #tpu.memory_space<vmem>>, vector<16xf32>,
    tpu.vector_store %arg7[%swap3A_89], %broadcast_in_dim3A_3 {strides = array<i32>} : memref<1456xf32, #tpu.memory_space<vmem>>, vector<16xf32>,
    %swap3A_91 = arith.constant 704 : index
    %swap3A_92 = tpu.vector_load %arg7[%swap3A_91] {strides = array<i32>} : memref<1456xf32, #tpu.memory_space<vmem>>, vector<16xf32>,
    tpu.vector_store %arg7[%swap3A_91], %broadcast_in_dim3A_3 {strides = array<i32>} : memref<1456xf32, #tpu.memory_space<vmem>>, vector<16xf32>,
    %swap3A_93 = arith.constant 720 : index
    %swap3A_94 = tpu.vector_load %arg7[%swap3A_93] {strides = array<i32>} : memref<1456xf32, #tpu.memory_space<vmem>>, vector<16xf32>,
    tpu.vector_store %arg7[%swap3A_93], %broadcast_in_dim3A_3 {strides = array<i32>} : memref<1456xf32, #tpu.memory_space<vmem>>, vector<16xf32>,
    %swap3A_95 = arith.constant 736 : index
    %swap3A_96 = tpu.vector_load %arg7[%swap3A_95] {strides = array<i32>} : memref<1456xf32, #tpu.memory_space<vmem>>, vector<16xf32>,
    tpu.vector_store %arg7[%swap3A_95], %broadcast_in_dim3A_3 {strides = array<i32>} : memref<1456xf32, #tpu.memory_space<vmem>>, vector<16xf32>,
    %swap3A_97 = arith.constant 752 : index
    %swap3A_98 = tpu.vector_load %arg7[%swap3A_97] {strides = array<i32>} : memref<1456xf32, #tpu.memory_space<vmem>>, vector<16xf32>,
    tpu.vector_store %arg7[%swap3A_97], %broadcast_in_dim3A_3 {strides = array<i32>} : memref<1456xf32, #tpu.memory_space<vmem>>, vector<16xf32>,
    %swap3A_99 = arith.constant 768 : index
    %swap3A_100 = tpu.vector_load %arg7[%swap3A_99] {strides = array<i32>} : memref<1456xf32, #tpu.memory_space<vmem>>, vector<16xf32>,
    tpu.vector_store %arg7[%swap3A_99], %broadcast_in_dim3A_3 {strides = array<i32>} : memref<1456xf32, #tpu.memory_space<vmem>>, vector<16xf32>,
    %swap3A_101 = arith.constant 784 : index
    %swap3A_102 = tpu.vector_load %arg7[%swap3A_101] {strides = array<i32>} : memref<1456xf32, #tpu.memory_space<vmem>>, vector<16xf32>,
    tpu.vector_store %arg7[%swap3A_101], %broadcast_in_dim3A_3 {strides = array<i32>} : memref<1456xf32, #tpu.memory_space<vmem>>, vector<16xf32>,
    %swap3A_103 = arith.constant 800 : index
    %swap3A_104 = tpu.vector_load %arg7[%swap3A_103] {strides = array<i32>} : memref<1456xf32, #tpu.memory_space<vmem>>, vector<16xf32>,
    tpu.vector_store %arg7[%swap3A_103], %broadcast_in_dim3A_3 {strides = array<i32>} : memref<1456xf32, #tpu.memory_space<vmem>>, vector<16xf32>,
    %swap3A_105 = arith.constant 816 : index
    %swap3A_106 = tpu.vector_load %arg7[%swap3A_105] {strides = array<i32>} : memref<1456xf32, #tpu.memory_space<vmem>>, vector<16xf32>,
    tpu.vector_store %arg7[%swap3A_105], %broadcast_in_dim3A_3 {strides = array<i32>} : memref<1456xf32, #tpu.memory_space<vmem>>, vector<16xf32>,
    %swap3A_107 = arith.constant 832 : index
    %swap3A_108 = tpu.vector_load %arg7[%swap3A_107] {strides = array<i32>} : memref<1456xf32, #tpu.memory_space<vmem>>, vector<16xf32>,
    tpu.vector_store %arg7[%swap3A_107], %broadcast_in_dim3A_3 {strides = array<i32>} : memref<1456xf32, #tpu.memory_space<vmem>>, vector<16xf32>,
    %swap3A_109 = arith.constant 848 : index
    %swap3A_110 = tpu.vector_load %arg7[%swap3A_109] {strides = array<i32>} : memref<1456xf32, #tpu.memory_space<vmem>>, vector<16xf32>,
    tpu.vector_store %arg7[%swap3A_109], %broadcast_in_dim3A_3 {strides = array<i32>} : memref<1456xf32, #tpu.memory_space<vmem>>, vector<16xf32>,
    %swap3A_111 = arith.constant 864 : index
    %swap3A_112 = tpu.vector_load %arg7[%swap3A_111] {strides = array<i32>} : memref<1456xf32, #tpu.memory_space<vmem>>, vector<16xf32>,
    tpu.vector_store %arg7[%swap3A_111], %broadcast_in_dim3A_3 {strides = array<i32>} : memref<1456xf32, #tpu.memory_space<vmem>>, vector<16xf32>,
    %swap3A_113 = arith.constant 880 : index
    %swap3A_114 = tpu.vector_load %arg7[%swap3A_113] {strides = array<i32>} : memref<1456xf32, #tpu.memory_space<vmem>>, vector<16xf32>,
    tpu.vector_store %arg7[%swap3A_113], %broadcast_in_dim3A_3 {strides = array<i32>} : memref<1456xf32, #tpu.memory_space<vmem>>, vector<16xf32>,
    %swap3A_115 = arith.constant 896 : index
    %swap3A_116 = tpu.vector_load %arg7[%swap3A_115] {strides = array<i32>} : memref<1456xf32, #tpu.memory_space<vmem>>, vector<16xf32>,
    tpu.vector_store %arg7[%swap3A_115], %broadcast_in_dim3A_3 {strides = array<i32>} : memref<1456xf32, #tpu.memory_space<vmem>>, vector<16xf32>,
    %swap3A_117 = arith.constant 912 : index
    %swap3A_118 = tpu.vector_load %arg7[%swap3A_117] {strides = array<i32>} : memref<1456xf32, #tpu.memory_space<vmem>>, vector<16xf32>,
    tpu.vector_store %arg7[%swap3A_117], %broadcast_in_dim3A_3 {strides = array<i32>} : memref<1456xf32, #tpu.memory_space<vmem>>, vector<16xf32>,
    %swap3A_119 = arith.constant 928 : index
    %swap3A_120 = tpu.vector_load %arg7[%swap3A_119] {strides = array<i32>} : memref<1456xf32, #tpu.memory_space<vmem>>, vector<16xf32>,
    tpu.vector_store %arg7[%swap3A_119], %broadcast_in_dim3A_3 {strides = array<i32>} : memref<1456xf32, #tpu.memory_space<vmem>>, vector<16xf32>,
    %swap3A_121 = arith.constant 944 : index
    %swap3A_122 = tpu.vector_load %arg7[%swap3A_121] {strides = array<i32>} : memref<1456xf32, #tpu.memory_space<vmem>>, vector<16xf32>,
    tpu.vector_store %arg7[%swap3A_121], %broadcast_in_dim3A_3 {strides = array<i32>} : memref<1456xf32, #tpu.memory_space<vmem>>, vector<16xf32>,
    %swap3A_123 = arith.constant 960 : index
    %swap3A_124 = tpu.vector_load %arg7[%swap3A_123] {strides = array<i32>} : memref<1456xf32, #tpu.memory_space<vmem>>, vector<16xf32>,
    tpu.vector_store %arg7[%swap3A_123], %broadcast_in_dim3A_3 {strides = array<i32>} : memref<1456xf32, #tpu.memory_space<vmem>>, vector<16xf32>,
    %swap3A_125 = arith.constant 976 : index
    %swap3A_126 = tpu.vector_load %arg7[%swap3A_125] {strides = array<i32>} : memref<1456xf32, #tpu.memory_space<vmem>>, vector<16xf32>,
    tpu.vector_store %arg7[%swap3A_125], %broadcast_in_dim3A_3 {strides = array<i32>} : memref<1456xf32, #tpu.memory_space<vmem>>, vector<16xf32>,
    %swap3A_127 = arith.constant 992 : index
    %swap3A_128 = tpu.vector_load %arg7[%swap3A_127] {strides = array<i32>} : memref<1456xf32, #tpu.memory_space<vmem>>, vector<16xf32>,
    tpu.vector_store %arg7[%swap3A_127], %broadcast_in_dim3A_3 {strides = array<i32>} : memref<1456xf32, #tpu.memory_space<vmem>>, vector<16xf32>,
    %swap3A_129 = arith.constant 1008 : index
    %swap3A_130 = tpu.vector_load %arg7[%swap3A_129] {strides = array<i32>} : memref<1456xf32, #tpu.memory_space<vmem>>, vector<16xf32>,
    tpu.vector_store %arg7[%swap3A_129], %broadcast_in_dim3A_3 {strides = array<i32>} : memref<1456xf32, #tpu.memory_space<vmem>>, vector<16xf32>,
    %swap3A_131 = arith.constant 1024 : index
    %swap3A_132 = tpu.vector_load %arg7[%swap3A_131] {strides = array<i32>} : memref<1456xf32, #tpu.memory_space<vmem>>, vector<16xf32>,
    tpu.vector_store %arg7[%swap3A_131], %broadcast_in_dim3A_3 {strides = array<i32>} : memref<1456xf32, #tpu.memory_space<vmem>>, vector<16xf32>,
    %swap3A_133 = arith.constant 1040 : index
    %swap3A_134 = tpu.vector_load %arg7[%swap3A_133] {strides = array<i32>} : memref<1456xf32, #tpu.memory_space<vmem>>, vector<16xf32>,
    tpu.vector_store %arg7[%swap3A_133], %broadcast_in_dim3A_3 {strides = array<i32>} : memref<1456xf32, #tpu.memory_space<vmem>>, vector<16xf32>,
    %swap3A_135 = arith.constant 1056 : index
    %swap3A_136 = tpu.vector_load %arg7[%swap3A_135] {strides = array<i32>} : memref<1456xf32, #tpu.memory_space<vmem>>, vector<16xf32>,
    tpu.vector_store %arg7[%swap3A_135], %broadcast_in_dim3A_3 {strides = array<i32>} : memref<1456xf32, #tpu.memory_space<vmem>>, vector<16xf32>,
    %swap3A_137 = arith.constant 1072 : index
    %swap3A_138 = tpu.vector_load %arg7[%swap3A_137] {strides = array<i32>} : memref<1456xf32, #tpu.memory_space<vmem>>, vector<16xf32>,
    tpu.vector_store %arg7[%swap3A_137], %broadcast_in_dim3A_3 {strides = array<i32>} : memref<1456xf32, #tpu.memory_space<vmem>>, vector<16xf32>,
    %swap3A_139 = arith.constant 1088 : index
    %swap3A_140 = tpu.vector_load %arg7[%swap3A_139] {strides = array<i32>} : memref<1456xf32, #tpu.memory_space<vmem>>, vector<16xf32>,
    tpu.vector_store %arg7[%swap3A_139], %broadcast_in_dim3A_3 {strides = array<i32>} : memref<1456xf32, #tpu.memory_space<vmem>>, vector<16xf32>,
    %swap3A_141 = arith.constant 1104 : index
    %swap3A_142 = tpu.vector_load %arg7[%swap3A_141] {strides = array<i32>} : memref<1456xf32, #tpu.memory_space<vmem>>, vector<16xf32>,
    tpu.vector_store %arg7[%swap3A_141], %broadcast_in_dim3A_3 {strides = array<i32>} : memref<1456xf32, #tpu.memory_space<vmem>>, vector<16xf32>,
    %swap3A_143 = arith.constant 1120 : index
    %swap3A_144 = tpu.vector_load %arg7[%swap3A_143] {strides = array<i32>} : memref<1456xf32, #tpu.memory_space<vmem>>, vector<16xf32>,
    tpu.vector_store %arg7[%swap3A_143], %broadcast_in_dim3A_3 {strides = array<i32>} : memref<1456xf32, #tpu.memory_space<vmem>>, vector<16xf32>,
    %swap3A_145 = arith.constant 1136 : index
    %swap3A_146 = tpu.vector_load %arg7[%swap3A_145] {strides = array<i32>} : memref<1456xf32, #tpu.memory_space<vmem>>, vector<16xf32>,
    tpu.vector_store %arg7[%swap3A_145], %broadcast_in_dim3A_3 {strides = array<i32>} : memref<1456xf32, #tpu.memory_space<vmem>>, vector<16xf32>,
    %swap3A_147 = arith.constant 1152 : index
    %swap3A_148 = tpu.vector_load %arg7[%swap3A_147] {strides = array<i32>} : memref<1456xf32, #tpu.memory_space<vmem>>, vector<16xf32>,
    tpu.vector_store %arg7[%swap3A_147], %broadcast_in_dim3A_3 {strides = array<i32>} : memref<1456xf32, #tpu.memory_space<vmem>>, vector<16xf32>,
    %swap3A_149 = arith.constant 1168 : index
    %swap3A_150 = tpu.vector_load %arg7[%swap3A_149] {strides = array<i32>} : memref<1456xf32, #tpu.memory_space<vmem>>, vector<16xf32>,
    tpu.vector_store %arg7[%swap3A_149], %broadcast_in_dim3A_3 {strides = array<i32>} : memref<1456xf32, #tpu.memory_space<vmem>>, vector<16xf32>,
    %swap3A_151 = arith.constant 1184 : index
    %swap3A_152 = tpu.vector_load %arg7[%swap3A_151] {strides = array<i32>} : memref<1456xf32, #tpu.memory_space<vmem>>, vector<16xf32>,
    tpu.vector_store %arg7[%swap3A_151], %broadcast_in_dim3A_3 {strides = array<i32>} : memref<1456xf32, #tpu.memory_space<vmem>>, vector<16xf32>,
    %swap3A_153 = arith.constant 1200 : index
    %swap3A_154 = tpu.vector_load %arg7[%swap3A_153] {strides = array<i32>} : memref<1456xf32, #tpu.memory_space<vmem>>, vector<16xf32>,
    tpu.vector_store %arg7[%swap3A_153], %broadcast_in_dim3A_3 {strides = array<i32>} : memref<1456xf32, #tpu.memory_space<vmem>>, vector<16xf32>,
    %swap3A_155 = arith.constant 1216 : index
    %swap3A_156 = tpu.vector_load %arg7[%swap3A_155] {strides = array<i32>} : memref<1456xf32, #tpu.memory_space<vmem>>, vector<16xf32>,
    tpu.vector_store %arg7[%swap3A_155], %broadcast_in_dim3A_3 {strides = array<i32>} : memref<1456xf32, #tpu.memory_space<vmem>>, vector<16xf32>,
    %swap3A_157 = arith.constant 1232 : index
    %swap3A_158 = tpu.vector_load %arg7[%swap3A_157] {strides = array<i32>} : memref<1456xf32, #tpu.memory_space<vmem>>, vector<16xf32>,
    tpu.vector_store %arg7[%swap3A_157], %broadcast_in_dim3A_3 {strides = array<i32>} : memref<1456xf32, #tpu.memory_space<vmem>>, vector<16xf32>,
    %swap3A_159 = arith.constant 1248 : index
    %swap3A_160 = tpu.vector_load %arg7[%swap3A_159] {strides = array<i32>} : memref<1456xf32, #tpu.memory_space<vmem>>, vector<16xf32>,
    tpu.vector_store %arg7[%swap3A_159], %broadcast_in_dim3A_3 {strides = array<i32>} : memref<1456xf32, #tpu.memory_space<vmem>>, vector<16xf32>,
    %swap3A_161 = arith.constant 1264 : index
    %swap3A_162 = tpu.vector_load %arg7[%swap3A_161] {strides = array<i32>} : memref<1456xf32, #tpu.memory_space<vmem>>, vector<16xf32>,
    tpu.vector_store %arg7[%swap3A_161], %broadcast_in_dim3A_3 {strides = array<i32>} : memref<1456xf32, #tpu.memory_space<vmem>>, vector<16xf32>,
    %swap3A_163 = arith.constant 1280 : index
    %swap3A_164 = tpu.vector_load %arg7[%swap3A_163] {strides = array<i32>} : memref<1456xf32, #tpu.memory_space<vmem>>, vector<16xf32>,
    tpu.vector_store %arg7[%swap3A_163], %broadcast_in_dim3A_3 {strides = array<i32>} : memref<1456xf32, #tpu.memory_space<vmem>>, vector<16xf32>,
    %swap3A_165 = arith.constant 1296 : index
    %swap3A_166 = tpu.vector_load %arg7[%swap3A_165] {strides = array<i32>} : memref<1456xf32, #tpu.memory_space<vmem>>, vector<16xf32>,
    tpu.vector_store %arg7[%swap3A_165], %broadcast_in_dim3A_3 {strides = array<i32>} : memref<1456xf32, #tpu.memory_space<vmem>>, vector<16xf32>,
    %swap3A_167 = arith.constant 1312 : index
    %swap3A_168 = tpu.vector_load %arg7[%swap3A_167] {strides = array<i32>} : memref<1456xf32, #tpu.memory_space<vmem>>, vector<16xf32>,
    tpu.vector_store %arg7[%swap3A_167], %broadcast_in_dim3A_3 {strides = array<i32>} : memref<1456xf32, #tpu.memory_space<vmem>>, vector<16xf32>,
    %swap3A_169 = arith.constant 1328 : index
    %swap3A_170 = tpu.vector_load %arg7[%swap3A_169] {strides = array<i32>} : memref<1456xf32, #tpu.memory_space<vmem>>, vector<16xf32>,
    tpu.vector_store %arg7[%swap3A_169], %broadcast_in_dim3A_3 {strides = array<i32>} : memref<1456xf32, #tpu.memory_space<vmem>>, vector<16xf32>,
    %swap3A_171 = arith.constant 1344 : index
    %swap3A_172 = tpu.vector_load %arg7[%swap3A_171] {strides = array<i32>} : memref<1456xf32, #tpu.memory_space<vmem>>, vector<16xf32>,
    tpu.vector_store %arg7[%swap3A_171], %broadcast_in_dim3A_3 {strides = array<i32>} : memref<1456xf32, #tpu.memory_space<vmem>>, vector<16xf32>,
    %swap3A_173 = arith.constant 1360 : index
    %swap3A_174 = tpu.vector_load %arg7[%swap3A_173] {strides = array<i32>} : memref<1456xf32, #tpu.memory_space<vmem>>, vector<16xf32>,
    tpu.vector_store %arg7[%swap3A_173], %broadcast_in_dim3A_3 {strides = array<i32>} : memref<1456xf32, #tpu.memory_space<vmem>>, vector<16xf32>,
    %swap3A_175 = arith.constant 1376 : index
    %swap3A_176 = tpu.vector_load %arg7[%swap3A_175] {strides = array<i32>} : memref<1456xf32, #tpu.memory_space<vmem>>, vector<16xf32>,
    tpu.vector_store %arg7[%swap3A_175], %broadcast_in_dim3A_3 {strides = array<i32>} : memref<1456xf32, #tpu.memory_space<vmem>>, vector<16xf32>,
    %swap3A_177 = arith.constant 1392 : index
    %swap3A_178 = tpu.vector_load %arg7[%swap3A_177] {strides = array<i32>} : memref<1456xf32, #tpu.memory_space<vmem>>, vector<16xf32>,
    tpu.vector_store %arg7[%swap3A_177], %broadcast_in_dim3A_3 {strides = array<i32>} : memref<1456xf32, #tpu.memory_space<vmem>>, vector<16xf32>,
    %swap3A_179 = arith.constant 1408 : index
    %swap3A_180 = tpu.vector_load %arg7[%swap3A_179] {strides = array<i32>} : memref<1456xf32, #tpu.memory_space<vmem>>, vector<16xf32>,
    tpu.vector_store %arg7[%swap3A_179], %broadcast_in_dim3A_3 {strides = array<i32>} : memref<1456xf32, #tpu.memory_space<vmem>>, vector<16xf32>,
    %swap3A_181 = arith.constant 1424 : index
    %swap3A_182 = tpu.vector_load %arg7[%swap3A_181] {strides = array<i32>} : memref<1456xf32, #tpu.memory_space<vmem>>, vector<16xf32>,
    tpu.vector_store %arg7[%swap3A_181], %broadcast_in_dim3A_3 {strides = array<i32>} : memref<1456xf32, #tpu.memory_space<vmem>>, vector<16xf32>,
    %swap3A_183 = arith.constant 1440 : index
    %swap3A_184 = tpu.vector_load %arg7[%swap3A_183] {strides = array<i32>} : memref<1456xf32, #tpu.memory_space<vmem>>, vector<16xf32>,
    tpu.vector_store %arg7[%swap3A_183], %broadcast_in_dim3A_3 {strides = array<i32>} : memref<1456xf32, #tpu.memory_space<vmem>>, vector<16xf32>,
    %get3A = arith.constant 0 : index
    %get3A_185 = tpu.vector_load %arg6[%get3A] {strides = array<i32>} : memref<32xf32, #tpu.memory_space<vmem>>, vector<16xf32>,
    %get3A_186 = arith.constant 16 : index
    %get3A_187 = tpu.vector_load %arg6[%get3A_186] {strides = array<i32>} : memref<32xf32, #tpu.memory_space<vmem>>, vector<16xf32>,
    %broadcast_in_dim3A_188 = arith.constant 2.44140625E-4 : f32
    %broadcast_in_dim3A_189 = vector.broadcast %broadcast_in_dim3A_188 : f32 to vector<16xf32>
    %iota3A = tpu.iota {dimensions = array<i32: 0>} : vector<16xi32>
    %mul3A_190 = arith.constant 3 : i32
    %mul3A_191 = vector.broadcast %mul3A_190 : i32 to vector<16xi32>
    %mul3A_192 = arith.muli %iota3A, %mul3A_191 : vector<16xi32>
    %scan3A = arith.constant 0 : i32
    %scan3A_193 = arith.constant 0 : i32
    %scan3A_194 = arith.constant 64 : i32
    %scan3A_195 = arith.addi %scan3A_193, %scan3A_194 : i32
    %scan3A_196 = arith.constant 1 : i32
    scf.for %scan3A_393 = %scan3A_193 to %scan3A_195 step %scan3A_196  : i32 {
      %mul3A_394 = arith.constant 4 : i32
      %mul3A_395 = arith.muli %scan3A_393, %mul3A_394 : i32
      %add3A_396 = arith.constant 0 : i32
      %add3A_397 = arith.addi %add3A_396, %mul3A_395 : i32
      %add3A_398 = arith.constant 0 : i32
      %add3A_399 = arith.addi %add3A_397, %add3A_398 : i32
      %mul3A_400 = arith.constant 48 : i32
      %mul3A_401 = arith.muli %add3A_399, %mul3A_400 : i32
      %add3A_402 = vector.broadcast %mul3A_401 : i32 to vector<16xi32>
      %add3A_403 = arith.addi %mul3A_192, %add3A_402 : vector<16xi32>
      %gather3A = tpu.vector_load_idx %arg5[%add3A_403] : memref<12288xf32, #tpu.memory_space<vmem>>[vector<16xi32>], vector<16xf32>,
      %add3A_404 = arith.constant 1 : i32
      %add3A_405 = vector.broadcast %add3A_404 : i32 to vector<16xi32>
      %add3A_406 = arith.addi %add3A_403, %add3A_405 : vector<16xi32>
      %gather3A_407 = tpu.vector_load_idx %arg5[%add3A_406] : memref<12288xf32, #tpu.memory_space<vmem>>[vector<16xi32>], vector<16xf32>,
      %add3A_408 = arith.constant 2 : i32
      %add3A_409 = vector.broadcast %add3A_408 : i32 to vector<16xi32>
      %add3A_410 = arith.addi %add3A_403, %add3A_409 : vector<16xi32>
      %gather3A_411 = tpu.vector_load_idx %arg5[%add3A_410] : memref<12288xf32, #tpu.memory_space<vmem>>[vector<16xi32>], vector<16xf32>,
      %mul3A_412 = arith.mulf %gather3A, %get3A_185 : vector<16xf32>
      %mul3A_413 = arith.mulf %gather3A_407, %get3A_187 : vector<16xf32>
      %sub3A = arith.subf %mul3A_412, %mul3A_413 : vector<16xf32>
      %mul3A_414 = arith.mulf %gather3A, %get3A_187 : vector<16xf32>
      %mul3A_415 = arith.mulf %gather3A_407, %get3A_185 : vector<16xf32>
      %add3A_416 = arith.addf %mul3A_414, %mul3A_415 : vector<16xf32>
      %add3A_417 = arith.constant 8.500000e+00 : f32
      %add3A_418 = vector.broadcast %add3A_417 : f32 to vector<16xf32>
      %add3A_419 = arith.addf %sub3A, %add3A_418 : vector<16xf32>
      %jit3A = arith.constant -1.600000e+04 : f32
      %jit3A_420 = arith.constant 1.600000e+04 : f32
      %max3A = vector.broadcast %jit3A : f32 to vector<16xf32>
      %max3A_421 = arith.maximumf %max3A, %add3A_419 : vector<16xf32>
      %min3A = vector.broadcast %jit3A_420 : f32 to vector<16xf32>
      %min3A_422 = arith.minimumf %min3A, %max3A_421 : vector<16xf32>
      %convert_element_type3A_423 = arith.fptosi %min3A_422 : vector<16xf32> to vector<16xi32>
      %convert_element_type3A_424 = arith.sitofp %convert_element_type3A_423 : vector<16xi32> to vector<16xf32>
      %gt3A = arith.cmpf ogt, %convert_element_type3A_424, %min3A_422 : vector<16xf32>
      %sub3A_425 = arith.constant 1 : i32
      %sub3A_426 = vector.broadcast %sub3A_425 : i32 to vector<16xi32>
      %sub3A_427 = arith.subi %convert_element_type3A_423, %sub3A_426 : vector<16xi32>
      %select_n3A = arith.select %gt3A, %sub3A_427, %convert_element_type3A_423 : vector<16xi1>, vector<16xi32>
      %add3A_428 = arith.constant 8.500000e+00 : f32
      %add3A_429 = vector.broadcast %add3A_428 : f32 to vector<16xf32>
      %add3A_430 = arith.addf %add3A_416, %add3A_429 : vector<16xf32>
      %jit3A_431 = arith.constant -1.600000e+04 : f32
      %jit3A_432 = arith.constant 1.600000e+04 : f32
      %max3A_433 = vector.broadcast %jit3A_431 : f32 to vector<16xf32>
      %max3A_434 = arith.maximumf %max3A_433, %add3A_430 : vector<16xf32>
      %min3A_435 = vector.broadcast %jit3A_432 : f32 to vector<16xf32>
      %min3A_436 = arith.minimumf %min3A_435, %max3A_434 : vector<16xf32>
      %convert_element_type3A_437 = arith.fptosi %min3A_436 : vector<16xf32> to vector<16xi32>
      %convert_element_type3A_438 = arith.sitofp %convert_element_type3A_437 : vector<16xi32> to vector<16xf32>
      %gt3A_439 = arith.cmpf ogt, %convert_element_type3A_438, %min3A_436 : vector<16xf32>
      %sub3A_440 = arith.constant 1 : i32
      %sub3A_441 = vector.broadcast %sub3A_440 : i32 to vector<16xi32>
      %sub3A_442 = arith.subi %convert_element_type3A_437, %sub3A_441 : vector<16xi32>
      %select_n3A_443 = arith.select %gt3A_439, %sub3A_442, %convert_element_type3A_437 : vector<16xi1>, vector<16xi32>
      %add3A_444 = arith.constant 2.500000e+00 : f32
      %add3A_445 = vector.broadcast %add3A_444 : f32 to vector<16xf32>
      %add3A_446 = arith.addf %gather3A_411, %add3A_445 : vector<16xf32>
      %jit3A_447 = arith.constant -1.600000e+04 : f32
      %jit3A_448 = arith.constant 1.600000e+04 : f32
      %max3A_449 = vector.broadcast %jit3A_447 : f32 to vector<16xf32>
      %max3A_450 = arith.maximumf %max3A_449, %add3A_446 : vector<16xf32>
      %min3A_451 = vector.broadcast %jit3A_448 : f32 to vector<16xf32>
      %min3A_452 = arith.minimumf %min3A_451, %max3A_450 : vector<16xf32>
      %convert_element_type3A_453 = arith.fptosi %min3A_452 : vector<16xf32> to vector<16xi32>
      %convert_element_type3A_454 = arith.sitofp %convert_element_type3A_453 : vector<16xi32> to vector<16xf32>
      %gt3A_455 = arith.cmpf ogt, %convert_element_type3A_454, %min3A_452 : vector<16xf32>
      %sub3A_456 = arith.constant 1 : i32
      %sub3A_457 = vector.broadcast %sub3A_456 : i32 to vector<16xi32>
      %sub3A_458 = arith.subi %convert_element_type3A_453, %sub3A_457 : vector<16xi32>
      %select_n3A_459 = arith.select %gt3A_455, %sub3A_458, %convert_element_type3A_453 : vector<16xi1>, vector<16xi32>
      %mul3A_460 = arith.constant 5 : i32
      %mul3A_461 = vector.broadcast %mul3A_460 : i32 to vector<16xi32>
      %mul3A_462 = arith.muli %select_n3A_443, %mul3A_461 : vector<16xi32>
      %add3A_463 = arith.addi %select_n3A_459, %mul3A_462 : vector<16xi32>
      %mul3A_464 = arith.constant 85 : i32
      %mul3A_465 = vector.broadcast %mul3A_464 : i32 to vector<16xi32>
      %mul3A_466 = arith.muli %select_n3A, %mul3A_465 : vector<16xi32>
      %add3A_467 = arith.addi %add3A_463, %mul3A_466 : vector<16xi32>
      %ge3A_468 = arith.constant 0 : i32
      %ge3A_469 = vector.broadcast %ge3A_468 : i32 to vector<16xi32>
      %ge3A_470 = arith.cmpi sge, %add3A_467, %ge3A_469 : vector<16xi32>
      %lt3A_471 = arith.constant 1445 : i32
      %lt3A_472 = vector.broadcast %lt3A_471 : i32 to vector<16xi32>
      %lt3A_473 = arith.cmpi slt, %add3A_467, %lt3A_472 : vector<16xi32>
      %and3A = arith.andi %ge3A_470, %lt3A_473 : vector<16xi1>
      tpu.vector_store_idx %arg7[%add3A_467], %broadcast_in_dim3A_189 masked %and3A {add = true} : memref<1456xf32, #tpu.memory_space<vmem>>[vector<16xi32>], vector<16xf32>, vector<16xi1>
      %mul3A_474 = arith.constant 4 : i32
      %mul3A_475 = arith.muli %scan3A_393, %mul3A_474 : i32
      %add3A_476 = arith.constant 0 : i32
      %add3A_477 = arith.addi %add3A_476, %mul3A_475 : i32
      %add3A_478 = arith.constant 1 : i32
      %add3A_479 = arith.addi %add3A_477, %add3A_478 : i32
      %mul3A_480 = arith.constant 48 : i32
      %mul3A_481 = arith.muli %add3A_479, %mul3A_480 : i32
      %add3A_482 = vector.broadcast %mul3A_481 : i32 to vector<16xi32>
      %add3A_483 = arith.addi %mul3A_192, %add3A_482 : vector<16xi32>
      %gather3A_484 = tpu.vector_load_idx %arg5[%add3A_483] : memref<12288xf32, #tpu.memory_space<vmem>>[vector<16xi32>], vector<16xf32>,
      %add3A_485 = arith.constant 1 : i32
      %add3A_486 = vector.broadcast %add3A_485 : i32 to vector<16xi32>
      %add3A_487 = arith.addi %add3A_483, %add3A_486 : vector<16xi32>
      %gather3A_488 = tpu.vector_load_idx %arg5[%add3A_487] : memref<12288xf32, #tpu.memory_space<vmem>>[vector<16xi32>], vector<16xf32>,
      %add3A_489 = arith.constant 2 : i32
      %add3A_490 = vector.broadcast %add3A_489 : i32 to vector<16xi32>
      %add3A_491 = arith.addi %add3A_483, %add3A_490 : vector<16xi32>
      %gather3A_492 = tpu.vector_load_idx %arg5[%add3A_491] : memref<12288xf32, #tpu.memory_space<vmem>>[vector<16xi32>], vector<16xf32>,
      %mul3A_493 = arith.mulf %gather3A_484, %get3A_185 : vector<16xf32>
      %mul3A_494 = arith.mulf %gather3A_488, %get3A_187 : vector<16xf32>
      %sub3A_495 = arith.subf %mul3A_493, %mul3A_494 : vector<16xf32>
      %mul3A_496 = arith.mulf %gather3A_484, %get3A_187 : vector<16xf32>
      %mul3A_497 = arith.mulf %gather3A_488, %get3A_185 : vector<16xf32>
      %add3A_498 = arith.addf %mul3A_496, %mul3A_497 : vector<16xf32>
      %add3A_499 = arith.constant 8.500000e+00 : f32
      %add3A_500 = vector.broadcast %add3A_499 : f32 to vector<16xf32>
      %add3A_501 = arith.addf %sub3A_495, %add3A_500 : vector<16xf32>
      %jit3A_502 = arith.constant -1.600000e+04 : f32
      %jit3A_503 = arith.constant 1.600000e+04 : f32
      %max3A_504 = vector.broadcast %jit3A_502 : f32 to vector<16xf32>
      %max3A_505 = arith.maximumf %max3A_504, %add3A_501 : vector<16xf32>
      %min3A_506 = vector.broadcast %jit3A_503 : f32 to vector<16xf32>
      %min3A_507 = arith.minimumf %min3A_506, %max3A_505 : vector<16xf32>
      %convert_element_type3A_508 = arith.fptosi %min3A_507 : vector<16xf32> to vector<16xi32>
      %convert_element_type3A_509 = arith.sitofp %convert_element_type3A_508 : vector<16xi32> to vector<16xf32>
      %gt3A_510 = arith.cmpf ogt, %convert_element_type3A_509, %min3A_507 : vector<16xf32>
      %sub3A_511 = arith.constant 1 : i32
      %sub3A_512 = vector.broadcast %sub3A_511 : i32 to vector<16xi32>
      %sub3A_513 = arith.subi %convert_element_type3A_508, %sub3A_512 : vector<16xi32>
      %select_n3A_514 = arith.select %gt3A_510, %sub3A_513, %convert_element_type3A_508 : vector<16xi1>, vector<16xi32>
      %add3A_515 = arith.constant 8.500000e+00 : f32
      %add3A_516 = vector.broadcast %add3A_515 : f32 to vector<16xf32>
      %add3A_517 = arith.addf %add3A_498, %add3A_516 : vector<16xf32>
      %jit3A_518 = arith.constant -1.600000e+04 : f32
      %jit3A_519 = arith.constant 1.600000e+04 : f32
      %max3A_520 = vector.broadcast %jit3A_518 : f32 to vector<16xf32>
      %max3A_521 = arith.maximumf %max3A_520, %add3A_517 : vector<16xf32>
      %min3A_522 = vector.broadcast %jit3A_519 : f32 to vector<16xf32>
      %min3A_523 = arith.minimumf %min3A_522, %max3A_521 : vector<16xf32>
      %convert_element_type3A_524 = arith.fptosi %min3A_523 : vector<16xf32> to vector<16xi32>
      %convert_element_type3A_525 = arith.sitofp %convert_element_type3A_524 : vector<16xi32> to vector<16xf32>
      %gt3A_526 = arith.cmpf ogt, %convert_element_type3A_525, %min3A_523 : vector<16xf32>
      %sub3A_527 = arith.constant 1 : i32
      %sub3A_528 = vector.broadcast %sub3A_527 : i32 to vector<16xi32>
      %sub3A_529 = arith.subi %convert_element_type3A_524, %sub3A_528 : vector<16xi32>
      %select_n3A_530 = arith.select %gt3A_526, %sub3A_529, %convert_element_type3A_524 : vector<16xi1>, vector<16xi32>
      %add3A_531 = arith.constant 2.500000e+00 : f32
      %add3A_532 = vector.broadcast %add3A_531 : f32 to vector<16xf32>
      %add3A_533 = arith.addf %gather3A_492, %add3A_532 : vector<16xf32>
      %jit3A_534 = arith.constant -1.600000e+04 : f32
      %jit3A_535 = arith.constant 1.600000e+04 : f32
      %max3A_536 = vector.broadcast %jit3A_534 : f32 to vector<16xf32>
      %max3A_537 = arith.maximumf %max3A_536, %add3A_533 : vector<16xf32>
      %min3A_538 = vector.broadcast %jit3A_535 : f32 to vector<16xf32>
      %min3A_539 = arith.minimumf %min3A_538, %max3A_537 : vector<16xf32>
      %convert_element_type3A_540 = arith.fptosi %min3A_539 : vector<16xf32> to vector<16xi32>
      %convert_element_type3A_541 = arith.sitofp %convert_element_type3A_540 : vector<16xi32> to vector<16xf32>
      %gt3A_542 = arith.cmpf ogt, %convert_element_type3A_541, %min3A_539 : vector<16xf32>
      %sub3A_543 = arith.constant 1 : i32
      %sub3A_544 = vector.broadcast %sub3A_543 : i32 to vector<16xi32>
      %sub3A_545 = arith.subi %convert_element_type3A_540, %sub3A_544 : vector<16xi32>
      %select_n3A_546 = arith.select %gt3A_542, %sub3A_545, %convert_element_type3A_540 : vector<16xi1>, vector<16xi32>
      %mul3A_547 = arith.constant 5 : i32
      %mul3A_548 = vector.broadcast %mul3A_547 : i32 to vector<16xi32>
      %mul3A_549 = arith.muli %select_n3A_530, %mul3A_548 : vector<16xi32>
      %add3A_550 = arith.addi %select_n3A_546, %mul3A_549 : vector<16xi32>
      %mul3A_551 = arith.constant 85 : i32
      %mul3A_552 = vector.broadcast %mul3A_551 : i32 to vector<16xi32>
      %mul3A_553 = arith.muli %select_n3A_514, %mul3A_552 : vector<16xi32>
      %add3A_554 = arith.addi %add3A_550, %mul3A_553 : vector<16xi32>
      %ge3A_555 = arith.constant 0 : i32
      %ge3A_556 = vector.broadcast %ge3A_555 : i32 to vector<16xi32>
      %ge3A_557 = arith.cmpi sge, %add3A_554, %ge3A_556 : vector<16xi32>
      %lt3A_558 = arith.constant 1445 : i32
      %lt3A_559 = vector.broadcast %lt3A_558 : i32 to vector<16xi32>
      %lt3A_560 = arith.cmpi slt, %add3A_554, %lt3A_559 : vector<16xi32>
      %and3A_561 = arith.andi %ge3A_557, %lt3A_560 : vector<16xi1>
      tpu.vector_store_idx %arg7[%add3A_554], %broadcast_in_dim3A_189 masked %and3A_561 {add = true} : memref<1456xf32, #tpu.memory_space<vmem>>[vector<16xi32>], vector<16xf32>, vector<16xi1>
      %mul3A_562 = arith.constant 4 : i32
      %mul3A_563 = arith.muli %scan3A_393, %mul3A_562 : i32
      %add3A_564 = arith.constant 0 : i32
      %add3A_565 = arith.addi %add3A_564, %mul3A_563 : i32
      %add3A_566 = arith.constant 2 : i32
      %add3A_567 = arith.addi %add3A_565, %add3A_566 : i32
      %mul3A_568 = arith.constant 48 : i32
      %mul3A_569 = arith.muli %add3A_567, %mul3A_568 : i32
      %add3A_570 = vector.broadcast %mul3A_569 : i32 to vector<16xi32>
      %add3A_571 = arith.addi %mul3A_192, %add3A_570 : vector<16xi32>
      %gather3A_572 = tpu.vector_load_idx %arg5[%add3A_571] : memref<12288xf32, #tpu.memory_space<vmem>>[vector<16xi32>], vector<16xf32>,
      %add3A_573 = arith.constant 1 : i32
      %add3A_574 = vector.broadcast %add3A_573 : i32 to vector<16xi32>
      %add3A_575 = arith.addi %add3A_571, %add3A_574 : vector<16xi32>
      %gather3A_576 = tpu.vector_load_idx %arg5[%add3A_575] : memref<12288xf32, #tpu.memory_space<vmem>>[vector<16xi32>], vector<16xf32>,
      %add3A_577 = arith.constant 2 : i32
      %add3A_578 = vector.broadcast %add3A_577 : i32 to vector<16xi32>
      %add3A_579 = arith.addi %add3A_571, %add3A_578 : vector<16xi32>
      %gather3A_580 = tpu.vector_load_idx %arg5[%add3A_579] : memref<12288xf32, #tpu.memory_space<vmem>>[vector<16xi32>], vector<16xf32>,
      %mul3A_581 = arith.mulf %gather3A_572, %get3A_185 : vector<16xf32>
      %mul3A_582 = arith.mulf %gather3A_576, %get3A_187 : vector<16xf32>
      %sub3A_583 = arith.subf %mul3A_581, %mul3A_582 : vector<16xf32>
      %mul3A_584 = arith.mulf %gather3A_572, %get3A_187 : vector<16xf32>
      %mul3A_585 = arith.mulf %gather3A_576, %get3A_185 : vector<16xf32>
      %add3A_586 = arith.addf %mul3A_584, %mul3A_585 : vector<16xf32>
      %add3A_587 = arith.constant 8.500000e+00 : f32
      %add3A_588 = vector.broadcast %add3A_587 : f32 to vector<16xf32>
      %add3A_589 = arith.addf %sub3A_583, %add3A_588 : vector<16xf32>
      %jit3A_590 = arith.constant -1.600000e+04 : f32
      %jit3A_591 = arith.constant 1.600000e+04 : f32
      %max3A_592 = vector.broadcast %jit3A_590 : f32 to vector<16xf32>
      %max3A_593 = arith.maximumf %max3A_592, %add3A_589 : vector<16xf32>
      %min3A_594 = vector.broadcast %jit3A_591 : f32 to vector<16xf32>
      %min3A_595 = arith.minimumf %min3A_594, %max3A_593 : vector<16xf32>
      %convert_element_type3A_596 = arith.fptosi %min3A_595 : vector<16xf32> to vector<16xi32>
      %convert_element_type3A_597 = arith.sitofp %convert_element_type3A_596 : vector<16xi32> to vector<16xf32>
      %gt3A_598 = arith.cmpf ogt, %convert_element_type3A_597, %min3A_595 : vector<16xf32>
      %sub3A_599 = arith.constant 1 : i32
      %sub3A_600 = vector.broadcast %sub3A_599 : i32 to vector<16xi32>
      %sub3A_601 = arith.subi %convert_element_type3A_596, %sub3A_600 : vector<16xi32>
      %select_n3A_602 = arith.select %gt3A_598, %sub3A_601, %convert_element_type3A_596 : vector<16xi1>, vector<16xi32>
      %add3A_603 = arith.constant 8.500000e+00 : f32
      %add3A_604 = vector.broadcast %add3A_603 : f32 to vector<16xf32>
      %add3A_605 = arith.addf %add3A_586, %add3A_604 : vector<16xf32>
      %jit3A_606 = arith.constant -1.600000e+04 : f32
      %jit3A_607 = arith.constant 1.600000e+04 : f32
      %max3A_608 = vector.broadcast %jit3A_606 : f32 to vector<16xf32>
      %max3A_609 = arith.maximumf %max3A_608, %add3A_605 : vector<16xf32>
      %min3A_610 = vector.broadcast %jit3A_607 : f32 to vector<16xf32>
      %min3A_611 = arith.minimumf %min3A_610, %max3A_609 : vector<16xf32>
      %convert_element_type3A_612 = arith.fptosi %min3A_611 : vector<16xf32> to vector<16xi32>
      %convert_element_type3A_613 = arith.sitofp %convert_element_type3A_612 : vector<16xi32> to vector<16xf32>
      %gt3A_614 = arith.cmpf ogt, %convert_element_type3A_613, %min3A_611 : vector<16xf32>
      %sub3A_615 = arith.constant 1 : i32
      %sub3A_616 = vector.broadcast %sub3A_615 : i32 to vector<16xi32>
      %sub3A_617 = arith.subi %convert_element_type3A_612, %sub3A_616 : vector<16xi32>
      %select_n3A_618 = arith.select %gt3A_614, %sub3A_617, %convert_element_type3A_612 : vector<16xi1>, vector<16xi32>
      %add3A_619 = arith.constant 2.500000e+00 : f32
      %add3A_620 = vector.broadcast %add3A_619 : f32 to vector<16xf32>
      %add3A_621 = arith.addf %gather3A_580, %add3A_620 : vector<16xf32>
      %jit3A_622 = arith.constant -1.600000e+04 : f32
      %jit3A_623 = arith.constant 1.600000e+04 : f32
      %max3A_624 = vector.broadcast %jit3A_622 : f32 to vector<16xf32>
      %max3A_625 = arith.maximumf %max3A_624, %add3A_621 : vector<16xf32>
      %min3A_626 = vector.broadcast %jit3A_623 : f32 to vector<16xf32>
      %min3A_627 = arith.minimumf %min3A_626, %max3A_625 : vector<16xf32>
      %convert_element_type3A_628 = arith.fptosi %min3A_627 : vector<16xf32> to vector<16xi32>
      %convert_element_type3A_629 = arith.sitofp %convert_element_type3A_628 : vector<16xi32> to vector<16xf32>
      %gt3A_630 = arith.cmpf ogt, %convert_element_type3A_629, %min3A_627 : vector<16xf32>
      %sub3A_631 = arith.constant 1 : i32
      %sub3A_632 = vector.broadcast %sub3A_631 : i32 to vector<16xi32>
      %sub3A_633 = arith.subi %convert_element_type3A_628, %sub3A_632 : vector<16xi32>
      %select_n3A_634 = arith.select %gt3A_630, %sub3A_633, %convert_element_type3A_628 : vector<16xi1>, vector<16xi32>
      %mul3A_635 = arith.constant 5 : i32
      %mul3A_636 = vector.broadcast %mul3A_635 : i32 to vector<16xi32>
      %mul3A_637 = arith.muli %select_n3A_618, %mul3A_636 : vector<16xi32>
      %add3A_638 = arith.addi %select_n3A_634, %mul3A_637 : vector<16xi32>
      %mul3A_639 = arith.constant 85 : i32
      %mul3A_640 = vector.broadcast %mul3A_639 : i32 to vector<16xi32>
      %mul3A_641 = arith.muli %select_n3A_602, %mul3A_640 : vector<16xi32>
      %add3A_642 = arith.addi %add3A_638, %mul3A_641 : vector<16xi32>
      %ge3A_643 = arith.constant 0 : i32
      %ge3A_644 = vector.broadcast %ge3A_643 : i32 to vector<16xi32>
      %ge3A_645 = arith.cmpi sge, %add3A_642, %ge3A_644 : vector<16xi32>
      %lt3A_646 = arith.constant 1445 : i32
      %lt3A_647 = vector.broadcast %lt3A_646 : i32 to vector<16xi32>
      %lt3A_648 = arith.cmpi slt, %add3A_642, %lt3A_647 : vector<16xi32>
      %and3A_649 = arith.andi %ge3A_645, %lt3A_648 : vector<16xi1>
      tpu.vector_store_idx %arg7[%add3A_642], %broadcast_in_dim3A_189 masked %and3A_649 {add = true} : memref<1456xf32, #tpu.memory_space<vmem>>[vector<16xi32>], vector<16xf32>, vector<16xi1>
      %mul3A_650 = arith.constant 4 : i32
      %mul3A_651 = arith.muli %scan3A_393, %mul3A_650 : i32
      %add3A_652 = arith.constant 0 : i32
      %add3A_653 = arith.addi %add3A_652, %mul3A_651 : i32
      %add3A_654 = arith.constant 3 : i32
      %add3A_655 = arith.addi %add3A_653, %add3A_654 : i32
      %mul3A_656 = arith.constant 48 : i32
      %mul3A_657 = arith.muli %add3A_655, %mul3A_656 : i32
      %add3A_658 = vector.broadcast %mul3A_657 : i32 to vector<16xi32>
      %add3A_659 = arith.addi %mul3A_192, %add3A_658 : vector<16xi32>
      %gather3A_660 = tpu.vector_load_idx %arg5[%add3A_659] : memref<12288xf32, #tpu.memory_space<vmem>>[vector<16xi32>], vector<16xf32>,
      %add3A_661 = arith.constant 1 : i32
      %add3A_662 = vector.broadcast %add3A_661 : i32 to vector<16xi32>
      %add3A_663 = arith.addi %add3A_659, %add3A_662 : vector<16xi32>
      %gather3A_664 = tpu.vector_load_idx %arg5[%add3A_663] : memref<12288xf32, #tpu.memory_space<vmem>>[vector<16xi32>], vector<16xf32>,
      %add3A_665 = arith.constant 2 : i32
      %add3A_666 = vector.broadcast %add3A_665 : i32 to vector<16xi32>
      %add3A_667 = arith.addi %add3A_659, %add3A_666 : vector<16xi32>
      %gather3A_668 = tpu.vector_load_idx %arg5[%add3A_667] : memref<12288xf32, #tpu.memory_space<vmem>>[vector<16xi32>], vector<16xf32>,
      %mul3A_669 = arith.mulf %gather3A_660, %get3A_185 : vector<16xf32>
      %mul3A_670 = arith.mulf %gather3A_664, %get3A_187 : vector<16xf32>
      %sub3A_671 = arith.subf %mul3A_669, %mul3A_670 : vector<16xf32>
      %mul3A_672 = arith.mulf %gather3A_660, %get3A_187 : vector<16xf32>
      %mul3A_673 = arith.mulf %gather3A_664, %get3A_185 : vector<16xf32>
      %add3A_674 = arith.addf %mul3A_672, %mul3A_673 : vector<16xf32>
      %add3A_675 = arith.constant 8.500000e+00 : f32
      %add3A_676 = vector.broadcast %add3A_675 : f32 to vector<16xf32>
      %add3A_677 = arith.addf %sub3A_671, %add3A_676 : vector<16xf32>
      %jit3A_678 = arith.constant -1.600000e+04 : f32
      %jit3A_679 = arith.constant 1.600000e+04 : f32
      %max3A_680 = vector.broadcast %jit3A_678 : f32 to vector<16xf32>
      %max3A_681 = arith.maximumf %max3A_680, %add3A_677 : vector<16xf32>
      %min3A_682 = vector.broadcast %jit3A_679 : f32 to vector<16xf32>
      %min3A_683 = arith.minimumf %min3A_682, %max3A_681 : vector<16xf32>
      %convert_element_type3A_684 = arith.fptosi %min3A_683 : vector<16xf32> to vector<16xi32>
      %convert_element_type3A_685 = arith.sitofp %convert_element_type3A_684 : vector<16xi32> to vector<16xf32>
      %gt3A_686 = arith.cmpf ogt, %convert_element_type3A_685, %min3A_683 : vector<16xf32>
      %sub3A_687 = arith.constant 1 : i32
      %sub3A_688 = vector.broadcast %sub3A_687 : i32 to vector<16xi32>
      %sub3A_689 = arith.subi %convert_element_type3A_684, %sub3A_688 : vector<16xi32>
      %select_n3A_690 = arith.select %gt3A_686, %sub3A_689, %convert_element_type3A_684 : vector<16xi1>, vector<16xi32>
      %add3A_691 = arith.constant 8.500000e+00 : f32
      %add3A_692 = vector.broadcast %add3A_691 : f32 to vector<16xf32>
      %add3A_693 = arith.addf %add3A_674, %add3A_692 : vector<16xf32>
      %jit3A_694 = arith.constant -1.600000e+04 : f32
      %jit3A_695 = arith.constant 1.600000e+04 : f32
      %max3A_696 = vector.broadcast %jit3A_694 : f32 to vector<16xf32>
      %max3A_697 = arith.maximumf %max3A_696, %add3A_693 : vector<16xf32>
      %min3A_698 = vector.broadcast %jit3A_695 : f32 to vector<16xf32>
      %min3A_699 = arith.minimumf %min3A_698, %max3A_697 : vector<16xf32>
      %convert_element_type3A_700 = arith.fptosi %min3A_699 : vector<16xf32> to vector<16xi32>
      %convert_element_type3A_701 = arith.sitofp %convert_element_type3A_700 : vector<16xi32> to vector<16xf32>
      %gt3A_702 = arith.cmpf ogt, %convert_element_type3A_701, %min3A_699 : vector<16xf32>
      %sub3A_703 = arith.constant 1 : i32
      %sub3A_704 = vector.broadcast %sub3A_703 : i32 to vector<16xi32>
      %sub3A_705 = arith.subi %convert_element_type3A_700, %sub3A_704 : vector<16xi32>
      %select_n3A_706 = arith.select %gt3A_702, %sub3A_705, %convert_element_type3A_700 : vector<16xi1>, vector<16xi32>
      %add3A_707 = arith.constant 2.500000e+00 : f32
      %add3A_708 = vector.broadcast %add3A_707 : f32 to vector<16xf32>
      %add3A_709 = arith.addf %gather3A_668, %add3A_708 : vector<16xf32>
      %jit3A_710 = arith.constant -1.600000e+04 : f32
      %jit3A_711 = arith.constant 1.600000e+04 : f32
      %max3A_712 = vector.broadcast %jit3A_710 : f32 to vector<16xf32>
      %max3A_713 = arith.maximumf %max3A_712, %add3A_709 : vector<16xf32>
      %min3A_714 = vector.broadcast %jit3A_711 : f32 to vector<16xf32>
      %min3A_715 = arith.minimumf %min3A_714, %max3A_713 : vector<16xf32>
      %convert_element_type3A_716 = arith.fptosi %min3A_715 : vector<16xf32> to vector<16xi32>
      %convert_element_type3A_717 = arith.sitofp %convert_element_type3A_716 : vector<16xi32> to vector<16xf32>
      %gt3A_718 = arith.cmpf ogt, %convert_element_type3A_717, %min3A_715 : vector<16xf32>
      %sub3A_719 = arith.constant 1 : i32
      %sub3A_720 = vector.broadcast %sub3A_719 : i32 to vector<16xi32>
      %sub3A_721 = arith.subi %convert_element_type3A_716, %sub3A_720 : vector<16xi32>
      %select_n3A_722 = arith.select %gt3A_718, %sub3A_721, %convert_element_type3A_716 : vector<16xi1>, vector<16xi32>
      %mul3A_723 = arith.constant 5 : i32
      %mul3A_724 = vector.broadcast %mul3A_723 : i32 to vector<16xi32>
      %mul3A_725 = arith.muli %select_n3A_706, %mul3A_724 : vector<16xi32>
      %add3A_726 = arith.addi %select_n3A_722, %mul3A_725 : vector<16xi32>
      %mul3A_727 = arith.constant 85 : i32
      %mul3A_728 = vector.broadcast %mul3A_727 : i32 to vector<16xi32>
      %mul3A_729 = arith.muli %select_n3A_690, %mul3A_728 : vector<16xi32>
      %add3A_730 = arith.addi %add3A_726, %mul3A_729 : vector<16xi32>
      %ge3A_731 = arith.constant 0 : i32
      %ge3A_732 = vector.broadcast %ge3A_731 : i32 to vector<16xi32>
      %ge3A_733 = arith.cmpi sge, %add3A_730, %ge3A_732 : vector<16xi32>
      %lt3A_734 = arith.constant 1445 : i32
      %lt3A_735 = vector.broadcast %lt3A_734 : i32 to vector<16xi32>
      %lt3A_736 = arith.cmpi slt, %add3A_730, %lt3A_735 : vector<16xi32>
      %and3A_737 = arith.andi %ge3A_733, %lt3A_736 : vector<16xi1>
      tpu.vector_store_idx %arg7[%add3A_730], %broadcast_in_dim3A_189 masked %and3A_737 {add = true} : memref<1456xf32, #tpu.memory_space<vmem>>[vector<16xi32>], vector<16xf32>, vector<16xi1>
    }
    %scan3A_197 = arith.constant 64 : i32
    "tpu.region"() ({
      %run_scoped3A = tpu.sem_alloc : memref<!tpu.dma_semaphore, #tpu.memory_space<semaphore_mem>>
      %dma_start3A = arith.constant 0 : i32
      %dma_start3A_393 = tpu.memref_slice %arg4[%add3A, %dma_start3A] : memref<48x1456xf32, #tpu.memory_space<hbm>> -> memref<1x1456xf32, #tpu.memory_space<hbm>>
      %dma_start3A_394 = tpu.memref_squeeze %dma_start3A_393 : memref<1x1456xf32, #tpu.memory_space<hbm>> -> memref<1456xf32, #tpu.memory_space<hbm>>
      %dma_start3A_395 = arith.constant 0 : i32
      %dma_start3A_396 = tpu.memref_slice %arg4[%add3A, %dma_start3A_395] : memref<48x1456xf32, #tpu.memory_space<hbm>> -> memref<1x1456xf32, #tpu.memory_space<hbm>>
      %dma_start3A_397 = tpu.memref_squeeze %dma_start3A_396 : memref<1x1456xf32, #tpu.memory_space<hbm>> -> memref<1456xf32, #tpu.memory_space<hbm>>
      tpu.enqueue_dma source(%arg7 : memref<1456xf32, #tpu.memory_space<vmem>>) target(%dma_start3A_397 : memref<1456xf32, #tpu.memory_space<hbm>>) target_semaphore(%run_scoped3A : memref<!tpu.dma_semaphore, #tpu.memory_space<semaphore_mem>>)
      %dma_wait3A = arith.constant 0 : i32
      %dma_wait3A_398 = tpu.memref_slice %arg4[%add3A, %dma_wait3A] : memref<48x1456xf32, #tpu.memory_space<hbm>> -> memref<1x1456xf32, #tpu.memory_space<hbm>>
      %dma_wait3A_399 = tpu.memref_squeeze %dma_wait3A_398 : memref<1x1456xf32, #tpu.memory_space<hbm>> -> memref<1456xf32, #tpu.memory_space<hbm>>
      %dma_wait3A_400 = arith.constant 0 : i32
      %dma_wait3A_401 = tpu.memref_slice %arg4[%add3A, %dma_wait3A_400] : memref<48x1456xf32, #tpu.memory_space<hbm>> -> memref<1x1456xf32, #tpu.memory_space<hbm>>
      %dma_wait3A_402 = tpu.memref_squeeze %dma_wait3A_401 : memref<1x1456xf32, #tpu.memory_space<hbm>> -> memref<1456xf32, #tpu.memory_space<hbm>>
      tpu.wait_dma2 semaphore(%run_scoped3A : memref<!tpu.dma_semaphore, #tpu.memory_space<semaphore_mem>>) src(%arg7 : memref<1456xf32, #tpu.memory_space<vmem>>) dst(%dma_wait3A_402 : memref<1456xf32, #tpu.memory_space<hbm>>)
      tpu.yield
    }) : () -> ()
    %broadcast_in_dim3A_198 = arith.constant 0.000000e+00 : f32
    %broadcast_in_dim3A_199 = vector.broadcast %broadcast_in_dim3A_198 : f32 to vector<16xf32>
    %swap3A_200 = arith.constant 0 : index
    %swap3A_201 = tpu.vector_load %arg7[%swap3A_200] {strides = array<i32>} : memref<1456xf32, #tpu.memory_space<vmem>>, vector<16xf32>,
    tpu.vector_store %arg7[%swap3A_200], %broadcast_in_dim3A_199 {strides = array<i32>} : memref<1456xf32, #tpu.memory_space<vmem>>, vector<16xf32>,
    %swap3A_202 = arith.constant 16 : index
    %swap3A_203 = tpu.vector_load %arg7[%swap3A_202] {strides = array<i32>} : memref<1456xf32, #tpu.memory_space<vmem>>, vector<16xf32>,
    tpu.vector_store %arg7[%swap3A_202], %broadcast_in_dim3A_199 {strides = array<i32>} : memref<1456xf32, #tpu.memory_space<vmem>>, vector<16xf32>,
    %swap3A_204 = arith.constant 32 : index
    %swap3A_205 = tpu.vector_load %arg7[%swap3A_204] {strides = array<i32>} : memref<1456xf32, #tpu.memory_space<vmem>>, vector<16xf32>,
    tpu.vector_store %arg7[%swap3A_204], %broadcast_in_dim3A_199 {strides = array<i32>} : memref<1456xf32, #tpu.memory_space<vmem>>, vector<16xf32>,
    %swap3A_206 = arith.constant 48 : index
    %swap3A_207 = tpu.vector_load %arg7[%swap3A_206] {strides = array<i32>} : memref<1456xf32, #tpu.memory_space<vmem>>, vector<16xf32>,
    tpu.vector_store %arg7[%swap3A_206], %broadcast_in_dim3A_199 {strides = array<i32>} : memref<1456xf32, #tpu.memory_space<vmem>>, vector<16xf32>,
    %swap3A_208 = arith.constant 64 : index
    %swap3A_209 = tpu.vector_load %arg7[%swap3A_208] {strides = array<i32>} : memref<1456xf32, #tpu.memory_space<vmem>>, vector<16xf32>,
    tpu.vector_store %arg7[%swap3A_208], %broadcast_in_dim3A_199 {strides = array<i32>} : memref<1456xf32, #tpu.memory_space<vmem>>, vector<16xf32>,
    %swap3A_210 = arith.constant 80 : index
    %swap3A_211 = tpu.vector_load %arg7[%swap3A_210] {strides = array<i32>} : memref<1456xf32, #tpu.memory_space<vmem>>, vector<16xf32>,
    tpu.vector_store %arg7[%swap3A_210], %broadcast_in_dim3A_199 {strides = array<i32>} : memref<1456xf32, #tpu.memory_space<vmem>>, vector<16xf32>,
    %swap3A_212 = arith.constant 96 : index
    %swap3A_213 = tpu.vector_load %arg7[%swap3A_212] {strides = array<i32>} : memref<1456xf32, #tpu.memory_space<vmem>>, vector<16xf32>,
    tpu.vector_store %arg7[%swap3A_212], %broadcast_in_dim3A_199 {strides = array<i32>} : memref<1456xf32, #tpu.memory_space<vmem>>, vector<16xf32>,
    %swap3A_214 = arith.constant 112 : index
    %swap3A_215 = tpu.vector_load %arg7[%swap3A_214] {strides = array<i32>} : memref<1456xf32, #tpu.memory_space<vmem>>, vector<16xf32>,
    tpu.vector_store %arg7[%swap3A_214], %broadcast_in_dim3A_199 {strides = array<i32>} : memref<1456xf32, #tpu.memory_space<vmem>>, vector<16xf32>,
    %swap3A_216 = arith.constant 128 : index
    %swap3A_217 = tpu.vector_load %arg7[%swap3A_216] {strides = array<i32>} : memref<1456xf32, #tpu.memory_space<vmem>>, vector<16xf32>,
    tpu.vector_store %arg7[%swap3A_216], %broadcast_in_dim3A_199 {strides = array<i32>} : memref<1456xf32, #tpu.memory_space<vmem>>, vector<16xf32>,
    %swap3A_218 = arith.constant 144 : index
    %swap3A_219 = tpu.vector_load %arg7[%swap3A_218] {strides = array<i32>} : memref<1456xf32, #tpu.memory_space<vmem>>, vector<16xf32>,
    tpu.vector_store %arg7[%swap3A_218], %broadcast_in_dim3A_199 {strides = array<i32>} : memref<1456xf32, #tpu.memory_space<vmem>>, vector<16xf32>,
    %swap3A_220 = arith.constant 160 : index
    %swap3A_221 = tpu.vector_load %arg7[%swap3A_220] {strides = array<i32>} : memref<1456xf32, #tpu.memory_space<vmem>>, vector<16xf32>,
    tpu.vector_store %arg7[%swap3A_220], %broadcast_in_dim3A_199 {strides = array<i32>} : memref<1456xf32, #tpu.memory_space<vmem>>, vector<16xf32>,
    %swap3A_222 = arith.constant 176 : index
    %swap3A_223 = tpu.vector_load %arg7[%swap3A_222] {strides = array<i32>} : memref<1456xf32, #tpu.memory_space<vmem>>, vector<16xf32>,
    tpu.vector_store %arg7[%swap3A_222], %broadcast_in_dim3A_199 {strides = array<i32>} : memref<1456xf32, #tpu.memory_space<vmem>>, vector<16xf32>,
    %swap3A_224 = arith.constant 192 : index
    %swap3A_225 = tpu.vector_load %arg7[%swap3A_224] {strides = array<i32>} : memref<1456xf32, #tpu.memory_space<vmem>>, vector<16xf32>,
    tpu.vector_store %arg7[%swap3A_224], %broadcast_in_dim3A_199 {strides = array<i32>} : memref<1456xf32, #tpu.memory_space<vmem>>, vector<16xf32>,
    %swap3A_226 = arith.constant 208 : index
    %swap3A_227 = tpu.vector_load %arg7[%swap3A_226] {strides = array<i32>} : memref<1456xf32, #tpu.memory_space<vmem>>, vector<16xf32>,
    tpu.vector_store %arg7[%swap3A_226], %broadcast_in_dim3A_199 {strides = array<i32>} : memref<1456xf32, #tpu.memory_space<vmem>>, vector<16xf32>,
    %swap3A_228 = arith.constant 224 : index
    %swap3A_229 = tpu.vector_load %arg7[%swap3A_228] {strides = array<i32>} : memref<1456xf32, #tpu.memory_space<vmem>>, vector<16xf32>,
    tpu.vector_store %arg7[%swap3A_228], %broadcast_in_dim3A_199 {strides = array<i32>} : memref<1456xf32, #tpu.memory_space<vmem>>, vector<16xf32>,
    %swap3A_230 = arith.constant 240 : index
    %swap3A_231 = tpu.vector_load %arg7[%swap3A_230] {strides = array<i32>} : memref<1456xf32, #tpu.memory_space<vmem>>, vector<16xf32>,
    tpu.vector_store %arg7[%swap3A_230], %broadcast_in_dim3A_199 {strides = array<i32>} : memref<1456xf32, #tpu.memory_space<vmem>>, vector<16xf32>,
    %swap3A_232 = arith.constant 256 : index
    %swap3A_233 = tpu.vector_load %arg7[%swap3A_232] {strides = array<i32>} : memref<1456xf32, #tpu.memory_space<vmem>>, vector<16xf32>,
    tpu.vector_store %arg7[%swap3A_232], %broadcast_in_dim3A_199 {strides = array<i32>} : memref<1456xf32, #tpu.memory_space<vmem>>, vector<16xf32>,
    %swap3A_234 = arith.constant 272 : index
    %swap3A_235 = tpu.vector_load %arg7[%swap3A_234] {strides = array<i32>} : memref<1456xf32, #tpu.memory_space<vmem>>, vector<16xf32>,
    tpu.vector_store %arg7[%swap3A_234], %broadcast_in_dim3A_199 {strides = array<i32>} : memref<1456xf32, #tpu.memory_space<vmem>>, vector<16xf32>,
    %swap3A_236 = arith.constant 288 : index
    %swap3A_237 = tpu.vector_load %arg7[%swap3A_236] {strides = array<i32>} : memref<1456xf32, #tpu.memory_space<vmem>>, vector<16xf32>,
    tpu.vector_store %arg7[%swap3A_236], %broadcast_in_dim3A_199 {strides = array<i32>} : memref<1456xf32, #tpu.memory_space<vmem>>, vector<16xf32>,
    %swap3A_238 = arith.constant 304 : index
    %swap3A_239 = tpu.vector_load %arg7[%swap3A_238] {strides = array<i32>} : memref<1456xf32, #tpu.memory_space<vmem>>, vector<16xf32>,
    tpu.vector_store %arg7[%swap3A_238], %broadcast_in_dim3A_199 {strides = array<i32>} : memref<1456xf32, #tpu.memory_space<vmem>>, vector<16xf32>,
    %swap3A_240 = arith.constant 320 : index
    %swap3A_241 = tpu.vector_load %arg7[%swap3A_240] {strides = array<i32>} : memref<1456xf32, #tpu.memory_space<vmem>>, vector<16xf32>,
    tpu.vector_store %arg7[%swap3A_240], %broadcast_in_dim3A_199 {strides = array<i32>} : memref<1456xf32, #tpu.memory_space<vmem>>, vector<16xf32>,
    %swap3A_242 = arith.constant 336 : index
    %swap3A_243 = tpu.vector_load %arg7[%swap3A_242] {strides = array<i32>} : memref<1456xf32, #tpu.memory_space<vmem>>, vector<16xf32>,
    tpu.vector_store %arg7[%swap3A_242], %broadcast_in_dim3A_199 {strides = array<i32>} : memref<1456xf32, #tpu.memory_space<vmem>>, vector<16xf32>,
    %swap3A_244 = arith.constant 352 : index
    %swap3A_245 = tpu.vector_load %arg7[%swap3A_244] {strides = array<i32>} : memref<1456xf32, #tpu.memory_space<vmem>>, vector<16xf32>,
    tpu.vector_store %arg7[%swap3A_244], %broadcast_in_dim3A_199 {strides = array<i32>} : memref<1456xf32, #tpu.memory_space<vmem>>, vector<16xf32>,
    %swap3A_246 = arith.constant 368 : index
    %swap3A_247 = tpu.vector_load %arg7[%swap3A_246] {strides = array<i32>} : memref<1456xf32, #tpu.memory_space<vmem>>, vector<16xf32>,
    tpu.vector_store %arg7[%swap3A_246], %broadcast_in_dim3A_199 {strides = array<i32>} : memref<1456xf32, #tpu.memory_space<vmem>>, vector<16xf32>,
    %swap3A_248 = arith.constant 384 : index
    %swap3A_249 = tpu.vector_load %arg7[%swap3A_248] {strides = array<i32>} : memref<1456xf32, #tpu.memory_space<vmem>>, vector<16xf32>,
    tpu.vector_store %arg7[%swap3A_248], %broadcast_in_dim3A_199 {strides = array<i32>} : memref<1456xf32, #tpu.memory_space<vmem>>, vector<16xf32>,
    %swap3A_250 = arith.constant 400 : index
    %swap3A_251 = tpu.vector_load %arg7[%swap3A_250] {strides = array<i32>} : memref<1456xf32, #tpu.memory_space<vmem>>, vector<16xf32>,
    tpu.vector_store %arg7[%swap3A_250], %broadcast_in_dim3A_199 {strides = array<i32>} : memref<1456xf32, #tpu.memory_space<vmem>>, vector<16xf32>,
    %swap3A_252 = arith.constant 416 : index
    %swap3A_253 = tpu.vector_load %arg7[%swap3A_252] {strides = array<i32>} : memref<1456xf32, #tpu.memory_space<vmem>>, vector<16xf32>,
    tpu.vector_store %arg7[%swap3A_252], %broadcast_in_dim3A_199 {strides = array<i32>} : memref<1456xf32, #tpu.memory_space<vmem>>, vector<16xf32>,
    %swap3A_254 = arith.constant 432 : index
    %swap3A_255 = tpu.vector_load %arg7[%swap3A_254] {strides = array<i32>} : memref<1456xf32, #tpu.memory_space<vmem>>, vector<16xf32>,
    tpu.vector_store %arg7[%swap3A_254], %broadcast_in_dim3A_199 {strides = array<i32>} : memref<1456xf32, #tpu.memory_space<vmem>>, vector<16xf32>,
    %swap3A_256 = arith.constant 448 : index
    %swap3A_257 = tpu.vector_load %arg7[%swap3A_256] {strides = array<i32>} : memref<1456xf32, #tpu.memory_space<vmem>>, vector<16xf32>,
    tpu.vector_store %arg7[%swap3A_256], %broadcast_in_dim3A_199 {strides = array<i32>} : memref<1456xf32, #tpu.memory_space<vmem>>, vector<16xf32>,
    %swap3A_258 = arith.constant 464 : index
    %swap3A_259 = tpu.vector_load %arg7[%swap3A_258] {strides = array<i32>} : memref<1456xf32, #tpu.memory_space<vmem>>, vector<16xf32>,
    tpu.vector_store %arg7[%swap3A_258], %broadcast_in_dim3A_199 {strides = array<i32>} : memref<1456xf32, #tpu.memory_space<vmem>>, vector<16xf32>,
    %swap3A_260 = arith.constant 480 : index
    %swap3A_261 = tpu.vector_load %arg7[%swap3A_260] {strides = array<i32>} : memref<1456xf32, #tpu.memory_space<vmem>>, vector<16xf32>,
    tpu.vector_store %arg7[%swap3A_260], %broadcast_in_dim3A_199 {strides = array<i32>} : memref<1456xf32, #tpu.memory_space<vmem>>, vector<16xf32>,
    %swap3A_262 = arith.constant 496 : index
    %swap3A_263 = tpu.vector_load %arg7[%swap3A_262] {strides = array<i32>} : memref<1456xf32, #tpu.memory_space<vmem>>, vector<16xf32>,
    tpu.vector_store %arg7[%swap3A_262], %broadcast_in_dim3A_199 {strides = array<i32>} : memref<1456xf32, #tpu.memory_space<vmem>>, vector<16xf32>,
    %swap3A_264 = arith.constant 512 : index
    %swap3A_265 = tpu.vector_load %arg7[%swap3A_264] {strides = array<i32>} : memref<1456xf32, #tpu.memory_space<vmem>>, vector<16xf32>,
    tpu.vector_store %arg7[%swap3A_264], %broadcast_in_dim3A_199 {strides = array<i32>} : memref<1456xf32, #tpu.memory_space<vmem>>, vector<16xf32>,
    %swap3A_266 = arith.constant 528 : index
    %swap3A_267 = tpu.vector_load %arg7[%swap3A_266] {strides = array<i32>} : memref<1456xf32, #tpu.memory_space<vmem>>, vector<16xf32>,
    tpu.vector_store %arg7[%swap3A_266], %broadcast_in_dim3A_199 {strides = array<i32>} : memref<1456xf32, #tpu.memory_space<vmem>>, vector<16xf32>,
    %swap3A_268 = arith.constant 544 : index
    %swap3A_269 = tpu.vector_load %arg7[%swap3A_268] {strides = array<i32>} : memref<1456xf32, #tpu.memory_space<vmem>>, vector<16xf32>,
    tpu.vector_store %arg7[%swap3A_268], %broadcast_in_dim3A_199 {strides = array<i32>} : memref<1456xf32, #tpu.memory_space<vmem>>, vector<16xf32>,
    %swap3A_270 = arith.constant 560 : index
    %swap3A_271 = tpu.vector_load %arg7[%swap3A_270] {strides = array<i32>} : memref<1456xf32, #tpu.memory_space<vmem>>, vector<16xf32>,
    tpu.vector_store %arg7[%swap3A_270], %broadcast_in_dim3A_199 {strides = array<i32>} : memref<1456xf32, #tpu.memory_space<vmem>>, vector<16xf32>,
    %swap3A_272 = arith.constant 576 : index
    %swap3A_273 = tpu.vector_load %arg7[%swap3A_272] {strides = array<i32>} : memref<1456xf32, #tpu.memory_space<vmem>>, vector<16xf32>,
    tpu.vector_store %arg7[%swap3A_272], %broadcast_in_dim3A_199 {strides = array<i32>} : memref<1456xf32, #tpu.memory_space<vmem>>, vector<16xf32>,
    %swap3A_274 = arith.constant 592 : index
    %swap3A_275 = tpu.vector_load %arg7[%swap3A_274] {strides = array<i32>} : memref<1456xf32, #tpu.memory_space<vmem>>, vector<16xf32>,
    tpu.vector_store %arg7[%swap3A_274], %broadcast_in_dim3A_199 {strides = array<i32>} : memref<1456xf32, #tpu.memory_space<vmem>>, vector<16xf32>,
    %swap3A_276 = arith.constant 608 : index
    %swap3A_277 = tpu.vector_load %arg7[%swap3A_276] {strides = array<i32>} : memref<1456xf32, #tpu.memory_space<vmem>>, vector<16xf32>,
    tpu.vector_store %arg7[%swap3A_276], %broadcast_in_dim3A_199 {strides = array<i32>} : memref<1456xf32, #tpu.memory_space<vmem>>, vector<16xf32>,
    %swap3A_278 = arith.constant 624 : index
    %swap3A_279 = tpu.vector_load %arg7[%swap3A_278] {strides = array<i32>} : memref<1456xf32, #tpu.memory_space<vmem>>, vector<16xf32>,
    tpu.vector_store %arg7[%swap3A_278], %broadcast_in_dim3A_199 {strides = array<i32>} : memref<1456xf32, #tpu.memory_space<vmem>>, vector<16xf32>,
    %swap3A_280 = arith.constant 640 : index
    %swap3A_281 = tpu.vector_load %arg7[%swap3A_280] {strides = array<i32>} : memref<1456xf32, #tpu.memory_space<vmem>>, vector<16xf32>,
    tpu.vector_store %arg7[%swap3A_280], %broadcast_in_dim3A_199 {strides = array<i32>} : memref<1456xf32, #tpu.memory_space<vmem>>, vector<16xf32>,
    %swap3A_282 = arith.constant 656 : index
    %swap3A_283 = tpu.vector_load %arg7[%swap3A_282] {strides = array<i32>} : memref<1456xf32, #tpu.memory_space<vmem>>, vector<16xf32>,
    tpu.vector_store %arg7[%swap3A_282], %broadcast_in_dim3A_199 {strides = array<i32>} : memref<1456xf32, #tpu.memory_space<vmem>>, vector<16xf32>,
    %swap3A_284 = arith.constant 672 : index
    %swap3A_285 = tpu.vector_load %arg7[%swap3A_284] {strides = array<i32>} : memref<1456xf32, #tpu.memory_space<vmem>>, vector<16xf32>,
    tpu.vector_store %arg7[%swap3A_284], %broadcast_in_dim3A_199 {strides = array<i32>} : memref<1456xf32, #tpu.memory_space<vmem>>, vector<16xf32>,
    %swap3A_286 = arith.constant 688 : index
    %swap3A_287 = tpu.vector_load %arg7[%swap3A_286] {strides = array<i32>} : memref<1456xf32, #tpu.memory_space<vmem>>, vector<16xf32>,
    tpu.vector_store %arg7[%swap3A_286], %broadcast_in_dim3A_199 {strides = array<i32>} : memref<1456xf32, #tpu.memory_space<vmem>>, vector<16xf32>,
    %swap3A_288 = arith.constant 704 : index
    %swap3A_289 = tpu.vector_load %arg7[%swap3A_288] {strides = array<i32>} : memref<1456xf32, #tpu.memory_space<vmem>>, vector<16xf32>,
    tpu.vector_store %arg7[%swap3A_288], %broadcast_in_dim3A_199 {strides = array<i32>} : memref<1456xf32, #tpu.memory_space<vmem>>, vector<16xf32>,
    %swap3A_290 = arith.constant 720 : index
    %swap3A_291 = tpu.vector_load %arg7[%swap3A_290] {strides = array<i32>} : memref<1456xf32, #tpu.memory_space<vmem>>, vector<16xf32>,
    tpu.vector_store %arg7[%swap3A_290], %broadcast_in_dim3A_199 {strides = array<i32>} : memref<1456xf32, #tpu.memory_space<vmem>>, vector<16xf32>,
    %swap3A_292 = arith.constant 736 : index
    %swap3A_293 = tpu.vector_load %arg7[%swap3A_292] {strides = array<i32>} : memref<1456xf32, #tpu.memory_space<vmem>>, vector<16xf32>,
    tpu.vector_store %arg7[%swap3A_292], %broadcast_in_dim3A_199 {strides = array<i32>} : memref<1456xf32, #tpu.memory_space<vmem>>, vector<16xf32>,
    %swap3A_294 = arith.constant 752 : index
    %swap3A_295 = tpu.vector_load %arg7[%swap3A_294] {strides = array<i32>} : memref<1456xf32, #tpu.memory_space<vmem>>, vector<16xf32>,
    tpu.vector_store %arg7[%swap3A_294], %broadcast_in_dim3A_199 {strides = array<i32>} : memref<1456xf32, #tpu.memory_space<vmem>>, vector<16xf32>,
    %swap3A_296 = arith.constant 768 : index
    %swap3A_297 = tpu.vector_load %arg7[%swap3A_296] {strides = array<i32>} : memref<1456xf32, #tpu.memory_space<vmem>>, vector<16xf32>,
    tpu.vector_store %arg7[%swap3A_296], %broadcast_in_dim3A_199 {strides = array<i32>} : memref<1456xf32, #tpu.memory_space<vmem>>, vector<16xf32>,
    %swap3A_298 = arith.constant 784 : index
    %swap3A_299 = tpu.vector_load %arg7[%swap3A_298] {strides = array<i32>} : memref<1456xf32, #tpu.memory_space<vmem>>, vector<16xf32>,
    tpu.vector_store %arg7[%swap3A_298], %broadcast_in_dim3A_199 {strides = array<i32>} : memref<1456xf32, #tpu.memory_space<vmem>>, vector<16xf32>,
    %swap3A_300 = arith.constant 800 : index
    %swap3A_301 = tpu.vector_load %arg7[%swap3A_300] {strides = array<i32>} : memref<1456xf32, #tpu.memory_space<vmem>>, vector<16xf32>,
    tpu.vector_store %arg7[%swap3A_300], %broadcast_in_dim3A_199 {strides = array<i32>} : memref<1456xf32, #tpu.memory_space<vmem>>, vector<16xf32>,
    %swap3A_302 = arith.constant 816 : index
    %swap3A_303 = tpu.vector_load %arg7[%swap3A_302] {strides = array<i32>} : memref<1456xf32, #tpu.memory_space<vmem>>, vector<16xf32>,
    tpu.vector_store %arg7[%swap3A_302], %broadcast_in_dim3A_199 {strides = array<i32>} : memref<1456xf32, #tpu.memory_space<vmem>>, vector<16xf32>,
    %swap3A_304 = arith.constant 832 : index
    %swap3A_305 = tpu.vector_load %arg7[%swap3A_304] {strides = array<i32>} : memref<1456xf32, #tpu.memory_space<vmem>>, vector<16xf32>,
    tpu.vector_store %arg7[%swap3A_304], %broadcast_in_dim3A_199 {strides = array<i32>} : memref<1456xf32, #tpu.memory_space<vmem>>, vector<16xf32>,
    %swap3A_306 = arith.constant 848 : index
    %swap3A_307 = tpu.vector_load %arg7[%swap3A_306] {strides = array<i32>} : memref<1456xf32, #tpu.memory_space<vmem>>, vector<16xf32>,
    tpu.vector_store %arg7[%swap3A_306], %broadcast_in_dim3A_199 {strides = array<i32>} : memref<1456xf32, #tpu.memory_space<vmem>>, vector<16xf32>,
    %swap3A_308 = arith.constant 864 : index
    %swap3A_309 = tpu.vector_load %arg7[%swap3A_308] {strides = array<i32>} : memref<1456xf32, #tpu.memory_space<vmem>>, vector<16xf32>,
    tpu.vector_store %arg7[%swap3A_308], %broadcast_in_dim3A_199 {strides = array<i32>} : memref<1456xf32, #tpu.memory_space<vmem>>, vector<16xf32>,
    %swap3A_310 = arith.constant 880 : index
    %swap3A_311 = tpu.vector_load %arg7[%swap3A_310] {strides = array<i32>} : memref<1456xf32, #tpu.memory_space<vmem>>, vector<16xf32>,
    tpu.vector_store %arg7[%swap3A_310], %broadcast_in_dim3A_199 {strides = array<i32>} : memref<1456xf32, #tpu.memory_space<vmem>>, vector<16xf32>,
    %swap3A_312 = arith.constant 896 : index
    %swap3A_313 = tpu.vector_load %arg7[%swap3A_312] {strides = array<i32>} : memref<1456xf32, #tpu.memory_space<vmem>>, vector<16xf32>,
    tpu.vector_store %arg7[%swap3A_312], %broadcast_in_dim3A_199 {strides = array<i32>} : memref<1456xf32, #tpu.memory_space<vmem>>, vector<16xf32>,
    %swap3A_314 = arith.constant 912 : index
    %swap3A_315 = tpu.vector_load %arg7[%swap3A_314] {strides = array<i32>} : memref<1456xf32, #tpu.memory_space<vmem>>, vector<16xf32>,
    tpu.vector_store %arg7[%swap3A_314], %broadcast_in_dim3A_199 {strides = array<i32>} : memref<1456xf32, #tpu.memory_space<vmem>>, vector<16xf32>,
    %swap3A_316 = arith.constant 928 : index
    %swap3A_317 = tpu.vector_load %arg7[%swap3A_316] {strides = array<i32>} : memref<1456xf32, #tpu.memory_space<vmem>>, vector<16xf32>,
    tpu.vector_store %arg7[%swap3A_316], %broadcast_in_dim3A_199 {strides = array<i32>} : memref<1456xf32, #tpu.memory_space<vmem>>, vector<16xf32>,
    %swap3A_318 = arith.constant 944 : index
    %swap3A_319 = tpu.vector_load %arg7[%swap3A_318] {strides = array<i32>} : memref<1456xf32, #tpu.memory_space<vmem>>, vector<16xf32>,
    tpu.vector_store %arg7[%swap3A_318], %broadcast_in_dim3A_199 {strides = array<i32>} : memref<1456xf32, #tpu.memory_space<vmem>>, vector<16xf32>,
    %swap3A_320 = arith.constant 960 : index
    %swap3A_321 = tpu.vector_load %arg7[%swap3A_320] {strides = array<i32>} : memref<1456xf32, #tpu.memory_space<vmem>>, vector<16xf32>,
    tpu.vector_store %arg7[%swap3A_320], %broadcast_in_dim3A_199 {strides = array<i32>} : memref<1456xf32, #tpu.memory_space<vmem>>, vector<16xf32>,
    %swap3A_322 = arith.constant 976 : index
    %swap3A_323 = tpu.vector_load %arg7[%swap3A_322] {strides = array<i32>} : memref<1456xf32, #tpu.memory_space<vmem>>, vector<16xf32>,
    tpu.vector_store %arg7[%swap3A_322], %broadcast_in_dim3A_199 {strides = array<i32>} : memref<1456xf32, #tpu.memory_space<vmem>>, vector<16xf32>,
    %swap3A_324 = arith.constant 992 : index
    %swap3A_325 = tpu.vector_load %arg7[%swap3A_324] {strides = array<i32>} : memref<1456xf32, #tpu.memory_space<vmem>>, vector<16xf32>,
    tpu.vector_store %arg7[%swap3A_324], %broadcast_in_dim3A_199 {strides = array<i32>} : memref<1456xf32, #tpu.memory_space<vmem>>, vector<16xf32>,
    %swap3A_326 = arith.constant 1008 : index
    %swap3A_327 = tpu.vector_load %arg7[%swap3A_326] {strides = array<i32>} : memref<1456xf32, #tpu.memory_space<vmem>>, vector<16xf32>,
    tpu.vector_store %arg7[%swap3A_326], %broadcast_in_dim3A_199 {strides = array<i32>} : memref<1456xf32, #tpu.memory_space<vmem>>, vector<16xf32>,
    %swap3A_328 = arith.constant 1024 : index
    %swap3A_329 = tpu.vector_load %arg7[%swap3A_328] {strides = array<i32>} : memref<1456xf32, #tpu.memory_space<vmem>>, vector<16xf32>,
    tpu.vector_store %arg7[%swap3A_328], %broadcast_in_dim3A_199 {strides = array<i32>} : memref<1456xf32, #tpu.memory_space<vmem>>, vector<16xf32>,
    %swap3A_330 = arith.constant 1040 : index
    %swap3A_331 = tpu.vector_load %arg7[%swap3A_330] {strides = array<i32>} : memref<1456xf32, #tpu.memory_space<vmem>>, vector<16xf32>,
    tpu.vector_store %arg7[%swap3A_330], %broadcast_in_dim3A_199 {strides = array<i32>} : memref<1456xf32, #tpu.memory_space<vmem>>, vector<16xf32>,
    %swap3A_332 = arith.constant 1056 : index
    %swap3A_333 = tpu.vector_load %arg7[%swap3A_332] {strides = array<i32>} : memref<1456xf32, #tpu.memory_space<vmem>>, vector<16xf32>,
    tpu.vector_store %arg7[%swap3A_332], %broadcast_in_dim3A_199 {strides = array<i32>} : memref<1456xf32, #tpu.memory_space<vmem>>, vector<16xf32>,
    %swap3A_334 = arith.constant 1072 : index
    %swap3A_335 = tpu.vector_load %arg7[%swap3A_334] {strides = array<i32>} : memref<1456xf32, #tpu.memory_space<vmem>>, vector<16xf32>,
    tpu.vector_store %arg7[%swap3A_334], %broadcast_in_dim3A_199 {strides = array<i32>} : memref<1456xf32, #tpu.memory_space<vmem>>, vector<16xf32>,
    %swap3A_336 = arith.constant 1088 : index
    %swap3A_337 = tpu.vector_load %arg7[%swap3A_336] {strides = array<i32>} : memref<1456xf32, #tpu.memory_space<vmem>>, vector<16xf32>,
    tpu.vector_store %arg7[%swap3A_336], %broadcast_in_dim3A_199 {strides = array<i32>} : memref<1456xf32, #tpu.memory_space<vmem>>, vector<16xf32>,
    %swap3A_338 = arith.constant 1104 : index
    %swap3A_339 = tpu.vector_load %arg7[%swap3A_338] {strides = array<i32>} : memref<1456xf32, #tpu.memory_space<vmem>>, vector<16xf32>,
    tpu.vector_store %arg7[%swap3A_338], %broadcast_in_dim3A_199 {strides = array<i32>} : memref<1456xf32, #tpu.memory_space<vmem>>, vector<16xf32>,
    %swap3A_340 = arith.constant 1120 : index
    %swap3A_341 = tpu.vector_load %arg7[%swap3A_340] {strides = array<i32>} : memref<1456xf32, #tpu.memory_space<vmem>>, vector<16xf32>,
    tpu.vector_store %arg7[%swap3A_340], %broadcast_in_dim3A_199 {strides = array<i32>} : memref<1456xf32, #tpu.memory_space<vmem>>, vector<16xf32>,
    %swap3A_342 = arith.constant 1136 : index
    %swap3A_343 = tpu.vector_load %arg7[%swap3A_342] {strides = array<i32>} : memref<1456xf32, #tpu.memory_space<vmem>>, vector<16xf32>,
    tpu.vector_store %arg7[%swap3A_342], %broadcast_in_dim3A_199 {strides = array<i32>} : memref<1456xf32, #tpu.memory_space<vmem>>, vector<16xf32>,
    %swap3A_344 = arith.constant 1152 : index
    %swap3A_345 = tpu.vector_load %arg7[%swap3A_344] {strides = array<i32>} : memref<1456xf32, #tpu.memory_space<vmem>>, vector<16xf32>,
    tpu.vector_store %arg7[%swap3A_344], %broadcast_in_dim3A_199 {strides = array<i32>} : memref<1456xf32, #tpu.memory_space<vmem>>, vector<16xf32>,
    %swap3A_346 = arith.constant 1168 : index
    %swap3A_347 = tpu.vector_load %arg7[%swap3A_346] {strides = array<i32>} : memref<1456xf32, #tpu.memory_space<vmem>>, vector<16xf32>,
    tpu.vector_store %arg7[%swap3A_346], %broadcast_in_dim3A_199 {strides = array<i32>} : memref<1456xf32, #tpu.memory_space<vmem>>, vector<16xf32>,
    %swap3A_348 = arith.constant 1184 : index
    %swap3A_349 = tpu.vector_load %arg7[%swap3A_348] {strides = array<i32>} : memref<1456xf32, #tpu.memory_space<vmem>>, vector<16xf32>,
    tpu.vector_store %arg7[%swap3A_348], %broadcast_in_dim3A_199 {strides = array<i32>} : memref<1456xf32, #tpu.memory_space<vmem>>, vector<16xf32>,
    %swap3A_350 = arith.constant 1200 : index
    %swap3A_351 = tpu.vector_load %arg7[%swap3A_350] {strides = array<i32>} : memref<1456xf32, #tpu.memory_space<vmem>>, vector<16xf32>,
    tpu.vector_store %arg7[%swap3A_350], %broadcast_in_dim3A_199 {strides = array<i32>} : memref<1456xf32, #tpu.memory_space<vmem>>, vector<16xf32>,
    %swap3A_352 = arith.constant 1216 : index
    %swap3A_353 = tpu.vector_load %arg7[%swap3A_352] {strides = array<i32>} : memref<1456xf32, #tpu.memory_space<vmem>>, vector<16xf32>,
    tpu.vector_store %arg7[%swap3A_352], %broadcast_in_dim3A_199 {strides = array<i32>} : memref<1456xf32, #tpu.memory_space<vmem>>, vector<16xf32>,
    %swap3A_354 = arith.constant 1232 : index
    %swap3A_355 = tpu.vector_load %arg7[%swap3A_354] {strides = array<i32>} : memref<1456xf32, #tpu.memory_space<vmem>>, vector<16xf32>,
    tpu.vector_store %arg7[%swap3A_354], %broadcast_in_dim3A_199 {strides = array<i32>} : memref<1456xf32, #tpu.memory_space<vmem>>, vector<16xf32>,
    %swap3A_356 = arith.constant 1248 : index
    %swap3A_357 = tpu.vector_load %arg7[%swap3A_356] {strides = array<i32>} : memref<1456xf32, #tpu.memory_space<vmem>>, vector<16xf32>,
    tpu.vector_store %arg7[%swap3A_356], %broadcast_in_dim3A_199 {strides = array<i32>} : memref<1456xf32, #tpu.memory_space<vmem>>, vector<16xf32>,
    %swap3A_358 = arith.constant 1264 : index
    %swap3A_359 = tpu.vector_load %arg7[%swap3A_358] {strides = array<i32>} : memref<1456xf32, #tpu.memory_space<vmem>>, vector<16xf32>,
    tpu.vector_store %arg7[%swap3A_358], %broadcast_in_dim3A_199 {strides = array<i32>} : memref<1456xf32, #tpu.memory_space<vmem>>, vector<16xf32>,
    %swap3A_360 = arith.constant 1280 : index
    %swap3A_361 = tpu.vector_load %arg7[%swap3A_360] {strides = array<i32>} : memref<1456xf32, #tpu.memory_space<vmem>>, vector<16xf32>,
    tpu.vector_store %arg7[%swap3A_360], %broadcast_in_dim3A_199 {strides = array<i32>} : memref<1456xf32, #tpu.memory_space<vmem>>, vector<16xf32>,
    %swap3A_362 = arith.constant 1296 : index
    %swap3A_363 = tpu.vector_load %arg7[%swap3A_362] {strides = array<i32>} : memref<1456xf32, #tpu.memory_space<vmem>>, vector<16xf32>,
    tpu.vector_store %arg7[%swap3A_362], %broadcast_in_dim3A_199 {strides = array<i32>} : memref<1456xf32, #tpu.memory_space<vmem>>, vector<16xf32>,
    %swap3A_364 = arith.constant 1312 : index
    %swap3A_365 = tpu.vector_load %arg7[%swap3A_364] {strides = array<i32>} : memref<1456xf32, #tpu.memory_space<vmem>>, vector<16xf32>,
    tpu.vector_store %arg7[%swap3A_364], %broadcast_in_dim3A_199 {strides = array<i32>} : memref<1456xf32, #tpu.memory_space<vmem>>, vector<16xf32>,
    %swap3A_366 = arith.constant 1328 : index
    %swap3A_367 = tpu.vector_load %arg7[%swap3A_366] {strides = array<i32>} : memref<1456xf32, #tpu.memory_space<vmem>>, vector<16xf32>,
    tpu.vector_store %arg7[%swap3A_366], %broadcast_in_dim3A_199 {strides = array<i32>} : memref<1456xf32, #tpu.memory_space<vmem>>, vector<16xf32>,
    %swap3A_368 = arith.constant 1344 : index
    %swap3A_369 = tpu.vector_load %arg7[%swap3A_368] {strides = array<i32>} : memref<1456xf32, #tpu.memory_space<vmem>>, vector<16xf32>,
    tpu.vector_store %arg7[%swap3A_368], %broadcast_in_dim3A_199 {strides = array<i32>} : memref<1456xf32, #tpu.memory_space<vmem>>, vector<16xf32>,
    %swap3A_370 = arith.constant 1360 : index
    %swap3A_371 = tpu.vector_load %arg7[%swap3A_370] {strides = array<i32>} : memref<1456xf32, #tpu.memory_space<vmem>>, vector<16xf32>,
    tpu.vector_store %arg7[%swap3A_370], %broadcast_in_dim3A_199 {strides = array<i32>} : memref<1456xf32, #tpu.memory_space<vmem>>, vector<16xf32>,
    %swap3A_372 = arith.constant 1376 : index
    %swap3A_373 = tpu.vector_load %arg7[%swap3A_372] {strides = array<i32>} : memref<1456xf32, #tpu.memory_space<vmem>>, vector<16xf32>,
    tpu.vector_store %arg7[%swap3A_372], %broadcast_in_dim3A_199 {strides = array<i32>} : memref<1456xf32, #tpu.memory_space<vmem>>, vector<16xf32>,
    %swap3A_374 = arith.constant 1392 : index
    %swap3A_375 = tpu.vector_load %arg7[%swap3A_374] {strides = array<i32>} : memref<1456xf32, #tpu.memory_space<vmem>>, vector<16xf32>,
    tpu.vector_store %arg7[%swap3A_374], %broadcast_in_dim3A_199 {strides = array<i32>} : memref<1456xf32, #tpu.memory_space<vmem>>, vector<16xf32>,
    %swap3A_376 = arith.constant 1408 : index
    %swap3A_377 = tpu.vector_load %arg7[%swap3A_376] {strides = array<i32>} : memref<1456xf32, #tpu.memory_space<vmem>>, vector<16xf32>,
    tpu.vector_store %arg7[%swap3A_376], %broadcast_in_dim3A_199 {strides = array<i32>} : memref<1456xf32, #tpu.memory_space<vmem>>, vector<16xf32>,
    %swap3A_378 = arith.constant 1424 : index
    %swap3A_379 = tpu.vector_load %arg7[%swap3A_378] {strides = array<i32>} : memref<1456xf32, #tpu.memory_space<vmem>>, vector<16xf32>,
    tpu.vector_store %arg7[%swap3A_378], %broadcast_in_dim3A_199 {strides = array<i32>} : memref<1456xf32, #tpu.memory_space<vmem>>, vector<16xf32>,
    %swap3A_380 = arith.constant 1440 : index
    %swap3A_381 = tpu.vector_load %arg7[%swap3A_380] {strides = array<i32>} : memref<1456xf32, #tpu.memory_space<vmem>>, vector<16xf32>,
    tpu.vector_store %arg7[%swap3A_380], %broadcast_in_dim3A_199 {strides = array<i32>} : memref<1456xf32, #tpu.memory_space<vmem>>, vector<16xf32>,
    %lt3A = arith.constant 16 : i32
    %lt3A_382 = arith.cmpi slt, %add3A, %lt3A : i32
    %convert_element_type3A = arith.extui %lt3A_382 : i1 to i32
    %cond3A = arith.constant 0 : i32
    %cond3A_383 = arith.cmpi ne, %convert_element_type3A, %cond3A : i32
    scf.if %cond3A_383 {
      %add3A_393 = arith.constant 8 : i32
      %add3A_394 = arith.addi %div3A_2, %add3A_393 : i32
      "tpu.region"() ({
        %run_scoped3A = tpu.sem_alloc : memref<!tpu.dma_semaphore, #tpu.memory_space<semaphore_mem>>
        %dma_start3A = arith.constant 0 : i32
        %dma_start3A_411 = tpu.memref_slice %arg3[%add3A_394, %dma_start3A] : memref<12x32xf32, #tpu.memory_space<hbm>> -> memref<1x32xf32, #tpu.memory_space<hbm>>
        %dma_start3A_412 = tpu.memref_squeeze %dma_start3A_411 : memref<1x32xf32, #tpu.memory_space<hbm>> -> memref<32xf32, #tpu.memory_space<hbm>>
        %dma_start3A_413 = arith.constant 0 : i32
        %dma_start3A_414 = tpu.memref_slice %arg3[%add3A_394, %dma_start3A_413] : memref<12x32xf32, #tpu.memory_space<hbm>> -> memref<1x32xf32, #tpu.memory_space<hbm>>
        %dma_start3A_415 = tpu.memref_squeeze %dma_start3A_414 : memref<1x32xf32, #tpu.memory_space<hbm>> -> memref<32xf32, #tpu.memory_space<hbm>>
        tpu.enqueue_dma source(%dma_start3A_415 : memref<32xf32, #tpu.memory_space<hbm>>) target(%arg6 : memref<32xf32, #tpu.memory_space<vmem>>) target_semaphore(%run_scoped3A : memref<!tpu.dma_semaphore, #tpu.memory_space<semaphore_mem>>)
        %dma_wait3A = arith.constant 0 : i32
        %dma_wait3A_416 = tpu.memref_slice %arg3[%add3A_394, %dma_wait3A] : memref<12x32xf32, #tpu.memory_space<hbm>> -> memref<1x32xf32, #tpu.memory_space<hbm>>
        %dma_wait3A_417 = tpu.memref_squeeze %dma_wait3A_416 : memref<1x32xf32, #tpu.memory_space<hbm>> -> memref<32xf32, #tpu.memory_space<hbm>>
        %dma_wait3A_418 = arith.constant 0 : i32
        %dma_wait3A_419 = tpu.memref_slice %arg3[%add3A_394, %dma_wait3A_418] : memref<12x32xf32, #tpu.memory_space<hbm>> -> memref<1x32xf32, #tpu.memory_space<hbm>>
        %dma_wait3A_420 = tpu.memref_squeeze %dma_wait3A_419 : memref<1x32xf32, #tpu.memory_space<hbm>> -> memref<32xf32, #tpu.memory_space<hbm>>
        tpu.wait_dma2 semaphore(%run_scoped3A : memref<!tpu.dma_semaphore, #tpu.memory_space<semaphore_mem>>) src(%dma_wait3A_420 : memref<32xf32, #tpu.memory_space<hbm>>) dst(%arg6 : memref<32xf32, #tpu.memory_space<vmem>>)
        tpu.yield
      }) : () -> ()
      %get3A_395 = arith.constant 0 : index
      %get3A_396 = tpu.vector_load %arg6[%get3A_395] {strides = array<i32>} : memref<32xf32, #tpu.memory_space<vmem>>, vector<16xf32>,
      %get3A_397 = arith.constant 16 : index
      %get3A_398 = tpu.vector_load %arg6[%get3A_397] {strides = array<i32>} : memref<32xf32, #tpu.memory_space<vmem>>, vector<16xf32>,
      %broadcast_in_dim3A_399 = arith.constant 2.44140625E-4 : f32
      %broadcast_in_dim3A_400 = vector.broadcast %broadcast_in_dim3A_399 : f32 to vector<16xf32>
      %iota3A_401 = tpu.iota {dimensions = array<i32: 0>} : vector<16xi32>
      %mul3A_402 = arith.constant 3 : i32
      %mul3A_403 = vector.broadcast %mul3A_402 : i32 to vector<16xi32>
      %mul3A_404 = arith.muli %iota3A_401, %mul3A_403 : vector<16xi32>
      %scan3A_405 = arith.constant 0 : i32
      %scan3A_406 = arith.constant 0 : i32
      %scan3A_407 = arith.constant 32 : i32
      %scan3A_408 = arith.addi %scan3A_406, %scan3A_407 : i32
      %scan3A_409 = arith.constant 1 : i32
      scf.for %scan3A_411 = %scan3A_406 to %scan3A_408 step %scan3A_409  : i32 {
        %mul3A_412 = arith.constant 4 : i32
        %mul3A_413 = arith.muli %scan3A_411, %mul3A_412 : i32
        %add3A_414 = arith.constant 0 : i32
        %add3A_415 = arith.addi %add3A_414, %mul3A_413 : i32
        %add3A_416 = arith.constant 0 : i32
        %add3A_417 = arith.addi %add3A_415, %add3A_416 : i32
        %mul3A_418 = arith.constant 48 : i32
        %mul3A_419 = arith.muli %add3A_417, %mul3A_418 : i32
        %add3A_420 = vector.broadcast %mul3A_419 : i32 to vector<16xi32>
        %add3A_421 = arith.addi %mul3A_404, %add3A_420 : vector<16xi32>
        %gather3A = tpu.vector_load_idx %arg5[%add3A_421] : memref<12288xf32, #tpu.memory_space<vmem>>[vector<16xi32>], vector<16xf32>,
        %add3A_422 = arith.constant 1 : i32
        %add3A_423 = vector.broadcast %add3A_422 : i32 to vector<16xi32>
        %add3A_424 = arith.addi %add3A_421, %add3A_423 : vector<16xi32>
        %gather3A_425 = tpu.vector_load_idx %arg5[%add3A_424] : memref<12288xf32, #tpu.memory_space<vmem>>[vector<16xi32>], vector<16xf32>,
        %add3A_426 = arith.constant 2 : i32
        %add3A_427 = vector.broadcast %add3A_426 : i32 to vector<16xi32>
        %add3A_428 = arith.addi %add3A_421, %add3A_427 : vector<16xi32>
        %gather3A_429 = tpu.vector_load_idx %arg5[%add3A_428] : memref<12288xf32, #tpu.memory_space<vmem>>[vector<16xi32>], vector<16xf32>,
        %mul3A_430 = arith.mulf %gather3A, %get3A_396 : vector<16xf32>
        %mul3A_431 = arith.mulf %gather3A_425, %get3A_398 : vector<16xf32>
        %sub3A = arith.subf %mul3A_430, %mul3A_431 : vector<16xf32>
        %mul3A_432 = arith.mulf %gather3A, %get3A_398 : vector<16xf32>
        %mul3A_433 = arith.mulf %gather3A_425, %get3A_396 : vector<16xf32>
        %add3A_434 = arith.addf %mul3A_432, %mul3A_433 : vector<16xf32>
        %add3A_435 = arith.constant 8.500000e+00 : f32
        %add3A_436 = vector.broadcast %add3A_435 : f32 to vector<16xf32>
        %add3A_437 = arith.addf %sub3A, %add3A_436 : vector<16xf32>
        %jit3A = arith.constant -1.600000e+04 : f32
        %jit3A_438 = arith.constant 1.600000e+04 : f32
        %max3A = vector.broadcast %jit3A : f32 to vector<16xf32>
        %max3A_439 = arith.maximumf %max3A, %add3A_437 : vector<16xf32>
        %min3A = vector.broadcast %jit3A_438 : f32 to vector<16xf32>
        %min3A_440 = arith.minimumf %min3A, %max3A_439 : vector<16xf32>
        %convert_element_type3A_441 = arith.fptosi %min3A_440 : vector<16xf32> to vector<16xi32>
        %convert_element_type3A_442 = arith.sitofp %convert_element_type3A_441 : vector<16xi32> to vector<16xf32>
        %gt3A = arith.cmpf ogt, %convert_element_type3A_442, %min3A_440 : vector<16xf32>
        %sub3A_443 = arith.constant 1 : i32
        %sub3A_444 = vector.broadcast %sub3A_443 : i32 to vector<16xi32>
        %sub3A_445 = arith.subi %convert_element_type3A_441, %sub3A_444 : vector<16xi32>
        %select_n3A = arith.select %gt3A, %sub3A_445, %convert_element_type3A_441 : vector<16xi1>, vector<16xi32>
        %add3A_446 = arith.constant 8.500000e+00 : f32
        %add3A_447 = vector.broadcast %add3A_446 : f32 to vector<16xf32>
        %add3A_448 = arith.addf %add3A_434, %add3A_447 : vector<16xf32>
        %jit3A_449 = arith.constant -1.600000e+04 : f32
        %jit3A_450 = arith.constant 1.600000e+04 : f32
        %max3A_451 = vector.broadcast %jit3A_449 : f32 to vector<16xf32>
        %max3A_452 = arith.maximumf %max3A_451, %add3A_448 : vector<16xf32>
        %min3A_453 = vector.broadcast %jit3A_450 : f32 to vector<16xf32>
        %min3A_454 = arith.minimumf %min3A_453, %max3A_452 : vector<16xf32>
        %convert_element_type3A_455 = arith.fptosi %min3A_454 : vector<16xf32> to vector<16xi32>
        %convert_element_type3A_456 = arith.sitofp %convert_element_type3A_455 : vector<16xi32> to vector<16xf32>
        %gt3A_457 = arith.cmpf ogt, %convert_element_type3A_456, %min3A_454 : vector<16xf32>
        %sub3A_458 = arith.constant 1 : i32
        %sub3A_459 = vector.broadcast %sub3A_458 : i32 to vector<16xi32>
        %sub3A_460 = arith.subi %convert_element_type3A_455, %sub3A_459 : vector<16xi32>
        %select_n3A_461 = arith.select %gt3A_457, %sub3A_460, %convert_element_type3A_455 : vector<16xi1>, vector<16xi32>
        %add3A_462 = arith.constant 2.500000e+00 : f32
        %add3A_463 = vector.broadcast %add3A_462 : f32 to vector<16xf32>
        %add3A_464 = arith.addf %gather3A_429, %add3A_463 : vector<16xf32>
        %jit3A_465 = arith.constant -1.600000e+04 : f32
        %jit3A_466 = arith.constant 1.600000e+04 : f32
        %max3A_467 = vector.broadcast %jit3A_465 : f32 to vector<16xf32>
        %max3A_468 = arith.maximumf %max3A_467, %add3A_464 : vector<16xf32>
        %min3A_469 = vector.broadcast %jit3A_466 : f32 to vector<16xf32>
        %min3A_470 = arith.minimumf %min3A_469, %max3A_468 : vector<16xf32>
        %convert_element_type3A_471 = arith.fptosi %min3A_470 : vector<16xf32> to vector<16xi32>
        %convert_element_type3A_472 = arith.sitofp %convert_element_type3A_471 : vector<16xi32> to vector<16xf32>
        %gt3A_473 = arith.cmpf ogt, %convert_element_type3A_472, %min3A_470 : vector<16xf32>
        %sub3A_474 = arith.constant 1 : i32
        %sub3A_475 = vector.broadcast %sub3A_474 : i32 to vector<16xi32>
        %sub3A_476 = arith.subi %convert_element_type3A_471, %sub3A_475 : vector<16xi32>
        %select_n3A_477 = arith.select %gt3A_473, %sub3A_476, %convert_element_type3A_471 : vector<16xi1>, vector<16xi32>
        %mul3A_478 = arith.constant 5 : i32
        %mul3A_479 = vector.broadcast %mul3A_478 : i32 to vector<16xi32>
        %mul3A_480 = arith.muli %select_n3A_461, %mul3A_479 : vector<16xi32>
        %add3A_481 = arith.addi %select_n3A_477, %mul3A_480 : vector<16xi32>
        %mul3A_482 = arith.constant 85 : i32
        %mul3A_483 = vector.broadcast %mul3A_482 : i32 to vector<16xi32>
        %mul3A_484 = arith.muli %select_n3A, %mul3A_483 : vector<16xi32>
        %add3A_485 = arith.addi %add3A_481, %mul3A_484 : vector<16xi32>
        %ge3A_486 = arith.constant 0 : i32
        %ge3A_487 = vector.broadcast %ge3A_486 : i32 to vector<16xi32>
        %ge3A_488 = arith.cmpi sge, %add3A_485, %ge3A_487 : vector<16xi32>
        %lt3A_489 = arith.constant 1445 : i32
        %lt3A_490 = vector.broadcast %lt3A_489 : i32 to vector<16xi32>
        %lt3A_491 = arith.cmpi slt, %add3A_485, %lt3A_490 : vector<16xi32>
        %and3A = arith.andi %ge3A_488, %lt3A_491 : vector<16xi1>
        tpu.vector_store_idx %arg7[%add3A_485], %broadcast_in_dim3A_400 masked %and3A {add = true} : memref<1456xf32, #tpu.memory_space<vmem>>[vector<16xi32>], vector<16xf32>, vector<16xi1>
        %mul3A_492 = arith.constant 4 : i32
        %mul3A_493 = arith.muli %scan3A_411, %mul3A_492 : i32
        %add3A_494 = arith.constant 0 : i32
        %add3A_495 = arith.addi %add3A_494, %mul3A_493 : i32
        %add3A_496 = arith.constant 1 : i32
        %add3A_497 = arith.addi %add3A_495, %add3A_496 : i32
        %mul3A_498 = arith.constant 48 : i32
        %mul3A_499 = arith.muli %add3A_497, %mul3A_498 : i32
        %add3A_500 = vector.broadcast %mul3A_499 : i32 to vector<16xi32>
        %add3A_501 = arith.addi %mul3A_404, %add3A_500 : vector<16xi32>
        %gather3A_502 = tpu.vector_load_idx %arg5[%add3A_501] : memref<12288xf32, #tpu.memory_space<vmem>>[vector<16xi32>], vector<16xf32>,
        %add3A_503 = arith.constant 1 : i32
        %add3A_504 = vector.broadcast %add3A_503 : i32 to vector<16xi32>
        %add3A_505 = arith.addi %add3A_501, %add3A_504 : vector<16xi32>
        %gather3A_506 = tpu.vector_load_idx %arg5[%add3A_505] : memref<12288xf32, #tpu.memory_space<vmem>>[vector<16xi32>], vector<16xf32>,
        %add3A_507 = arith.constant 2 : i32
        %add3A_508 = vector.broadcast %add3A_507 : i32 to vector<16xi32>
        %add3A_509 = arith.addi %add3A_501, %add3A_508 : vector<16xi32>
        %gather3A_510 = tpu.vector_load_idx %arg5[%add3A_509] : memref<12288xf32, #tpu.memory_space<vmem>>[vector<16xi32>], vector<16xf32>,
        %mul3A_511 = arith.mulf %gather3A_502, %get3A_396 : vector<16xf32>
        %mul3A_512 = arith.mulf %gather3A_506, %get3A_398 : vector<16xf32>
        %sub3A_513 = arith.subf %mul3A_511, %mul3A_512 : vector<16xf32>
        %mul3A_514 = arith.mulf %gather3A_502, %get3A_398 : vector<16xf32>
        %mul3A_515 = arith.mulf %gather3A_506, %get3A_396 : vector<16xf32>
        %add3A_516 = arith.addf %mul3A_514, %mul3A_515 : vector<16xf32>
        %add3A_517 = arith.constant 8.500000e+00 : f32
        %add3A_518 = vector.broadcast %add3A_517 : f32 to vector<16xf32>
        %add3A_519 = arith.addf %sub3A_513, %add3A_518 : vector<16xf32>
        %jit3A_520 = arith.constant -1.600000e+04 : f32
        %jit3A_521 = arith.constant 1.600000e+04 : f32
        %max3A_522 = vector.broadcast %jit3A_520 : f32 to vector<16xf32>
        %max3A_523 = arith.maximumf %max3A_522, %add3A_519 : vector<16xf32>
        %min3A_524 = vector.broadcast %jit3A_521 : f32 to vector<16xf32>
        %min3A_525 = arith.minimumf %min3A_524, %max3A_523 : vector<16xf32>
        %convert_element_type3A_526 = arith.fptosi %min3A_525 : vector<16xf32> to vector<16xi32>
        %convert_element_type3A_527 = arith.sitofp %convert_element_type3A_526 : vector<16xi32> to vector<16xf32>
        %gt3A_528 = arith.cmpf ogt, %convert_element_type3A_527, %min3A_525 : vector<16xf32>
        %sub3A_529 = arith.constant 1 : i32
        %sub3A_530 = vector.broadcast %sub3A_529 : i32 to vector<16xi32>
        %sub3A_531 = arith.subi %convert_element_type3A_526, %sub3A_530 : vector<16xi32>
        %select_n3A_532 = arith.select %gt3A_528, %sub3A_531, %convert_element_type3A_526 : vector<16xi1>, vector<16xi32>
        %add3A_533 = arith.constant 8.500000e+00 : f32
        %add3A_534 = vector.broadcast %add3A_533 : f32 to vector<16xf32>
        %add3A_535 = arith.addf %add3A_516, %add3A_534 : vector<16xf32>
        %jit3A_536 = arith.constant -1.600000e+04 : f32
        %jit3A_537 = arith.constant 1.600000e+04 : f32
        %max3A_538 = vector.broadcast %jit3A_536 : f32 to vector<16xf32>
        %max3A_539 = arith.maximumf %max3A_538, %add3A_535 : vector<16xf32>
        %min3A_540 = vector.broadcast %jit3A_537 : f32 to vector<16xf32>
        %min3A_541 = arith.minimumf %min3A_540, %max3A_539 : vector<16xf32>
        %convert_element_type3A_542 = arith.fptosi %min3A_541 : vector<16xf32> to vector<16xi32>
        %convert_element_type3A_543 = arith.sitofp %convert_element_type3A_542 : vector<16xi32> to vector<16xf32>
        %gt3A_544 = arith.cmpf ogt, %convert_element_type3A_543, %min3A_541 : vector<16xf32>
        %sub3A_545 = arith.constant 1 : i32
        %sub3A_546 = vector.broadcast %sub3A_545 : i32 to vector<16xi32>
        %sub3A_547 = arith.subi %convert_element_type3A_542, %sub3A_546 : vector<16xi32>
        %select_n3A_548 = arith.select %gt3A_544, %sub3A_547, %convert_element_type3A_542 : vector<16xi1>, vector<16xi32>
        %add3A_549 = arith.constant 2.500000e+00 : f32
        %add3A_550 = vector.broadcast %add3A_549 : f32 to vector<16xf32>
        %add3A_551 = arith.addf %gather3A_510, %add3A_550 : vector<16xf32>
        %jit3A_552 = arith.constant -1.600000e+04 : f32
        %jit3A_553 = arith.constant 1.600000e+04 : f32
        %max3A_554 = vector.broadcast %jit3A_552 : f32 to vector<16xf32>
        %max3A_555 = arith.maximumf %max3A_554, %add3A_551 : vector<16xf32>
        %min3A_556 = vector.broadcast %jit3A_553 : f32 to vector<16xf32>
        %min3A_557 = arith.minimumf %min3A_556, %max3A_555 : vector<16xf32>
        %convert_element_type3A_558 = arith.fptosi %min3A_557 : vector<16xf32> to vector<16xi32>
        %convert_element_type3A_559 = arith.sitofp %convert_element_type3A_558 : vector<16xi32> to vector<16xf32>
        %gt3A_560 = arith.cmpf ogt, %convert_element_type3A_559, %min3A_557 : vector<16xf32>
        %sub3A_561 = arith.constant 1 : i32
        %sub3A_562 = vector.broadcast %sub3A_561 : i32 to vector<16xi32>
        %sub3A_563 = arith.subi %convert_element_type3A_558, %sub3A_562 : vector<16xi32>
        %select_n3A_564 = arith.select %gt3A_560, %sub3A_563, %convert_element_type3A_558 : vector<16xi1>, vector<16xi32>
        %mul3A_565 = arith.constant 5 : i32
        %mul3A_566 = vector.broadcast %mul3A_565 : i32 to vector<16xi32>
        %mul3A_567 = arith.muli %select_n3A_548, %mul3A_566 : vector<16xi32>
        %add3A_568 = arith.addi %select_n3A_564, %mul3A_567 : vector<16xi32>
        %mul3A_569 = arith.constant 85 : i32
        %mul3A_570 = vector.broadcast %mul3A_569 : i32 to vector<16xi32>
        %mul3A_571 = arith.muli %select_n3A_532, %mul3A_570 : vector<16xi32>
        %add3A_572 = arith.addi %add3A_568, %mul3A_571 : vector<16xi32>
        %ge3A_573 = arith.constant 0 : i32
        %ge3A_574 = vector.broadcast %ge3A_573 : i32 to vector<16xi32>
        %ge3A_575 = arith.cmpi sge, %add3A_572, %ge3A_574 : vector<16xi32>
        %lt3A_576 = arith.constant 1445 : i32
        %lt3A_577 = vector.broadcast %lt3A_576 : i32 to vector<16xi32>
        %lt3A_578 = arith.cmpi slt, %add3A_572, %lt3A_577 : vector<16xi32>
        %and3A_579 = arith.andi %ge3A_575, %lt3A_578 : vector<16xi1>
        tpu.vector_store_idx %arg7[%add3A_572], %broadcast_in_dim3A_400 masked %and3A_579 {add = true} : memref<1456xf32, #tpu.memory_space<vmem>>[vector<16xi32>], vector<16xf32>, vector<16xi1>
        %mul3A_580 = arith.constant 4 : i32
        %mul3A_581 = arith.muli %scan3A_411, %mul3A_580 : i32
        %add3A_582 = arith.constant 0 : i32
        %add3A_583 = arith.addi %add3A_582, %mul3A_581 : i32
        %add3A_584 = arith.constant 2 : i32
        %add3A_585 = arith.addi %add3A_583, %add3A_584 : i32
        %mul3A_586 = arith.constant 48 : i32
        %mul3A_587 = arith.muli %add3A_585, %mul3A_586 : i32
        %add3A_588 = vector.broadcast %mul3A_587 : i32 to vector<16xi32>
        %add3A_589 = arith.addi %mul3A_404, %add3A_588 : vector<16xi32>
        %gather3A_590 = tpu.vector_load_idx %arg5[%add3A_589] : memref<12288xf32, #tpu.memory_space<vmem>>[vector<16xi32>], vector<16xf32>,
        %add3A_591 = arith.constant 1 : i32
        %add3A_592 = vector.broadcast %add3A_591 : i32 to vector<16xi32>
        %add3A_593 = arith.addi %add3A_589, %add3A_592 : vector<16xi32>
        %gather3A_594 = tpu.vector_load_idx %arg5[%add3A_593] : memref<12288xf32, #tpu.memory_space<vmem>>[vector<16xi32>], vector<16xf32>,
        %add3A_595 = arith.constant 2 : i32
        %add3A_596 = vector.broadcast %add3A_595 : i32 to vector<16xi32>
        %add3A_597 = arith.addi %add3A_589, %add3A_596 : vector<16xi32>
        %gather3A_598 = tpu.vector_load_idx %arg5[%add3A_597] : memref<12288xf32, #tpu.memory_space<vmem>>[vector<16xi32>], vector<16xf32>,
        %mul3A_599 = arith.mulf %gather3A_590, %get3A_396 : vector<16xf32>
        %mul3A_600 = arith.mulf %gather3A_594, %get3A_398 : vector<16xf32>
        %sub3A_601 = arith.subf %mul3A_599, %mul3A_600 : vector<16xf32>
        %mul3A_602 = arith.mulf %gather3A_590, %get3A_398 : vector<16xf32>
        %mul3A_603 = arith.mulf %gather3A_594, %get3A_396 : vector<16xf32>
        %add3A_604 = arith.addf %mul3A_602, %mul3A_603 : vector<16xf32>
        %add3A_605 = arith.constant 8.500000e+00 : f32
        %add3A_606 = vector.broadcast %add3A_605 : f32 to vector<16xf32>
        %add3A_607 = arith.addf %sub3A_601, %add3A_606 : vector<16xf32>
        %jit3A_608 = arith.constant -1.600000e+04 : f32
        %jit3A_609 = arith.constant 1.600000e+04 : f32
        %max3A_610 = vector.broadcast %jit3A_608 : f32 to vector<16xf32>
        %max3A_611 = arith.maximumf %max3A_610, %add3A_607 : vector<16xf32>
        %min3A_612 = vector.broadcast %jit3A_609 : f32 to vector<16xf32>
        %min3A_613 = arith.minimumf %min3A_612, %max3A_611 : vector<16xf32>
        %convert_element_type3A_614 = arith.fptosi %min3A_613 : vector<16xf32> to vector<16xi32>
        %convert_element_type3A_615 = arith.sitofp %convert_element_type3A_614 : vector<16xi32> to vector<16xf32>
        %gt3A_616 = arith.cmpf ogt, %convert_element_type3A_615, %min3A_613 : vector<16xf32>
        %sub3A_617 = arith.constant 1 : i32
        %sub3A_618 = vector.broadcast %sub3A_617 : i32 to vector<16xi32>
        %sub3A_619 = arith.subi %convert_element_type3A_614, %sub3A_618 : vector<16xi32>
        %select_n3A_620 = arith.select %gt3A_616, %sub3A_619, %convert_element_type3A_614 : vector<16xi1>, vector<16xi32>
        %add3A_621 = arith.constant 8.500000e+00 : f32
        %add3A_622 = vector.broadcast %add3A_621 : f32 to vector<16xf32>
        %add3A_623 = arith.addf %add3A_604, %add3A_622 : vector<16xf32>
        %jit3A_624 = arith.constant -1.600000e+04 : f32
        %jit3A_625 = arith.constant 1.600000e+04 : f32
        %max3A_626 = vector.broadcast %jit3A_624 : f32 to vector<16xf32>
        %max3A_627 = arith.maximumf %max3A_626, %add3A_623 : vector<16xf32>
        %min3A_628 = vector.broadcast %jit3A_625 : f32 to vector<16xf32>
        %min3A_629 = arith.minimumf %min3A_628, %max3A_627 : vector<16xf32>
        %convert_element_type3A_630 = arith.fptosi %min3A_629 : vector<16xf32> to vector<16xi32>
        %convert_element_type3A_631 = arith.sitofp %convert_element_type3A_630 : vector<16xi32> to vector<16xf32>
        %gt3A_632 = arith.cmpf ogt, %convert_element_type3A_631, %min3A_629 : vector<16xf32>
        %sub3A_633 = arith.constant 1 : i32
        %sub3A_634 = vector.broadcast %sub3A_633 : i32 to vector<16xi32>
        %sub3A_635 = arith.subi %convert_element_type3A_630, %sub3A_634 : vector<16xi32>
        %select_n3A_636 = arith.select %gt3A_632, %sub3A_635, %convert_element_type3A_630 : vector<16xi1>, vector<16xi32>
        %add3A_637 = arith.constant 2.500000e+00 : f32
        %add3A_638 = vector.broadcast %add3A_637 : f32 to vector<16xf32>
        %add3A_639 = arith.addf %gather3A_598, %add3A_638 : vector<16xf32>
        %jit3A_640 = arith.constant -1.600000e+04 : f32
        %jit3A_641 = arith.constant 1.600000e+04 : f32
        %max3A_642 = vector.broadcast %jit3A_640 : f32 to vector<16xf32>
        %max3A_643 = arith.maximumf %max3A_642, %add3A_639 : vector<16xf32>
        %min3A_644 = vector.broadcast %jit3A_641 : f32 to vector<16xf32>
        %min3A_645 = arith.minimumf %min3A_644, %max3A_643 : vector<16xf32>
        %convert_element_type3A_646 = arith.fptosi %min3A_645 : vector<16xf32> to vector<16xi32>
        %convert_element_type3A_647 = arith.sitofp %convert_element_type3A_646 : vector<16xi32> to vector<16xf32>
        %gt3A_648 = arith.cmpf ogt, %convert_element_type3A_647, %min3A_645 : vector<16xf32>
        %sub3A_649 = arith.constant 1 : i32
        %sub3A_650 = vector.broadcast %sub3A_649 : i32 to vector<16xi32>
        %sub3A_651 = arith.subi %convert_element_type3A_646, %sub3A_650 : vector<16xi32>
        %select_n3A_652 = arith.select %gt3A_648, %sub3A_651, %convert_element_type3A_646 : vector<16xi1>, vector<16xi32>
        %mul3A_653 = arith.constant 5 : i32
        %mul3A_654 = vector.broadcast %mul3A_653 : i32 to vector<16xi32>
        %mul3A_655 = arith.muli %select_n3A_636, %mul3A_654 : vector<16xi32>
        %add3A_656 = arith.addi %select_n3A_652, %mul3A_655 : vector<16xi32>
        %mul3A_657 = arith.constant 85 : i32
        %mul3A_658 = vector.broadcast %mul3A_657 : i32 to vector<16xi32>
        %mul3A_659 = arith.muli %select_n3A_620, %mul3A_658 : vector<16xi32>
        %add3A_660 = arith.addi %add3A_656, %mul3A_659 : vector<16xi32>
        %ge3A_661 = arith.constant 0 : i32
        %ge3A_662 = vector.broadcast %ge3A_661 : i32 to vector<16xi32>
        %ge3A_663 = arith.cmpi sge, %add3A_660, %ge3A_662 : vector<16xi32>
        %lt3A_664 = arith.constant 1445 : i32
        %lt3A_665 = vector.broadcast %lt3A_664 : i32 to vector<16xi32>
        %lt3A_666 = arith.cmpi slt, %add3A_660, %lt3A_665 : vector<16xi32>
        %and3A_667 = arith.andi %ge3A_663, %lt3A_666 : vector<16xi1>
        tpu.vector_store_idx %arg7[%add3A_660], %broadcast_in_dim3A_400 masked %and3A_667 {add = true} : memref<1456xf32, #tpu.memory_space<vmem>>[vector<16xi32>], vector<16xf32>, vector<16xi1>
        %mul3A_668 = arith.constant 4 : i32
        %mul3A_669 = arith.muli %scan3A_411, %mul3A_668 : i32
        %add3A_670 = arith.constant 0 : i32
        %add3A_671 = arith.addi %add3A_670, %mul3A_669 : i32
        %add3A_672 = arith.constant 3 : i32
        %add3A_673 = arith.addi %add3A_671, %add3A_672 : i32
        %mul3A_674 = arith.constant 48 : i32
        %mul3A_675 = arith.muli %add3A_673, %mul3A_674 : i32
        %add3A_676 = vector.broadcast %mul3A_675 : i32 to vector<16xi32>
        %add3A_677 = arith.addi %mul3A_404, %add3A_676 : vector<16xi32>
        %gather3A_678 = tpu.vector_load_idx %arg5[%add3A_677] : memref<12288xf32, #tpu.memory_space<vmem>>[vector<16xi32>], vector<16xf32>,
        %add3A_679 = arith.constant 1 : i32
        %add3A_680 = vector.broadcast %add3A_679 : i32 to vector<16xi32>
        %add3A_681 = arith.addi %add3A_677, %add3A_680 : vector<16xi32>
        %gather3A_682 = tpu.vector_load_idx %arg5[%add3A_681] : memref<12288xf32, #tpu.memory_space<vmem>>[vector<16xi32>], vector<16xf32>,
        %add3A_683 = arith.constant 2 : i32
        %add3A_684 = vector.broadcast %add3A_683 : i32 to vector<16xi32>
        %add3A_685 = arith.addi %add3A_677, %add3A_684 : vector<16xi32>
        %gather3A_686 = tpu.vector_load_idx %arg5[%add3A_685] : memref<12288xf32, #tpu.memory_space<vmem>>[vector<16xi32>], vector<16xf32>,
        %mul3A_687 = arith.mulf %gather3A_678, %get3A_396 : vector<16xf32>
        %mul3A_688 = arith.mulf %gather3A_682, %get3A_398 : vector<16xf32>
        %sub3A_689 = arith.subf %mul3A_687, %mul3A_688 : vector<16xf32>
        %mul3A_690 = arith.mulf %gather3A_678, %get3A_398 : vector<16xf32>
        %mul3A_691 = arith.mulf %gather3A_682, %get3A_396 : vector<16xf32>
        %add3A_692 = arith.addf %mul3A_690, %mul3A_691 : vector<16xf32>
        %add3A_693 = arith.constant 8.500000e+00 : f32
        %add3A_694 = vector.broadcast %add3A_693 : f32 to vector<16xf32>
        %add3A_695 = arith.addf %sub3A_689, %add3A_694 : vector<16xf32>
        %jit3A_696 = arith.constant -1.600000e+04 : f32
        %jit3A_697 = arith.constant 1.600000e+04 : f32
        %max3A_698 = vector.broadcast %jit3A_696 : f32 to vector<16xf32>
        %max3A_699 = arith.maximumf %max3A_698, %add3A_695 : vector<16xf32>
        %min3A_700 = vector.broadcast %jit3A_697 : f32 to vector<16xf32>
        %min3A_701 = arith.minimumf %min3A_700, %max3A_699 : vector<16xf32>
        %convert_element_type3A_702 = arith.fptosi %min3A_701 : vector<16xf32> to vector<16xi32>
        %convert_element_type3A_703 = arith.sitofp %convert_element_type3A_702 : vector<16xi32> to vector<16xf32>
        %gt3A_704 = arith.cmpf ogt, %convert_element_type3A_703, %min3A_701 : vector<16xf32>
        %sub3A_705 = arith.constant 1 : i32
        %sub3A_706 = vector.broadcast %sub3A_705 : i32 to vector<16xi32>
        %sub3A_707 = arith.subi %convert_element_type3A_702, %sub3A_706 : vector<16xi32>
        %select_n3A_708 = arith.select %gt3A_704, %sub3A_707, %convert_element_type3A_702 : vector<16xi1>, vector<16xi32>
        %add3A_709 = arith.constant 8.500000e+00 : f32
        %add3A_710 = vector.broadcast %add3A_709 : f32 to vector<16xf32>
        %add3A_711 = arith.addf %add3A_692, %add3A_710 : vector<16xf32>
        %jit3A_712 = arith.constant -1.600000e+04 : f32
        %jit3A_713 = arith.constant 1.600000e+04 : f32
        %max3A_714 = vector.broadcast %jit3A_712 : f32 to vector<16xf32>
        %max3A_715 = arith.maximumf %max3A_714, %add3A_711 : vector<16xf32>
        %min3A_716 = vector.broadcast %jit3A_713 : f32 to vector<16xf32>
        %min3A_717 = arith.minimumf %min3A_716, %max3A_715 : vector<16xf32>
        %convert_element_type3A_718 = arith.fptosi %min3A_717 : vector<16xf32> to vector<16xi32>
        %convert_element_type3A_719 = arith.sitofp %convert_element_type3A_718 : vector<16xi32> to vector<16xf32>
        %gt3A_720 = arith.cmpf ogt, %convert_element_type3A_719, %min3A_717 : vector<16xf32>
        %sub3A_721 = arith.constant 1 : i32
        %sub3A_722 = vector.broadcast %sub3A_721 : i32 to vector<16xi32>
        %sub3A_723 = arith.subi %convert_element_type3A_718, %sub3A_722 : vector<16xi32>
        %select_n3A_724 = arith.select %gt3A_720, %sub3A_723, %convert_element_type3A_718 : vector<16xi1>, vector<16xi32>
        %add3A_725 = arith.constant 2.500000e+00 : f32
        %add3A_726 = vector.broadcast %add3A_725 : f32 to vector<16xf32>
        %add3A_727 = arith.addf %gather3A_686, %add3A_726 : vector<16xf32>
        %jit3A_728 = arith.constant -1.600000e+04 : f32
        %jit3A_729 = arith.constant 1.600000e+04 : f32
        %max3A_730 = vector.broadcast %jit3A_728 : f32 to vector<16xf32>
        %max3A_731 = arith.maximumf %max3A_730, %add3A_727 : vector<16xf32>
        %min3A_732 = vector.broadcast %jit3A_729 : f32 to vector<16xf32>
        %min3A_733 = arith.minimumf %min3A_732, %max3A_731 : vector<16xf32>
        %convert_element_type3A_734 = arith.fptosi %min3A_733 : vector<16xf32> to vector<16xi32>
        %convert_element_type3A_735 = arith.sitofp %convert_element_type3A_734 : vector<16xi32> to vector<16xf32>
        %gt3A_736 = arith.cmpf ogt, %convert_element_type3A_735, %min3A_733 : vector<16xf32>
        %sub3A_737 = arith.constant 1 : i32
        %sub3A_738 = vector.broadcast %sub3A_737 : i32 to vector<16xi32>
        %sub3A_739 = arith.subi %convert_element_type3A_734, %sub3A_738 : vector<16xi32>
        %select_n3A_740 = arith.select %gt3A_736, %sub3A_739, %convert_element_type3A_734 : vector<16xi1>, vector<16xi32>
        %mul3A_741 = arith.constant 5 : i32
        %mul3A_742 = vector.broadcast %mul3A_741 : i32 to vector<16xi32>
        %mul3A_743 = arith.muli %select_n3A_724, %mul3A_742 : vector<16xi32>
        %add3A_744 = arith.addi %select_n3A_740, %mul3A_743 : vector<16xi32>
        %mul3A_745 = arith.constant 85 : i32
        %mul3A_746 = vector.broadcast %mul3A_745 : i32 to vector<16xi32>
        %mul3A_747 = arith.muli %select_n3A_708, %mul3A_746 : vector<16xi32>
        %add3A_748 = arith.addi %add3A_744, %mul3A_747 : vector<16xi32>
        %ge3A_749 = arith.constant 0 : i32
        %ge3A_750 = vector.broadcast %ge3A_749 : i32 to vector<16xi32>
        %ge3A_751 = arith.cmpi sge, %add3A_748, %ge3A_750 : vector<16xi32>
        %lt3A_752 = arith.constant 1445 : i32
        %lt3A_753 = vector.broadcast %lt3A_752 : i32 to vector<16xi32>
        %lt3A_754 = arith.cmpi slt, %add3A_748, %lt3A_753 : vector<16xi32>
        %and3A_755 = arith.andi %ge3A_751, %lt3A_754 : vector<16xi1>
        tpu.vector_store_idx %arg7[%add3A_748], %broadcast_in_dim3A_400 masked %and3A_755 {add = true} : memref<1456xf32, #tpu.memory_space<vmem>>[vector<16xi32>], vector<16xf32>, vector<16xi1>
      }
      %scan3A_410 = arith.constant 32 : i32
    } else {
    }
    %ge3A = arith.constant 16 : i32
    %ge3A_384 = arith.cmpi sge, %add3A, %ge3A : i32
    %convert_element_type3A_385 = arith.extui %ge3A_384 : i1 to i32
    %cond3A_386 = arith.constant 0 : i32
    %cond3A_387 = arith.cmpi ne, %convert_element_type3A_385, %cond3A_386 : i32
    scf.if %cond3A_387 {
      %add3A_393 = arith.constant 4 : i32
      %add3A_394 = arith.addi %div3A_2, %add3A_393 : i32
      "tpu.region"() ({
        %run_scoped3A = tpu.sem_alloc : memref<!tpu.dma_semaphore, #tpu.memory_space<semaphore_mem>>
        %dma_start3A = arith.constant 0 : i32
        %dma_start3A_412 = tpu.memref_slice %arg3[%add3A_394, %dma_start3A] : memref<12x32xf32, #tpu.memory_space<hbm>> -> memref<1x32xf32, #tpu.memory_space<hbm>>
        %dma_start3A_413 = tpu.memref_squeeze %dma_start3A_412 : memref<1x32xf32, #tpu.memory_space<hbm>> -> memref<32xf32, #tpu.memory_space<hbm>>
        %dma_start3A_414 = arith.constant 0 : i32
        %dma_start3A_415 = tpu.memref_slice %arg3[%add3A_394, %dma_start3A_414] : memref<12x32xf32, #tpu.memory_space<hbm>> -> memref<1x32xf32, #tpu.memory_space<hbm>>
        %dma_start3A_416 = tpu.memref_squeeze %dma_start3A_415 : memref<1x32xf32, #tpu.memory_space<hbm>> -> memref<32xf32, #tpu.memory_space<hbm>>
        tpu.enqueue_dma source(%dma_start3A_416 : memref<32xf32, #tpu.memory_space<hbm>>) target(%arg6 : memref<32xf32, #tpu.memory_space<vmem>>) target_semaphore(%run_scoped3A : memref<!tpu.dma_semaphore, #tpu.memory_space<semaphore_mem>>)
        %dma_wait3A = arith.constant 0 : i32
        %dma_wait3A_417 = tpu.memref_slice %arg3[%add3A_394, %dma_wait3A] : memref<12x32xf32, #tpu.memory_space<hbm>> -> memref<1x32xf32, #tpu.memory_space<hbm>>
        %dma_wait3A_418 = tpu.memref_squeeze %dma_wait3A_417 : memref<1x32xf32, #tpu.memory_space<hbm>> -> memref<32xf32, #tpu.memory_space<hbm>>
        %dma_wait3A_419 = arith.constant 0 : i32
        %dma_wait3A_420 = tpu.memref_slice %arg3[%add3A_394, %dma_wait3A_419] : memref<12x32xf32, #tpu.memory_space<hbm>> -> memref<1x32xf32, #tpu.memory_space<hbm>>
        %dma_wait3A_421 = tpu.memref_squeeze %dma_wait3A_420 : memref<1x32xf32, #tpu.memory_space<hbm>> -> memref<32xf32, #tpu.memory_space<hbm>>
        tpu.wait_dma2 semaphore(%run_scoped3A : memref<!tpu.dma_semaphore, #tpu.memory_space<semaphore_mem>>) src(%dma_wait3A_421 : memref<32xf32, #tpu.memory_space<hbm>>) dst(%arg6 : memref<32xf32, #tpu.memory_space<vmem>>)
        tpu.yield
      }) : () -> ()
      %get3A_395 = arith.constant 0 : index
      %get3A_396 = tpu.vector_load %arg6[%get3A_395] {strides = array<i32>} : memref<32xf32, #tpu.memory_space<vmem>>, vector<16xf32>,
      %get3A_397 = arith.constant 16 : index
      %get3A_398 = tpu.vector_load %arg6[%get3A_397] {strides = array<i32>} : memref<32xf32, #tpu.memory_space<vmem>>, vector<16xf32>,
      %broadcast_in_dim3A_399 = arith.constant 2.44140625E-4 : f32
      %broadcast_in_dim3A_400 = vector.broadcast %broadcast_in_dim3A_399 : f32 to vector<16xf32>
      %iota3A_401 = tpu.iota {dimensions = array<i32: 0>} : vector<16xi32>
      %mul3A_402 = arith.constant 3 : i32
      %mul3A_403 = vector.broadcast %mul3A_402 : i32 to vector<16xi32>
      %mul3A_404 = arith.muli %iota3A_401, %mul3A_403 : vector<16xi32>
      %scan3A_405 = arith.constant 0 : i32
      %scan3A_406 = arith.constant 0 : i32
      %scan3A_407 = arith.constant 32 : i32
      %scan3A_408 = arith.addi %scan3A_406, %scan3A_407 : i32
      %scan3A_409 = arith.constant 1 : i32
      scf.for %scan3A_412 = %scan3A_406 to %scan3A_408 step %scan3A_409  : i32 {
        %mul3A_413 = arith.constant 4 : i32
        %mul3A_414 = arith.muli %scan3A_412, %mul3A_413 : i32
        %add3A_415 = arith.constant 128 : i32
        %add3A_416 = arith.addi %add3A_415, %mul3A_414 : i32
        %add3A_417 = arith.constant 0 : i32
        %add3A_418 = arith.addi %add3A_416, %add3A_417 : i32
        %mul3A_419 = arith.constant 48 : i32
        %mul3A_420 = arith.muli %add3A_418, %mul3A_419 : i32
        %add3A_421 = vector.broadcast %mul3A_420 : i32 to vector<16xi32>
        %add3A_422 = arith.addi %mul3A_404, %add3A_421 : vector<16xi32>
        %gather3A = tpu.vector_load_idx %arg5[%add3A_422] : memref<12288xf32, #tpu.memory_space<vmem>>[vector<16xi32>], vector<16xf32>,
        %add3A_423 = arith.constant 1 : i32
        %add3A_424 = vector.broadcast %add3A_423 : i32 to vector<16xi32>
        %add3A_425 = arith.addi %add3A_422, %add3A_424 : vector<16xi32>
        %gather3A_426 = tpu.vector_load_idx %arg5[%add3A_425] : memref<12288xf32, #tpu.memory_space<vmem>>[vector<16xi32>], vector<16xf32>,
        %add3A_427 = arith.constant 2 : i32
        %add3A_428 = vector.broadcast %add3A_427 : i32 to vector<16xi32>
        %add3A_429 = arith.addi %add3A_422, %add3A_428 : vector<16xi32>
        %gather3A_430 = tpu.vector_load_idx %arg5[%add3A_429] : memref<12288xf32, #tpu.memory_space<vmem>>[vector<16xi32>], vector<16xf32>,
        %mul3A_431 = arith.mulf %gather3A, %get3A_396 : vector<16xf32>
        %mul3A_432 = arith.mulf %gather3A_426, %get3A_398 : vector<16xf32>
        %sub3A_433 = arith.subf %mul3A_431, %mul3A_432 : vector<16xf32>
        %mul3A_434 = arith.mulf %gather3A, %get3A_398 : vector<16xf32>
        %mul3A_435 = arith.mulf %gather3A_426, %get3A_396 : vector<16xf32>
        %add3A_436 = arith.addf %mul3A_434, %mul3A_435 : vector<16xf32>
        %add3A_437 = arith.constant 8.500000e+00 : f32
        %add3A_438 = vector.broadcast %add3A_437 : f32 to vector<16xf32>
        %add3A_439 = arith.addf %sub3A_433, %add3A_438 : vector<16xf32>
        %jit3A = arith.constant -1.600000e+04 : f32
        %jit3A_440 = arith.constant 1.600000e+04 : f32
        %max3A = vector.broadcast %jit3A : f32 to vector<16xf32>
        %max3A_441 = arith.maximumf %max3A, %add3A_439 : vector<16xf32>
        %min3A = vector.broadcast %jit3A_440 : f32 to vector<16xf32>
        %min3A_442 = arith.minimumf %min3A, %max3A_441 : vector<16xf32>
        %convert_element_type3A_443 = arith.fptosi %min3A_442 : vector<16xf32> to vector<16xi32>
        %convert_element_type3A_444 = arith.sitofp %convert_element_type3A_443 : vector<16xi32> to vector<16xf32>
        %gt3A = arith.cmpf ogt, %convert_element_type3A_444, %min3A_442 : vector<16xf32>
        %sub3A_445 = arith.constant 1 : i32
        %sub3A_446 = vector.broadcast %sub3A_445 : i32 to vector<16xi32>
        %sub3A_447 = arith.subi %convert_element_type3A_443, %sub3A_446 : vector<16xi32>
        %select_n3A = arith.select %gt3A, %sub3A_447, %convert_element_type3A_443 : vector<16xi1>, vector<16xi32>
        %add3A_448 = arith.constant 8.500000e+00 : f32
        %add3A_449 = vector.broadcast %add3A_448 : f32 to vector<16xf32>
        %add3A_450 = arith.addf %add3A_436, %add3A_449 : vector<16xf32>
        %jit3A_451 = arith.constant -1.600000e+04 : f32
        %jit3A_452 = arith.constant 1.600000e+04 : f32
        %max3A_453 = vector.broadcast %jit3A_451 : f32 to vector<16xf32>
        %max3A_454 = arith.maximumf %max3A_453, %add3A_450 : vector<16xf32>
        %min3A_455 = vector.broadcast %jit3A_452 : f32 to vector<16xf32>
        %min3A_456 = arith.minimumf %min3A_455, %max3A_454 : vector<16xf32>
        %convert_element_type3A_457 = arith.fptosi %min3A_456 : vector<16xf32> to vector<16xi32>
        %convert_element_type3A_458 = arith.sitofp %convert_element_type3A_457 : vector<16xi32> to vector<16xf32>
        %gt3A_459 = arith.cmpf ogt, %convert_element_type3A_458, %min3A_456 : vector<16xf32>
        %sub3A_460 = arith.constant 1 : i32
        %sub3A_461 = vector.broadcast %sub3A_460 : i32 to vector<16xi32>
        %sub3A_462 = arith.subi %convert_element_type3A_457, %sub3A_461 : vector<16xi32>
        %select_n3A_463 = arith.select %gt3A_459, %sub3A_462, %convert_element_type3A_457 : vector<16xi1>, vector<16xi32>
        %add3A_464 = arith.constant 2.500000e+00 : f32
        %add3A_465 = vector.broadcast %add3A_464 : f32 to vector<16xf32>
        %add3A_466 = arith.addf %gather3A_430, %add3A_465 : vector<16xf32>
        %jit3A_467 = arith.constant -1.600000e+04 : f32
        %jit3A_468 = arith.constant 1.600000e+04 : f32
        %max3A_469 = vector.broadcast %jit3A_467 : f32 to vector<16xf32>
        %max3A_470 = arith.maximumf %max3A_469, %add3A_466 : vector<16xf32>
        %min3A_471 = vector.broadcast %jit3A_468 : f32 to vector<16xf32>
        %min3A_472 = arith.minimumf %min3A_471, %max3A_470 : vector<16xf32>
        %convert_element_type3A_473 = arith.fptosi %min3A_472 : vector<16xf32> to vector<16xi32>
        %convert_element_type3A_474 = arith.sitofp %convert_element_type3A_473 : vector<16xi32> to vector<16xf32>
        %gt3A_475 = arith.cmpf ogt, %convert_element_type3A_474, %min3A_472 : vector<16xf32>
        %sub3A_476 = arith.constant 1 : i32
        %sub3A_477 = vector.broadcast %sub3A_476 : i32 to vector<16xi32>
        %sub3A_478 = arith.subi %convert_element_type3A_473, %sub3A_477 : vector<16xi32>
        %select_n3A_479 = arith.select %gt3A_475, %sub3A_478, %convert_element_type3A_473 : vector<16xi1>, vector<16xi32>
        %mul3A_480 = arith.constant 5 : i32
        %mul3A_481 = vector.broadcast %mul3A_480 : i32 to vector<16xi32>
        %mul3A_482 = arith.muli %select_n3A_463, %mul3A_481 : vector<16xi32>
        %add3A_483 = arith.addi %select_n3A_479, %mul3A_482 : vector<16xi32>
        %mul3A_484 = arith.constant 85 : i32
        %mul3A_485 = vector.broadcast %mul3A_484 : i32 to vector<16xi32>
        %mul3A_486 = arith.muli %select_n3A, %mul3A_485 : vector<16xi32>
        %add3A_487 = arith.addi %add3A_483, %mul3A_486 : vector<16xi32>
        %ge3A_488 = arith.constant 0 : i32
        %ge3A_489 = vector.broadcast %ge3A_488 : i32 to vector<16xi32>
        %ge3A_490 = arith.cmpi sge, %add3A_487, %ge3A_489 : vector<16xi32>
        %lt3A_491 = arith.constant 1445 : i32
        %lt3A_492 = vector.broadcast %lt3A_491 : i32 to vector<16xi32>
        %lt3A_493 = arith.cmpi slt, %add3A_487, %lt3A_492 : vector<16xi32>
        %and3A = arith.andi %ge3A_490, %lt3A_493 : vector<16xi1>
        tpu.vector_store_idx %arg7[%add3A_487], %broadcast_in_dim3A_400 masked %and3A {add = true} : memref<1456xf32, #tpu.memory_space<vmem>>[vector<16xi32>], vector<16xf32>, vector<16xi1>
        %mul3A_494 = arith.constant 4 : i32
        %mul3A_495 = arith.muli %scan3A_412, %mul3A_494 : i32
        %add3A_496 = arith.constant 128 : i32
        %add3A_497 = arith.addi %add3A_496, %mul3A_495 : i32
        %add3A_498 = arith.constant 1 : i32
        %add3A_499 = arith.addi %add3A_497, %add3A_498 : i32
        %mul3A_500 = arith.constant 48 : i32
        %mul3A_501 = arith.muli %add3A_499, %mul3A_500 : i32
        %add3A_502 = vector.broadcast %mul3A_501 : i32 to vector<16xi32>
        %add3A_503 = arith.addi %mul3A_404, %add3A_502 : vector<16xi32>
        %gather3A_504 = tpu.vector_load_idx %arg5[%add3A_503] : memref<12288xf32, #tpu.memory_space<vmem>>[vector<16xi32>], vector<16xf32>,
        %add3A_505 = arith.constant 1 : i32
        %add3A_506 = vector.broadcast %add3A_505 : i32 to vector<16xi32>
        %add3A_507 = arith.addi %add3A_503, %add3A_506 : vector<16xi32>
        %gather3A_508 = tpu.vector_load_idx %arg5[%add3A_507] : memref<12288xf32, #tpu.memory_space<vmem>>[vector<16xi32>], vector<16xf32>,
        %add3A_509 = arith.constant 2 : i32
        %add3A_510 = vector.broadcast %add3A_509 : i32 to vector<16xi32>
        %add3A_511 = arith.addi %add3A_503, %add3A_510 : vector<16xi32>
        %gather3A_512 = tpu.vector_load_idx %arg5[%add3A_511] : memref<12288xf32, #tpu.memory_space<vmem>>[vector<16xi32>], vector<16xf32>,
        %mul3A_513 = arith.mulf %gather3A_504, %get3A_396 : vector<16xf32>
        %mul3A_514 = arith.mulf %gather3A_508, %get3A_398 : vector<16xf32>
        %sub3A_515 = arith.subf %mul3A_513, %mul3A_514 : vector<16xf32>
        %mul3A_516 = arith.mulf %gather3A_504, %get3A_398 : vector<16xf32>
        %mul3A_517 = arith.mulf %gather3A_508, %get3A_396 : vector<16xf32>
        %add3A_518 = arith.addf %mul3A_516, %mul3A_517 : vector<16xf32>
        %add3A_519 = arith.constant 8.500000e+00 : f32
        %add3A_520 = vector.broadcast %add3A_519 : f32 to vector<16xf32>
        %add3A_521 = arith.addf %sub3A_515, %add3A_520 : vector<16xf32>
        %jit3A_522 = arith.constant -1.600000e+04 : f32
        %jit3A_523 = arith.constant 1.600000e+04 : f32
        %max3A_524 = vector.broadcast %jit3A_522 : f32 to vector<16xf32>
        %max3A_525 = arith.maximumf %max3A_524, %add3A_521 : vector<16xf32>
        %min3A_526 = vector.broadcast %jit3A_523 : f32 to vector<16xf32>
        %min3A_527 = arith.minimumf %min3A_526, %max3A_525 : vector<16xf32>
        %convert_element_type3A_528 = arith.fptosi %min3A_527 : vector<16xf32> to vector<16xi32>
        %convert_element_type3A_529 = arith.sitofp %convert_element_type3A_528 : vector<16xi32> to vector<16xf32>
        %gt3A_530 = arith.cmpf ogt, %convert_element_type3A_529, %min3A_527 : vector<16xf32>
        %sub3A_531 = arith.constant 1 : i32
        %sub3A_532 = vector.broadcast %sub3A_531 : i32 to vector<16xi32>
        %sub3A_533 = arith.subi %convert_element_type3A_528, %sub3A_532 : vector<16xi32>
        %select_n3A_534 = arith.select %gt3A_530, %sub3A_533, %convert_element_type3A_528 : vector<16xi1>, vector<16xi32>
        %add3A_535 = arith.constant 8.500000e+00 : f32
        %add3A_536 = vector.broadcast %add3A_535 : f32 to vector<16xf32>
        %add3A_537 = arith.addf %add3A_518, %add3A_536 : vector<16xf32>
        %jit3A_538 = arith.constant -1.600000e+04 : f32
        %jit3A_539 = arith.constant 1.600000e+04 : f32
        %max3A_540 = vector.broadcast %jit3A_538 : f32 to vector<16xf32>
        %max3A_541 = arith.maximumf %max3A_540, %add3A_537 : vector<16xf32>
        %min3A_542 = vector.broadcast %jit3A_539 : f32 to vector<16xf32>
        %min3A_543 = arith.minimumf %min3A_542, %max3A_541 : vector<16xf32>
        %convert_element_type3A_544 = arith.fptosi %min3A_543 : vector<16xf32> to vector<16xi32>
        %convert_element_type3A_545 = arith.sitofp %convert_element_type3A_544 : vector<16xi32> to vector<16xf32>
        %gt3A_546 = arith.cmpf ogt, %convert_element_type3A_545, %min3A_543 : vector<16xf32>
        %sub3A_547 = arith.constant 1 : i32
        %sub3A_548 = vector.broadcast %sub3A_547 : i32 to vector<16xi32>
        %sub3A_549 = arith.subi %convert_element_type3A_544, %sub3A_548 : vector<16xi32>
        %select_n3A_550 = arith.select %gt3A_546, %sub3A_549, %convert_element_type3A_544 : vector<16xi1>, vector<16xi32>
        %add3A_551 = arith.constant 2.500000e+00 : f32
        %add3A_552 = vector.broadcast %add3A_551 : f32 to vector<16xf32>
        %add3A_553 = arith.addf %gather3A_512, %add3A_552 : vector<16xf32>
        %jit3A_554 = arith.constant -1.600000e+04 : f32
        %jit3A_555 = arith.constant 1.600000e+04 : f32
        %max3A_556 = vector.broadcast %jit3A_554 : f32 to vector<16xf32>
        %max3A_557 = arith.maximumf %max3A_556, %add3A_553 : vector<16xf32>
        %min3A_558 = vector.broadcast %jit3A_555 : f32 to vector<16xf32>
        %min3A_559 = arith.minimumf %min3A_558, %max3A_557 : vector<16xf32>
        %convert_element_type3A_560 = arith.fptosi %min3A_559 : vector<16xf32> to vector<16xi32>
        %convert_element_type3A_561 = arith.sitofp %convert_element_type3A_560 : vector<16xi32> to vector<16xf32>
        %gt3A_562 = arith.cmpf ogt, %convert_element_type3A_561, %min3A_559 : vector<16xf32>
        %sub3A_563 = arith.constant 1 : i32
        %sub3A_564 = vector.broadcast %sub3A_563 : i32 to vector<16xi32>
        %sub3A_565 = arith.subi %convert_element_type3A_560, %sub3A_564 : vector<16xi32>
        %select_n3A_566 = arith.select %gt3A_562, %sub3A_565, %convert_element_type3A_560 : vector<16xi1>, vector<16xi32>
        %mul3A_567 = arith.constant 5 : i32
        %mul3A_568 = vector.broadcast %mul3A_567 : i32 to vector<16xi32>
        %mul3A_569 = arith.muli %select_n3A_550, %mul3A_568 : vector<16xi32>
        %add3A_570 = arith.addi %select_n3A_566, %mul3A_569 : vector<16xi32>
        %mul3A_571 = arith.constant 85 : i32
        %mul3A_572 = vector.broadcast %mul3A_571 : i32 to vector<16xi32>
        %mul3A_573 = arith.muli %select_n3A_534, %mul3A_572 : vector<16xi32>
        %add3A_574 = arith.addi %add3A_570, %mul3A_573 : vector<16xi32>
        %ge3A_575 = arith.constant 0 : i32
        %ge3A_576 = vector.broadcast %ge3A_575 : i32 to vector<16xi32>
        %ge3A_577 = arith.cmpi sge, %add3A_574, %ge3A_576 : vector<16xi32>
        %lt3A_578 = arith.constant 1445 : i32
        %lt3A_579 = vector.broadcast %lt3A_578 : i32 to vector<16xi32>
        %lt3A_580 = arith.cmpi slt, %add3A_574, %lt3A_579 : vector<16xi32>
        %and3A_581 = arith.andi %ge3A_577, %lt3A_580 : vector<16xi1>
        tpu.vector_store_idx %arg7[%add3A_574], %broadcast_in_dim3A_400 masked %and3A_581 {add = true} : memref<1456xf32, #tpu.memory_space<vmem>>[vector<16xi32>], vector<16xf32>, vector<16xi1>
        %mul3A_582 = arith.constant 4 : i32
        %mul3A_583 = arith.muli %scan3A_412, %mul3A_582 : i32
        %add3A_584 = arith.constant 128 : i32
        %add3A_585 = arith.addi %add3A_584, %mul3A_583 : i32
        %add3A_586 = arith.constant 2 : i32
        %add3A_587 = arith.addi %add3A_585, %add3A_586 : i32
        %mul3A_588 = arith.constant 48 : i32
        %mul3A_589 = arith.muli %add3A_587, %mul3A_588 : i32
        %add3A_590 = vector.broadcast %mul3A_589 : i32 to vector<16xi32>
        %add3A_591 = arith.addi %mul3A_404, %add3A_590 : vector<16xi32>
        %gather3A_592 = tpu.vector_load_idx %arg5[%add3A_591] : memref<12288xf32, #tpu.memory_space<vmem>>[vector<16xi32>], vector<16xf32>,
        %add3A_593 = arith.constant 1 : i32
        %add3A_594 = vector.broadcast %add3A_593 : i32 to vector<16xi32>
        %add3A_595 = arith.addi %add3A_591, %add3A_594 : vector<16xi32>
        %gather3A_596 = tpu.vector_load_idx %arg5[%add3A_595] : memref<12288xf32, #tpu.memory_space<vmem>>[vector<16xi32>], vector<16xf32>,
        %add3A_597 = arith.constant 2 : i32
        %add3A_598 = vector.broadcast %add3A_597 : i32 to vector<16xi32>
        %add3A_599 = arith.addi %add3A_591, %add3A_598 : vector<16xi32>
        %gather3A_600 = tpu.vector_load_idx %arg5[%add3A_599] : memref<12288xf32, #tpu.memory_space<vmem>>[vector<16xi32>], vector<16xf32>,
        %mul3A_601 = arith.mulf %gather3A_592, %get3A_396 : vector<16xf32>
        %mul3A_602 = arith.mulf %gather3A_596, %get3A_398 : vector<16xf32>
        %sub3A_603 = arith.subf %mul3A_601, %mul3A_602 : vector<16xf32>
        %mul3A_604 = arith.mulf %gather3A_592, %get3A_398 : vector<16xf32>
        %mul3A_605 = arith.mulf %gather3A_596, %get3A_396 : vector<16xf32>
        %add3A_606 = arith.addf %mul3A_604, %mul3A_605 : vector<16xf32>
        %add3A_607 = arith.constant 8.500000e+00 : f32
        %add3A_608 = vector.broadcast %add3A_607 : f32 to vector<16xf32>
        %add3A_609 = arith.addf %sub3A_603, %add3A_608 : vector<16xf32>
        %jit3A_610 = arith.constant -1.600000e+04 : f32
        %jit3A_611 = arith.constant 1.600000e+04 : f32
        %max3A_612 = vector.broadcast %jit3A_610 : f32 to vector<16xf32>
        %max3A_613 = arith.maximumf %max3A_612, %add3A_609 : vector<16xf32>
        %min3A_614 = vector.broadcast %jit3A_611 : f32 to vector<16xf32>
        %min3A_615 = arith.minimumf %min3A_614, %max3A_613 : vector<16xf32>
        %convert_element_type3A_616 = arith.fptosi %min3A_615 : vector<16xf32> to vector<16xi32>
        %convert_element_type3A_617 = arith.sitofp %convert_element_type3A_616 : vector<16xi32> to vector<16xf32>
        %gt3A_618 = arith.cmpf ogt, %convert_element_type3A_617, %min3A_615 : vector<16xf32>
        %sub3A_619 = arith.constant 1 : i32
        %sub3A_620 = vector.broadcast %sub3A_619 : i32 to vector<16xi32>
        %sub3A_621 = arith.subi %convert_element_type3A_616, %sub3A_620 : vector<16xi32>
        %select_n3A_622 = arith.select %gt3A_618, %sub3A_621, %convert_element_type3A_616 : vector<16xi1>, vector<16xi32>
        %add3A_623 = arith.constant 8.500000e+00 : f32
        %add3A_624 = vector.broadcast %add3A_623 : f32 to vector<16xf32>
        %add3A_625 = arith.addf %add3A_606, %add3A_624 : vector<16xf32>
        %jit3A_626 = arith.constant -1.600000e+04 : f32
        %jit3A_627 = arith.constant 1.600000e+04 : f32
        %max3A_628 = vector.broadcast %jit3A_626 : f32 to vector<16xf32>
        %max3A_629 = arith.maximumf %max3A_628, %add3A_625 : vector<16xf32>
        %min3A_630 = vector.broadcast %jit3A_627 : f32 to vector<16xf32>
        %min3A_631 = arith.minimumf %min3A_630, %max3A_629 : vector<16xf32>
        %convert_element_type3A_632 = arith.fptosi %min3A_631 : vector<16xf32> to vector<16xi32>
        %convert_element_type3A_633 = arith.sitofp %convert_element_type3A_632 : vector<16xi32> to vector<16xf32>
        %gt3A_634 = arith.cmpf ogt, %convert_element_type3A_633, %min3A_631 : vector<16xf32>
        %sub3A_635 = arith.constant 1 : i32
        %sub3A_636 = vector.broadcast %sub3A_635 : i32 to vector<16xi32>
        %sub3A_637 = arith.subi %convert_element_type3A_632, %sub3A_636 : vector<16xi32>
        %select_n3A_638 = arith.select %gt3A_634, %sub3A_637, %convert_element_type3A_632 : vector<16xi1>, vector<16xi32>
        %add3A_639 = arith.constant 2.500000e+00 : f32
        %add3A_640 = vector.broadcast %add3A_639 : f32 to vector<16xf32>
        %add3A_641 = arith.addf %gather3A_600, %add3A_640 : vector<16xf32>
        %jit3A_642 = arith.constant -1.600000e+04 : f32
        %jit3A_643 = arith.constant 1.600000e+04 : f32
        %max3A_644 = vector.broadcast %jit3A_642 : f32 to vector<16xf32>
        %max3A_645 = arith.maximumf %max3A_644, %add3A_641 : vector<16xf32>
        %min3A_646 = vector.broadcast %jit3A_643 : f32 to vector<16xf32>
        %min3A_647 = arith.minimumf %min3A_646, %max3A_645 : vector<16xf32>
        %convert_element_type3A_648 = arith.fptosi %min3A_647 : vector<16xf32> to vector<16xi32>
        %convert_element_type3A_649 = arith.sitofp %convert_element_type3A_648 : vector<16xi32> to vector<16xf32>
        %gt3A_650 = arith.cmpf ogt, %convert_element_type3A_649, %min3A_647 : vector<16xf32>
        %sub3A_651 = arith.constant 1 : i32
        %sub3A_652 = vector.broadcast %sub3A_651 : i32 to vector<16xi32>
        %sub3A_653 = arith.subi %convert_element_type3A_648, %sub3A_652 : vector<16xi32>
        %select_n3A_654 = arith.select %gt3A_650, %sub3A_653, %convert_element_type3A_648 : vector<16xi1>, vector<16xi32>
        %mul3A_655 = arith.constant 5 : i32
        %mul3A_656 = vector.broadcast %mul3A_655 : i32 to vector<16xi32>
        %mul3A_657 = arith.muli %select_n3A_638, %mul3A_656 : vector<16xi32>
        %add3A_658 = arith.addi %select_n3A_654, %mul3A_657 : vector<16xi32>
        %mul3A_659 = arith.constant 85 : i32
        %mul3A_660 = vector.broadcast %mul3A_659 : i32 to vector<16xi32>
        %mul3A_661 = arith.muli %select_n3A_622, %mul3A_660 : vector<16xi32>
        %add3A_662 = arith.addi %add3A_658, %mul3A_661 : vector<16xi32>
        %ge3A_663 = arith.constant 0 : i32
        %ge3A_664 = vector.broadcast %ge3A_663 : i32 to vector<16xi32>
        %ge3A_665 = arith.cmpi sge, %add3A_662, %ge3A_664 : vector<16xi32>
        %lt3A_666 = arith.constant 1445 : i32
        %lt3A_667 = vector.broadcast %lt3A_666 : i32 to vector<16xi32>
        %lt3A_668 = arith.cmpi slt, %add3A_662, %lt3A_667 : vector<16xi32>
        %and3A_669 = arith.andi %ge3A_665, %lt3A_668 : vector<16xi1>
        tpu.vector_store_idx %arg7[%add3A_662], %broadcast_in_dim3A_400 masked %and3A_669 {add = true} : memref<1456xf32, #tpu.memory_space<vmem>>[vector<16xi32>], vector<16xf32>, vector<16xi1>
        %mul3A_670 = arith.constant 4 : i32
        %mul3A_671 = arith.muli %scan3A_412, %mul3A_670 : i32
        %add3A_672 = arith.constant 128 : i32
        %add3A_673 = arith.addi %add3A_672, %mul3A_671 : i32
        %add3A_674 = arith.constant 3 : i32
        %add3A_675 = arith.addi %add3A_673, %add3A_674 : i32
        %mul3A_676 = arith.constant 48 : i32
        %mul3A_677 = arith.muli %add3A_675, %mul3A_676 : i32
        %add3A_678 = vector.broadcast %mul3A_677 : i32 to vector<16xi32>
        %add3A_679 = arith.addi %mul3A_404, %add3A_678 : vector<16xi32>
        %gather3A_680 = tpu.vector_load_idx %arg5[%add3A_679] : memref<12288xf32, #tpu.memory_space<vmem>>[vector<16xi32>], vector<16xf32>,
        %add3A_681 = arith.constant 1 : i32
        %add3A_682 = vector.broadcast %add3A_681 : i32 to vector<16xi32>
        %add3A_683 = arith.addi %add3A_679, %add3A_682 : vector<16xi32>
        %gather3A_684 = tpu.vector_load_idx %arg5[%add3A_683] : memref<12288xf32, #tpu.memory_space<vmem>>[vector<16xi32>], vector<16xf32>,
        %add3A_685 = arith.constant 2 : i32
        %add3A_686 = vector.broadcast %add3A_685 : i32 to vector<16xi32>
        %add3A_687 = arith.addi %add3A_679, %add3A_686 : vector<16xi32>
        %gather3A_688 = tpu.vector_load_idx %arg5[%add3A_687] : memref<12288xf32, #tpu.memory_space<vmem>>[vector<16xi32>], vector<16xf32>,
        %mul3A_689 = arith.mulf %gather3A_680, %get3A_396 : vector<16xf32>
        %mul3A_690 = arith.mulf %gather3A_684, %get3A_398 : vector<16xf32>
        %sub3A_691 = arith.subf %mul3A_689, %mul3A_690 : vector<16xf32>
        %mul3A_692 = arith.mulf %gather3A_680, %get3A_398 : vector<16xf32>
        %mul3A_693 = arith.mulf %gather3A_684, %get3A_396 : vector<16xf32>
        %add3A_694 = arith.addf %mul3A_692, %mul3A_693 : vector<16xf32>
        %add3A_695 = arith.constant 8.500000e+00 : f32
        %add3A_696 = vector.broadcast %add3A_695 : f32 to vector<16xf32>
        %add3A_697 = arith.addf %sub3A_691, %add3A_696 : vector<16xf32>
        %jit3A_698 = arith.constant -1.600000e+04 : f32
        %jit3A_699 = arith.constant 1.600000e+04 : f32
        %max3A_700 = vector.broadcast %jit3A_698 : f32 to vector<16xf32>
        %max3A_701 = arith.maximumf %max3A_700, %add3A_697 : vector<16xf32>
        %min3A_702 = vector.broadcast %jit3A_699 : f32 to vector<16xf32>
        %min3A_703 = arith.minimumf %min3A_702, %max3A_701 : vector<16xf32>
        %convert_element_type3A_704 = arith.fptosi %min3A_703 : vector<16xf32> to vector<16xi32>
        %convert_element_type3A_705 = arith.sitofp %convert_element_type3A_704 : vector<16xi32> to vector<16xf32>
        %gt3A_706 = arith.cmpf ogt, %convert_element_type3A_705, %min3A_703 : vector<16xf32>
        %sub3A_707 = arith.constant 1 : i32
        %sub3A_708 = vector.broadcast %sub3A_707 : i32 to vector<16xi32>
        %sub3A_709 = arith.subi %convert_element_type3A_704, %sub3A_708 : vector<16xi32>
        %select_n3A_710 = arith.select %gt3A_706, %sub3A_709, %convert_element_type3A_704 : vector<16xi1>, vector<16xi32>
        %add3A_711 = arith.constant 8.500000e+00 : f32
        %add3A_712 = vector.broadcast %add3A_711 : f32 to vector<16xf32>
        %add3A_713 = arith.addf %add3A_694, %add3A_712 : vector<16xf32>
        %jit3A_714 = arith.constant -1.600000e+04 : f32
        %jit3A_715 = arith.constant 1.600000e+04 : f32
        %max3A_716 = vector.broadcast %jit3A_714 : f32 to vector<16xf32>
        %max3A_717 = arith.maximumf %max3A_716, %add3A_713 : vector<16xf32>
        %min3A_718 = vector.broadcast %jit3A_715 : f32 to vector<16xf32>
        %min3A_719 = arith.minimumf %min3A_718, %max3A_717 : vector<16xf32>
        %convert_element_type3A_720 = arith.fptosi %min3A_719 : vector<16xf32> to vector<16xi32>
        %convert_element_type3A_721 = arith.sitofp %convert_element_type3A_720 : vector<16xi32> to vector<16xf32>
        %gt3A_722 = arith.cmpf ogt, %convert_element_type3A_721, %min3A_719 : vector<16xf32>
        %sub3A_723 = arith.constant 1 : i32
        %sub3A_724 = vector.broadcast %sub3A_723 : i32 to vector<16xi32>
        %sub3A_725 = arith.subi %convert_element_type3A_720, %sub3A_724 : vector<16xi32>
        %select_n3A_726 = arith.select %gt3A_722, %sub3A_725, %convert_element_type3A_720 : vector<16xi1>, vector<16xi32>
        %add3A_727 = arith.constant 2.500000e+00 : f32
        %add3A_728 = vector.broadcast %add3A_727 : f32 to vector<16xf32>
        %add3A_729 = arith.addf %gather3A_688, %add3A_728 : vector<16xf32>
        %jit3A_730 = arith.constant -1.600000e+04 : f32
        %jit3A_731 = arith.constant 1.600000e+04 : f32
        %max3A_732 = vector.broadcast %jit3A_730 : f32 to vector<16xf32>
        %max3A_733 = arith.maximumf %max3A_732, %add3A_729 : vector<16xf32>
        %min3A_734 = vector.broadcast %jit3A_731 : f32 to vector<16xf32>
        %min3A_735 = arith.minimumf %min3A_734, %max3A_733 : vector<16xf32>
        %convert_element_type3A_736 = arith.fptosi %min3A_735 : vector<16xf32> to vector<16xi32>
        %convert_element_type3A_737 = arith.sitofp %convert_element_type3A_736 : vector<16xi32> to vector<16xf32>
        %gt3A_738 = arith.cmpf ogt, %convert_element_type3A_737, %min3A_735 : vector<16xf32>
        %sub3A_739 = arith.constant 1 : i32
        %sub3A_740 = vector.broadcast %sub3A_739 : i32 to vector<16xi32>
        %sub3A_741 = arith.subi %convert_element_type3A_736, %sub3A_740 : vector<16xi32>
        %select_n3A_742 = arith.select %gt3A_738, %sub3A_741, %convert_element_type3A_736 : vector<16xi1>, vector<16xi32>
        %mul3A_743 = arith.constant 5 : i32
        %mul3A_744 = vector.broadcast %mul3A_743 : i32 to vector<16xi32>
        %mul3A_745 = arith.muli %select_n3A_726, %mul3A_744 : vector<16xi32>
        %add3A_746 = arith.addi %select_n3A_742, %mul3A_745 : vector<16xi32>
        %mul3A_747 = arith.constant 85 : i32
        %mul3A_748 = vector.broadcast %mul3A_747 : i32 to vector<16xi32>
        %mul3A_749 = arith.muli %select_n3A_710, %mul3A_748 : vector<16xi32>
        %add3A_750 = arith.addi %add3A_746, %mul3A_749 : vector<16xi32>
        %ge3A_751 = arith.constant 0 : i32
        %ge3A_752 = vector.broadcast %ge3A_751 : i32 to vector<16xi32>
        %ge3A_753 = arith.cmpi sge, %add3A_750, %ge3A_752 : vector<16xi32>
        %lt3A_754 = arith.constant 1445 : i32
        %lt3A_755 = vector.broadcast %lt3A_754 : i32 to vector<16xi32>
        %lt3A_756 = arith.cmpi slt, %add3A_750, %lt3A_755 : vector<16xi32>
        %and3A_757 = arith.andi %ge3A_753, %lt3A_756 : vector<16xi1>
        tpu.vector_store_idx %arg7[%add3A_750], %broadcast_in_dim3A_400 masked %and3A_757 {add = true} : memref<1456xf32, #tpu.memory_space<vmem>>[vector<16xi32>], vector<16xf32>, vector<16xi1>
      }
      %scan3A_410 = arith.constant 32 : i32
      %sub3A = arith.constant 8 : i32
      %sub3A_411 = arith.subi %arg1, %sub3A : i32
      "tpu.region"() ({
        %run_scoped3A = tpu.sem_alloc : memref<!tpu.dma_semaphore, #tpu.memory_space<semaphore_mem>>
        %dma_start3A = arith.constant 0 : i32
        %dma_start3A_412 = tpu.memref_slice %arg9[%sub3A_411, %dma_start3A] : memref<8x1456xf32, #tpu.memory_space<vmem_shared>> -> memref<1x1456xf32, #tpu.memory_space<vmem_shared>>
        %dma_start3A_413 = tpu.memref_squeeze %dma_start3A_412 : memref<1x1456xf32, #tpu.memory_space<vmem_shared>> -> memref<1456xf32, #tpu.memory_space<vmem_shared>>
        %dma_start3A_414 = arith.constant 0 : i32
        %dma_start3A_415 = tpu.memref_slice %arg9[%sub3A_411, %dma_start3A_414] : memref<8x1456xf32, #tpu.memory_space<vmem_shared>> -> memref<1x1456xf32, #tpu.memory_space<vmem_shared>>
        %dma_start3A_416 = tpu.memref_squeeze %dma_start3A_415 : memref<1x1456xf32, #tpu.memory_space<vmem_shared>> -> memref<1456xf32, #tpu.memory_space<vmem_shared>>
        tpu.enqueue_dma source(%arg7 : memref<1456xf32, #tpu.memory_space<vmem>>) target(%dma_start3A_416 : memref<1456xf32, #tpu.memory_space<vmem_shared>>) target_semaphore(%run_scoped3A : memref<!tpu.dma_semaphore, #tpu.memory_space<semaphore_mem>>)
        %dma_wait3A = arith.constant 0 : i32
        %dma_wait3A_417 = tpu.memref_slice %arg9[%sub3A_411, %dma_wait3A] : memref<8x1456xf32, #tpu.memory_space<vmem_shared>> -> memref<1x1456xf32, #tpu.memory_space<vmem_shared>>
        %dma_wait3A_418 = tpu.memref_squeeze %dma_wait3A_417 : memref<1x1456xf32, #tpu.memory_space<vmem_shared>> -> memref<1456xf32, #tpu.memory_space<vmem_shared>>
        %dma_wait3A_419 = arith.constant 0 : i32
        %dma_wait3A_420 = tpu.memref_slice %arg9[%sub3A_411, %dma_wait3A_419] : memref<8x1456xf32, #tpu.memory_space<vmem_shared>> -> memref<1x1456xf32, #tpu.memory_space<vmem_shared>>
        %dma_wait3A_421 = tpu.memref_squeeze %dma_wait3A_420 : memref<1x1456xf32, #tpu.memory_space<vmem_shared>> -> memref<1456xf32, #tpu.memory_space<vmem_shared>>
        tpu.wait_dma2 semaphore(%run_scoped3A : memref<!tpu.dma_semaphore, #tpu.memory_space<semaphore_mem>>) src(%arg7 : memref<1456xf32, #tpu.memory_space<vmem>>) dst(%dma_wait3A_421 : memref<1456xf32, #tpu.memory_space<vmem_shared>>)
        tpu.yield
      }) : () -> ()
    } else {
    }
    %barrier3A = arith.constant 0 : index
    tpu.barrier barrier_id(%barrier3A)
    %lt3A_388 = arith.constant 16 : i32
    %lt3A_389 = arith.cmpi slt, %add3A, %lt3A_388 : i32
    %convert_element_type3A_390 = arith.extui %lt3A_389 : i1 to i32
    %cond3A_391 = arith.constant 0 : i32
    %cond3A_392 = arith.cmpi ne, %convert_element_type3A_390, %cond3A_391 : i32
    scf.if %cond3A_392 {
      "tpu.region"() ({
        %run_scoped3A = tpu.sem_alloc : memref<!tpu.dma_semaphore, #tpu.memory_space<semaphore_mem>>
        %dma_start3A = arith.constant 0 : i32
        %dma_start3A_1032 = tpu.memref_slice %arg9[%arg1, %dma_start3A] : memref<8x1456xf32, #tpu.memory_space<vmem_shared>> -> memref<1x1456xf32, #tpu.memory_space<vmem_shared>>
        %dma_start3A_1033 = tpu.memref_squeeze %dma_start3A_1032 : memref<1x1456xf32, #tpu.memory_space<vmem_shared>> -> memref<1456xf32, #tpu.memory_space<vmem_shared>>
        %dma_start3A_1034 = arith.constant 0 : i32
        %dma_start3A_1035 = tpu.memref_slice %arg9[%arg1, %dma_start3A_1034] : memref<8x1456xf32, #tpu.memory_space<vmem_shared>> -> memref<1x1456xf32, #tpu.memory_space<vmem_shared>>
        %dma_start3A_1036 = tpu.memref_squeeze %dma_start3A_1035 : memref<1x1456xf32, #tpu.memory_space<vmem_shared>> -> memref<1456xf32, #tpu.memory_space<vmem_shared>>
        tpu.enqueue_dma source(%dma_start3A_1036 : memref<1456xf32, #tpu.memory_space<vmem_shared>>) target(%arg8 : memref<1456xf32, #tpu.memory_space<vmem>>) target_semaphore(%run_scoped3A : memref<!tpu.dma_semaphore, #tpu.memory_space<semaphore_mem>>)
        %dma_wait3A = arith.constant 0 : i32
        %dma_wait3A_1037 = tpu.memref_slice %arg9[%arg1, %dma_wait3A] : memref<8x1456xf32, #tpu.memory_space<vmem_shared>> -> memref<1x1456xf32, #tpu.memory_space<vmem_shared>>
        %dma_wait3A_1038 = tpu.memref_squeeze %dma_wait3A_1037 : memref<1x1456xf32, #tpu.memory_space<vmem_shared>> -> memref<1456xf32, #tpu.memory_space<vmem_shared>>
        %dma_wait3A_1039 = arith.constant 0 : i32
        %dma_wait3A_1040 = tpu.memref_slice %arg9[%arg1, %dma_wait3A_1039] : memref<8x1456xf32, #tpu.memory_space<vmem_shared>> -> memref<1x1456xf32, #tpu.memory_space<vmem_shared>>
        %dma_wait3A_1041 = tpu.memref_squeeze %dma_wait3A_1040 : memref<1x1456xf32, #tpu.memory_space<vmem_shared>> -> memref<1456xf32, #tpu.memory_space<vmem_shared>>
        tpu.wait_dma2 semaphore(%run_scoped3A : memref<!tpu.dma_semaphore, #tpu.memory_space<semaphore_mem>>) src(%dma_wait3A_1041 : memref<1456xf32, #tpu.memory_space<vmem_shared>>) dst(%arg8 : memref<1456xf32, #tpu.memory_space<vmem>>)
        tpu.yield
      }) : () -> ()
      %get3A_393 = arith.constant 0 : index
      %get3A_394 = tpu.vector_load %arg7[%get3A_393] {strides = array<i32>} : memref<1456xf32, #tpu.memory_space<vmem>>, vector<16xf32>,
      %get3A_395 = arith.constant 0 : index
      %get3A_396 = tpu.vector_load %arg8[%get3A_395] {strides = array<i32>} : memref<1456xf32, #tpu.memory_space<vmem>>, vector<16xf32>,
      %add3A_397 = arith.addf %get3A_394, %get3A_396 : vector<16xf32>
      %swap3A_398 = arith.constant 0 : index
      %swap3A_399 = tpu.vector_load %arg7[%swap3A_398] {strides = array<i32>} : memref<1456xf32, #tpu.memory_space<vmem>>, vector<16xf32>,
      tpu.vector_store %arg7[%swap3A_398], %add3A_397 {strides = array<i32>} : memref<1456xf32, #tpu.memory_space<vmem>>, vector<16xf32>,
      %get3A_400 = arith.constant 16 : index
      %get3A_401 = tpu.vector_load %arg7[%get3A_400] {strides = array<i32>} : memref<1456xf32, #tpu.memory_space<vmem>>, vector<16xf32>,
      %get3A_402 = arith.constant 16 : index
      %get3A_403 = tpu.vector_load %arg8[%get3A_402] {strides = array<i32>} : memref<1456xf32, #tpu.memory_space<vmem>>, vector<16xf32>,
      %add3A_404 = arith.addf %get3A_401, %get3A_403 : vector<16xf32>
      %swap3A_405 = arith.constant 16 : index
      %swap3A_406 = tpu.vector_load %arg7[%swap3A_405] {strides = array<i32>} : memref<1456xf32, #tpu.memory_space<vmem>>, vector<16xf32>,
      tpu.vector_store %arg7[%swap3A_405], %add3A_404 {strides = array<i32>} : memref<1456xf32, #tpu.memory_space<vmem>>, vector<16xf32>,
      %get3A_407 = arith.constant 32 : index
      %get3A_408 = tpu.vector_load %arg7[%get3A_407] {strides = array<i32>} : memref<1456xf32, #tpu.memory_space<vmem>>, vector<16xf32>,
      %get3A_409 = arith.constant 32 : index
      %get3A_410 = tpu.vector_load %arg8[%get3A_409] {strides = array<i32>} : memref<1456xf32, #tpu.memory_space<vmem>>, vector<16xf32>,
      %add3A_411 = arith.addf %get3A_408, %get3A_410 : vector<16xf32>
      %swap3A_412 = arith.constant 32 : index
      %swap3A_413 = tpu.vector_load %arg7[%swap3A_412] {strides = array<i32>} : memref<1456xf32, #tpu.memory_space<vmem>>, vector<16xf32>,
      tpu.vector_store %arg7[%swap3A_412], %add3A_411 {strides = array<i32>} : memref<1456xf32, #tpu.memory_space<vmem>>, vector<16xf32>,
      %get3A_414 = arith.constant 48 : index
      %get3A_415 = tpu.vector_load %arg7[%get3A_414] {strides = array<i32>} : memref<1456xf32, #tpu.memory_space<vmem>>, vector<16xf32>,
      %get3A_416 = arith.constant 48 : index
      %get3A_417 = tpu.vector_load %arg8[%get3A_416] {strides = array<i32>} : memref<1456xf32, #tpu.memory_space<vmem>>, vector<16xf32>,
      %add3A_418 = arith.addf %get3A_415, %get3A_417 : vector<16xf32>
      %swap3A_419 = arith.constant 48 : index
      %swap3A_420 = tpu.vector_load %arg7[%swap3A_419] {strides = array<i32>} : memref<1456xf32, #tpu.memory_space<vmem>>, vector<16xf32>,
      tpu.vector_store %arg7[%swap3A_419], %add3A_418 {strides = array<i32>} : memref<1456xf32, #tpu.memory_space<vmem>>, vector<16xf32>,
      %get3A_421 = arith.constant 64 : index
      %get3A_422 = tpu.vector_load %arg7[%get3A_421] {strides = array<i32>} : memref<1456xf32, #tpu.memory_space<vmem>>, vector<16xf32>,
      %get3A_423 = arith.constant 64 : index
      %get3A_424 = tpu.vector_load %arg8[%get3A_423] {strides = array<i32>} : memref<1456xf32, #tpu.memory_space<vmem>>, vector<16xf32>,
      %add3A_425 = arith.addf %get3A_422, %get3A_424 : vector<16xf32>
      %swap3A_426 = arith.constant 64 : index
      %swap3A_427 = tpu.vector_load %arg7[%swap3A_426] {strides = array<i32>} : memref<1456xf32, #tpu.memory_space<vmem>>, vector<16xf32>,
      tpu.vector_store %arg7[%swap3A_426], %add3A_425 {strides = array<i32>} : memref<1456xf32, #tpu.memory_space<vmem>>, vector<16xf32>,
      %get3A_428 = arith.constant 80 : index
      %get3A_429 = tpu.vector_load %arg7[%get3A_428] {strides = array<i32>} : memref<1456xf32, #tpu.memory_space<vmem>>, vector<16xf32>,
      %get3A_430 = arith.constant 80 : index
      %get3A_431 = tpu.vector_load %arg8[%get3A_430] {strides = array<i32>} : memref<1456xf32, #tpu.memory_space<vmem>>, vector<16xf32>,
      %add3A_432 = arith.addf %get3A_429, %get3A_431 : vector<16xf32>
      %swap3A_433 = arith.constant 80 : index
      %swap3A_434 = tpu.vector_load %arg7[%swap3A_433] {strides = array<i32>} : memref<1456xf32, #tpu.memory_space<vmem>>, vector<16xf32>,
      tpu.vector_store %arg7[%swap3A_433], %add3A_432 {strides = array<i32>} : memref<1456xf32, #tpu.memory_space<vmem>>, vector<16xf32>,
      %get3A_435 = arith.constant 96 : index
      %get3A_436 = tpu.vector_load %arg7[%get3A_435] {strides = array<i32>} : memref<1456xf32, #tpu.memory_space<vmem>>, vector<16xf32>,
      %get3A_437 = arith.constant 96 : index
      %get3A_438 = tpu.vector_load %arg8[%get3A_437] {strides = array<i32>} : memref<1456xf32, #tpu.memory_space<vmem>>, vector<16xf32>,
      %add3A_439 = arith.addf %get3A_436, %get3A_438 : vector<16xf32>
      %swap3A_440 = arith.constant 96 : index
      %swap3A_441 = tpu.vector_load %arg7[%swap3A_440] {strides = array<i32>} : memref<1456xf32, #tpu.memory_space<vmem>>, vector<16xf32>,
      tpu.vector_store %arg7[%swap3A_440], %add3A_439 {strides = array<i32>} : memref<1456xf32, #tpu.memory_space<vmem>>, vector<16xf32>,
      %get3A_442 = arith.constant 112 : index
      %get3A_443 = tpu.vector_load %arg7[%get3A_442] {strides = array<i32>} : memref<1456xf32, #tpu.memory_space<vmem>>, vector<16xf32>,
      %get3A_444 = arith.constant 112 : index
      %get3A_445 = tpu.vector_load %arg8[%get3A_444] {strides = array<i32>} : memref<1456xf32, #tpu.memory_space<vmem>>, vector<16xf32>,
      %add3A_446 = arith.addf %get3A_443, %get3A_445 : vector<16xf32>
      %swap3A_447 = arith.constant 112 : index
      %swap3A_448 = tpu.vector_load %arg7[%swap3A_447] {strides = array<i32>} : memref<1456xf32, #tpu.memory_space<vmem>>, vector<16xf32>,
      tpu.vector_store %arg7[%swap3A_447], %add3A_446 {strides = array<i32>} : memref<1456xf32, #tpu.memory_space<vmem>>, vector<16xf32>,
      %get3A_449 = arith.constant 128 : index
      %get3A_450 = tpu.vector_load %arg7[%get3A_449] {strides = array<i32>} : memref<1456xf32, #tpu.memory_space<vmem>>, vector<16xf32>,
      %get3A_451 = arith.constant 128 : index
      %get3A_452 = tpu.vector_load %arg8[%get3A_451] {strides = array<i32>} : memref<1456xf32, #tpu.memory_space<vmem>>, vector<16xf32>,
      %add3A_453 = arith.addf %get3A_450, %get3A_452 : vector<16xf32>
      %swap3A_454 = arith.constant 128 : index
      %swap3A_455 = tpu.vector_load %arg7[%swap3A_454] {strides = array<i32>} : memref<1456xf32, #tpu.memory_space<vmem>>, vector<16xf32>,
      tpu.vector_store %arg7[%swap3A_454], %add3A_453 {strides = array<i32>} : memref<1456xf32, #tpu.memory_space<vmem>>, vector<16xf32>,
      %get3A_456 = arith.constant 144 : index
      %get3A_457 = tpu.vector_load %arg7[%get3A_456] {strides = array<i32>} : memref<1456xf32, #tpu.memory_space<vmem>>, vector<16xf32>,
      %get3A_458 = arith.constant 144 : index
      %get3A_459 = tpu.vector_load %arg8[%get3A_458] {strides = array<i32>} : memref<1456xf32, #tpu.memory_space<vmem>>, vector<16xf32>,
      %add3A_460 = arith.addf %get3A_457, %get3A_459 : vector<16xf32>
      %swap3A_461 = arith.constant 144 : index
      %swap3A_462 = tpu.vector_load %arg7[%swap3A_461] {strides = array<i32>} : memref<1456xf32, #tpu.memory_space<vmem>>, vector<16xf32>,
      tpu.vector_store %arg7[%swap3A_461], %add3A_460 {strides = array<i32>} : memref<1456xf32, #tpu.memory_space<vmem>>, vector<16xf32>,
      %get3A_463 = arith.constant 160 : index
      %get3A_464 = tpu.vector_load %arg7[%get3A_463] {strides = array<i32>} : memref<1456xf32, #tpu.memory_space<vmem>>, vector<16xf32>,
      %get3A_465 = arith.constant 160 : index
      %get3A_466 = tpu.vector_load %arg8[%get3A_465] {strides = array<i32>} : memref<1456xf32, #tpu.memory_space<vmem>>, vector<16xf32>,
      %add3A_467 = arith.addf %get3A_464, %get3A_466 : vector<16xf32>
      %swap3A_468 = arith.constant 160 : index
      %swap3A_469 = tpu.vector_load %arg7[%swap3A_468] {strides = array<i32>} : memref<1456xf32, #tpu.memory_space<vmem>>, vector<16xf32>,
      tpu.vector_store %arg7[%swap3A_468], %add3A_467 {strides = array<i32>} : memref<1456xf32, #tpu.memory_space<vmem>>, vector<16xf32>,
      %get3A_470 = arith.constant 176 : index
      %get3A_471 = tpu.vector_load %arg7[%get3A_470] {strides = array<i32>} : memref<1456xf32, #tpu.memory_space<vmem>>, vector<16xf32>,
      %get3A_472 = arith.constant 176 : index
      %get3A_473 = tpu.vector_load %arg8[%get3A_472] {strides = array<i32>} : memref<1456xf32, #tpu.memory_space<vmem>>, vector<16xf32>,
      %add3A_474 = arith.addf %get3A_471, %get3A_473 : vector<16xf32>
      %swap3A_475 = arith.constant 176 : index
      %swap3A_476 = tpu.vector_load %arg7[%swap3A_475] {strides = array<i32>} : memref<1456xf32, #tpu.memory_space<vmem>>, vector<16xf32>,
      tpu.vector_store %arg7[%swap3A_475], %add3A_474 {strides = array<i32>} : memref<1456xf32, #tpu.memory_space<vmem>>, vector<16xf32>,
      %get3A_477 = arith.constant 192 : index
      %get3A_478 = tpu.vector_load %arg7[%get3A_477] {strides = array<i32>} : memref<1456xf32, #tpu.memory_space<vmem>>, vector<16xf32>,
      %get3A_479 = arith.constant 192 : index
      %get3A_480 = tpu.vector_load %arg8[%get3A_479] {strides = array<i32>} : memref<1456xf32, #tpu.memory_space<vmem>>, vector<16xf32>,
      %add3A_481 = arith.addf %get3A_478, %get3A_480 : vector<16xf32>
      %swap3A_482 = arith.constant 192 : index
      %swap3A_483 = tpu.vector_load %arg7[%swap3A_482] {strides = array<i32>} : memref<1456xf32, #tpu.memory_space<vmem>>, vector<16xf32>,
      tpu.vector_store %arg7[%swap3A_482], %add3A_481 {strides = array<i32>} : memref<1456xf32, #tpu.memory_space<vmem>>, vector<16xf32>,
      %get3A_484 = arith.constant 208 : index
      %get3A_485 = tpu.vector_load %arg7[%get3A_484] {strides = array<i32>} : memref<1456xf32, #tpu.memory_space<vmem>>, vector<16xf32>,
      %get3A_486 = arith.constant 208 : index
      %get3A_487 = tpu.vector_load %arg8[%get3A_486] {strides = array<i32>} : memref<1456xf32, #tpu.memory_space<vmem>>, vector<16xf32>,
      %add3A_488 = arith.addf %get3A_485, %get3A_487 : vector<16xf32>
      %swap3A_489 = arith.constant 208 : index
      %swap3A_490 = tpu.vector_load %arg7[%swap3A_489] {strides = array<i32>} : memref<1456xf32, #tpu.memory_space<vmem>>, vector<16xf32>,
      tpu.vector_store %arg7[%swap3A_489], %add3A_488 {strides = array<i32>} : memref<1456xf32, #tpu.memory_space<vmem>>, vector<16xf32>,
      %get3A_491 = arith.constant 224 : index
      %get3A_492 = tpu.vector_load %arg7[%get3A_491] {strides = array<i32>} : memref<1456xf32, #tpu.memory_space<vmem>>, vector<16xf32>,
      %get3A_493 = arith.constant 224 : index
      %get3A_494 = tpu.vector_load %arg8[%get3A_493] {strides = array<i32>} : memref<1456xf32, #tpu.memory_space<vmem>>, vector<16xf32>,
      %add3A_495 = arith.addf %get3A_492, %get3A_494 : vector<16xf32>
      %swap3A_496 = arith.constant 224 : index
      %swap3A_497 = tpu.vector_load %arg7[%swap3A_496] {strides = array<i32>} : memref<1456xf32, #tpu.memory_space<vmem>>, vector<16xf32>,
      tpu.vector_store %arg7[%swap3A_496], %add3A_495 {strides = array<i32>} : memref<1456xf32, #tpu.memory_space<vmem>>, vector<16xf32>,
      %get3A_498 = arith.constant 240 : index
      %get3A_499 = tpu.vector_load %arg7[%get3A_498] {strides = array<i32>} : memref<1456xf32, #tpu.memory_space<vmem>>, vector<16xf32>,
      %get3A_500 = arith.constant 240 : index
      %get3A_501 = tpu.vector_load %arg8[%get3A_500] {strides = array<i32>} : memref<1456xf32, #tpu.memory_space<vmem>>, vector<16xf32>,
      %add3A_502 = arith.addf %get3A_499, %get3A_501 : vector<16xf32>
      %swap3A_503 = arith.constant 240 : index
      %swap3A_504 = tpu.vector_load %arg7[%swap3A_503] {strides = array<i32>} : memref<1456xf32, #tpu.memory_space<vmem>>, vector<16xf32>,
      tpu.vector_store %arg7[%swap3A_503], %add3A_502 {strides = array<i32>} : memref<1456xf32, #tpu.memory_space<vmem>>, vector<16xf32>,
      %get3A_505 = arith.constant 256 : index
      %get3A_506 = tpu.vector_load %arg7[%get3A_505] {strides = array<i32>} : memref<1456xf32, #tpu.memory_space<vmem>>, vector<16xf32>,
      %get3A_507 = arith.constant 256 : index
      %get3A_508 = tpu.vector_load %arg8[%get3A_507] {strides = array<i32>} : memref<1456xf32, #tpu.memory_space<vmem>>, vector<16xf32>,
      %add3A_509 = arith.addf %get3A_506, %get3A_508 : vector<16xf32>
      %swap3A_510 = arith.constant 256 : index
      %swap3A_511 = tpu.vector_load %arg7[%swap3A_510] {strides = array<i32>} : memref<1456xf32, #tpu.memory_space<vmem>>, vector<16xf32>,
      tpu.vector_store %arg7[%swap3A_510], %add3A_509 {strides = array<i32>} : memref<1456xf32, #tpu.memory_space<vmem>>, vector<16xf32>,
      %get3A_512 = arith.constant 272 : index
      %get3A_513 = tpu.vector_load %arg7[%get3A_512] {strides = array<i32>} : memref<1456xf32, #tpu.memory_space<vmem>>, vector<16xf32>,
      %get3A_514 = arith.constant 272 : index
      %get3A_515 = tpu.vector_load %arg8[%get3A_514] {strides = array<i32>} : memref<1456xf32, #tpu.memory_space<vmem>>, vector<16xf32>,
      %add3A_516 = arith.addf %get3A_513, %get3A_515 : vector<16xf32>
      %swap3A_517 = arith.constant 272 : index
      %swap3A_518 = tpu.vector_load %arg7[%swap3A_517] {strides = array<i32>} : memref<1456xf32, #tpu.memory_space<vmem>>, vector<16xf32>,
      tpu.vector_store %arg7[%swap3A_517], %add3A_516 {strides = array<i32>} : memref<1456xf32, #tpu.memory_space<vmem>>, vector<16xf32>,
      %get3A_519 = arith.constant 288 : index
      %get3A_520 = tpu.vector_load %arg7[%get3A_519] {strides = array<i32>} : memref<1456xf32, #tpu.memory_space<vmem>>, vector<16xf32>,
      %get3A_521 = arith.constant 288 : index
      %get3A_522 = tpu.vector_load %arg8[%get3A_521] {strides = array<i32>} : memref<1456xf32, #tpu.memory_space<vmem>>, vector<16xf32>,
      %add3A_523 = arith.addf %get3A_520, %get3A_522 : vector<16xf32>
      %swap3A_524 = arith.constant 288 : index
      %swap3A_525 = tpu.vector_load %arg7[%swap3A_524] {strides = array<i32>} : memref<1456xf32, #tpu.memory_space<vmem>>, vector<16xf32>,
      tpu.vector_store %arg7[%swap3A_524], %add3A_523 {strides = array<i32>} : memref<1456xf32, #tpu.memory_space<vmem>>, vector<16xf32>,
      %get3A_526 = arith.constant 304 : index
      %get3A_527 = tpu.vector_load %arg7[%get3A_526] {strides = array<i32>} : memref<1456xf32, #tpu.memory_space<vmem>>, vector<16xf32>,
      %get3A_528 = arith.constant 304 : index
      %get3A_529 = tpu.vector_load %arg8[%get3A_528] {strides = array<i32>} : memref<1456xf32, #tpu.memory_space<vmem>>, vector<16xf32>,
      %add3A_530 = arith.addf %get3A_527, %get3A_529 : vector<16xf32>
      %swap3A_531 = arith.constant 304 : index
      %swap3A_532 = tpu.vector_load %arg7[%swap3A_531] {strides = array<i32>} : memref<1456xf32, #tpu.memory_space<vmem>>, vector<16xf32>,
      tpu.vector_store %arg7[%swap3A_531], %add3A_530 {strides = array<i32>} : memref<1456xf32, #tpu.memory_space<vmem>>, vector<16xf32>,
      %get3A_533 = arith.constant 320 : index
      %get3A_534 = tpu.vector_load %arg7[%get3A_533] {strides = array<i32>} : memref<1456xf32, #tpu.memory_space<vmem>>, vector<16xf32>,
      %get3A_535 = arith.constant 320 : index
      %get3A_536 = tpu.vector_load %arg8[%get3A_535] {strides = array<i32>} : memref<1456xf32, #tpu.memory_space<vmem>>, vector<16xf32>,
      %add3A_537 = arith.addf %get3A_534, %get3A_536 : vector<16xf32>
      %swap3A_538 = arith.constant 320 : index
      %swap3A_539 = tpu.vector_load %arg7[%swap3A_538] {strides = array<i32>} : memref<1456xf32, #tpu.memory_space<vmem>>, vector<16xf32>,
      tpu.vector_store %arg7[%swap3A_538], %add3A_537 {strides = array<i32>} : memref<1456xf32, #tpu.memory_space<vmem>>, vector<16xf32>,
      %get3A_540 = arith.constant 336 : index
      %get3A_541 = tpu.vector_load %arg7[%get3A_540] {strides = array<i32>} : memref<1456xf32, #tpu.memory_space<vmem>>, vector<16xf32>,
      %get3A_542 = arith.constant 336 : index
      %get3A_543 = tpu.vector_load %arg8[%get3A_542] {strides = array<i32>} : memref<1456xf32, #tpu.memory_space<vmem>>, vector<16xf32>,
      %add3A_544 = arith.addf %get3A_541, %get3A_543 : vector<16xf32>
      %swap3A_545 = arith.constant 336 : index
      %swap3A_546 = tpu.vector_load %arg7[%swap3A_545] {strides = array<i32>} : memref<1456xf32, #tpu.memory_space<vmem>>, vector<16xf32>,
      tpu.vector_store %arg7[%swap3A_545], %add3A_544 {strides = array<i32>} : memref<1456xf32, #tpu.memory_space<vmem>>, vector<16xf32>,
      %get3A_547 = arith.constant 352 : index
      %get3A_548 = tpu.vector_load %arg7[%get3A_547] {strides = array<i32>} : memref<1456xf32, #tpu.memory_space<vmem>>, vector<16xf32>,
      %get3A_549 = arith.constant 352 : index
      %get3A_550 = tpu.vector_load %arg8[%get3A_549] {strides = array<i32>} : memref<1456xf32, #tpu.memory_space<vmem>>, vector<16xf32>,
      %add3A_551 = arith.addf %get3A_548, %get3A_550 : vector<16xf32>
      %swap3A_552 = arith.constant 352 : index
      %swap3A_553 = tpu.vector_load %arg7[%swap3A_552] {strides = array<i32>} : memref<1456xf32, #tpu.memory_space<vmem>>, vector<16xf32>,
      tpu.vector_store %arg7[%swap3A_552], %add3A_551 {strides = array<i32>} : memref<1456xf32, #tpu.memory_space<vmem>>, vector<16xf32>,
      %get3A_554 = arith.constant 368 : index
      %get3A_555 = tpu.vector_load %arg7[%get3A_554] {strides = array<i32>} : memref<1456xf32, #tpu.memory_space<vmem>>, vector<16xf32>,
      %get3A_556 = arith.constant 368 : index
      %get3A_557 = tpu.vector_load %arg8[%get3A_556] {strides = array<i32>} : memref<1456xf32, #tpu.memory_space<vmem>>, vector<16xf32>,
      %add3A_558 = arith.addf %get3A_555, %get3A_557 : vector<16xf32>
      %swap3A_559 = arith.constant 368 : index
      %swap3A_560 = tpu.vector_load %arg7[%swap3A_559] {strides = array<i32>} : memref<1456xf32, #tpu.memory_space<vmem>>, vector<16xf32>,
      tpu.vector_store %arg7[%swap3A_559], %add3A_558 {strides = array<i32>} : memref<1456xf32, #tpu.memory_space<vmem>>, vector<16xf32>,
      %get3A_561 = arith.constant 384 : index
      %get3A_562 = tpu.vector_load %arg7[%get3A_561] {strides = array<i32>} : memref<1456xf32, #tpu.memory_space<vmem>>, vector<16xf32>,
      %get3A_563 = arith.constant 384 : index
      %get3A_564 = tpu.vector_load %arg8[%get3A_563] {strides = array<i32>} : memref<1456xf32, #tpu.memory_space<vmem>>, vector<16xf32>,
      %add3A_565 = arith.addf %get3A_562, %get3A_564 : vector<16xf32>
      %swap3A_566 = arith.constant 384 : index
      %swap3A_567 = tpu.vector_load %arg7[%swap3A_566] {strides = array<i32>} : memref<1456xf32, #tpu.memory_space<vmem>>, vector<16xf32>,
      tpu.vector_store %arg7[%swap3A_566], %add3A_565 {strides = array<i32>} : memref<1456xf32, #tpu.memory_space<vmem>>, vector<16xf32>,
      %get3A_568 = arith.constant 400 : index
      %get3A_569 = tpu.vector_load %arg7[%get3A_568] {strides = array<i32>} : memref<1456xf32, #tpu.memory_space<vmem>>, vector<16xf32>,
      %get3A_570 = arith.constant 400 : index
      %get3A_571 = tpu.vector_load %arg8[%get3A_570] {strides = array<i32>} : memref<1456xf32, #tpu.memory_space<vmem>>, vector<16xf32>,
      %add3A_572 = arith.addf %get3A_569, %get3A_571 : vector<16xf32>
      %swap3A_573 = arith.constant 400 : index
      %swap3A_574 = tpu.vector_load %arg7[%swap3A_573] {strides = array<i32>} : memref<1456xf32, #tpu.memory_space<vmem>>, vector<16xf32>,
      tpu.vector_store %arg7[%swap3A_573], %add3A_572 {strides = array<i32>} : memref<1456xf32, #tpu.memory_space<vmem>>, vector<16xf32>,
      %get3A_575 = arith.constant 416 : index
      %get3A_576 = tpu.vector_load %arg7[%get3A_575] {strides = array<i32>} : memref<1456xf32, #tpu.memory_space<vmem>>, vector<16xf32>,
      %get3A_577 = arith.constant 416 : index
      %get3A_578 = tpu.vector_load %arg8[%get3A_577] {strides = array<i32>} : memref<1456xf32, #tpu.memory_space<vmem>>, vector<16xf32>,
      %add3A_579 = arith.addf %get3A_576, %get3A_578 : vector<16xf32>
      %swap3A_580 = arith.constant 416 : index
      %swap3A_581 = tpu.vector_load %arg7[%swap3A_580] {strides = array<i32>} : memref<1456xf32, #tpu.memory_space<vmem>>, vector<16xf32>,
      tpu.vector_store %arg7[%swap3A_580], %add3A_579 {strides = array<i32>} : memref<1456xf32, #tpu.memory_space<vmem>>, vector<16xf32>,
      %get3A_582 = arith.constant 432 : index
      %get3A_583 = tpu.vector_load %arg7[%get3A_582] {strides = array<i32>} : memref<1456xf32, #tpu.memory_space<vmem>>, vector<16xf32>,
      %get3A_584 = arith.constant 432 : index
      %get3A_585 = tpu.vector_load %arg8[%get3A_584] {strides = array<i32>} : memref<1456xf32, #tpu.memory_space<vmem>>, vector<16xf32>,
      %add3A_586 = arith.addf %get3A_583, %get3A_585 : vector<16xf32>
      %swap3A_587 = arith.constant 432 : index
      %swap3A_588 = tpu.vector_load %arg7[%swap3A_587] {strides = array<i32>} : memref<1456xf32, #tpu.memory_space<vmem>>, vector<16xf32>,
      tpu.vector_store %arg7[%swap3A_587], %add3A_586 {strides = array<i32>} : memref<1456xf32, #tpu.memory_space<vmem>>, vector<16xf32>,
      %get3A_589 = arith.constant 448 : index
      %get3A_590 = tpu.vector_load %arg7[%get3A_589] {strides = array<i32>} : memref<1456xf32, #tpu.memory_space<vmem>>, vector<16xf32>,
      %get3A_591 = arith.constant 448 : index
      %get3A_592 = tpu.vector_load %arg8[%get3A_591] {strides = array<i32>} : memref<1456xf32, #tpu.memory_space<vmem>>, vector<16xf32>,
      %add3A_593 = arith.addf %get3A_590, %get3A_592 : vector<16xf32>
      %swap3A_594 = arith.constant 448 : index
      %swap3A_595 = tpu.vector_load %arg7[%swap3A_594] {strides = array<i32>} : memref<1456xf32, #tpu.memory_space<vmem>>, vector<16xf32>,
      tpu.vector_store %arg7[%swap3A_594], %add3A_593 {strides = array<i32>} : memref<1456xf32, #tpu.memory_space<vmem>>, vector<16xf32>,
      %get3A_596 = arith.constant 464 : index
      %get3A_597 = tpu.vector_load %arg7[%get3A_596] {strides = array<i32>} : memref<1456xf32, #tpu.memory_space<vmem>>, vector<16xf32>,
      %get3A_598 = arith.constant 464 : index
      %get3A_599 = tpu.vector_load %arg8[%get3A_598] {strides = array<i32>} : memref<1456xf32, #tpu.memory_space<vmem>>, vector<16xf32>,
      %add3A_600 = arith.addf %get3A_597, %get3A_599 : vector<16xf32>
      %swap3A_601 = arith.constant 464 : index
      %swap3A_602 = tpu.vector_load %arg7[%swap3A_601] {strides = array<i32>} : memref<1456xf32, #tpu.memory_space<vmem>>, vector<16xf32>,
      tpu.vector_store %arg7[%swap3A_601], %add3A_600 {strides = array<i32>} : memref<1456xf32, #tpu.memory_space<vmem>>, vector<16xf32>,
      %get3A_603 = arith.constant 480 : index
      %get3A_604 = tpu.vector_load %arg7[%get3A_603] {strides = array<i32>} : memref<1456xf32, #tpu.memory_space<vmem>>, vector<16xf32>,
      %get3A_605 = arith.constant 480 : index
      %get3A_606 = tpu.vector_load %arg8[%get3A_605] {strides = array<i32>} : memref<1456xf32, #tpu.memory_space<vmem>>, vector<16xf32>,
      %add3A_607 = arith.addf %get3A_604, %get3A_606 : vector<16xf32>
      %swap3A_608 = arith.constant 480 : index
      %swap3A_609 = tpu.vector_load %arg7[%swap3A_608] {strides = array<i32>} : memref<1456xf32, #tpu.memory_space<vmem>>, vector<16xf32>,
      tpu.vector_store %arg7[%swap3A_608], %add3A_607 {strides = array<i32>} : memref<1456xf32, #tpu.memory_space<vmem>>, vector<16xf32>,
      %get3A_610 = arith.constant 496 : index
      %get3A_611 = tpu.vector_load %arg7[%get3A_610] {strides = array<i32>} : memref<1456xf32, #tpu.memory_space<vmem>>, vector<16xf32>,
      %get3A_612 = arith.constant 496 : index
      %get3A_613 = tpu.vector_load %arg8[%get3A_612] {strides = array<i32>} : memref<1456xf32, #tpu.memory_space<vmem>>, vector<16xf32>,
      %add3A_614 = arith.addf %get3A_611, %get3A_613 : vector<16xf32>
      %swap3A_615 = arith.constant 496 : index
      %swap3A_616 = tpu.vector_load %arg7[%swap3A_615] {strides = array<i32>} : memref<1456xf32, #tpu.memory_space<vmem>>, vector<16xf32>,
      tpu.vector_store %arg7[%swap3A_615], %add3A_614 {strides = array<i32>} : memref<1456xf32, #tpu.memory_space<vmem>>, vector<16xf32>,
      %get3A_617 = arith.constant 512 : index
      %get3A_618 = tpu.vector_load %arg7[%get3A_617] {strides = array<i32>} : memref<1456xf32, #tpu.memory_space<vmem>>, vector<16xf32>,
      %get3A_619 = arith.constant 512 : index
      %get3A_620 = tpu.vector_load %arg8[%get3A_619] {strides = array<i32>} : memref<1456xf32, #tpu.memory_space<vmem>>, vector<16xf32>,
      %add3A_621 = arith.addf %get3A_618, %get3A_620 : vector<16xf32>
      %swap3A_622 = arith.constant 512 : index
      %swap3A_623 = tpu.vector_load %arg7[%swap3A_622] {strides = array<i32>} : memref<1456xf32, #tpu.memory_space<vmem>>, vector<16xf32>,
      tpu.vector_store %arg7[%swap3A_622], %add3A_621 {strides = array<i32>} : memref<1456xf32, #tpu.memory_space<vmem>>, vector<16xf32>,
      %get3A_624 = arith.constant 528 : index
      %get3A_625 = tpu.vector_load %arg7[%get3A_624] {strides = array<i32>} : memref<1456xf32, #tpu.memory_space<vmem>>, vector<16xf32>,
      %get3A_626 = arith.constant 528 : index
      %get3A_627 = tpu.vector_load %arg8[%get3A_626] {strides = array<i32>} : memref<1456xf32, #tpu.memory_space<vmem>>, vector<16xf32>,
      %add3A_628 = arith.addf %get3A_625, %get3A_627 : vector<16xf32>
      %swap3A_629 = arith.constant 528 : index
      %swap3A_630 = tpu.vector_load %arg7[%swap3A_629] {strides = array<i32>} : memref<1456xf32, #tpu.memory_space<vmem>>, vector<16xf32>,
      tpu.vector_store %arg7[%swap3A_629], %add3A_628 {strides = array<i32>} : memref<1456xf32, #tpu.memory_space<vmem>>, vector<16xf32>,
      %get3A_631 = arith.constant 544 : index
      %get3A_632 = tpu.vector_load %arg7[%get3A_631] {strides = array<i32>} : memref<1456xf32, #tpu.memory_space<vmem>>, vector<16xf32>,
      %get3A_633 = arith.constant 544 : index
      %get3A_634 = tpu.vector_load %arg8[%get3A_633] {strides = array<i32>} : memref<1456xf32, #tpu.memory_space<vmem>>, vector<16xf32>,
      %add3A_635 = arith.addf %get3A_632, %get3A_634 : vector<16xf32>
      %swap3A_636 = arith.constant 544 : index
      %swap3A_637 = tpu.vector_load %arg7[%swap3A_636] {strides = array<i32>} : memref<1456xf32, #tpu.memory_space<vmem>>, vector<16xf32>,
      tpu.vector_store %arg7[%swap3A_636], %add3A_635 {strides = array<i32>} : memref<1456xf32, #tpu.memory_space<vmem>>, vector<16xf32>,
      %get3A_638 = arith.constant 560 : index
      %get3A_639 = tpu.vector_load %arg7[%get3A_638] {strides = array<i32>} : memref<1456xf32, #tpu.memory_space<vmem>>, vector<16xf32>,
      %get3A_640 = arith.constant 560 : index
      %get3A_641 = tpu.vector_load %arg8[%get3A_640] {strides = array<i32>} : memref<1456xf32, #tpu.memory_space<vmem>>, vector<16xf32>,
      %add3A_642 = arith.addf %get3A_639, %get3A_641 : vector<16xf32>
      %swap3A_643 = arith.constant 560 : index
      %swap3A_644 = tpu.vector_load %arg7[%swap3A_643] {strides = array<i32>} : memref<1456xf32, #tpu.memory_space<vmem>>, vector<16xf32>,
      tpu.vector_store %arg7[%swap3A_643], %add3A_642 {strides = array<i32>} : memref<1456xf32, #tpu.memory_space<vmem>>, vector<16xf32>,
      %get3A_645 = arith.constant 576 : index
      %get3A_646 = tpu.vector_load %arg7[%get3A_645] {strides = array<i32>} : memref<1456xf32, #tpu.memory_space<vmem>>, vector<16xf32>,
      %get3A_647 = arith.constant 576 : index
      %get3A_648 = tpu.vector_load %arg8[%get3A_647] {strides = array<i32>} : memref<1456xf32, #tpu.memory_space<vmem>>, vector<16xf32>,
      %add3A_649 = arith.addf %get3A_646, %get3A_648 : vector<16xf32>
      %swap3A_650 = arith.constant 576 : index
      %swap3A_651 = tpu.vector_load %arg7[%swap3A_650] {strides = array<i32>} : memref<1456xf32, #tpu.memory_space<vmem>>, vector<16xf32>,
      tpu.vector_store %arg7[%swap3A_650], %add3A_649 {strides = array<i32>} : memref<1456xf32, #tpu.memory_space<vmem>>, vector<16xf32>,
      %get3A_652 = arith.constant 592 : index
      %get3A_653 = tpu.vector_load %arg7[%get3A_652] {strides = array<i32>} : memref<1456xf32, #tpu.memory_space<vmem>>, vector<16xf32>,
      %get3A_654 = arith.constant 592 : index
      %get3A_655 = tpu.vector_load %arg8[%get3A_654] {strides = array<i32>} : memref<1456xf32, #tpu.memory_space<vmem>>, vector<16xf32>,
      %add3A_656 = arith.addf %get3A_653, %get3A_655 : vector<16xf32>
      %swap3A_657 = arith.constant 592 : index
      %swap3A_658 = tpu.vector_load %arg7[%swap3A_657] {strides = array<i32>} : memref<1456xf32, #tpu.memory_space<vmem>>, vector<16xf32>,
      tpu.vector_store %arg7[%swap3A_657], %add3A_656 {strides = array<i32>} : memref<1456xf32, #tpu.memory_space<vmem>>, vector<16xf32>,
      %get3A_659 = arith.constant 608 : index
      %get3A_660 = tpu.vector_load %arg7[%get3A_659] {strides = array<i32>} : memref<1456xf32, #tpu.memory_space<vmem>>, vector<16xf32>,
      %get3A_661 = arith.constant 608 : index
      %get3A_662 = tpu.vector_load %arg8[%get3A_661] {strides = array<i32>} : memref<1456xf32, #tpu.memory_space<vmem>>, vector<16xf32>,
      %add3A_663 = arith.addf %get3A_660, %get3A_662 : vector<16xf32>
      %swap3A_664 = arith.constant 608 : index
      %swap3A_665 = tpu.vector_load %arg7[%swap3A_664] {strides = array<i32>} : memref<1456xf32, #tpu.memory_space<vmem>>, vector<16xf32>,
      tpu.vector_store %arg7[%swap3A_664], %add3A_663 {strides = array<i32>} : memref<1456xf32, #tpu.memory_space<vmem>>, vector<16xf32>,
      %get3A_666 = arith.constant 624 : index
      %get3A_667 = tpu.vector_load %arg7[%get3A_666] {strides = array<i32>} : memref<1456xf32, #tpu.memory_space<vmem>>, vector<16xf32>,
      %get3A_668 = arith.constant 624 : index
      %get3A_669 = tpu.vector_load %arg8[%get3A_668] {strides = array<i32>} : memref<1456xf32, #tpu.memory_space<vmem>>, vector<16xf32>,
      %add3A_670 = arith.addf %get3A_667, %get3A_669 : vector<16xf32>
      %swap3A_671 = arith.constant 624 : index
      %swap3A_672 = tpu.vector_load %arg7[%swap3A_671] {strides = array<i32>} : memref<1456xf32, #tpu.memory_space<vmem>>, vector<16xf32>,
      tpu.vector_store %arg7[%swap3A_671], %add3A_670 {strides = array<i32>} : memref<1456xf32, #tpu.memory_space<vmem>>, vector<16xf32>,
      %get3A_673 = arith.constant 640 : index
      %get3A_674 = tpu.vector_load %arg7[%get3A_673] {strides = array<i32>} : memref<1456xf32, #tpu.memory_space<vmem>>, vector<16xf32>,
      %get3A_675 = arith.constant 640 : index
      %get3A_676 = tpu.vector_load %arg8[%get3A_675] {strides = array<i32>} : memref<1456xf32, #tpu.memory_space<vmem>>, vector<16xf32>,
      %add3A_677 = arith.addf %get3A_674, %get3A_676 : vector<16xf32>
      %swap3A_678 = arith.constant 640 : index
      %swap3A_679 = tpu.vector_load %arg7[%swap3A_678] {strides = array<i32>} : memref<1456xf32, #tpu.memory_space<vmem>>, vector<16xf32>,
      tpu.vector_store %arg7[%swap3A_678], %add3A_677 {strides = array<i32>} : memref<1456xf32, #tpu.memory_space<vmem>>, vector<16xf32>,
      %get3A_680 = arith.constant 656 : index
      %get3A_681 = tpu.vector_load %arg7[%get3A_680] {strides = array<i32>} : memref<1456xf32, #tpu.memory_space<vmem>>, vector<16xf32>,
      %get3A_682 = arith.constant 656 : index
      %get3A_683 = tpu.vector_load %arg8[%get3A_682] {strides = array<i32>} : memref<1456xf32, #tpu.memory_space<vmem>>, vector<16xf32>,
      %add3A_684 = arith.addf %get3A_681, %get3A_683 : vector<16xf32>
      %swap3A_685 = arith.constant 656 : index
      %swap3A_686 = tpu.vector_load %arg7[%swap3A_685] {strides = array<i32>} : memref<1456xf32, #tpu.memory_space<vmem>>, vector<16xf32>,
      tpu.vector_store %arg7[%swap3A_685], %add3A_684 {strides = array<i32>} : memref<1456xf32, #tpu.memory_space<vmem>>, vector<16xf32>,
      %get3A_687 = arith.constant 672 : index
      %get3A_688 = tpu.vector_load %arg7[%get3A_687] {strides = array<i32>} : memref<1456xf32, #tpu.memory_space<vmem>>, vector<16xf32>,
      %get3A_689 = arith.constant 672 : index
      %get3A_690 = tpu.vector_load %arg8[%get3A_689] {strides = array<i32>} : memref<1456xf32, #tpu.memory_space<vmem>>, vector<16xf32>,
      %add3A_691 = arith.addf %get3A_688, %get3A_690 : vector<16xf32>
      %swap3A_692 = arith.constant 672 : index
      %swap3A_693 = tpu.vector_load %arg7[%swap3A_692] {strides = array<i32>} : memref<1456xf32, #tpu.memory_space<vmem>>, vector<16xf32>,
      tpu.vector_store %arg7[%swap3A_692], %add3A_691 {strides = array<i32>} : memref<1456xf32, #tpu.memory_space<vmem>>, vector<16xf32>,
      %get3A_694 = arith.constant 688 : index
      %get3A_695 = tpu.vector_load %arg7[%get3A_694] {strides = array<i32>} : memref<1456xf32, #tpu.memory_space<vmem>>, vector<16xf32>,
      %get3A_696 = arith.constant 688 : index
      %get3A_697 = tpu.vector_load %arg8[%get3A_696] {strides = array<i32>} : memref<1456xf32, #tpu.memory_space<vmem>>, vector<16xf32>,
      %add3A_698 = arith.addf %get3A_695, %get3A_697 : vector<16xf32>
      %swap3A_699 = arith.constant 688 : index
      %swap3A_700 = tpu.vector_load %arg7[%swap3A_699] {strides = array<i32>} : memref<1456xf32, #tpu.memory_space<vmem>>, vector<16xf32>,
      tpu.vector_store %arg7[%swap3A_699], %add3A_698 {strides = array<i32>} : memref<1456xf32, #tpu.memory_space<vmem>>, vector<16xf32>,
      %get3A_701 = arith.constant 704 : index
      %get3A_702 = tpu.vector_load %arg7[%get3A_701] {strides = array<i32>} : memref<1456xf32, #tpu.memory_space<vmem>>, vector<16xf32>,
      %get3A_703 = arith.constant 704 : index
      %get3A_704 = tpu.vector_load %arg8[%get3A_703] {strides = array<i32>} : memref<1456xf32, #tpu.memory_space<vmem>>, vector<16xf32>,
      %add3A_705 = arith.addf %get3A_702, %get3A_704 : vector<16xf32>
      %swap3A_706 = arith.constant 704 : index
      %swap3A_707 = tpu.vector_load %arg7[%swap3A_706] {strides = array<i32>} : memref<1456xf32, #tpu.memory_space<vmem>>, vector<16xf32>,
      tpu.vector_store %arg7[%swap3A_706], %add3A_705 {strides = array<i32>} : memref<1456xf32, #tpu.memory_space<vmem>>, vector<16xf32>,
      %get3A_708 = arith.constant 720 : index
      %get3A_709 = tpu.vector_load %arg7[%get3A_708] {strides = array<i32>} : memref<1456xf32, #tpu.memory_space<vmem>>, vector<16xf32>,
      %get3A_710 = arith.constant 720 : index
      %get3A_711 = tpu.vector_load %arg8[%get3A_710] {strides = array<i32>} : memref<1456xf32, #tpu.memory_space<vmem>>, vector<16xf32>,
      %add3A_712 = arith.addf %get3A_709, %get3A_711 : vector<16xf32>
      %swap3A_713 = arith.constant 720 : index
      %swap3A_714 = tpu.vector_load %arg7[%swap3A_713] {strides = array<i32>} : memref<1456xf32, #tpu.memory_space<vmem>>, vector<16xf32>,
      tpu.vector_store %arg7[%swap3A_713], %add3A_712 {strides = array<i32>} : memref<1456xf32, #tpu.memory_space<vmem>>, vector<16xf32>,
      %get3A_715 = arith.constant 736 : index
      %get3A_716 = tpu.vector_load %arg7[%get3A_715] {strides = array<i32>} : memref<1456xf32, #tpu.memory_space<vmem>>, vector<16xf32>,
      %get3A_717 = arith.constant 736 : index
      %get3A_718 = tpu.vector_load %arg8[%get3A_717] {strides = array<i32>} : memref<1456xf32, #tpu.memory_space<vmem>>, vector<16xf32>,
      %add3A_719 = arith.addf %get3A_716, %get3A_718 : vector<16xf32>
      %swap3A_720 = arith.constant 736 : index
      %swap3A_721 = tpu.vector_load %arg7[%swap3A_720] {strides = array<i32>} : memref<1456xf32, #tpu.memory_space<vmem>>, vector<16xf32>,
      tpu.vector_store %arg7[%swap3A_720], %add3A_719 {strides = array<i32>} : memref<1456xf32, #tpu.memory_space<vmem>>, vector<16xf32>,
      %get3A_722 = arith.constant 752 : index
      %get3A_723 = tpu.vector_load %arg7[%get3A_722] {strides = array<i32>} : memref<1456xf32, #tpu.memory_space<vmem>>, vector<16xf32>,
      %get3A_724 = arith.constant 752 : index
      %get3A_725 = tpu.vector_load %arg8[%get3A_724] {strides = array<i32>} : memref<1456xf32, #tpu.memory_space<vmem>>, vector<16xf32>,
      %add3A_726 = arith.addf %get3A_723, %get3A_725 : vector<16xf32>
      %swap3A_727 = arith.constant 752 : index
      %swap3A_728 = tpu.vector_load %arg7[%swap3A_727] {strides = array<i32>} : memref<1456xf32, #tpu.memory_space<vmem>>, vector<16xf32>,
      tpu.vector_store %arg7[%swap3A_727], %add3A_726 {strides = array<i32>} : memref<1456xf32, #tpu.memory_space<vmem>>, vector<16xf32>,
      %get3A_729 = arith.constant 768 : index
      %get3A_730 = tpu.vector_load %arg7[%get3A_729] {strides = array<i32>} : memref<1456xf32, #tpu.memory_space<vmem>>, vector<16xf32>,
      %get3A_731 = arith.constant 768 : index
      %get3A_732 = tpu.vector_load %arg8[%get3A_731] {strides = array<i32>} : memref<1456xf32, #tpu.memory_space<vmem>>, vector<16xf32>,
      %add3A_733 = arith.addf %get3A_730, %get3A_732 : vector<16xf32>
      %swap3A_734 = arith.constant 768 : index
      %swap3A_735 = tpu.vector_load %arg7[%swap3A_734] {strides = array<i32>} : memref<1456xf32, #tpu.memory_space<vmem>>, vector<16xf32>,
      tpu.vector_store %arg7[%swap3A_734], %add3A_733 {strides = array<i32>} : memref<1456xf32, #tpu.memory_space<vmem>>, vector<16xf32>,
      %get3A_736 = arith.constant 784 : index
      %get3A_737 = tpu.vector_load %arg7[%get3A_736] {strides = array<i32>} : memref<1456xf32, #tpu.memory_space<vmem>>, vector<16xf32>,
      %get3A_738 = arith.constant 784 : index
      %get3A_739 = tpu.vector_load %arg8[%get3A_738] {strides = array<i32>} : memref<1456xf32, #tpu.memory_space<vmem>>, vector<16xf32>,
      %add3A_740 = arith.addf %get3A_737, %get3A_739 : vector<16xf32>
      %swap3A_741 = arith.constant 784 : index
      %swap3A_742 = tpu.vector_load %arg7[%swap3A_741] {strides = array<i32>} : memref<1456xf32, #tpu.memory_space<vmem>>, vector<16xf32>,
      tpu.vector_store %arg7[%swap3A_741], %add3A_740 {strides = array<i32>} : memref<1456xf32, #tpu.memory_space<vmem>>, vector<16xf32>,
      %get3A_743 = arith.constant 800 : index
      %get3A_744 = tpu.vector_load %arg7[%get3A_743] {strides = array<i32>} : memref<1456xf32, #tpu.memory_space<vmem>>, vector<16xf32>,
      %get3A_745 = arith.constant 800 : index
      %get3A_746 = tpu.vector_load %arg8[%get3A_745] {strides = array<i32>} : memref<1456xf32, #tpu.memory_space<vmem>>, vector<16xf32>,
      %add3A_747 = arith.addf %get3A_744, %get3A_746 : vector<16xf32>
      %swap3A_748 = arith.constant 800 : index
      %swap3A_749 = tpu.vector_load %arg7[%swap3A_748] {strides = array<i32>} : memref<1456xf32, #tpu.memory_space<vmem>>, vector<16xf32>,
      tpu.vector_store %arg7[%swap3A_748], %add3A_747 {strides = array<i32>} : memref<1456xf32, #tpu.memory_space<vmem>>, vector<16xf32>,
      %get3A_750 = arith.constant 816 : index
      %get3A_751 = tpu.vector_load %arg7[%get3A_750] {strides = array<i32>} : memref<1456xf32, #tpu.memory_space<vmem>>, vector<16xf32>,
      %get3A_752 = arith.constant 816 : index
      %get3A_753 = tpu.vector_load %arg8[%get3A_752] {strides = array<i32>} : memref<1456xf32, #tpu.memory_space<vmem>>, vector<16xf32>,
      %add3A_754 = arith.addf %get3A_751, %get3A_753 : vector<16xf32>
      %swap3A_755 = arith.constant 816 : index
      %swap3A_756 = tpu.vector_load %arg7[%swap3A_755] {strides = array<i32>} : memref<1456xf32, #tpu.memory_space<vmem>>, vector<16xf32>,
      tpu.vector_store %arg7[%swap3A_755], %add3A_754 {strides = array<i32>} : memref<1456xf32, #tpu.memory_space<vmem>>, vector<16xf32>,
      %get3A_757 = arith.constant 832 : index
      %get3A_758 = tpu.vector_load %arg7[%get3A_757] {strides = array<i32>} : memref<1456xf32, #tpu.memory_space<vmem>>, vector<16xf32>,
      %get3A_759 = arith.constant 832 : index
      %get3A_760 = tpu.vector_load %arg8[%get3A_759] {strides = array<i32>} : memref<1456xf32, #tpu.memory_space<vmem>>, vector<16xf32>,
      %add3A_761 = arith.addf %get3A_758, %get3A_760 : vector<16xf32>
      %swap3A_762 = arith.constant 832 : index
      %swap3A_763 = tpu.vector_load %arg7[%swap3A_762] {strides = array<i32>} : memref<1456xf32, #tpu.memory_space<vmem>>, vector<16xf32>,
      tpu.vector_store %arg7[%swap3A_762], %add3A_761 {strides = array<i32>} : memref<1456xf32, #tpu.memory_space<vmem>>, vector<16xf32>,
      %get3A_764 = arith.constant 848 : index
      %get3A_765 = tpu.vector_load %arg7[%get3A_764] {strides = array<i32>} : memref<1456xf32, #tpu.memory_space<vmem>>, vector<16xf32>,
      %get3A_766 = arith.constant 848 : index
      %get3A_767 = tpu.vector_load %arg8[%get3A_766] {strides = array<i32>} : memref<1456xf32, #tpu.memory_space<vmem>>, vector<16xf32>,
      %add3A_768 = arith.addf %get3A_765, %get3A_767 : vector<16xf32>
      %swap3A_769 = arith.constant 848 : index
      %swap3A_770 = tpu.vector_load %arg7[%swap3A_769] {strides = array<i32>} : memref<1456xf32, #tpu.memory_space<vmem>>, vector<16xf32>,
      tpu.vector_store %arg7[%swap3A_769], %add3A_768 {strides = array<i32>} : memref<1456xf32, #tpu.memory_space<vmem>>, vector<16xf32>,
      %get3A_771 = arith.constant 864 : index
      %get3A_772 = tpu.vector_load %arg7[%get3A_771] {strides = array<i32>} : memref<1456xf32, #tpu.memory_space<vmem>>, vector<16xf32>,
      %get3A_773 = arith.constant 864 : index
      %get3A_774 = tpu.vector_load %arg8[%get3A_773] {strides = array<i32>} : memref<1456xf32, #tpu.memory_space<vmem>>, vector<16xf32>,
      %add3A_775 = arith.addf %get3A_772, %get3A_774 : vector<16xf32>
      %swap3A_776 = arith.constant 864 : index
      %swap3A_777 = tpu.vector_load %arg7[%swap3A_776] {strides = array<i32>} : memref<1456xf32, #tpu.memory_space<vmem>>, vector<16xf32>,
      tpu.vector_store %arg7[%swap3A_776], %add3A_775 {strides = array<i32>} : memref<1456xf32, #tpu.memory_space<vmem>>, vector<16xf32>,
      %get3A_778 = arith.constant 880 : index
      %get3A_779 = tpu.vector_load %arg7[%get3A_778] {strides = array<i32>} : memref<1456xf32, #tpu.memory_space<vmem>>, vector<16xf32>,
      %get3A_780 = arith.constant 880 : index
      %get3A_781 = tpu.vector_load %arg8[%get3A_780] {strides = array<i32>} : memref<1456xf32, #tpu.memory_space<vmem>>, vector<16xf32>,
      %add3A_782 = arith.addf %get3A_779, %get3A_781 : vector<16xf32>
      %swap3A_783 = arith.constant 880 : index
      %swap3A_784 = tpu.vector_load %arg7[%swap3A_783] {strides = array<i32>} : memref<1456xf32, #tpu.memory_space<vmem>>, vector<16xf32>,
      tpu.vector_store %arg7[%swap3A_783], %add3A_782 {strides = array<i32>} : memref<1456xf32, #tpu.memory_space<vmem>>, vector<16xf32>,
      %get3A_785 = arith.constant 896 : index
      %get3A_786 = tpu.vector_load %arg7[%get3A_785] {strides = array<i32>} : memref<1456xf32, #tpu.memory_space<vmem>>, vector<16xf32>,
      %get3A_787 = arith.constant 896 : index
      %get3A_788 = tpu.vector_load %arg8[%get3A_787] {strides = array<i32>} : memref<1456xf32, #tpu.memory_space<vmem>>, vector<16xf32>,
      %add3A_789 = arith.addf %get3A_786, %get3A_788 : vector<16xf32>
      %swap3A_790 = arith.constant 896 : index
      %swap3A_791 = tpu.vector_load %arg7[%swap3A_790] {strides = array<i32>} : memref<1456xf32, #tpu.memory_space<vmem>>, vector<16xf32>,
      tpu.vector_store %arg7[%swap3A_790], %add3A_789 {strides = array<i32>} : memref<1456xf32, #tpu.memory_space<vmem>>, vector<16xf32>,
      %get3A_792 = arith.constant 912 : index
      %get3A_793 = tpu.vector_load %arg7[%get3A_792] {strides = array<i32>} : memref<1456xf32, #tpu.memory_space<vmem>>, vector<16xf32>,
      %get3A_794 = arith.constant 912 : index
      %get3A_795 = tpu.vector_load %arg8[%get3A_794] {strides = array<i32>} : memref<1456xf32, #tpu.memory_space<vmem>>, vector<16xf32>,
      %add3A_796 = arith.addf %get3A_793, %get3A_795 : vector<16xf32>
      %swap3A_797 = arith.constant 912 : index
      %swap3A_798 = tpu.vector_load %arg7[%swap3A_797] {strides = array<i32>} : memref<1456xf32, #tpu.memory_space<vmem>>, vector<16xf32>,
      tpu.vector_store %arg7[%swap3A_797], %add3A_796 {strides = array<i32>} : memref<1456xf32, #tpu.memory_space<vmem>>, vector<16xf32>,
      %get3A_799 = arith.constant 928 : index
      %get3A_800 = tpu.vector_load %arg7[%get3A_799] {strides = array<i32>} : memref<1456xf32, #tpu.memory_space<vmem>>, vector<16xf32>,
      %get3A_801 = arith.constant 928 : index
      %get3A_802 = tpu.vector_load %arg8[%get3A_801] {strides = array<i32>} : memref<1456xf32, #tpu.memory_space<vmem>>, vector<16xf32>,
      %add3A_803 = arith.addf %get3A_800, %get3A_802 : vector<16xf32>
      %swap3A_804 = arith.constant 928 : index
      %swap3A_805 = tpu.vector_load %arg7[%swap3A_804] {strides = array<i32>} : memref<1456xf32, #tpu.memory_space<vmem>>, vector<16xf32>,
      tpu.vector_store %arg7[%swap3A_804], %add3A_803 {strides = array<i32>} : memref<1456xf32, #tpu.memory_space<vmem>>, vector<16xf32>,
      %get3A_806 = arith.constant 944 : index
      %get3A_807 = tpu.vector_load %arg7[%get3A_806] {strides = array<i32>} : memref<1456xf32, #tpu.memory_space<vmem>>, vector<16xf32>,
      %get3A_808 = arith.constant 944 : index
      %get3A_809 = tpu.vector_load %arg8[%get3A_808] {strides = array<i32>} : memref<1456xf32, #tpu.memory_space<vmem>>, vector<16xf32>,
      %add3A_810 = arith.addf %get3A_807, %get3A_809 : vector<16xf32>
      %swap3A_811 = arith.constant 944 : index
      %swap3A_812 = tpu.vector_load %arg7[%swap3A_811] {strides = array<i32>} : memref<1456xf32, #tpu.memory_space<vmem>>, vector<16xf32>,
      tpu.vector_store %arg7[%swap3A_811], %add3A_810 {strides = array<i32>} : memref<1456xf32, #tpu.memory_space<vmem>>, vector<16xf32>,
      %get3A_813 = arith.constant 960 : index
      %get3A_814 = tpu.vector_load %arg7[%get3A_813] {strides = array<i32>} : memref<1456xf32, #tpu.memory_space<vmem>>, vector<16xf32>,
      %get3A_815 = arith.constant 960 : index
      %get3A_816 = tpu.vector_load %arg8[%get3A_815] {strides = array<i32>} : memref<1456xf32, #tpu.memory_space<vmem>>, vector<16xf32>,
      %add3A_817 = arith.addf %get3A_814, %get3A_816 : vector<16xf32>
      %swap3A_818 = arith.constant 960 : index
      %swap3A_819 = tpu.vector_load %arg7[%swap3A_818] {strides = array<i32>} : memref<1456xf32, #tpu.memory_space<vmem>>, vector<16xf32>,
      tpu.vector_store %arg7[%swap3A_818], %add3A_817 {strides = array<i32>} : memref<1456xf32, #tpu.memory_space<vmem>>, vector<16xf32>,
      %get3A_820 = arith.constant 976 : index
      %get3A_821 = tpu.vector_load %arg7[%get3A_820] {strides = array<i32>} : memref<1456xf32, #tpu.memory_space<vmem>>, vector<16xf32>,
      %get3A_822 = arith.constant 976 : index
      %get3A_823 = tpu.vector_load %arg8[%get3A_822] {strides = array<i32>} : memref<1456xf32, #tpu.memory_space<vmem>>, vector<16xf32>,
      %add3A_824 = arith.addf %get3A_821, %get3A_823 : vector<16xf32>
      %swap3A_825 = arith.constant 976 : index
      %swap3A_826 = tpu.vector_load %arg7[%swap3A_825] {strides = array<i32>} : memref<1456xf32, #tpu.memory_space<vmem>>, vector<16xf32>,
      tpu.vector_store %arg7[%swap3A_825], %add3A_824 {strides = array<i32>} : memref<1456xf32, #tpu.memory_space<vmem>>, vector<16xf32>,
      %get3A_827 = arith.constant 992 : index
      %get3A_828 = tpu.vector_load %arg7[%get3A_827] {strides = array<i32>} : memref<1456xf32, #tpu.memory_space<vmem>>, vector<16xf32>,
      %get3A_829 = arith.constant 992 : index
      %get3A_830 = tpu.vector_load %arg8[%get3A_829] {strides = array<i32>} : memref<1456xf32, #tpu.memory_space<vmem>>, vector<16xf32>,
      %add3A_831 = arith.addf %get3A_828, %get3A_830 : vector<16xf32>
      %swap3A_832 = arith.constant 992 : index
      %swap3A_833 = tpu.vector_load %arg7[%swap3A_832] {strides = array<i32>} : memref<1456xf32, #tpu.memory_space<vmem>>, vector<16xf32>,
      tpu.vector_store %arg7[%swap3A_832], %add3A_831 {strides = array<i32>} : memref<1456xf32, #tpu.memory_space<vmem>>, vector<16xf32>,
      %get3A_834 = arith.constant 1008 : index
      %get3A_835 = tpu.vector_load %arg7[%get3A_834] {strides = array<i32>} : memref<1456xf32, #tpu.memory_space<vmem>>, vector<16xf32>,
      %get3A_836 = arith.constant 1008 : index
      %get3A_837 = tpu.vector_load %arg8[%get3A_836] {strides = array<i32>} : memref<1456xf32, #tpu.memory_space<vmem>>, vector<16xf32>,
      %add3A_838 = arith.addf %get3A_835, %get3A_837 : vector<16xf32>
      %swap3A_839 = arith.constant 1008 : index
      %swap3A_840 = tpu.vector_load %arg7[%swap3A_839] {strides = array<i32>} : memref<1456xf32, #tpu.memory_space<vmem>>, vector<16xf32>,
      tpu.vector_store %arg7[%swap3A_839], %add3A_838 {strides = array<i32>} : memref<1456xf32, #tpu.memory_space<vmem>>, vector<16xf32>,
      %get3A_841 = arith.constant 1024 : index
      %get3A_842 = tpu.vector_load %arg7[%get3A_841] {strides = array<i32>} : memref<1456xf32, #tpu.memory_space<vmem>>, vector<16xf32>,
      %get3A_843 = arith.constant 1024 : index
      %get3A_844 = tpu.vector_load %arg8[%get3A_843] {strides = array<i32>} : memref<1456xf32, #tpu.memory_space<vmem>>, vector<16xf32>,
      %add3A_845 = arith.addf %get3A_842, %get3A_844 : vector<16xf32>
      %swap3A_846 = arith.constant 1024 : index
      %swap3A_847 = tpu.vector_load %arg7[%swap3A_846] {strides = array<i32>} : memref<1456xf32, #tpu.memory_space<vmem>>, vector<16xf32>,
      tpu.vector_store %arg7[%swap3A_846], %add3A_845 {strides = array<i32>} : memref<1456xf32, #tpu.memory_space<vmem>>, vector<16xf32>,
      %get3A_848 = arith.constant 1040 : index
      %get3A_849 = tpu.vector_load %arg7[%get3A_848] {strides = array<i32>} : memref<1456xf32, #tpu.memory_space<vmem>>, vector<16xf32>,
      %get3A_850 = arith.constant 1040 : index
      %get3A_851 = tpu.vector_load %arg8[%get3A_850] {strides = array<i32>} : memref<1456xf32, #tpu.memory_space<vmem>>, vector<16xf32>,
      %add3A_852 = arith.addf %get3A_849, %get3A_851 : vector<16xf32>
      %swap3A_853 = arith.constant 1040 : index
      %swap3A_854 = tpu.vector_load %arg7[%swap3A_853] {strides = array<i32>} : memref<1456xf32, #tpu.memory_space<vmem>>, vector<16xf32>,
      tpu.vector_store %arg7[%swap3A_853], %add3A_852 {strides = array<i32>} : memref<1456xf32, #tpu.memory_space<vmem>>, vector<16xf32>,
      %get3A_855 = arith.constant 1056 : index
      %get3A_856 = tpu.vector_load %arg7[%get3A_855] {strides = array<i32>} : memref<1456xf32, #tpu.memory_space<vmem>>, vector<16xf32>,
      %get3A_857 = arith.constant 1056 : index
      %get3A_858 = tpu.vector_load %arg8[%get3A_857] {strides = array<i32>} : memref<1456xf32, #tpu.memory_space<vmem>>, vector<16xf32>,
      %add3A_859 = arith.addf %get3A_856, %get3A_858 : vector<16xf32>
      %swap3A_860 = arith.constant 1056 : index
      %swap3A_861 = tpu.vector_load %arg7[%swap3A_860] {strides = array<i32>} : memref<1456xf32, #tpu.memory_space<vmem>>, vector<16xf32>,
      tpu.vector_store %arg7[%swap3A_860], %add3A_859 {strides = array<i32>} : memref<1456xf32, #tpu.memory_space<vmem>>, vector<16xf32>,
      %get3A_862 = arith.constant 1072 : index
      %get3A_863 = tpu.vector_load %arg7[%get3A_862] {strides = array<i32>} : memref<1456xf32, #tpu.memory_space<vmem>>, vector<16xf32>,
      %get3A_864 = arith.constant 1072 : index
      %get3A_865 = tpu.vector_load %arg8[%get3A_864] {strides = array<i32>} : memref<1456xf32, #tpu.memory_space<vmem>>, vector<16xf32>,
      %add3A_866 = arith.addf %get3A_863, %get3A_865 : vector<16xf32>
      %swap3A_867 = arith.constant 1072 : index
      %swap3A_868 = tpu.vector_load %arg7[%swap3A_867] {strides = array<i32>} : memref<1456xf32, #tpu.memory_space<vmem>>, vector<16xf32>,
      tpu.vector_store %arg7[%swap3A_867], %add3A_866 {strides = array<i32>} : memref<1456xf32, #tpu.memory_space<vmem>>, vector<16xf32>,
      %get3A_869 = arith.constant 1088 : index
      %get3A_870 = tpu.vector_load %arg7[%get3A_869] {strides = array<i32>} : memref<1456xf32, #tpu.memory_space<vmem>>, vector<16xf32>,
      %get3A_871 = arith.constant 1088 : index
      %get3A_872 = tpu.vector_load %arg8[%get3A_871] {strides = array<i32>} : memref<1456xf32, #tpu.memory_space<vmem>>, vector<16xf32>,
      %add3A_873 = arith.addf %get3A_870, %get3A_872 : vector<16xf32>
      %swap3A_874 = arith.constant 1088 : index
      %swap3A_875 = tpu.vector_load %arg7[%swap3A_874] {strides = array<i32>} : memref<1456xf32, #tpu.memory_space<vmem>>, vector<16xf32>,
      tpu.vector_store %arg7[%swap3A_874], %add3A_873 {strides = array<i32>} : memref<1456xf32, #tpu.memory_space<vmem>>, vector<16xf32>,
      %get3A_876 = arith.constant 1104 : index
      %get3A_877 = tpu.vector_load %arg7[%get3A_876] {strides = array<i32>} : memref<1456xf32, #tpu.memory_space<vmem>>, vector<16xf32>,
      %get3A_878 = arith.constant 1104 : index
      %get3A_879 = tpu.vector_load %arg8[%get3A_878] {strides = array<i32>} : memref<1456xf32, #tpu.memory_space<vmem>>, vector<16xf32>,
      %add3A_880 = arith.addf %get3A_877, %get3A_879 : vector<16xf32>
      %swap3A_881 = arith.constant 1104 : index
      %swap3A_882 = tpu.vector_load %arg7[%swap3A_881] {strides = array<i32>} : memref<1456xf32, #tpu.memory_space<vmem>>, vector<16xf32>,
      tpu.vector_store %arg7[%swap3A_881], %add3A_880 {strides = array<i32>} : memref<1456xf32, #tpu.memory_space<vmem>>, vector<16xf32>,
      %get3A_883 = arith.constant 1120 : index
      %get3A_884 = tpu.vector_load %arg7[%get3A_883] {strides = array<i32>} : memref<1456xf32, #tpu.memory_space<vmem>>, vector<16xf32>,
      %get3A_885 = arith.constant 1120 : index
      %get3A_886 = tpu.vector_load %arg8[%get3A_885] {strides = array<i32>} : memref<1456xf32, #tpu.memory_space<vmem>>, vector<16xf32>,
      %add3A_887 = arith.addf %get3A_884, %get3A_886 : vector<16xf32>
      %swap3A_888 = arith.constant 1120 : index
      %swap3A_889 = tpu.vector_load %arg7[%swap3A_888] {strides = array<i32>} : memref<1456xf32, #tpu.memory_space<vmem>>, vector<16xf32>,
      tpu.vector_store %arg7[%swap3A_888], %add3A_887 {strides = array<i32>} : memref<1456xf32, #tpu.memory_space<vmem>>, vector<16xf32>,
      %get3A_890 = arith.constant 1136 : index
      %get3A_891 = tpu.vector_load %arg7[%get3A_890] {strides = array<i32>} : memref<1456xf32, #tpu.memory_space<vmem>>, vector<16xf32>,
      %get3A_892 = arith.constant 1136 : index
      %get3A_893 = tpu.vector_load %arg8[%get3A_892] {strides = array<i32>} : memref<1456xf32, #tpu.memory_space<vmem>>, vector<16xf32>,
      %add3A_894 = arith.addf %get3A_891, %get3A_893 : vector<16xf32>
      %swap3A_895 = arith.constant 1136 : index
      %swap3A_896 = tpu.vector_load %arg7[%swap3A_895] {strides = array<i32>} : memref<1456xf32, #tpu.memory_space<vmem>>, vector<16xf32>,
      tpu.vector_store %arg7[%swap3A_895], %add3A_894 {strides = array<i32>} : memref<1456xf32, #tpu.memory_space<vmem>>, vector<16xf32>,
      %get3A_897 = arith.constant 1152 : index
      %get3A_898 = tpu.vector_load %arg7[%get3A_897] {strides = array<i32>} : memref<1456xf32, #tpu.memory_space<vmem>>, vector<16xf32>,
      %get3A_899 = arith.constant 1152 : index
      %get3A_900 = tpu.vector_load %arg8[%get3A_899] {strides = array<i32>} : memref<1456xf32, #tpu.memory_space<vmem>>, vector<16xf32>,
      %add3A_901 = arith.addf %get3A_898, %get3A_900 : vector<16xf32>
      %swap3A_902 = arith.constant 1152 : index
      %swap3A_903 = tpu.vector_load %arg7[%swap3A_902] {strides = array<i32>} : memref<1456xf32, #tpu.memory_space<vmem>>, vector<16xf32>,
      tpu.vector_store %arg7[%swap3A_902], %add3A_901 {strides = array<i32>} : memref<1456xf32, #tpu.memory_space<vmem>>, vector<16xf32>,
      %get3A_904 = arith.constant 1168 : index
      %get3A_905 = tpu.vector_load %arg7[%get3A_904] {strides = array<i32>} : memref<1456xf32, #tpu.memory_space<vmem>>, vector<16xf32>,
      %get3A_906 = arith.constant 1168 : index
      %get3A_907 = tpu.vector_load %arg8[%get3A_906] {strides = array<i32>} : memref<1456xf32, #tpu.memory_space<vmem>>, vector<16xf32>,
      %add3A_908 = arith.addf %get3A_905, %get3A_907 : vector<16xf32>
      %swap3A_909 = arith.constant 1168 : index
      %swap3A_910 = tpu.vector_load %arg7[%swap3A_909] {strides = array<i32>} : memref<1456xf32, #tpu.memory_space<vmem>>, vector<16xf32>,
      tpu.vector_store %arg7[%swap3A_909], %add3A_908 {strides = array<i32>} : memref<1456xf32, #tpu.memory_space<vmem>>, vector<16xf32>,
      %get3A_911 = arith.constant 1184 : index
      %get3A_912 = tpu.vector_load %arg7[%get3A_911] {strides = array<i32>} : memref<1456xf32, #tpu.memory_space<vmem>>, vector<16xf32>,
      %get3A_913 = arith.constant 1184 : index
      %get3A_914 = tpu.vector_load %arg8[%get3A_913] {strides = array<i32>} : memref<1456xf32, #tpu.memory_space<vmem>>, vector<16xf32>,
      %add3A_915 = arith.addf %get3A_912, %get3A_914 : vector<16xf32>
      %swap3A_916 = arith.constant 1184 : index
      %swap3A_917 = tpu.vector_load %arg7[%swap3A_916] {strides = array<i32>} : memref<1456xf32, #tpu.memory_space<vmem>>, vector<16xf32>,
      tpu.vector_store %arg7[%swap3A_916], %add3A_915 {strides = array<i32>} : memref<1456xf32, #tpu.memory_space<vmem>>, vector<16xf32>,
      %get3A_918 = arith.constant 1200 : index
      %get3A_919 = tpu.vector_load %arg7[%get3A_918] {strides = array<i32>} : memref<1456xf32, #tpu.memory_space<vmem>>, vector<16xf32>,
      %get3A_920 = arith.constant 1200 : index
      %get3A_921 = tpu.vector_load %arg8[%get3A_920] {strides = array<i32>} : memref<1456xf32, #tpu.memory_space<vmem>>, vector<16xf32>,
      %add3A_922 = arith.addf %get3A_919, %get3A_921 : vector<16xf32>
      %swap3A_923 = arith.constant 1200 : index
      %swap3A_924 = tpu.vector_load %arg7[%swap3A_923] {strides = array<i32>} : memref<1456xf32, #tpu.memory_space<vmem>>, vector<16xf32>,
      tpu.vector_store %arg7[%swap3A_923], %add3A_922 {strides = array<i32>} : memref<1456xf32, #tpu.memory_space<vmem>>, vector<16xf32>,
      %get3A_925 = arith.constant 1216 : index
      %get3A_926 = tpu.vector_load %arg7[%get3A_925] {strides = array<i32>} : memref<1456xf32, #tpu.memory_space<vmem>>, vector<16xf32>,
      %get3A_927 = arith.constant 1216 : index
      %get3A_928 = tpu.vector_load %arg8[%get3A_927] {strides = array<i32>} : memref<1456xf32, #tpu.memory_space<vmem>>, vector<16xf32>,
      %add3A_929 = arith.addf %get3A_926, %get3A_928 : vector<16xf32>
      %swap3A_930 = arith.constant 1216 : index
      %swap3A_931 = tpu.vector_load %arg7[%swap3A_930] {strides = array<i32>} : memref<1456xf32, #tpu.memory_space<vmem>>, vector<16xf32>,
      tpu.vector_store %arg7[%swap3A_930], %add3A_929 {strides = array<i32>} : memref<1456xf32, #tpu.memory_space<vmem>>, vector<16xf32>,
      %get3A_932 = arith.constant 1232 : index
      %get3A_933 = tpu.vector_load %arg7[%get3A_932] {strides = array<i32>} : memref<1456xf32, #tpu.memory_space<vmem>>, vector<16xf32>,
      %get3A_934 = arith.constant 1232 : index
      %get3A_935 = tpu.vector_load %arg8[%get3A_934] {strides = array<i32>} : memref<1456xf32, #tpu.memory_space<vmem>>, vector<16xf32>,
      %add3A_936 = arith.addf %get3A_933, %get3A_935 : vector<16xf32>
      %swap3A_937 = arith.constant 1232 : index
      %swap3A_938 = tpu.vector_load %arg7[%swap3A_937] {strides = array<i32>} : memref<1456xf32, #tpu.memory_space<vmem>>, vector<16xf32>,
      tpu.vector_store %arg7[%swap3A_937], %add3A_936 {strides = array<i32>} : memref<1456xf32, #tpu.memory_space<vmem>>, vector<16xf32>,
      %get3A_939 = arith.constant 1248 : index
      %get3A_940 = tpu.vector_load %arg7[%get3A_939] {strides = array<i32>} : memref<1456xf32, #tpu.memory_space<vmem>>, vector<16xf32>,
      %get3A_941 = arith.constant 1248 : index
      %get3A_942 = tpu.vector_load %arg8[%get3A_941] {strides = array<i32>} : memref<1456xf32, #tpu.memory_space<vmem>>, vector<16xf32>,
      %add3A_943 = arith.addf %get3A_940, %get3A_942 : vector<16xf32>
      %swap3A_944 = arith.constant 1248 : index
      %swap3A_945 = tpu.vector_load %arg7[%swap3A_944] {strides = array<i32>} : memref<1456xf32, #tpu.memory_space<vmem>>, vector<16xf32>,
      tpu.vector_store %arg7[%swap3A_944], %add3A_943 {strides = array<i32>} : memref<1456xf32, #tpu.memory_space<vmem>>, vector<16xf32>,
      %get3A_946 = arith.constant 1264 : index
      %get3A_947 = tpu.vector_load %arg7[%get3A_946] {strides = array<i32>} : memref<1456xf32, #tpu.memory_space<vmem>>, vector<16xf32>,
      %get3A_948 = arith.constant 1264 : index
      %get3A_949 = tpu.vector_load %arg8[%get3A_948] {strides = array<i32>} : memref<1456xf32, #tpu.memory_space<vmem>>, vector<16xf32>,
      %add3A_950 = arith.addf %get3A_947, %get3A_949 : vector<16xf32>
      %swap3A_951 = arith.constant 1264 : index
      %swap3A_952 = tpu.vector_load %arg7[%swap3A_951] {strides = array<i32>} : memref<1456xf32, #tpu.memory_space<vmem>>, vector<16xf32>,
      tpu.vector_store %arg7[%swap3A_951], %add3A_950 {strides = array<i32>} : memref<1456xf32, #tpu.memory_space<vmem>>, vector<16xf32>,
      %get3A_953 = arith.constant 1280 : index
      %get3A_954 = tpu.vector_load %arg7[%get3A_953] {strides = array<i32>} : memref<1456xf32, #tpu.memory_space<vmem>>, vector<16xf32>,
      %get3A_955 = arith.constant 1280 : index
      %get3A_956 = tpu.vector_load %arg8[%get3A_955] {strides = array<i32>} : memref<1456xf32, #tpu.memory_space<vmem>>, vector<16xf32>,
      %add3A_957 = arith.addf %get3A_954, %get3A_956 : vector<16xf32>
      %swap3A_958 = arith.constant 1280 : index
      %swap3A_959 = tpu.vector_load %arg7[%swap3A_958] {strides = array<i32>} : memref<1456xf32, #tpu.memory_space<vmem>>, vector<16xf32>,
      tpu.vector_store %arg7[%swap3A_958], %add3A_957 {strides = array<i32>} : memref<1456xf32, #tpu.memory_space<vmem>>, vector<16xf32>,
      %get3A_960 = arith.constant 1296 : index
      %get3A_961 = tpu.vector_load %arg7[%get3A_960] {strides = array<i32>} : memref<1456xf32, #tpu.memory_space<vmem>>, vector<16xf32>,
      %get3A_962 = arith.constant 1296 : index
      %get3A_963 = tpu.vector_load %arg8[%get3A_962] {strides = array<i32>} : memref<1456xf32, #tpu.memory_space<vmem>>, vector<16xf32>,
      %add3A_964 = arith.addf %get3A_961, %get3A_963 : vector<16xf32>
      %swap3A_965 = arith.constant 1296 : index
      %swap3A_966 = tpu.vector_load %arg7[%swap3A_965] {strides = array<i32>} : memref<1456xf32, #tpu.memory_space<vmem>>, vector<16xf32>,
      tpu.vector_store %arg7[%swap3A_965], %add3A_964 {strides = array<i32>} : memref<1456xf32, #tpu.memory_space<vmem>>, vector<16xf32>,
      %get3A_967 = arith.constant 1312 : index
      %get3A_968 = tpu.vector_load %arg7[%get3A_967] {strides = array<i32>} : memref<1456xf32, #tpu.memory_space<vmem>>, vector<16xf32>,
      %get3A_969 = arith.constant 1312 : index
      %get3A_970 = tpu.vector_load %arg8[%get3A_969] {strides = array<i32>} : memref<1456xf32, #tpu.memory_space<vmem>>, vector<16xf32>,
      %add3A_971 = arith.addf %get3A_968, %get3A_970 : vector<16xf32>
      %swap3A_972 = arith.constant 1312 : index
      %swap3A_973 = tpu.vector_load %arg7[%swap3A_972] {strides = array<i32>} : memref<1456xf32, #tpu.memory_space<vmem>>, vector<16xf32>,
      tpu.vector_store %arg7[%swap3A_972], %add3A_971 {strides = array<i32>} : memref<1456xf32, #tpu.memory_space<vmem>>, vector<16xf32>,
      %get3A_974 = arith.constant 1328 : index
      %get3A_975 = tpu.vector_load %arg7[%get3A_974] {strides = array<i32>} : memref<1456xf32, #tpu.memory_space<vmem>>, vector<16xf32>,
      %get3A_976 = arith.constant 1328 : index
      %get3A_977 = tpu.vector_load %arg8[%get3A_976] {strides = array<i32>} : memref<1456xf32, #tpu.memory_space<vmem>>, vector<16xf32>,
      %add3A_978 = arith.addf %get3A_975, %get3A_977 : vector<16xf32>
      %swap3A_979 = arith.constant 1328 : index
      %swap3A_980 = tpu.vector_load %arg7[%swap3A_979] {strides = array<i32>} : memref<1456xf32, #tpu.memory_space<vmem>>, vector<16xf32>,
      tpu.vector_store %arg7[%swap3A_979], %add3A_978 {strides = array<i32>} : memref<1456xf32, #tpu.memory_space<vmem>>, vector<16xf32>,
      %get3A_981 = arith.constant 1344 : index
      %get3A_982 = tpu.vector_load %arg7[%get3A_981] {strides = array<i32>} : memref<1456xf32, #tpu.memory_space<vmem>>, vector<16xf32>,
      %get3A_983 = arith.constant 1344 : index
      %get3A_984 = tpu.vector_load %arg8[%get3A_983] {strides = array<i32>} : memref<1456xf32, #tpu.memory_space<vmem>>, vector<16xf32>,
      %add3A_985 = arith.addf %get3A_982, %get3A_984 : vector<16xf32>
      %swap3A_986 = arith.constant 1344 : index
      %swap3A_987 = tpu.vector_load %arg7[%swap3A_986] {strides = array<i32>} : memref<1456xf32, #tpu.memory_space<vmem>>, vector<16xf32>,
      tpu.vector_store %arg7[%swap3A_986], %add3A_985 {strides = array<i32>} : memref<1456xf32, #tpu.memory_space<vmem>>, vector<16xf32>,
      %get3A_988 = arith.constant 1360 : index
      %get3A_989 = tpu.vector_load %arg7[%get3A_988] {strides = array<i32>} : memref<1456xf32, #tpu.memory_space<vmem>>, vector<16xf32>,
      %get3A_990 = arith.constant 1360 : index
      %get3A_991 = tpu.vector_load %arg8[%get3A_990] {strides = array<i32>} : memref<1456xf32, #tpu.memory_space<vmem>>, vector<16xf32>,
      %add3A_992 = arith.addf %get3A_989, %get3A_991 : vector<16xf32>
      %swap3A_993 = arith.constant 1360 : index
      %swap3A_994 = tpu.vector_load %arg7[%swap3A_993] {strides = array<i32>} : memref<1456xf32, #tpu.memory_space<vmem>>, vector<16xf32>,
      tpu.vector_store %arg7[%swap3A_993], %add3A_992 {strides = array<i32>} : memref<1456xf32, #tpu.memory_space<vmem>>, vector<16xf32>,
      %get3A_995 = arith.constant 1376 : index
      %get3A_996 = tpu.vector_load %arg7[%get3A_995] {strides = array<i32>} : memref<1456xf32, #tpu.memory_space<vmem>>, vector<16xf32>,
      %get3A_997 = arith.constant 1376 : index
      %get3A_998 = tpu.vector_load %arg8[%get3A_997] {strides = array<i32>} : memref<1456xf32, #tpu.memory_space<vmem>>, vector<16xf32>,
      %add3A_999 = arith.addf %get3A_996, %get3A_998 : vector<16xf32>
      %swap3A_1000 = arith.constant 1376 : index
      %swap3A_1001 = tpu.vector_load %arg7[%swap3A_1000] {strides = array<i32>} : memref<1456xf32, #tpu.memory_space<vmem>>, vector<16xf32>,
      tpu.vector_store %arg7[%swap3A_1000], %add3A_999 {strides = array<i32>} : memref<1456xf32, #tpu.memory_space<vmem>>, vector<16xf32>,
      %get3A_1002 = arith.constant 1392 : index
      %get3A_1003 = tpu.vector_load %arg7[%get3A_1002] {strides = array<i32>} : memref<1456xf32, #tpu.memory_space<vmem>>, vector<16xf32>,
      %get3A_1004 = arith.constant 1392 : index
      %get3A_1005 = tpu.vector_load %arg8[%get3A_1004] {strides = array<i32>} : memref<1456xf32, #tpu.memory_space<vmem>>, vector<16xf32>,
      %add3A_1006 = arith.addf %get3A_1003, %get3A_1005 : vector<16xf32>
      %swap3A_1007 = arith.constant 1392 : index
      %swap3A_1008 = tpu.vector_load %arg7[%swap3A_1007] {strides = array<i32>} : memref<1456xf32, #tpu.memory_space<vmem>>, vector<16xf32>,
      tpu.vector_store %arg7[%swap3A_1007], %add3A_1006 {strides = array<i32>} : memref<1456xf32, #tpu.memory_space<vmem>>, vector<16xf32>,
      %get3A_1009 = arith.constant 1408 : index
      %get3A_1010 = tpu.vector_load %arg7[%get3A_1009] {strides = array<i32>} : memref<1456xf32, #tpu.memory_space<vmem>>, vector<16xf32>,
      %get3A_1011 = arith.constant 1408 : index
      %get3A_1012 = tpu.vector_load %arg8[%get3A_1011] {strides = array<i32>} : memref<1456xf32, #tpu.memory_space<vmem>>, vector<16xf32>,
      %add3A_1013 = arith.addf %get3A_1010, %get3A_1012 : vector<16xf32>
      %swap3A_1014 = arith.constant 1408 : index
      %swap3A_1015 = tpu.vector_load %arg7[%swap3A_1014] {strides = array<i32>} : memref<1456xf32, #tpu.memory_space<vmem>>, vector<16xf32>,
      tpu.vector_store %arg7[%swap3A_1014], %add3A_1013 {strides = array<i32>} : memref<1456xf32, #tpu.memory_space<vmem>>, vector<16xf32>,
      %get3A_1016 = arith.constant 1424 : index
      %get3A_1017 = tpu.vector_load %arg7[%get3A_1016] {strides = array<i32>} : memref<1456xf32, #tpu.memory_space<vmem>>, vector<16xf32>,
      %get3A_1018 = arith.constant 1424 : index
      %get3A_1019 = tpu.vector_load %arg8[%get3A_1018] {strides = array<i32>} : memref<1456xf32, #tpu.memory_space<vmem>>, vector<16xf32>,
      %add3A_1020 = arith.addf %get3A_1017, %get3A_1019 : vector<16xf32>
      %swap3A_1021 = arith.constant 1424 : index
      %swap3A_1022 = tpu.vector_load %arg7[%swap3A_1021] {strides = array<i32>} : memref<1456xf32, #tpu.memory_space<vmem>>, vector<16xf32>,
      tpu.vector_store %arg7[%swap3A_1021], %add3A_1020 {strides = array<i32>} : memref<1456xf32, #tpu.memory_space<vmem>>, vector<16xf32>,
      %get3A_1023 = arith.constant 1440 : index
      %get3A_1024 = tpu.vector_load %arg7[%get3A_1023] {strides = array<i32>} : memref<1456xf32, #tpu.memory_space<vmem>>, vector<16xf32>,
      %get3A_1025 = arith.constant 1440 : index
      %get3A_1026 = tpu.vector_load %arg8[%get3A_1025] {strides = array<i32>} : memref<1456xf32, #tpu.memory_space<vmem>>, vector<16xf32>,
      %add3A_1027 = arith.addf %get3A_1024, %get3A_1026 : vector<16xf32>
      %swap3A_1028 = arith.constant 1440 : index
      %swap3A_1029 = tpu.vector_load %arg7[%swap3A_1028] {strides = array<i32>} : memref<1456xf32, #tpu.memory_space<vmem>>, vector<16xf32>,
      tpu.vector_store %arg7[%swap3A_1028], %add3A_1027 {strides = array<i32>} : memref<1456xf32, #tpu.memory_space<vmem>>, vector<16xf32>,
      %add3A_1030 = arith.constant 32 : i32
      %add3A_1031 = arith.addi %add3A, %add3A_1030 : i32
      "tpu.region"() ({
        %run_scoped3A = tpu.sem_alloc : memref<!tpu.dma_semaphore, #tpu.memory_space<semaphore_mem>>
        %dma_start3A = arith.constant 0 : i32
        %dma_start3A_1032 = tpu.memref_slice %arg4[%add3A_1031, %dma_start3A] : memref<48x1456xf32, #tpu.memory_space<hbm>> -> memref<1x1456xf32, #tpu.memory_space<hbm>>
        %dma_start3A_1033 = tpu.memref_squeeze %dma_start3A_1032 : memref<1x1456xf32, #tpu.memory_space<hbm>> -> memref<1456xf32, #tpu.memory_space<hbm>>
        %dma_start3A_1034 = arith.constant 0 : i32
        %dma_start3A_1035 = tpu.memref_slice %arg4[%add3A_1031, %dma_start3A_1034] : memref<48x1456xf32, #tpu.memory_space<hbm>> -> memref<1x1456xf32, #tpu.memory_space<hbm>>
        %dma_start3A_1036 = tpu.memref_squeeze %dma_start3A_1035 : memref<1x1456xf32, #tpu.memory_space<hbm>> -> memref<1456xf32, #tpu.memory_space<hbm>>
        tpu.enqueue_dma source(%arg7 : memref<1456xf32, #tpu.memory_space<vmem>>) target(%dma_start3A_1036 : memref<1456xf32, #tpu.memory_space<hbm>>) target_semaphore(%run_scoped3A : memref<!tpu.dma_semaphore, #tpu.memory_space<semaphore_mem>>)
        %dma_wait3A = arith.constant 0 : i32
        %dma_wait3A_1037 = tpu.memref_slice %arg4[%add3A_1031, %dma_wait3A] : memref<48x1456xf32, #tpu.memory_space<hbm>> -> memref<1x1456xf32, #tpu.memory_space<hbm>>
        %dma_wait3A_1038 = tpu.memref_squeeze %dma_wait3A_1037 : memref<1x1456xf32, #tpu.memory_space<hbm>> -> memref<1456xf32, #tpu.memory_space<hbm>>
        %dma_wait3A_1039 = arith.constant 0 : i32
        %dma_wait3A_1040 = tpu.memref_slice %arg4[%add3A_1031, %dma_wait3A_1039] : memref<48x1456xf32, #tpu.memory_space<hbm>> -> memref<1x1456xf32, #tpu.memory_space<hbm>>
        %dma_wait3A_1041 = tpu.memref_squeeze %dma_wait3A_1040 : memref<1x1456xf32, #tpu.memory_space<hbm>> -> memref<1456xf32, #tpu.memory_space<hbm>>
        tpu.wait_dma2 semaphore(%run_scoped3A : memref<!tpu.dma_semaphore, #tpu.memory_space<semaphore_mem>>) src(%arg7 : memref<1456xf32, #tpu.memory_space<vmem>>) dst(%dma_wait3A_1041 : memref<1456xf32, #tpu.memory_space<hbm>>)
        tpu.yield
      }) : () -> ()
    } else {
    }
    return
  }
}

module attributes {stable_mosaic.version = 14 : i64} {
  func.func @_tc_body(%arg0: i32, %arg1: i32, %arg2: memref<1x1024x3xf32, #tpu.memory_space<vmem>>, %arg3: memref<8x1536xf32, #tpu.memory_space<vmem>>, %arg4: memref<1x16x1536xf32, #tpu.memory_space<vmem>>, %arg5: memref<15x8x1536xi32, #tpu.memory_space<vmem>>, %arg6: memref<4x8x1536xi32, #tpu.memory_space<vmem>>) attributes {dimension_semantics = [#tpu.dimension_semantics<arbitrary>, #tpu.dimension_semantics<arbitrary>], iteration_bounds = array<i64: 4, 4>, scalar_prefetch = 0 : i64, scratch_operands = 2 : i64, tpu.core_type = #tpu.core_type<tc>, window_params = [{transform_indices = @transform_0, window_bounds = array<i64: 1, 1024, 3>}, {pipeline_mode = #tpu.pipeline_mode<synchronous>, transform_indices = @transform_1, window_bounds = array<i64: 8, 1536>}, {transform_indices = @transform_2, window_bounds = array<i64: 1, 16, 1536>}]} {
    %eq3A = arith.constant 0 : i32
    %eq3A_0 = arith.cmpi eq, %arg1, %eq3A : i32
    %convert_element_type3A = arith.extui %eq3A_0 : i1 to i32
    %cond3A = arith.constant 0 : i32
    %cond3A_1 = arith.cmpi ne, %convert_element_type3A, %cond3A : i32
    scf.if %cond3A_1 {
      %broadcast_in_dim3A_1524 = arith.constant 0 : i32
      %broadcast_in_dim3A_1525 = vector.broadcast %broadcast_in_dim3A_1524 : i32 to vector<15x8x1536xi32>
      %swap3A_1526 = arith.constant 0 : index
      %swap3A_1527 = arith.constant 0 : index
      %swap3A_1528 = arith.constant 0 : index
      %swap3A_1529 = vector.load %arg5[%swap3A_1526, %swap3A_1527, %swap3A_1528] : memref<15x8x1536xi32, #tpu.memory_space<vmem>>, vector<15x8x1536xi32>
      tpu.vector_store %arg5[%swap3A_1526, %swap3A_1527, %swap3A_1528], %broadcast_in_dim3A_1525 {strides = array<i32>} : memref<15x8x1536xi32, #tpu.memory_space<vmem>>, vector<15x8x1536xi32>,
      %broadcast_in_dim3A_1530 = arith.constant 0 : i32
      %broadcast_in_dim3A_1531 = vector.broadcast %broadcast_in_dim3A_1530 : i32 to vector<4x8x1536xi32>
      %swap3A_1532 = arith.constant 0 : index
      %swap3A_1533 = arith.constant 0 : index
      %swap3A_1534 = arith.constant 0 : index
      %swap3A_1535 = vector.load %arg6[%swap3A_1532, %swap3A_1533, %swap3A_1534] : memref<4x8x1536xi32, #tpu.memory_space<vmem>>, vector<4x8x1536xi32>
      tpu.vector_store %arg6[%swap3A_1532, %swap3A_1533, %swap3A_1534], %broadcast_in_dim3A_1531 {strides = array<i32>} : memref<4x8x1536xi32, #tpu.memory_space<vmem>>, vector<4x8x1536xi32>,
    } else {
    }
    %get3A = arith.constant 0 : index
    %get3A_2 = arith.constant 0 : index
    %get3A_3 = arith.constant 0 : index
    %get3A_4 = vector.load %arg2[%get3A, %get3A_2, %get3A_3] : memref<1x1024x3xf32, #tpu.memory_space<vmem>>, vector<1x1024x3xf32>
    %get3A_5 = vector.shape_cast %get3A_4 : vector<1x1024x3xf32> to vector<1024x3xf32>
    %broadcast_in_dim3A = arith.constant 1.000000e+00 : f32
    %broadcast_in_dim3A_6 = vector.broadcast %broadcast_in_dim3A : f32 to vector<1024x1xf32>
    %mul3A = arith.mulf %get3A_5, %get3A_5 : vector<1024x3xf32>
    %broadcast_in_dim3A_7 = arith.constant 0.000000e+00 : f32
    %broadcast_in_dim3A_8 = vector.broadcast %broadcast_in_dim3A_7 : f32 to vector<1024x1xf32>
    %concatenate3A = tpu.concatenate %get3A_5, %broadcast_in_dim3A_6, %mul3A, %broadcast_in_dim3A_8 in 1 : vector<1024x3xf32>, vector<1024x1xf32>, vector<1024x3xf32>, vector<1024x1xf32> -> vector<1024x8xf32>
    %get3A_9 = arith.constant 0 : index
    %get3A_10 = arith.constant 0 : index
    %get3A_11 = vector.load %arg3[%get3A_9, %get3A_10] : memref<8x1536xf32, #tpu.memory_space<vmem>>, vector<8x1536xf32>
    %dot_general3A = arith.constant dense<0.000000e+00> : vector<1024x1536xf32>
    %dot_general3A_12 = tpu.matmul %concatenate3A, %get3A_11, %dot_general3A {dimension_numbers = #tpu.dot_dimension_numbers<[1], [0], [0], [1], [0, 0, 1, 1], [], []>, transpose_lhs_hint = false} : vector<1024x8xf32>, vector<8x1536xf32>, vector<1024x1536xf32> -> vector<1024x1536xf32>
    %max3A = arith.constant 9.99999996E-13 : f32
    %max3A_13 = vector.broadcast %max3A : f32 to vector<1024x1536xf32>
    %max3A_14 = arith.maximumf %dot_general3A_12, %max3A_13 : vector<1024x1536xf32>
    %rsqrt3A = math.rsqrt %max3A_14 : vector<1024x1536xf32>
    %mul3A_15 = arith.mulf %max3A_14, %rsqrt3A : vector<1024x1536xf32>
    %jit3A = arith.constant 0.000000e+00 : f32
    %jit3A_16 = arith.constant 1.500000e+01 : f32
    %max3A_17 = vector.broadcast %jit3A : f32 to vector<1024x1536xf32>
    %max3A_18 = arith.maximumf %max3A_17, %mul3A_15 : vector<1024x1536xf32>
    %min3A = vector.broadcast %jit3A_16 : f32 to vector<1024x1536xf32>
    %min3A_19 = arith.minimumf %min3A, %max3A_18 : vector<1024x1536xf32>
    %convert_element_type3A_20 = arith.fptosi %min3A_19 : vector<1024x1536xf32> to vector<1024x1536xi32>
    %shift_left3A = arith.constant 2 : i32
    %shift_left3A_21 = vector.broadcast %shift_left3A : i32 to vector<1024x1536xi32>
    %shift_left3A_22 = arith.shli %convert_element_type3A_20, %shift_left3A_21 : vector<1024x1536xi32>
    %shift_left3A_23 = arith.constant 1 : i32
    %shift_left3A_24 = vector.broadcast %shift_left3A_23 : i32 to vector<1024x1536xi32>
    %shift_left3A_25 = arith.shli %shift_left3A_24, %shift_left3A_22 : vector<1024x1536xi32>
    %sub3A = arith.constant 32 : i32
    %sub3A_26 = vector.broadcast %sub3A : i32 to vector<1024x1536xi32>
    %sub3A_27 = arith.subi %shift_left3A_22, %sub3A_26 : vector<1024x1536xi32>
    %shift_left3A_28 = arith.constant 1 : i32
    %shift_left3A_29 = vector.broadcast %shift_left3A_28 : i32 to vector<1024x1536xi32>
    %shift_left3A_30 = arith.shli %shift_left3A_29, %sub3A_27 : vector<1024x1536xi32>
    %broadcast_in_dim3A_31 = arith.constant 0 : i32
    %broadcast_in_dim3A_32 = vector.broadcast %broadcast_in_dim3A_31 : i32 to vector<8x1536xi32>
    %broadcast_in_dim3A_33 = arith.constant 0 : i32
    %broadcast_in_dim3A_34 = vector.broadcast %broadcast_in_dim3A_33 : i32 to vector<8x1536xi32>
    %slice3A = vector.extract_strided_slice %shift_left3A_25 {offsets = [0, 0], sizes = [8, 1536], strides = [1, 1]} : vector<1024x1536xi32> to vector<8x1536xi32>
    %add3A = arith.addi %broadcast_in_dim3A_32, %slice3A : vector<8x1536xi32>
    %slice3A_35 = vector.extract_strided_slice %shift_left3A_30 {offsets = [0, 0], sizes = [8, 1536], strides = [1, 1]} : vector<1024x1536xi32> to vector<8x1536xi32>
    %add3A_36 = arith.addi %broadcast_in_dim3A_34, %slice3A_35 : vector<8x1536xi32>
    %slice3A_37 = vector.extract_strided_slice %shift_left3A_25 {offsets = [8, 0], sizes = [8, 1536], strides = [1, 1]} : vector<1024x1536xi32> to vector<8x1536xi32>
    %add3A_38 = arith.addi %add3A, %slice3A_37 : vector<8x1536xi32>
    %slice3A_39 = vector.extract_strided_slice %shift_left3A_30 {offsets = [8, 0], sizes = [8, 1536], strides = [1, 1]} : vector<1024x1536xi32> to vector<8x1536xi32>
    %add3A_40 = arith.addi %add3A_36, %slice3A_39 : vector<8x1536xi32>
    %slice3A_41 = vector.extract_strided_slice %shift_left3A_25 {offsets = [16, 0], sizes = [8, 1536], strides = [1, 1]} : vector<1024x1536xi32> to vector<8x1536xi32>
    %add3A_42 = arith.addi %add3A_38, %slice3A_41 : vector<8x1536xi32>
    %slice3A_43 = vector.extract_strided_slice %shift_left3A_30 {offsets = [16, 0], sizes = [8, 1536], strides = [1, 1]} : vector<1024x1536xi32> to vector<8x1536xi32>
    %add3A_44 = arith.addi %add3A_40, %slice3A_43 : vector<8x1536xi32>
    %slice3A_45 = vector.extract_strided_slice %shift_left3A_25 {offsets = [24, 0], sizes = [8, 1536], strides = [1, 1]} : vector<1024x1536xi32> to vector<8x1536xi32>
    %add3A_46 = arith.addi %add3A_42, %slice3A_45 : vector<8x1536xi32>
    %slice3A_47 = vector.extract_strided_slice %shift_left3A_30 {offsets = [24, 0], sizes = [8, 1536], strides = [1, 1]} : vector<1024x1536xi32> to vector<8x1536xi32>
    %add3A_48 = arith.addi %add3A_44, %slice3A_47 : vector<8x1536xi32>
    %slice3A_49 = vector.extract_strided_slice %shift_left3A_25 {offsets = [32, 0], sizes = [8, 1536], strides = [1, 1]} : vector<1024x1536xi32> to vector<8x1536xi32>
    %add3A_50 = arith.addi %add3A_46, %slice3A_49 : vector<8x1536xi32>
    %slice3A_51 = vector.extract_strided_slice %shift_left3A_30 {offsets = [32, 0], sizes = [8, 1536], strides = [1, 1]} : vector<1024x1536xi32> to vector<8x1536xi32>
    %add3A_52 = arith.addi %add3A_48, %slice3A_51 : vector<8x1536xi32>
    %slice3A_53 = vector.extract_strided_slice %shift_left3A_25 {offsets = [40, 0], sizes = [8, 1536], strides = [1, 1]} : vector<1024x1536xi32> to vector<8x1536xi32>
    %add3A_54 = arith.addi %add3A_50, %slice3A_53 : vector<8x1536xi32>
    %slice3A_55 = vector.extract_strided_slice %shift_left3A_30 {offsets = [40, 0], sizes = [8, 1536], strides = [1, 1]} : vector<1024x1536xi32> to vector<8x1536xi32>
    %add3A_56 = arith.addi %add3A_52, %slice3A_55 : vector<8x1536xi32>
    %slice3A_57 = vector.extract_strided_slice %shift_left3A_25 {offsets = [48, 0], sizes = [8, 1536], strides = [1, 1]} : vector<1024x1536xi32> to vector<8x1536xi32>
    %add3A_58 = arith.addi %add3A_54, %slice3A_57 : vector<8x1536xi32>
    %slice3A_59 = vector.extract_strided_slice %shift_left3A_30 {offsets = [48, 0], sizes = [8, 1536], strides = [1, 1]} : vector<1024x1536xi32> to vector<8x1536xi32>
    %add3A_60 = arith.addi %add3A_56, %slice3A_59 : vector<8x1536xi32>
    %slice3A_61 = vector.extract_strided_slice %shift_left3A_25 {offsets = [56, 0], sizes = [8, 1536], strides = [1, 1]} : vector<1024x1536xi32> to vector<8x1536xi32>
    %add3A_62 = arith.addi %add3A_58, %slice3A_61 : vector<8x1536xi32>
    %slice3A_63 = vector.extract_strided_slice %shift_left3A_30 {offsets = [56, 0], sizes = [8, 1536], strides = [1, 1]} : vector<1024x1536xi32> to vector<8x1536xi32>
    %add3A_64 = arith.addi %add3A_60, %slice3A_63 : vector<8x1536xi32>
    %slice3A_65 = vector.extract_strided_slice %shift_left3A_25 {offsets = [64, 0], sizes = [8, 1536], strides = [1, 1]} : vector<1024x1536xi32> to vector<8x1536xi32>
    %add3A_66 = arith.addi %add3A_62, %slice3A_65 : vector<8x1536xi32>
    %slice3A_67 = vector.extract_strided_slice %shift_left3A_30 {offsets = [64, 0], sizes = [8, 1536], strides = [1, 1]} : vector<1024x1536xi32> to vector<8x1536xi32>
    %add3A_68 = arith.addi %add3A_64, %slice3A_67 : vector<8x1536xi32>
    %slice3A_69 = vector.extract_strided_slice %shift_left3A_25 {offsets = [72, 0], sizes = [8, 1536], strides = [1, 1]} : vector<1024x1536xi32> to vector<8x1536xi32>
    %add3A_70 = arith.addi %add3A_66, %slice3A_69 : vector<8x1536xi32>
    %slice3A_71 = vector.extract_strided_slice %shift_left3A_30 {offsets = [72, 0], sizes = [8, 1536], strides = [1, 1]} : vector<1024x1536xi32> to vector<8x1536xi32>
    %add3A_72 = arith.addi %add3A_68, %slice3A_71 : vector<8x1536xi32>
    %slice3A_73 = vector.extract_strided_slice %shift_left3A_25 {offsets = [80, 0], sizes = [8, 1536], strides = [1, 1]} : vector<1024x1536xi32> to vector<8x1536xi32>
    %add3A_74 = arith.addi %add3A_70, %slice3A_73 : vector<8x1536xi32>
    %slice3A_75 = vector.extract_strided_slice %shift_left3A_30 {offsets = [80, 0], sizes = [8, 1536], strides = [1, 1]} : vector<1024x1536xi32> to vector<8x1536xi32>
    %add3A_76 = arith.addi %add3A_72, %slice3A_75 : vector<8x1536xi32>
    %slice3A_77 = vector.extract_strided_slice %shift_left3A_25 {offsets = [88, 0], sizes = [8, 1536], strides = [1, 1]} : vector<1024x1536xi32> to vector<8x1536xi32>
    %add3A_78 = arith.addi %add3A_74, %slice3A_77 : vector<8x1536xi32>
    %slice3A_79 = vector.extract_strided_slice %shift_left3A_30 {offsets = [88, 0], sizes = [8, 1536], strides = [1, 1]} : vector<1024x1536xi32> to vector<8x1536xi32>
    %add3A_80 = arith.addi %add3A_76, %slice3A_79 : vector<8x1536xi32>
    %slice3A_81 = vector.extract_strided_slice %shift_left3A_25 {offsets = [96, 0], sizes = [8, 1536], strides = [1, 1]} : vector<1024x1536xi32> to vector<8x1536xi32>
    %add3A_82 = arith.addi %add3A_78, %slice3A_81 : vector<8x1536xi32>
    %slice3A_83 = vector.extract_strided_slice %shift_left3A_30 {offsets = [96, 0], sizes = [8, 1536], strides = [1, 1]} : vector<1024x1536xi32> to vector<8x1536xi32>
    %add3A_84 = arith.addi %add3A_80, %slice3A_83 : vector<8x1536xi32>
    %slice3A_85 = vector.extract_strided_slice %shift_left3A_25 {offsets = [104, 0], sizes = [8, 1536], strides = [1, 1]} : vector<1024x1536xi32> to vector<8x1536xi32>
    %add3A_86 = arith.addi %add3A_82, %slice3A_85 : vector<8x1536xi32>
    %slice3A_87 = vector.extract_strided_slice %shift_left3A_30 {offsets = [104, 0], sizes = [8, 1536], strides = [1, 1]} : vector<1024x1536xi32> to vector<8x1536xi32>
    %add3A_88 = arith.addi %add3A_84, %slice3A_87 : vector<8x1536xi32>
    %slice3A_89 = vector.extract_strided_slice %shift_left3A_25 {offsets = [112, 0], sizes = [8, 1536], strides = [1, 1]} : vector<1024x1536xi32> to vector<8x1536xi32>
    %add3A_90 = arith.addi %add3A_86, %slice3A_89 : vector<8x1536xi32>
    %slice3A_91 = vector.extract_strided_slice %shift_left3A_30 {offsets = [112, 0], sizes = [8, 1536], strides = [1, 1]} : vector<1024x1536xi32> to vector<8x1536xi32>
    %add3A_92 = arith.addi %add3A_88, %slice3A_91 : vector<8x1536xi32>
    %get3A_93 = arith.constant 0 : index
    %get3A_94 = arith.constant 0 : index
    %get3A_95 = arith.constant 0 : index
    %get3A_96 = vector.load %arg6[%get3A_93, %get3A_94, %get3A_95] : memref<4x8x1536xi32, #tpu.memory_space<vmem>>, vector<1x8x1536xi32>
    %get3A_97 = vector.shape_cast %get3A_96 : vector<1x8x1536xi32> to vector<8x1536xi32>
    %and3A = arith.constant 252645135 : i32
    %and3A_98 = vector.broadcast %and3A : i32 to vector<8x1536xi32>
    %and3A_99 = arith.andi %add3A_90, %and3A_98 : vector<8x1536xi32>
    %add3A_100 = arith.addi %get3A_97, %and3A_99 : vector<8x1536xi32>
    %swap3A = arith.constant 0 : index
    %swap3A_101 = arith.constant 0 : index
    %swap3A_102 = arith.constant 0 : index
    %swap3A_103 = vector.load %arg6[%swap3A, %swap3A_101, %swap3A_102] : memref<4x8x1536xi32, #tpu.memory_space<vmem>>, vector<1x8x1536xi32>
    %swap3A_104 = vector.shape_cast %swap3A_103 : vector<1x8x1536xi32> to vector<8x1536xi32>
    %swap3A_105 = vector.shape_cast %add3A_100 : vector<8x1536xi32> to vector<1x8x1536xi32>
    tpu.vector_store %arg6[%swap3A, %swap3A_101, %swap3A_102], %swap3A_105 {strides = array<i32>} : memref<4x8x1536xi32, #tpu.memory_space<vmem>>, vector<1x8x1536xi32>,
    %get3A_106 = arith.constant 1 : index
    %get3A_107 = arith.constant 0 : index
    %get3A_108 = arith.constant 0 : index
    %get3A_109 = vector.load %arg6[%get3A_106, %get3A_107, %get3A_108] : memref<4x8x1536xi32, #tpu.memory_space<vmem>>, vector<1x8x1536xi32>
    %get3A_110 = vector.shape_cast %get3A_109 : vector<1x8x1536xi32> to vector<8x1536xi32>
    %shift_right_arithmetic3A = arith.constant 4 : i32
    %shift_right_arithmetic3A_111 = vector.broadcast %shift_right_arithmetic3A : i32 to vector<8x1536xi32>
    %shift_right_arithmetic3A_112 = arith.shrsi %add3A_90, %shift_right_arithmetic3A_111 : vector<8x1536xi32>
    %and3A_113 = arith.constant 252645135 : i32
    %and3A_114 = vector.broadcast %and3A_113 : i32 to vector<8x1536xi32>
    %and3A_115 = arith.andi %shift_right_arithmetic3A_112, %and3A_114 : vector<8x1536xi32>
    %add3A_116 = arith.addi %get3A_110, %and3A_115 : vector<8x1536xi32>
    %swap3A_117 = arith.constant 1 : index
    %swap3A_118 = arith.constant 0 : index
    %swap3A_119 = arith.constant 0 : index
    %swap3A_120 = vector.load %arg6[%swap3A_117, %swap3A_118, %swap3A_119] : memref<4x8x1536xi32, #tpu.memory_space<vmem>>, vector<1x8x1536xi32>
    %swap3A_121 = vector.shape_cast %swap3A_120 : vector<1x8x1536xi32> to vector<8x1536xi32>
    %swap3A_122 = vector.shape_cast %add3A_116 : vector<8x1536xi32> to vector<1x8x1536xi32>
    tpu.vector_store %arg6[%swap3A_117, %swap3A_118, %swap3A_119], %swap3A_122 {strides = array<i32>} : memref<4x8x1536xi32, #tpu.memory_space<vmem>>, vector<1x8x1536xi32>,
    %get3A_123 = arith.constant 2 : index
    %get3A_124 = arith.constant 0 : index
    %get3A_125 = arith.constant 0 : index
    %get3A_126 = vector.load %arg6[%get3A_123, %get3A_124, %get3A_125] : memref<4x8x1536xi32, #tpu.memory_space<vmem>>, vector<1x8x1536xi32>
    %get3A_127 = vector.shape_cast %get3A_126 : vector<1x8x1536xi32> to vector<8x1536xi32>
    %and3A_128 = arith.constant 252645135 : i32
    %and3A_129 = vector.broadcast %and3A_128 : i32 to vector<8x1536xi32>
    %and3A_130 = arith.andi %add3A_92, %and3A_129 : vector<8x1536xi32>
    %add3A_131 = arith.addi %get3A_127, %and3A_130 : vector<8x1536xi32>
    %swap3A_132 = arith.constant 2 : index
    %swap3A_133 = arith.constant 0 : index
    %swap3A_134 = arith.constant 0 : index
    %swap3A_135 = vector.load %arg6[%swap3A_132, %swap3A_133, %swap3A_134] : memref<4x8x1536xi32, #tpu.memory_space<vmem>>, vector<1x8x1536xi32>
    %swap3A_136 = vector.shape_cast %swap3A_135 : vector<1x8x1536xi32> to vector<8x1536xi32>
    %swap3A_137 = vector.shape_cast %add3A_131 : vector<8x1536xi32> to vector<1x8x1536xi32>
    tpu.vector_store %arg6[%swap3A_132, %swap3A_133, %swap3A_134], %swap3A_137 {strides = array<i32>} : memref<4x8x1536xi32, #tpu.memory_space<vmem>>, vector<1x8x1536xi32>,
    %get3A_138 = arith.constant 3 : index
    %get3A_139 = arith.constant 0 : index
    %get3A_140 = arith.constant 0 : index
    %get3A_141 = vector.load %arg6[%get3A_138, %get3A_139, %get3A_140] : memref<4x8x1536xi32, #tpu.memory_space<vmem>>, vector<1x8x1536xi32>
    %get3A_142 = vector.shape_cast %get3A_141 : vector<1x8x1536xi32> to vector<8x1536xi32>
    %shift_right_arithmetic3A_143 = arith.constant 4 : i32
    %shift_right_arithmetic3A_144 = vector.broadcast %shift_right_arithmetic3A_143 : i32 to vector<8x1536xi32>
    %shift_right_arithmetic3A_145 = arith.shrsi %add3A_92, %shift_right_arithmetic3A_144 : vector<8x1536xi32>
    %and3A_146 = arith.constant 252645135 : i32
    %and3A_147 = vector.broadcast %and3A_146 : i32 to vector<8x1536xi32>
    %and3A_148 = arith.andi %shift_right_arithmetic3A_145, %and3A_147 : vector<8x1536xi32>
    %add3A_149 = arith.addi %get3A_142, %and3A_148 : vector<8x1536xi32>
    %swap3A_150 = arith.constant 3 : index
    %swap3A_151 = arith.constant 0 : index
    %swap3A_152 = arith.constant 0 : index
    %swap3A_153 = vector.load %arg6[%swap3A_150, %swap3A_151, %swap3A_152] : memref<4x8x1536xi32, #tpu.memory_space<vmem>>, vector<1x8x1536xi32>
    %swap3A_154 = vector.shape_cast %swap3A_153 : vector<1x8x1536xi32> to vector<8x1536xi32>
    %swap3A_155 = vector.shape_cast %add3A_149 : vector<8x1536xi32> to vector<1x8x1536xi32>
    tpu.vector_store %arg6[%swap3A_150, %swap3A_151, %swap3A_152], %swap3A_155 {strides = array<i32>} : memref<4x8x1536xi32, #tpu.memory_space<vmem>>, vector<1x8x1536xi32>,
    %broadcast_in_dim3A_156 = arith.constant 0 : i32
    %broadcast_in_dim3A_157 = vector.broadcast %broadcast_in_dim3A_156 : i32 to vector<8x1536xi32>
    %broadcast_in_dim3A_158 = arith.constant 0 : i32
    %broadcast_in_dim3A_159 = vector.broadcast %broadcast_in_dim3A_158 : i32 to vector<8x1536xi32>
    %slice3A_160 = vector.extract_strided_slice %shift_left3A_25 {offsets = [120, 0], sizes = [8, 1536], strides = [1, 1]} : vector<1024x1536xi32> to vector<8x1536xi32>
    %add3A_161 = arith.addi %broadcast_in_dim3A_157, %slice3A_160 : vector<8x1536xi32>
    %slice3A_162 = vector.extract_strided_slice %shift_left3A_30 {offsets = [120, 0], sizes = [8, 1536], strides = [1, 1]} : vector<1024x1536xi32> to vector<8x1536xi32>
    %add3A_163 = arith.addi %broadcast_in_dim3A_159, %slice3A_162 : vector<8x1536xi32>
    %slice3A_164 = vector.extract_strided_slice %shift_left3A_25 {offsets = [128, 0], sizes = [8, 1536], strides = [1, 1]} : vector<1024x1536xi32> to vector<8x1536xi32>
    %add3A_165 = arith.addi %add3A_161, %slice3A_164 : vector<8x1536xi32>
    %slice3A_166 = vector.extract_strided_slice %shift_left3A_30 {offsets = [128, 0], sizes = [8, 1536], strides = [1, 1]} : vector<1024x1536xi32> to vector<8x1536xi32>
    %add3A_167 = arith.addi %add3A_163, %slice3A_166 : vector<8x1536xi32>
    %slice3A_168 = vector.extract_strided_slice %shift_left3A_25 {offsets = [136, 0], sizes = [8, 1536], strides = [1, 1]} : vector<1024x1536xi32> to vector<8x1536xi32>
    %add3A_169 = arith.addi %add3A_165, %slice3A_168 : vector<8x1536xi32>
    %slice3A_170 = vector.extract_strided_slice %shift_left3A_30 {offsets = [136, 0], sizes = [8, 1536], strides = [1, 1]} : vector<1024x1536xi32> to vector<8x1536xi32>
    %add3A_171 = arith.addi %add3A_167, %slice3A_170 : vector<8x1536xi32>
    %slice3A_172 = vector.extract_strided_slice %shift_left3A_25 {offsets = [144, 0], sizes = [8, 1536], strides = [1, 1]} : vector<1024x1536xi32> to vector<8x1536xi32>
    %add3A_173 = arith.addi %add3A_169, %slice3A_172 : vector<8x1536xi32>
    %slice3A_174 = vector.extract_strided_slice %shift_left3A_30 {offsets = [144, 0], sizes = [8, 1536], strides = [1, 1]} : vector<1024x1536xi32> to vector<8x1536xi32>
    %add3A_175 = arith.addi %add3A_171, %slice3A_174 : vector<8x1536xi32>
    %slice3A_176 = vector.extract_strided_slice %shift_left3A_25 {offsets = [152, 0], sizes = [8, 1536], strides = [1, 1]} : vector<1024x1536xi32> to vector<8x1536xi32>
    %add3A_177 = arith.addi %add3A_173, %slice3A_176 : vector<8x1536xi32>
    %slice3A_178 = vector.extract_strided_slice %shift_left3A_30 {offsets = [152, 0], sizes = [8, 1536], strides = [1, 1]} : vector<1024x1536xi32> to vector<8x1536xi32>
    %add3A_179 = arith.addi %add3A_175, %slice3A_178 : vector<8x1536xi32>
    %slice3A_180 = vector.extract_strided_slice %shift_left3A_25 {offsets = [160, 0], sizes = [8, 1536], strides = [1, 1]} : vector<1024x1536xi32> to vector<8x1536xi32>
    %add3A_181 = arith.addi %add3A_177, %slice3A_180 : vector<8x1536xi32>
    %slice3A_182 = vector.extract_strided_slice %shift_left3A_30 {offsets = [160, 0], sizes = [8, 1536], strides = [1, 1]} : vector<1024x1536xi32> to vector<8x1536xi32>
    %add3A_183 = arith.addi %add3A_179, %slice3A_182 : vector<8x1536xi32>
    %slice3A_184 = vector.extract_strided_slice %shift_left3A_25 {offsets = [168, 0], sizes = [8, 1536], strides = [1, 1]} : vector<1024x1536xi32> to vector<8x1536xi32>
    %add3A_185 = arith.addi %add3A_181, %slice3A_184 : vector<8x1536xi32>
    %slice3A_186 = vector.extract_strided_slice %shift_left3A_30 {offsets = [168, 0], sizes = [8, 1536], strides = [1, 1]} : vector<1024x1536xi32> to vector<8x1536xi32>
    %add3A_187 = arith.addi %add3A_183, %slice3A_186 : vector<8x1536xi32>
    %slice3A_188 = vector.extract_strided_slice %shift_left3A_25 {offsets = [176, 0], sizes = [8, 1536], strides = [1, 1]} : vector<1024x1536xi32> to vector<8x1536xi32>
    %add3A_189 = arith.addi %add3A_185, %slice3A_188 : vector<8x1536xi32>
    %slice3A_190 = vector.extract_strided_slice %shift_left3A_30 {offsets = [176, 0], sizes = [8, 1536], strides = [1, 1]} : vector<1024x1536xi32> to vector<8x1536xi32>
    %add3A_191 = arith.addi %add3A_187, %slice3A_190 : vector<8x1536xi32>
    %slice3A_192 = vector.extract_strided_slice %shift_left3A_25 {offsets = [184, 0], sizes = [8, 1536], strides = [1, 1]} : vector<1024x1536xi32> to vector<8x1536xi32>
    %add3A_193 = arith.addi %add3A_189, %slice3A_192 : vector<8x1536xi32>
    %slice3A_194 = vector.extract_strided_slice %shift_left3A_30 {offsets = [184, 0], sizes = [8, 1536], strides = [1, 1]} : vector<1024x1536xi32> to vector<8x1536xi32>
    %add3A_195 = arith.addi %add3A_191, %slice3A_194 : vector<8x1536xi32>
    %slice3A_196 = vector.extract_strided_slice %shift_left3A_25 {offsets = [192, 0], sizes = [8, 1536], strides = [1, 1]} : vector<1024x1536xi32> to vector<8x1536xi32>
    %add3A_197 = arith.addi %add3A_193, %slice3A_196 : vector<8x1536xi32>
    %slice3A_198 = vector.extract_strided_slice %shift_left3A_30 {offsets = [192, 0], sizes = [8, 1536], strides = [1, 1]} : vector<1024x1536xi32> to vector<8x1536xi32>
    %add3A_199 = arith.addi %add3A_195, %slice3A_198 : vector<8x1536xi32>
    %slice3A_200 = vector.extract_strided_slice %shift_left3A_25 {offsets = [200, 0], sizes = [8, 1536], strides = [1, 1]} : vector<1024x1536xi32> to vector<8x1536xi32>
    %add3A_201 = arith.addi %add3A_197, %slice3A_200 : vector<8x1536xi32>
    %slice3A_202 = vector.extract_strided_slice %shift_left3A_30 {offsets = [200, 0], sizes = [8, 1536], strides = [1, 1]} : vector<1024x1536xi32> to vector<8x1536xi32>
    %add3A_203 = arith.addi %add3A_199, %slice3A_202 : vector<8x1536xi32>
    %slice3A_204 = vector.extract_strided_slice %shift_left3A_25 {offsets = [208, 0], sizes = [8, 1536], strides = [1, 1]} : vector<1024x1536xi32> to vector<8x1536xi32>
    %add3A_205 = arith.addi %add3A_201, %slice3A_204 : vector<8x1536xi32>
    %slice3A_206 = vector.extract_strided_slice %shift_left3A_30 {offsets = [208, 0], sizes = [8, 1536], strides = [1, 1]} : vector<1024x1536xi32> to vector<8x1536xi32>
    %add3A_207 = arith.addi %add3A_203, %slice3A_206 : vector<8x1536xi32>
    %slice3A_208 = vector.extract_strided_slice %shift_left3A_25 {offsets = [216, 0], sizes = [8, 1536], strides = [1, 1]} : vector<1024x1536xi32> to vector<8x1536xi32>
    %add3A_209 = arith.addi %add3A_205, %slice3A_208 : vector<8x1536xi32>
    %slice3A_210 = vector.extract_strided_slice %shift_left3A_30 {offsets = [216, 0], sizes = [8, 1536], strides = [1, 1]} : vector<1024x1536xi32> to vector<8x1536xi32>
    %add3A_211 = arith.addi %add3A_207, %slice3A_210 : vector<8x1536xi32>
    %slice3A_212 = vector.extract_strided_slice %shift_left3A_25 {offsets = [224, 0], sizes = [8, 1536], strides = [1, 1]} : vector<1024x1536xi32> to vector<8x1536xi32>
    %add3A_213 = arith.addi %add3A_209, %slice3A_212 : vector<8x1536xi32>
    %slice3A_214 = vector.extract_strided_slice %shift_left3A_30 {offsets = [224, 0], sizes = [8, 1536], strides = [1, 1]} : vector<1024x1536xi32> to vector<8x1536xi32>
    %add3A_215 = arith.addi %add3A_211, %slice3A_214 : vector<8x1536xi32>
    %slice3A_216 = vector.extract_strided_slice %shift_left3A_25 {offsets = [232, 0], sizes = [8, 1536], strides = [1, 1]} : vector<1024x1536xi32> to vector<8x1536xi32>
    %add3A_217 = arith.addi %add3A_213, %slice3A_216 : vector<8x1536xi32>
    %slice3A_218 = vector.extract_strided_slice %shift_left3A_30 {offsets = [232, 0], sizes = [8, 1536], strides = [1, 1]} : vector<1024x1536xi32> to vector<8x1536xi32>
    %add3A_219 = arith.addi %add3A_215, %slice3A_218 : vector<8x1536xi32>
    %get3A_220 = arith.constant 0 : index
    %get3A_221 = arith.constant 0 : index
    %get3A_222 = arith.constant 0 : index
    %get3A_223 = vector.load %arg6[%get3A_220, %get3A_221, %get3A_222] : memref<4x8x1536xi32, #tpu.memory_space<vmem>>, vector<1x8x1536xi32>
    %get3A_224 = vector.shape_cast %get3A_223 : vector<1x8x1536xi32> to vector<8x1536xi32>
    %and3A_225 = arith.constant 252645135 : i32
    %and3A_226 = vector.broadcast %and3A_225 : i32 to vector<8x1536xi32>
    %and3A_227 = arith.andi %add3A_217, %and3A_226 : vector<8x1536xi32>
    %add3A_228 = arith.addi %get3A_224, %and3A_227 : vector<8x1536xi32>
    %swap3A_229 = arith.constant 0 : index
    %swap3A_230 = arith.constant 0 : index
    %swap3A_231 = arith.constant 0 : index
    %swap3A_232 = vector.load %arg6[%swap3A_229, %swap3A_230, %swap3A_231] : memref<4x8x1536xi32, #tpu.memory_space<vmem>>, vector<1x8x1536xi32>
    %swap3A_233 = vector.shape_cast %swap3A_232 : vector<1x8x1536xi32> to vector<8x1536xi32>
    %swap3A_234 = vector.shape_cast %add3A_228 : vector<8x1536xi32> to vector<1x8x1536xi32>
    tpu.vector_store %arg6[%swap3A_229, %swap3A_230, %swap3A_231], %swap3A_234 {strides = array<i32>} : memref<4x8x1536xi32, #tpu.memory_space<vmem>>, vector<1x8x1536xi32>,
    %get3A_235 = arith.constant 1 : index
    %get3A_236 = arith.constant 0 : index
    %get3A_237 = arith.constant 0 : index
    %get3A_238 = vector.load %arg6[%get3A_235, %get3A_236, %get3A_237] : memref<4x8x1536xi32, #tpu.memory_space<vmem>>, vector<1x8x1536xi32>
    %get3A_239 = vector.shape_cast %get3A_238 : vector<1x8x1536xi32> to vector<8x1536xi32>
    %shift_right_arithmetic3A_240 = arith.constant 4 : i32
    %shift_right_arithmetic3A_241 = vector.broadcast %shift_right_arithmetic3A_240 : i32 to vector<8x1536xi32>
    %shift_right_arithmetic3A_242 = arith.shrsi %add3A_217, %shift_right_arithmetic3A_241 : vector<8x1536xi32>
    %and3A_243 = arith.constant 252645135 : i32
    %and3A_244 = vector.broadcast %and3A_243 : i32 to vector<8x1536xi32>
    %and3A_245 = arith.andi %shift_right_arithmetic3A_242, %and3A_244 : vector<8x1536xi32>
    %add3A_246 = arith.addi %get3A_239, %and3A_245 : vector<8x1536xi32>
    %swap3A_247 = arith.constant 1 : index
    %swap3A_248 = arith.constant 0 : index
    %swap3A_249 = arith.constant 0 : index
    %swap3A_250 = vector.load %arg6[%swap3A_247, %swap3A_248, %swap3A_249] : memref<4x8x1536xi32, #tpu.memory_space<vmem>>, vector<1x8x1536xi32>
    %swap3A_251 = vector.shape_cast %swap3A_250 : vector<1x8x1536xi32> to vector<8x1536xi32>
    %swap3A_252 = vector.shape_cast %add3A_246 : vector<8x1536xi32> to vector<1x8x1536xi32>
    tpu.vector_store %arg6[%swap3A_247, %swap3A_248, %swap3A_249], %swap3A_252 {strides = array<i32>} : memref<4x8x1536xi32, #tpu.memory_space<vmem>>, vector<1x8x1536xi32>,
    %get3A_253 = arith.constant 2 : index
    %get3A_254 = arith.constant 0 : index
    %get3A_255 = arith.constant 0 : index
    %get3A_256 = vector.load %arg6[%get3A_253, %get3A_254, %get3A_255] : memref<4x8x1536xi32, #tpu.memory_space<vmem>>, vector<1x8x1536xi32>
    %get3A_257 = vector.shape_cast %get3A_256 : vector<1x8x1536xi32> to vector<8x1536xi32>
    %and3A_258 = arith.constant 252645135 : i32
    %and3A_259 = vector.broadcast %and3A_258 : i32 to vector<8x1536xi32>
    %and3A_260 = arith.andi %add3A_219, %and3A_259 : vector<8x1536xi32>
    %add3A_261 = arith.addi %get3A_257, %and3A_260 : vector<8x1536xi32>
    %swap3A_262 = arith.constant 2 : index
    %swap3A_263 = arith.constant 0 : index
    %swap3A_264 = arith.constant 0 : index
    %swap3A_265 = vector.load %arg6[%swap3A_262, %swap3A_263, %swap3A_264] : memref<4x8x1536xi32, #tpu.memory_space<vmem>>, vector<1x8x1536xi32>
    %swap3A_266 = vector.shape_cast %swap3A_265 : vector<1x8x1536xi32> to vector<8x1536xi32>
    %swap3A_267 = vector.shape_cast %add3A_261 : vector<8x1536xi32> to vector<1x8x1536xi32>
    tpu.vector_store %arg6[%swap3A_262, %swap3A_263, %swap3A_264], %swap3A_267 {strides = array<i32>} : memref<4x8x1536xi32, #tpu.memory_space<vmem>>, vector<1x8x1536xi32>,
    %get3A_268 = arith.constant 3 : index
    %get3A_269 = arith.constant 0 : index
    %get3A_270 = arith.constant 0 : index
    %get3A_271 = vector.load %arg6[%get3A_268, %get3A_269, %get3A_270] : memref<4x8x1536xi32, #tpu.memory_space<vmem>>, vector<1x8x1536xi32>
    %get3A_272 = vector.shape_cast %get3A_271 : vector<1x8x1536xi32> to vector<8x1536xi32>
    %shift_right_arithmetic3A_273 = arith.constant 4 : i32
    %shift_right_arithmetic3A_274 = vector.broadcast %shift_right_arithmetic3A_273 : i32 to vector<8x1536xi32>
    %shift_right_arithmetic3A_275 = arith.shrsi %add3A_219, %shift_right_arithmetic3A_274 : vector<8x1536xi32>
    %and3A_276 = arith.constant 252645135 : i32
    %and3A_277 = vector.broadcast %and3A_276 : i32 to vector<8x1536xi32>
    %and3A_278 = arith.andi %shift_right_arithmetic3A_275, %and3A_277 : vector<8x1536xi32>
    %add3A_279 = arith.addi %get3A_272, %and3A_278 : vector<8x1536xi32>
    %swap3A_280 = arith.constant 3 : index
    %swap3A_281 = arith.constant 0 : index
    %swap3A_282 = arith.constant 0 : index
    %swap3A_283 = vector.load %arg6[%swap3A_280, %swap3A_281, %swap3A_282] : memref<4x8x1536xi32, #tpu.memory_space<vmem>>, vector<1x8x1536xi32>
    %swap3A_284 = vector.shape_cast %swap3A_283 : vector<1x8x1536xi32> to vector<8x1536xi32>
    %swap3A_285 = vector.shape_cast %add3A_279 : vector<8x1536xi32> to vector<1x8x1536xi32>
    tpu.vector_store %arg6[%swap3A_280, %swap3A_281, %swap3A_282], %swap3A_285 {strides = array<i32>} : memref<4x8x1536xi32, #tpu.memory_space<vmem>>, vector<1x8x1536xi32>,
    %broadcast_in_dim3A_286 = arith.constant 0 : i32
    %broadcast_in_dim3A_287 = vector.broadcast %broadcast_in_dim3A_286 : i32 to vector<8x1536xi32>
    %broadcast_in_dim3A_288 = arith.constant 0 : i32
    %broadcast_in_dim3A_289 = vector.broadcast %broadcast_in_dim3A_288 : i32 to vector<8x1536xi32>
    %slice3A_290 = vector.extract_strided_slice %shift_left3A_25 {offsets = [240, 0], sizes = [8, 1536], strides = [1, 1]} : vector<1024x1536xi32> to vector<8x1536xi32>
    %add3A_291 = arith.addi %broadcast_in_dim3A_287, %slice3A_290 : vector<8x1536xi32>
    %slice3A_292 = vector.extract_strided_slice %shift_left3A_30 {offsets = [240, 0], sizes = [8, 1536], strides = [1, 1]} : vector<1024x1536xi32> to vector<8x1536xi32>
    %add3A_293 = arith.addi %broadcast_in_dim3A_289, %slice3A_292 : vector<8x1536xi32>
    %slice3A_294 = vector.extract_strided_slice %shift_left3A_25 {offsets = [248, 0], sizes = [8, 1536], strides = [1, 1]} : vector<1024x1536xi32> to vector<8x1536xi32>
    %add3A_295 = arith.addi %add3A_291, %slice3A_294 : vector<8x1536xi32>
    %slice3A_296 = vector.extract_strided_slice %shift_left3A_30 {offsets = [248, 0], sizes = [8, 1536], strides = [1, 1]} : vector<1024x1536xi32> to vector<8x1536xi32>
    %add3A_297 = arith.addi %add3A_293, %slice3A_296 : vector<8x1536xi32>
    %slice3A_298 = vector.extract_strided_slice %shift_left3A_25 {offsets = [256, 0], sizes = [8, 1536], strides = [1, 1]} : vector<1024x1536xi32> to vector<8x1536xi32>
    %add3A_299 = arith.addi %add3A_295, %slice3A_298 : vector<8x1536xi32>
    %slice3A_300 = vector.extract_strided_slice %shift_left3A_30 {offsets = [256, 0], sizes = [8, 1536], strides = [1, 1]} : vector<1024x1536xi32> to vector<8x1536xi32>
    %add3A_301 = arith.addi %add3A_297, %slice3A_300 : vector<8x1536xi32>
    %slice3A_302 = vector.extract_strided_slice %shift_left3A_25 {offsets = [264, 0], sizes = [8, 1536], strides = [1, 1]} : vector<1024x1536xi32> to vector<8x1536xi32>
    %add3A_303 = arith.addi %add3A_299, %slice3A_302 : vector<8x1536xi32>
    %slice3A_304 = vector.extract_strided_slice %shift_left3A_30 {offsets = [264, 0], sizes = [8, 1536], strides = [1, 1]} : vector<1024x1536xi32> to vector<8x1536xi32>
    %add3A_305 = arith.addi %add3A_301, %slice3A_304 : vector<8x1536xi32>
    %slice3A_306 = vector.extract_strided_slice %shift_left3A_25 {offsets = [272, 0], sizes = [8, 1536], strides = [1, 1]} : vector<1024x1536xi32> to vector<8x1536xi32>
    %add3A_307 = arith.addi %add3A_303, %slice3A_306 : vector<8x1536xi32>
    %slice3A_308 = vector.extract_strided_slice %shift_left3A_30 {offsets = [272, 0], sizes = [8, 1536], strides = [1, 1]} : vector<1024x1536xi32> to vector<8x1536xi32>
    %add3A_309 = arith.addi %add3A_305, %slice3A_308 : vector<8x1536xi32>
    %slice3A_310 = vector.extract_strided_slice %shift_left3A_25 {offsets = [280, 0], sizes = [8, 1536], strides = [1, 1]} : vector<1024x1536xi32> to vector<8x1536xi32>
    %add3A_311 = arith.addi %add3A_307, %slice3A_310 : vector<8x1536xi32>
    %slice3A_312 = vector.extract_strided_slice %shift_left3A_30 {offsets = [280, 0], sizes = [8, 1536], strides = [1, 1]} : vector<1024x1536xi32> to vector<8x1536xi32>
    %add3A_313 = arith.addi %add3A_309, %slice3A_312 : vector<8x1536xi32>
    %slice3A_314 = vector.extract_strided_slice %shift_left3A_25 {offsets = [288, 0], sizes = [8, 1536], strides = [1, 1]} : vector<1024x1536xi32> to vector<8x1536xi32>
    %add3A_315 = arith.addi %add3A_311, %slice3A_314 : vector<8x1536xi32>
    %slice3A_316 = vector.extract_strided_slice %shift_left3A_30 {offsets = [288, 0], sizes = [8, 1536], strides = [1, 1]} : vector<1024x1536xi32> to vector<8x1536xi32>
    %add3A_317 = arith.addi %add3A_313, %slice3A_316 : vector<8x1536xi32>
    %slice3A_318 = vector.extract_strided_slice %shift_left3A_25 {offsets = [296, 0], sizes = [8, 1536], strides = [1, 1]} : vector<1024x1536xi32> to vector<8x1536xi32>
    %add3A_319 = arith.addi %add3A_315, %slice3A_318 : vector<8x1536xi32>
    %slice3A_320 = vector.extract_strided_slice %shift_left3A_30 {offsets = [296, 0], sizes = [8, 1536], strides = [1, 1]} : vector<1024x1536xi32> to vector<8x1536xi32>
    %add3A_321 = arith.addi %add3A_317, %slice3A_320 : vector<8x1536xi32>
    %slice3A_322 = vector.extract_strided_slice %shift_left3A_25 {offsets = [304, 0], sizes = [8, 1536], strides = [1, 1]} : vector<1024x1536xi32> to vector<8x1536xi32>
    %add3A_323 = arith.addi %add3A_319, %slice3A_322 : vector<8x1536xi32>
    %slice3A_324 = vector.extract_strided_slice %shift_left3A_30 {offsets = [304, 0], sizes = [8, 1536], strides = [1, 1]} : vector<1024x1536xi32> to vector<8x1536xi32>
    %add3A_325 = arith.addi %add3A_321, %slice3A_324 : vector<8x1536xi32>
    %slice3A_326 = vector.extract_strided_slice %shift_left3A_25 {offsets = [312, 0], sizes = [8, 1536], strides = [1, 1]} : vector<1024x1536xi32> to vector<8x1536xi32>
    %add3A_327 = arith.addi %add3A_323, %slice3A_326 : vector<8x1536xi32>
    %slice3A_328 = vector.extract_strided_slice %shift_left3A_30 {offsets = [312, 0], sizes = [8, 1536], strides = [1, 1]} : vector<1024x1536xi32> to vector<8x1536xi32>
    %add3A_329 = arith.addi %add3A_325, %slice3A_328 : vector<8x1536xi32>
    %slice3A_330 = vector.extract_strided_slice %shift_left3A_25 {offsets = [320, 0], sizes = [8, 1536], strides = [1, 1]} : vector<1024x1536xi32> to vector<8x1536xi32>
    %add3A_331 = arith.addi %add3A_327, %slice3A_330 : vector<8x1536xi32>
    %slice3A_332 = vector.extract_strided_slice %shift_left3A_30 {offsets = [320, 0], sizes = [8, 1536], strides = [1, 1]} : vector<1024x1536xi32> to vector<8x1536xi32>
    %add3A_333 = arith.addi %add3A_329, %slice3A_332 : vector<8x1536xi32>
    %slice3A_334 = vector.extract_strided_slice %shift_left3A_25 {offsets = [328, 0], sizes = [8, 1536], strides = [1, 1]} : vector<1024x1536xi32> to vector<8x1536xi32>
    %add3A_335 = arith.addi %add3A_331, %slice3A_334 : vector<8x1536xi32>
    %slice3A_336 = vector.extract_strided_slice %shift_left3A_30 {offsets = [328, 0], sizes = [8, 1536], strides = [1, 1]} : vector<1024x1536xi32> to vector<8x1536xi32>
    %add3A_337 = arith.addi %add3A_333, %slice3A_336 : vector<8x1536xi32>
    %slice3A_338 = vector.extract_strided_slice %shift_left3A_25 {offsets = [336, 0], sizes = [8, 1536], strides = [1, 1]} : vector<1024x1536xi32> to vector<8x1536xi32>
    %add3A_339 = arith.addi %add3A_335, %slice3A_338 : vector<8x1536xi32>
    %slice3A_340 = vector.extract_strided_slice %shift_left3A_30 {offsets = [336, 0], sizes = [8, 1536], strides = [1, 1]} : vector<1024x1536xi32> to vector<8x1536xi32>
    %add3A_341 = arith.addi %add3A_337, %slice3A_340 : vector<8x1536xi32>
    %slice3A_342 = vector.extract_strided_slice %shift_left3A_25 {offsets = [344, 0], sizes = [8, 1536], strides = [1, 1]} : vector<1024x1536xi32> to vector<8x1536xi32>
    %add3A_343 = arith.addi %add3A_339, %slice3A_342 : vector<8x1536xi32>
    %slice3A_344 = vector.extract_strided_slice %shift_left3A_30 {offsets = [344, 0], sizes = [8, 1536], strides = [1, 1]} : vector<1024x1536xi32> to vector<8x1536xi32>
    %add3A_345 = arith.addi %add3A_341, %slice3A_344 : vector<8x1536xi32>
    %slice3A_346 = vector.extract_strided_slice %shift_left3A_25 {offsets = [352, 0], sizes = [8, 1536], strides = [1, 1]} : vector<1024x1536xi32> to vector<8x1536xi32>
    %add3A_347 = arith.addi %add3A_343, %slice3A_346 : vector<8x1536xi32>
    %slice3A_348 = vector.extract_strided_slice %shift_left3A_30 {offsets = [352, 0], sizes = [8, 1536], strides = [1, 1]} : vector<1024x1536xi32> to vector<8x1536xi32>
    %add3A_349 = arith.addi %add3A_345, %slice3A_348 : vector<8x1536xi32>
    %get3A_350 = arith.constant 0 : index
    %get3A_351 = arith.constant 0 : index
    %get3A_352 = arith.constant 0 : index
    %get3A_353 = vector.load %arg6[%get3A_350, %get3A_351, %get3A_352] : memref<4x8x1536xi32, #tpu.memory_space<vmem>>, vector<1x8x1536xi32>
    %get3A_354 = vector.shape_cast %get3A_353 : vector<1x8x1536xi32> to vector<8x1536xi32>
    %and3A_355 = arith.constant 252645135 : i32
    %and3A_356 = vector.broadcast %and3A_355 : i32 to vector<8x1536xi32>
    %and3A_357 = arith.andi %add3A_347, %and3A_356 : vector<8x1536xi32>
    %add3A_358 = arith.addi %get3A_354, %and3A_357 : vector<8x1536xi32>
    %swap3A_359 = arith.constant 0 : index
    %swap3A_360 = arith.constant 0 : index
    %swap3A_361 = arith.constant 0 : index
    %swap3A_362 = vector.load %arg6[%swap3A_359, %swap3A_360, %swap3A_361] : memref<4x8x1536xi32, #tpu.memory_space<vmem>>, vector<1x8x1536xi32>
    %swap3A_363 = vector.shape_cast %swap3A_362 : vector<1x8x1536xi32> to vector<8x1536xi32>
    %swap3A_364 = vector.shape_cast %add3A_358 : vector<8x1536xi32> to vector<1x8x1536xi32>
    tpu.vector_store %arg6[%swap3A_359, %swap3A_360, %swap3A_361], %swap3A_364 {strides = array<i32>} : memref<4x8x1536xi32, #tpu.memory_space<vmem>>, vector<1x8x1536xi32>,
    %get3A_365 = arith.constant 1 : index
    %get3A_366 = arith.constant 0 : index
    %get3A_367 = arith.constant 0 : index
    %get3A_368 = vector.load %arg6[%get3A_365, %get3A_366, %get3A_367] : memref<4x8x1536xi32, #tpu.memory_space<vmem>>, vector<1x8x1536xi32>
    %get3A_369 = vector.shape_cast %get3A_368 : vector<1x8x1536xi32> to vector<8x1536xi32>
    %shift_right_arithmetic3A_370 = arith.constant 4 : i32
    %shift_right_arithmetic3A_371 = vector.broadcast %shift_right_arithmetic3A_370 : i32 to vector<8x1536xi32>
    %shift_right_arithmetic3A_372 = arith.shrsi %add3A_347, %shift_right_arithmetic3A_371 : vector<8x1536xi32>
    %and3A_373 = arith.constant 252645135 : i32
    %and3A_374 = vector.broadcast %and3A_373 : i32 to vector<8x1536xi32>
    %and3A_375 = arith.andi %shift_right_arithmetic3A_372, %and3A_374 : vector<8x1536xi32>
    %add3A_376 = arith.addi %get3A_369, %and3A_375 : vector<8x1536xi32>
    %swap3A_377 = arith.constant 1 : index
    %swap3A_378 = arith.constant 0 : index
    %swap3A_379 = arith.constant 0 : index
    %swap3A_380 = vector.load %arg6[%swap3A_377, %swap3A_378, %swap3A_379] : memref<4x8x1536xi32, #tpu.memory_space<vmem>>, vector<1x8x1536xi32>
    %swap3A_381 = vector.shape_cast %swap3A_380 : vector<1x8x1536xi32> to vector<8x1536xi32>
    %swap3A_382 = vector.shape_cast %add3A_376 : vector<8x1536xi32> to vector<1x8x1536xi32>
    tpu.vector_store %arg6[%swap3A_377, %swap3A_378, %swap3A_379], %swap3A_382 {strides = array<i32>} : memref<4x8x1536xi32, #tpu.memory_space<vmem>>, vector<1x8x1536xi32>,
    %get3A_383 = arith.constant 2 : index
    %get3A_384 = arith.constant 0 : index
    %get3A_385 = arith.constant 0 : index
    %get3A_386 = vector.load %arg6[%get3A_383, %get3A_384, %get3A_385] : memref<4x8x1536xi32, #tpu.memory_space<vmem>>, vector<1x8x1536xi32>
    %get3A_387 = vector.shape_cast %get3A_386 : vector<1x8x1536xi32> to vector<8x1536xi32>
    %and3A_388 = arith.constant 252645135 : i32
    %and3A_389 = vector.broadcast %and3A_388 : i32 to vector<8x1536xi32>
    %and3A_390 = arith.andi %add3A_349, %and3A_389 : vector<8x1536xi32>
    %add3A_391 = arith.addi %get3A_387, %and3A_390 : vector<8x1536xi32>
    %swap3A_392 = arith.constant 2 : index
    %swap3A_393 = arith.constant 0 : index
    %swap3A_394 = arith.constant 0 : index
    %swap3A_395 = vector.load %arg6[%swap3A_392, %swap3A_393, %swap3A_394] : memref<4x8x1536xi32, #tpu.memory_space<vmem>>, vector<1x8x1536xi32>
    %swap3A_396 = vector.shape_cast %swap3A_395 : vector<1x8x1536xi32> to vector<8x1536xi32>
    %swap3A_397 = vector.shape_cast %add3A_391 : vector<8x1536xi32> to vector<1x8x1536xi32>
    tpu.vector_store %arg6[%swap3A_392, %swap3A_393, %swap3A_394], %swap3A_397 {strides = array<i32>} : memref<4x8x1536xi32, #tpu.memory_space<vmem>>, vector<1x8x1536xi32>,
    %get3A_398 = arith.constant 3 : index
    %get3A_399 = arith.constant 0 : index
    %get3A_400 = arith.constant 0 : index
    %get3A_401 = vector.load %arg6[%get3A_398, %get3A_399, %get3A_400] : memref<4x8x1536xi32, #tpu.memory_space<vmem>>, vector<1x8x1536xi32>
    %get3A_402 = vector.shape_cast %get3A_401 : vector<1x8x1536xi32> to vector<8x1536xi32>
    %shift_right_arithmetic3A_403 = arith.constant 4 : i32
    %shift_right_arithmetic3A_404 = vector.broadcast %shift_right_arithmetic3A_403 : i32 to vector<8x1536xi32>
    %shift_right_arithmetic3A_405 = arith.shrsi %add3A_349, %shift_right_arithmetic3A_404 : vector<8x1536xi32>
    %and3A_406 = arith.constant 252645135 : i32
    %and3A_407 = vector.broadcast %and3A_406 : i32 to vector<8x1536xi32>
    %and3A_408 = arith.andi %shift_right_arithmetic3A_405, %and3A_407 : vector<8x1536xi32>
    %add3A_409 = arith.addi %get3A_402, %and3A_408 : vector<8x1536xi32>
    %swap3A_410 = arith.constant 3 : index
    %swap3A_411 = arith.constant 0 : index
    %swap3A_412 = arith.constant 0 : index
    %swap3A_413 = vector.load %arg6[%swap3A_410, %swap3A_411, %swap3A_412] : memref<4x8x1536xi32, #tpu.memory_space<vmem>>, vector<1x8x1536xi32>
    %swap3A_414 = vector.shape_cast %swap3A_413 : vector<1x8x1536xi32> to vector<8x1536xi32>
    %swap3A_415 = vector.shape_cast %add3A_409 : vector<8x1536xi32> to vector<1x8x1536xi32>
    tpu.vector_store %arg6[%swap3A_410, %swap3A_411, %swap3A_412], %swap3A_415 {strides = array<i32>} : memref<4x8x1536xi32, #tpu.memory_space<vmem>>, vector<1x8x1536xi32>,
    %broadcast_in_dim3A_416 = arith.constant 0 : i32
    %broadcast_in_dim3A_417 = vector.broadcast %broadcast_in_dim3A_416 : i32 to vector<8x1536xi32>
    %broadcast_in_dim3A_418 = arith.constant 0 : i32
    %broadcast_in_dim3A_419 = vector.broadcast %broadcast_in_dim3A_418 : i32 to vector<8x1536xi32>
    %slice3A_420 = vector.extract_strided_slice %shift_left3A_25 {offsets = [360, 0], sizes = [8, 1536], strides = [1, 1]} : vector<1024x1536xi32> to vector<8x1536xi32>
    %add3A_421 = arith.addi %broadcast_in_dim3A_417, %slice3A_420 : vector<8x1536xi32>
    %slice3A_422 = vector.extract_strided_slice %shift_left3A_30 {offsets = [360, 0], sizes = [8, 1536], strides = [1, 1]} : vector<1024x1536xi32> to vector<8x1536xi32>
    %add3A_423 = arith.addi %broadcast_in_dim3A_419, %slice3A_422 : vector<8x1536xi32>
    %slice3A_424 = vector.extract_strided_slice %shift_left3A_25 {offsets = [368, 0], sizes = [8, 1536], strides = [1, 1]} : vector<1024x1536xi32> to vector<8x1536xi32>
    %add3A_425 = arith.addi %add3A_421, %slice3A_424 : vector<8x1536xi32>
    %slice3A_426 = vector.extract_strided_slice %shift_left3A_30 {offsets = [368, 0], sizes = [8, 1536], strides = [1, 1]} : vector<1024x1536xi32> to vector<8x1536xi32>
    %add3A_427 = arith.addi %add3A_423, %slice3A_426 : vector<8x1536xi32>
    %slice3A_428 = vector.extract_strided_slice %shift_left3A_25 {offsets = [376, 0], sizes = [8, 1536], strides = [1, 1]} : vector<1024x1536xi32> to vector<8x1536xi32>
    %add3A_429 = arith.addi %add3A_425, %slice3A_428 : vector<8x1536xi32>
    %slice3A_430 = vector.extract_strided_slice %shift_left3A_30 {offsets = [376, 0], sizes = [8, 1536], strides = [1, 1]} : vector<1024x1536xi32> to vector<8x1536xi32>
    %add3A_431 = arith.addi %add3A_427, %slice3A_430 : vector<8x1536xi32>
    %slice3A_432 = vector.extract_strided_slice %shift_left3A_25 {offsets = [384, 0], sizes = [8, 1536], strides = [1, 1]} : vector<1024x1536xi32> to vector<8x1536xi32>
    %add3A_433 = arith.addi %add3A_429, %slice3A_432 : vector<8x1536xi32>
    %slice3A_434 = vector.extract_strided_slice %shift_left3A_30 {offsets = [384, 0], sizes = [8, 1536], strides = [1, 1]} : vector<1024x1536xi32> to vector<8x1536xi32>
    %add3A_435 = arith.addi %add3A_431, %slice3A_434 : vector<8x1536xi32>
    %slice3A_436 = vector.extract_strided_slice %shift_left3A_25 {offsets = [392, 0], sizes = [8, 1536], strides = [1, 1]} : vector<1024x1536xi32> to vector<8x1536xi32>
    %add3A_437 = arith.addi %add3A_433, %slice3A_436 : vector<8x1536xi32>
    %slice3A_438 = vector.extract_strided_slice %shift_left3A_30 {offsets = [392, 0], sizes = [8, 1536], strides = [1, 1]} : vector<1024x1536xi32> to vector<8x1536xi32>
    %add3A_439 = arith.addi %add3A_435, %slice3A_438 : vector<8x1536xi32>
    %slice3A_440 = vector.extract_strided_slice %shift_left3A_25 {offsets = [400, 0], sizes = [8, 1536], strides = [1, 1]} : vector<1024x1536xi32> to vector<8x1536xi32>
    %add3A_441 = arith.addi %add3A_437, %slice3A_440 : vector<8x1536xi32>
    %slice3A_442 = vector.extract_strided_slice %shift_left3A_30 {offsets = [400, 0], sizes = [8, 1536], strides = [1, 1]} : vector<1024x1536xi32> to vector<8x1536xi32>
    %add3A_443 = arith.addi %add3A_439, %slice3A_442 : vector<8x1536xi32>
    %slice3A_444 = vector.extract_strided_slice %shift_left3A_25 {offsets = [408, 0], sizes = [8, 1536], strides = [1, 1]} : vector<1024x1536xi32> to vector<8x1536xi32>
    %add3A_445 = arith.addi %add3A_441, %slice3A_444 : vector<8x1536xi32>
    %slice3A_446 = vector.extract_strided_slice %shift_left3A_30 {offsets = [408, 0], sizes = [8, 1536], strides = [1, 1]} : vector<1024x1536xi32> to vector<8x1536xi32>
    %add3A_447 = arith.addi %add3A_443, %slice3A_446 : vector<8x1536xi32>
    %slice3A_448 = vector.extract_strided_slice %shift_left3A_25 {offsets = [416, 0], sizes = [8, 1536], strides = [1, 1]} : vector<1024x1536xi32> to vector<8x1536xi32>
    %add3A_449 = arith.addi %add3A_445, %slice3A_448 : vector<8x1536xi32>
    %slice3A_450 = vector.extract_strided_slice %shift_left3A_30 {offsets = [416, 0], sizes = [8, 1536], strides = [1, 1]} : vector<1024x1536xi32> to vector<8x1536xi32>
    %add3A_451 = arith.addi %add3A_447, %slice3A_450 : vector<8x1536xi32>
    %slice3A_452 = vector.extract_strided_slice %shift_left3A_25 {offsets = [424, 0], sizes = [8, 1536], strides = [1, 1]} : vector<1024x1536xi32> to vector<8x1536xi32>
    %add3A_453 = arith.addi %add3A_449, %slice3A_452 : vector<8x1536xi32>
    %slice3A_454 = vector.extract_strided_slice %shift_left3A_30 {offsets = [424, 0], sizes = [8, 1536], strides = [1, 1]} : vector<1024x1536xi32> to vector<8x1536xi32>
    %add3A_455 = arith.addi %add3A_451, %slice3A_454 : vector<8x1536xi32>
    %slice3A_456 = vector.extract_strided_slice %shift_left3A_25 {offsets = [432, 0], sizes = [8, 1536], strides = [1, 1]} : vector<1024x1536xi32> to vector<8x1536xi32>
    %add3A_457 = arith.addi %add3A_453, %slice3A_456 : vector<8x1536xi32>
    %slice3A_458 = vector.extract_strided_slice %shift_left3A_30 {offsets = [432, 0], sizes = [8, 1536], strides = [1, 1]} : vector<1024x1536xi32> to vector<8x1536xi32>
    %add3A_459 = arith.addi %add3A_455, %slice3A_458 : vector<8x1536xi32>
    %slice3A_460 = vector.extract_strided_slice %shift_left3A_25 {offsets = [440, 0], sizes = [8, 1536], strides = [1, 1]} : vector<1024x1536xi32> to vector<8x1536xi32>
    %add3A_461 = arith.addi %add3A_457, %slice3A_460 : vector<8x1536xi32>
    %slice3A_462 = vector.extract_strided_slice %shift_left3A_30 {offsets = [440, 0], sizes = [8, 1536], strides = [1, 1]} : vector<1024x1536xi32> to vector<8x1536xi32>
    %add3A_463 = arith.addi %add3A_459, %slice3A_462 : vector<8x1536xi32>
    %slice3A_464 = vector.extract_strided_slice %shift_left3A_25 {offsets = [448, 0], sizes = [8, 1536], strides = [1, 1]} : vector<1024x1536xi32> to vector<8x1536xi32>
    %add3A_465 = arith.addi %add3A_461, %slice3A_464 : vector<8x1536xi32>
    %slice3A_466 = vector.extract_strided_slice %shift_left3A_30 {offsets = [448, 0], sizes = [8, 1536], strides = [1, 1]} : vector<1024x1536xi32> to vector<8x1536xi32>
    %add3A_467 = arith.addi %add3A_463, %slice3A_466 : vector<8x1536xi32>
    %slice3A_468 = vector.extract_strided_slice %shift_left3A_25 {offsets = [456, 0], sizes = [8, 1536], strides = [1, 1]} : vector<1024x1536xi32> to vector<8x1536xi32>
    %add3A_469 = arith.addi %add3A_465, %slice3A_468 : vector<8x1536xi32>
    %slice3A_470 = vector.extract_strided_slice %shift_left3A_30 {offsets = [456, 0], sizes = [8, 1536], strides = [1, 1]} : vector<1024x1536xi32> to vector<8x1536xi32>
    %add3A_471 = arith.addi %add3A_467, %slice3A_470 : vector<8x1536xi32>
    %slice3A_472 = vector.extract_strided_slice %shift_left3A_25 {offsets = [464, 0], sizes = [8, 1536], strides = [1, 1]} : vector<1024x1536xi32> to vector<8x1536xi32>
    %add3A_473 = arith.addi %add3A_469, %slice3A_472 : vector<8x1536xi32>
    %slice3A_474 = vector.extract_strided_slice %shift_left3A_30 {offsets = [464, 0], sizes = [8, 1536], strides = [1, 1]} : vector<1024x1536xi32> to vector<8x1536xi32>
    %add3A_475 = arith.addi %add3A_471, %slice3A_474 : vector<8x1536xi32>
    %slice3A_476 = vector.extract_strided_slice %shift_left3A_25 {offsets = [472, 0], sizes = [8, 1536], strides = [1, 1]} : vector<1024x1536xi32> to vector<8x1536xi32>
    %add3A_477 = arith.addi %add3A_473, %slice3A_476 : vector<8x1536xi32>
    %slice3A_478 = vector.extract_strided_slice %shift_left3A_30 {offsets = [472, 0], sizes = [8, 1536], strides = [1, 1]} : vector<1024x1536xi32> to vector<8x1536xi32>
    %add3A_479 = arith.addi %add3A_475, %slice3A_478 : vector<8x1536xi32>
    %get3A_480 = arith.constant 0 : index
    %get3A_481 = arith.constant 0 : index
    %get3A_482 = arith.constant 0 : index
    %get3A_483 = vector.load %arg6[%get3A_480, %get3A_481, %get3A_482] : memref<4x8x1536xi32, #tpu.memory_space<vmem>>, vector<1x8x1536xi32>
    %get3A_484 = vector.shape_cast %get3A_483 : vector<1x8x1536xi32> to vector<8x1536xi32>
    %and3A_485 = arith.constant 252645135 : i32
    %and3A_486 = vector.broadcast %and3A_485 : i32 to vector<8x1536xi32>
    %and3A_487 = arith.andi %add3A_477, %and3A_486 : vector<8x1536xi32>
    %add3A_488 = arith.addi %get3A_484, %and3A_487 : vector<8x1536xi32>
    %swap3A_489 = arith.constant 0 : index
    %swap3A_490 = arith.constant 0 : index
    %swap3A_491 = arith.constant 0 : index
    %swap3A_492 = vector.load %arg6[%swap3A_489, %swap3A_490, %swap3A_491] : memref<4x8x1536xi32, #tpu.memory_space<vmem>>, vector<1x8x1536xi32>
    %swap3A_493 = vector.shape_cast %swap3A_492 : vector<1x8x1536xi32> to vector<8x1536xi32>
    %swap3A_494 = vector.shape_cast %add3A_488 : vector<8x1536xi32> to vector<1x8x1536xi32>
    tpu.vector_store %arg6[%swap3A_489, %swap3A_490, %swap3A_491], %swap3A_494 {strides = array<i32>} : memref<4x8x1536xi32, #tpu.memory_space<vmem>>, vector<1x8x1536xi32>,
    %get3A_495 = arith.constant 1 : index
    %get3A_496 = arith.constant 0 : index
    %get3A_497 = arith.constant 0 : index
    %get3A_498 = vector.load %arg6[%get3A_495, %get3A_496, %get3A_497] : memref<4x8x1536xi32, #tpu.memory_space<vmem>>, vector<1x8x1536xi32>
    %get3A_499 = vector.shape_cast %get3A_498 : vector<1x8x1536xi32> to vector<8x1536xi32>
    %shift_right_arithmetic3A_500 = arith.constant 4 : i32
    %shift_right_arithmetic3A_501 = vector.broadcast %shift_right_arithmetic3A_500 : i32 to vector<8x1536xi32>
    %shift_right_arithmetic3A_502 = arith.shrsi %add3A_477, %shift_right_arithmetic3A_501 : vector<8x1536xi32>
    %and3A_503 = arith.constant 252645135 : i32
    %and3A_504 = vector.broadcast %and3A_503 : i32 to vector<8x1536xi32>
    %and3A_505 = arith.andi %shift_right_arithmetic3A_502, %and3A_504 : vector<8x1536xi32>
    %add3A_506 = arith.addi %get3A_499, %and3A_505 : vector<8x1536xi32>
    %swap3A_507 = arith.constant 1 : index
    %swap3A_508 = arith.constant 0 : index
    %swap3A_509 = arith.constant 0 : index
    %swap3A_510 = vector.load %arg6[%swap3A_507, %swap3A_508, %swap3A_509] : memref<4x8x1536xi32, #tpu.memory_space<vmem>>, vector<1x8x1536xi32>
    %swap3A_511 = vector.shape_cast %swap3A_510 : vector<1x8x1536xi32> to vector<8x1536xi32>
    %swap3A_512 = vector.shape_cast %add3A_506 : vector<8x1536xi32> to vector<1x8x1536xi32>
    tpu.vector_store %arg6[%swap3A_507, %swap3A_508, %swap3A_509], %swap3A_512 {strides = array<i32>} : memref<4x8x1536xi32, #tpu.memory_space<vmem>>, vector<1x8x1536xi32>,
    %get3A_513 = arith.constant 2 : index
    %get3A_514 = arith.constant 0 : index
    %get3A_515 = arith.constant 0 : index
    %get3A_516 = vector.load %arg6[%get3A_513, %get3A_514, %get3A_515] : memref<4x8x1536xi32, #tpu.memory_space<vmem>>, vector<1x8x1536xi32>
    %get3A_517 = vector.shape_cast %get3A_516 : vector<1x8x1536xi32> to vector<8x1536xi32>
    %and3A_518 = arith.constant 252645135 : i32
    %and3A_519 = vector.broadcast %and3A_518 : i32 to vector<8x1536xi32>
    %and3A_520 = arith.andi %add3A_479, %and3A_519 : vector<8x1536xi32>
    %add3A_521 = arith.addi %get3A_517, %and3A_520 : vector<8x1536xi32>
    %swap3A_522 = arith.constant 2 : index
    %swap3A_523 = arith.constant 0 : index
    %swap3A_524 = arith.constant 0 : index
    %swap3A_525 = vector.load %arg6[%swap3A_522, %swap3A_523, %swap3A_524] : memref<4x8x1536xi32, #tpu.memory_space<vmem>>, vector<1x8x1536xi32>
    %swap3A_526 = vector.shape_cast %swap3A_525 : vector<1x8x1536xi32> to vector<8x1536xi32>
    %swap3A_527 = vector.shape_cast %add3A_521 : vector<8x1536xi32> to vector<1x8x1536xi32>
    tpu.vector_store %arg6[%swap3A_522, %swap3A_523, %swap3A_524], %swap3A_527 {strides = array<i32>} : memref<4x8x1536xi32, #tpu.memory_space<vmem>>, vector<1x8x1536xi32>,
    %get3A_528 = arith.constant 3 : index
    %get3A_529 = arith.constant 0 : index
    %get3A_530 = arith.constant 0 : index
    %get3A_531 = vector.load %arg6[%get3A_528, %get3A_529, %get3A_530] : memref<4x8x1536xi32, #tpu.memory_space<vmem>>, vector<1x8x1536xi32>
    %get3A_532 = vector.shape_cast %get3A_531 : vector<1x8x1536xi32> to vector<8x1536xi32>
    %shift_right_arithmetic3A_533 = arith.constant 4 : i32
    %shift_right_arithmetic3A_534 = vector.broadcast %shift_right_arithmetic3A_533 : i32 to vector<8x1536xi32>
    %shift_right_arithmetic3A_535 = arith.shrsi %add3A_479, %shift_right_arithmetic3A_534 : vector<8x1536xi32>
    %and3A_536 = arith.constant 252645135 : i32
    %and3A_537 = vector.broadcast %and3A_536 : i32 to vector<8x1536xi32>
    %and3A_538 = arith.andi %shift_right_arithmetic3A_535, %and3A_537 : vector<8x1536xi32>
    %add3A_539 = arith.addi %get3A_532, %and3A_538 : vector<8x1536xi32>
    %swap3A_540 = arith.constant 3 : index
    %swap3A_541 = arith.constant 0 : index
    %swap3A_542 = arith.constant 0 : index
    %swap3A_543 = vector.load %arg6[%swap3A_540, %swap3A_541, %swap3A_542] : memref<4x8x1536xi32, #tpu.memory_space<vmem>>, vector<1x8x1536xi32>
    %swap3A_544 = vector.shape_cast %swap3A_543 : vector<1x8x1536xi32> to vector<8x1536xi32>
    %swap3A_545 = vector.shape_cast %add3A_539 : vector<8x1536xi32> to vector<1x8x1536xi32>
    tpu.vector_store %arg6[%swap3A_540, %swap3A_541, %swap3A_542], %swap3A_545 {strides = array<i32>} : memref<4x8x1536xi32, #tpu.memory_space<vmem>>, vector<1x8x1536xi32>,
    %broadcast_in_dim3A_546 = arith.constant 0 : i32
    %broadcast_in_dim3A_547 = vector.broadcast %broadcast_in_dim3A_546 : i32 to vector<8x1536xi32>
    %broadcast_in_dim3A_548 = arith.constant 0 : i32
    %broadcast_in_dim3A_549 = vector.broadcast %broadcast_in_dim3A_548 : i32 to vector<8x1536xi32>
    %slice3A_550 = vector.extract_strided_slice %shift_left3A_25 {offsets = [480, 0], sizes = [8, 1536], strides = [1, 1]} : vector<1024x1536xi32> to vector<8x1536xi32>
    %add3A_551 = arith.addi %broadcast_in_dim3A_547, %slice3A_550 : vector<8x1536xi32>
    %slice3A_552 = vector.extract_strided_slice %shift_left3A_30 {offsets = [480, 0], sizes = [8, 1536], strides = [1, 1]} : vector<1024x1536xi32> to vector<8x1536xi32>
    %add3A_553 = arith.addi %broadcast_in_dim3A_549, %slice3A_552 : vector<8x1536xi32>
    %slice3A_554 = vector.extract_strided_slice %shift_left3A_25 {offsets = [488, 0], sizes = [8, 1536], strides = [1, 1]} : vector<1024x1536xi32> to vector<8x1536xi32>
    %add3A_555 = arith.addi %add3A_551, %slice3A_554 : vector<8x1536xi32>
    %slice3A_556 = vector.extract_strided_slice %shift_left3A_30 {offsets = [488, 0], sizes = [8, 1536], strides = [1, 1]} : vector<1024x1536xi32> to vector<8x1536xi32>
    %add3A_557 = arith.addi %add3A_553, %slice3A_556 : vector<8x1536xi32>
    %slice3A_558 = vector.extract_strided_slice %shift_left3A_25 {offsets = [496, 0], sizes = [8, 1536], strides = [1, 1]} : vector<1024x1536xi32> to vector<8x1536xi32>
    %add3A_559 = arith.addi %add3A_555, %slice3A_558 : vector<8x1536xi32>
    %slice3A_560 = vector.extract_strided_slice %shift_left3A_30 {offsets = [496, 0], sizes = [8, 1536], strides = [1, 1]} : vector<1024x1536xi32> to vector<8x1536xi32>
    %add3A_561 = arith.addi %add3A_557, %slice3A_560 : vector<8x1536xi32>
    %slice3A_562 = vector.extract_strided_slice %shift_left3A_25 {offsets = [504, 0], sizes = [8, 1536], strides = [1, 1]} : vector<1024x1536xi32> to vector<8x1536xi32>
    %add3A_563 = arith.addi %add3A_559, %slice3A_562 : vector<8x1536xi32>
    %slice3A_564 = vector.extract_strided_slice %shift_left3A_30 {offsets = [504, 0], sizes = [8, 1536], strides = [1, 1]} : vector<1024x1536xi32> to vector<8x1536xi32>
    %add3A_565 = arith.addi %add3A_561, %slice3A_564 : vector<8x1536xi32>
    %slice3A_566 = vector.extract_strided_slice %shift_left3A_25 {offsets = [512, 0], sizes = [8, 1536], strides = [1, 1]} : vector<1024x1536xi32> to vector<8x1536xi32>
    %add3A_567 = arith.addi %add3A_563, %slice3A_566 : vector<8x1536xi32>
    %slice3A_568 = vector.extract_strided_slice %shift_left3A_30 {offsets = [512, 0], sizes = [8, 1536], strides = [1, 1]} : vector<1024x1536xi32> to vector<8x1536xi32>
    %add3A_569 = arith.addi %add3A_565, %slice3A_568 : vector<8x1536xi32>
    %slice3A_570 = vector.extract_strided_slice %shift_left3A_25 {offsets = [520, 0], sizes = [8, 1536], strides = [1, 1]} : vector<1024x1536xi32> to vector<8x1536xi32>
    %add3A_571 = arith.addi %add3A_567, %slice3A_570 : vector<8x1536xi32>
    %slice3A_572 = vector.extract_strided_slice %shift_left3A_30 {offsets = [520, 0], sizes = [8, 1536], strides = [1, 1]} : vector<1024x1536xi32> to vector<8x1536xi32>
    %add3A_573 = arith.addi %add3A_569, %slice3A_572 : vector<8x1536xi32>
    %slice3A_574 = vector.extract_strided_slice %shift_left3A_25 {offsets = [528, 0], sizes = [8, 1536], strides = [1, 1]} : vector<1024x1536xi32> to vector<8x1536xi32>
    %add3A_575 = arith.addi %add3A_571, %slice3A_574 : vector<8x1536xi32>
    %slice3A_576 = vector.extract_strided_slice %shift_left3A_30 {offsets = [528, 0], sizes = [8, 1536], strides = [1, 1]} : vector<1024x1536xi32> to vector<8x1536xi32>
    %add3A_577 = arith.addi %add3A_573, %slice3A_576 : vector<8x1536xi32>
    %slice3A_578 = vector.extract_strided_slice %shift_left3A_25 {offsets = [536, 0], sizes = [8, 1536], strides = [1, 1]} : vector<1024x1536xi32> to vector<8x1536xi32>
    %add3A_579 = arith.addi %add3A_575, %slice3A_578 : vector<8x1536xi32>
    %slice3A_580 = vector.extract_strided_slice %shift_left3A_30 {offsets = [536, 0], sizes = [8, 1536], strides = [1, 1]} : vector<1024x1536xi32> to vector<8x1536xi32>
    %add3A_581 = arith.addi %add3A_577, %slice3A_580 : vector<8x1536xi32>
    %slice3A_582 = vector.extract_strided_slice %shift_left3A_25 {offsets = [544, 0], sizes = [8, 1536], strides = [1, 1]} : vector<1024x1536xi32> to vector<8x1536xi32>
    %add3A_583 = arith.addi %add3A_579, %slice3A_582 : vector<8x1536xi32>
    %slice3A_584 = vector.extract_strided_slice %shift_left3A_30 {offsets = [544, 0], sizes = [8, 1536], strides = [1, 1]} : vector<1024x1536xi32> to vector<8x1536xi32>
    %add3A_585 = arith.addi %add3A_581, %slice3A_584 : vector<8x1536xi32>
    %slice3A_586 = vector.extract_strided_slice %shift_left3A_25 {offsets = [552, 0], sizes = [8, 1536], strides = [1, 1]} : vector<1024x1536xi32> to vector<8x1536xi32>
    %add3A_587 = arith.addi %add3A_583, %slice3A_586 : vector<8x1536xi32>
    %slice3A_588 = vector.extract_strided_slice %shift_left3A_30 {offsets = [552, 0], sizes = [8, 1536], strides = [1, 1]} : vector<1024x1536xi32> to vector<8x1536xi32>
    %add3A_589 = arith.addi %add3A_585, %slice3A_588 : vector<8x1536xi32>
    %slice3A_590 = vector.extract_strided_slice %shift_left3A_25 {offsets = [560, 0], sizes = [8, 1536], strides = [1, 1]} : vector<1024x1536xi32> to vector<8x1536xi32>
    %add3A_591 = arith.addi %add3A_587, %slice3A_590 : vector<8x1536xi32>
    %slice3A_592 = vector.extract_strided_slice %shift_left3A_30 {offsets = [560, 0], sizes = [8, 1536], strides = [1, 1]} : vector<1024x1536xi32> to vector<8x1536xi32>
    %add3A_593 = arith.addi %add3A_589, %slice3A_592 : vector<8x1536xi32>
    %slice3A_594 = vector.extract_strided_slice %shift_left3A_25 {offsets = [568, 0], sizes = [8, 1536], strides = [1, 1]} : vector<1024x1536xi32> to vector<8x1536xi32>
    %add3A_595 = arith.addi %add3A_591, %slice3A_594 : vector<8x1536xi32>
    %slice3A_596 = vector.extract_strided_slice %shift_left3A_30 {offsets = [568, 0], sizes = [8, 1536], strides = [1, 1]} : vector<1024x1536xi32> to vector<8x1536xi32>
    %add3A_597 = arith.addi %add3A_593, %slice3A_596 : vector<8x1536xi32>
    %slice3A_598 = vector.extract_strided_slice %shift_left3A_25 {offsets = [576, 0], sizes = [8, 1536], strides = [1, 1]} : vector<1024x1536xi32> to vector<8x1536xi32>
    %add3A_599 = arith.addi %add3A_595, %slice3A_598 : vector<8x1536xi32>
    %slice3A_600 = vector.extract_strided_slice %shift_left3A_30 {offsets = [576, 0], sizes = [8, 1536], strides = [1, 1]} : vector<1024x1536xi32> to vector<8x1536xi32>
    %add3A_601 = arith.addi %add3A_597, %slice3A_600 : vector<8x1536xi32>
    %slice3A_602 = vector.extract_strided_slice %shift_left3A_25 {offsets = [584, 0], sizes = [8, 1536], strides = [1, 1]} : vector<1024x1536xi32> to vector<8x1536xi32>
    %add3A_603 = arith.addi %add3A_599, %slice3A_602 : vector<8x1536xi32>
    %slice3A_604 = vector.extract_strided_slice %shift_left3A_30 {offsets = [584, 0], sizes = [8, 1536], strides = [1, 1]} : vector<1024x1536xi32> to vector<8x1536xi32>
    %add3A_605 = arith.addi %add3A_601, %slice3A_604 : vector<8x1536xi32>
    %slice3A_606 = vector.extract_strided_slice %shift_left3A_25 {offsets = [592, 0], sizes = [8, 1536], strides = [1, 1]} : vector<1024x1536xi32> to vector<8x1536xi32>
    %add3A_607 = arith.addi %add3A_603, %slice3A_606 : vector<8x1536xi32>
    %slice3A_608 = vector.extract_strided_slice %shift_left3A_30 {offsets = [592, 0], sizes = [8, 1536], strides = [1, 1]} : vector<1024x1536xi32> to vector<8x1536xi32>
    %add3A_609 = arith.addi %add3A_605, %slice3A_608 : vector<8x1536xi32>
    %get3A_610 = arith.constant 0 : index
    %get3A_611 = arith.constant 0 : index
    %get3A_612 = arith.constant 0 : index
    %get3A_613 = vector.load %arg6[%get3A_610, %get3A_611, %get3A_612] : memref<4x8x1536xi32, #tpu.memory_space<vmem>>, vector<1x8x1536xi32>
    %get3A_614 = vector.shape_cast %get3A_613 : vector<1x8x1536xi32> to vector<8x1536xi32>
    %and3A_615 = arith.constant 252645135 : i32
    %and3A_616 = vector.broadcast %and3A_615 : i32 to vector<8x1536xi32>
    %and3A_617 = arith.andi %add3A_607, %and3A_616 : vector<8x1536xi32>
    %add3A_618 = arith.addi %get3A_614, %and3A_617 : vector<8x1536xi32>
    %swap3A_619 = arith.constant 0 : index
    %swap3A_620 = arith.constant 0 : index
    %swap3A_621 = arith.constant 0 : index
    %swap3A_622 = vector.load %arg6[%swap3A_619, %swap3A_620, %swap3A_621] : memref<4x8x1536xi32, #tpu.memory_space<vmem>>, vector<1x8x1536xi32>
    %swap3A_623 = vector.shape_cast %swap3A_622 : vector<1x8x1536xi32> to vector<8x1536xi32>
    %swap3A_624 = vector.shape_cast %add3A_618 : vector<8x1536xi32> to vector<1x8x1536xi32>
    tpu.vector_store %arg6[%swap3A_619, %swap3A_620, %swap3A_621], %swap3A_624 {strides = array<i32>} : memref<4x8x1536xi32, #tpu.memory_space<vmem>>, vector<1x8x1536xi32>,
    %get3A_625 = arith.constant 1 : index
    %get3A_626 = arith.constant 0 : index
    %get3A_627 = arith.constant 0 : index
    %get3A_628 = vector.load %arg6[%get3A_625, %get3A_626, %get3A_627] : memref<4x8x1536xi32, #tpu.memory_space<vmem>>, vector<1x8x1536xi32>
    %get3A_629 = vector.shape_cast %get3A_628 : vector<1x8x1536xi32> to vector<8x1536xi32>
    %shift_right_arithmetic3A_630 = arith.constant 4 : i32
    %shift_right_arithmetic3A_631 = vector.broadcast %shift_right_arithmetic3A_630 : i32 to vector<8x1536xi32>
    %shift_right_arithmetic3A_632 = arith.shrsi %add3A_607, %shift_right_arithmetic3A_631 : vector<8x1536xi32>
    %and3A_633 = arith.constant 252645135 : i32
    %and3A_634 = vector.broadcast %and3A_633 : i32 to vector<8x1536xi32>
    %and3A_635 = arith.andi %shift_right_arithmetic3A_632, %and3A_634 : vector<8x1536xi32>
    %add3A_636 = arith.addi %get3A_629, %and3A_635 : vector<8x1536xi32>
    %swap3A_637 = arith.constant 1 : index
    %swap3A_638 = arith.constant 0 : index
    %swap3A_639 = arith.constant 0 : index
    %swap3A_640 = vector.load %arg6[%swap3A_637, %swap3A_638, %swap3A_639] : memref<4x8x1536xi32, #tpu.memory_space<vmem>>, vector<1x8x1536xi32>
    %swap3A_641 = vector.shape_cast %swap3A_640 : vector<1x8x1536xi32> to vector<8x1536xi32>
    %swap3A_642 = vector.shape_cast %add3A_636 : vector<8x1536xi32> to vector<1x8x1536xi32>
    tpu.vector_store %arg6[%swap3A_637, %swap3A_638, %swap3A_639], %swap3A_642 {strides = array<i32>} : memref<4x8x1536xi32, #tpu.memory_space<vmem>>, vector<1x8x1536xi32>,
    %get3A_643 = arith.constant 2 : index
    %get3A_644 = arith.constant 0 : index
    %get3A_645 = arith.constant 0 : index
    %get3A_646 = vector.load %arg6[%get3A_643, %get3A_644, %get3A_645] : memref<4x8x1536xi32, #tpu.memory_space<vmem>>, vector<1x8x1536xi32>
    %get3A_647 = vector.shape_cast %get3A_646 : vector<1x8x1536xi32> to vector<8x1536xi32>
    %and3A_648 = arith.constant 252645135 : i32
    %and3A_649 = vector.broadcast %and3A_648 : i32 to vector<8x1536xi32>
    %and3A_650 = arith.andi %add3A_609, %and3A_649 : vector<8x1536xi32>
    %add3A_651 = arith.addi %get3A_647, %and3A_650 : vector<8x1536xi32>
    %swap3A_652 = arith.constant 2 : index
    %swap3A_653 = arith.constant 0 : index
    %swap3A_654 = arith.constant 0 : index
    %swap3A_655 = vector.load %arg6[%swap3A_652, %swap3A_653, %swap3A_654] : memref<4x8x1536xi32, #tpu.memory_space<vmem>>, vector<1x8x1536xi32>
    %swap3A_656 = vector.shape_cast %swap3A_655 : vector<1x8x1536xi32> to vector<8x1536xi32>
    %swap3A_657 = vector.shape_cast %add3A_651 : vector<8x1536xi32> to vector<1x8x1536xi32>
    tpu.vector_store %arg6[%swap3A_652, %swap3A_653, %swap3A_654], %swap3A_657 {strides = array<i32>} : memref<4x8x1536xi32, #tpu.memory_space<vmem>>, vector<1x8x1536xi32>,
    %get3A_658 = arith.constant 3 : index
    %get3A_659 = arith.constant 0 : index
    %get3A_660 = arith.constant 0 : index
    %get3A_661 = vector.load %arg6[%get3A_658, %get3A_659, %get3A_660] : memref<4x8x1536xi32, #tpu.memory_space<vmem>>, vector<1x8x1536xi32>
    %get3A_662 = vector.shape_cast %get3A_661 : vector<1x8x1536xi32> to vector<8x1536xi32>
    %shift_right_arithmetic3A_663 = arith.constant 4 : i32
    %shift_right_arithmetic3A_664 = vector.broadcast %shift_right_arithmetic3A_663 : i32 to vector<8x1536xi32>
    %shift_right_arithmetic3A_665 = arith.shrsi %add3A_609, %shift_right_arithmetic3A_664 : vector<8x1536xi32>
    %and3A_666 = arith.constant 252645135 : i32
    %and3A_667 = vector.broadcast %and3A_666 : i32 to vector<8x1536xi32>
    %and3A_668 = arith.andi %shift_right_arithmetic3A_665, %and3A_667 : vector<8x1536xi32>
    %add3A_669 = arith.addi %get3A_662, %and3A_668 : vector<8x1536xi32>
    %swap3A_670 = arith.constant 3 : index
    %swap3A_671 = arith.constant 0 : index
    %swap3A_672 = arith.constant 0 : index
    %swap3A_673 = vector.load %arg6[%swap3A_670, %swap3A_671, %swap3A_672] : memref<4x8x1536xi32, #tpu.memory_space<vmem>>, vector<1x8x1536xi32>
    %swap3A_674 = vector.shape_cast %swap3A_673 : vector<1x8x1536xi32> to vector<8x1536xi32>
    %swap3A_675 = vector.shape_cast %add3A_669 : vector<8x1536xi32> to vector<1x8x1536xi32>
    tpu.vector_store %arg6[%swap3A_670, %swap3A_671, %swap3A_672], %swap3A_675 {strides = array<i32>} : memref<4x8x1536xi32, #tpu.memory_space<vmem>>, vector<1x8x1536xi32>,
    %broadcast_in_dim3A_676 = arith.constant 0 : i32
    %broadcast_in_dim3A_677 = vector.broadcast %broadcast_in_dim3A_676 : i32 to vector<8x1536xi32>
    %broadcast_in_dim3A_678 = arith.constant 0 : i32
    %broadcast_in_dim3A_679 = vector.broadcast %broadcast_in_dim3A_678 : i32 to vector<8x1536xi32>
    %slice3A_680 = vector.extract_strided_slice %shift_left3A_25 {offsets = [600, 0], sizes = [8, 1536], strides = [1, 1]} : vector<1024x1536xi32> to vector<8x1536xi32>
    %add3A_681 = arith.addi %broadcast_in_dim3A_677, %slice3A_680 : vector<8x1536xi32>
    %slice3A_682 = vector.extract_strided_slice %shift_left3A_30 {offsets = [600, 0], sizes = [8, 1536], strides = [1, 1]} : vector<1024x1536xi32> to vector<8x1536xi32>
    %add3A_683 = arith.addi %broadcast_in_dim3A_679, %slice3A_682 : vector<8x1536xi32>
    %slice3A_684 = vector.extract_strided_slice %shift_left3A_25 {offsets = [608, 0], sizes = [8, 1536], strides = [1, 1]} : vector<1024x1536xi32> to vector<8x1536xi32>
    %add3A_685 = arith.addi %add3A_681, %slice3A_684 : vector<8x1536xi32>
    %slice3A_686 = vector.extract_strided_slice %shift_left3A_30 {offsets = [608, 0], sizes = [8, 1536], strides = [1, 1]} : vector<1024x1536xi32> to vector<8x1536xi32>
    %add3A_687 = arith.addi %add3A_683, %slice3A_686 : vector<8x1536xi32>
    %slice3A_688 = vector.extract_strided_slice %shift_left3A_25 {offsets = [616, 0], sizes = [8, 1536], strides = [1, 1]} : vector<1024x1536xi32> to vector<8x1536xi32>
    %add3A_689 = arith.addi %add3A_685, %slice3A_688 : vector<8x1536xi32>
    %slice3A_690 = vector.extract_strided_slice %shift_left3A_30 {offsets = [616, 0], sizes = [8, 1536], strides = [1, 1]} : vector<1024x1536xi32> to vector<8x1536xi32>
    %add3A_691 = arith.addi %add3A_687, %slice3A_690 : vector<8x1536xi32>
    %slice3A_692 = vector.extract_strided_slice %shift_left3A_25 {offsets = [624, 0], sizes = [8, 1536], strides = [1, 1]} : vector<1024x1536xi32> to vector<8x1536xi32>
    %add3A_693 = arith.addi %add3A_689, %slice3A_692 : vector<8x1536xi32>
    %slice3A_694 = vector.extract_strided_slice %shift_left3A_30 {offsets = [624, 0], sizes = [8, 1536], strides = [1, 1]} : vector<1024x1536xi32> to vector<8x1536xi32>
    %add3A_695 = arith.addi %add3A_691, %slice3A_694 : vector<8x1536xi32>
    %slice3A_696 = vector.extract_strided_slice %shift_left3A_25 {offsets = [632, 0], sizes = [8, 1536], strides = [1, 1]} : vector<1024x1536xi32> to vector<8x1536xi32>
    %add3A_697 = arith.addi %add3A_693, %slice3A_696 : vector<8x1536xi32>
    %slice3A_698 = vector.extract_strided_slice %shift_left3A_30 {offsets = [632, 0], sizes = [8, 1536], strides = [1, 1]} : vector<1024x1536xi32> to vector<8x1536xi32>
    %add3A_699 = arith.addi %add3A_695, %slice3A_698 : vector<8x1536xi32>
    %slice3A_700 = vector.extract_strided_slice %shift_left3A_25 {offsets = [640, 0], sizes = [8, 1536], strides = [1, 1]} : vector<1024x1536xi32> to vector<8x1536xi32>
    %add3A_701 = arith.addi %add3A_697, %slice3A_700 : vector<8x1536xi32>
    %slice3A_702 = vector.extract_strided_slice %shift_left3A_30 {offsets = [640, 0], sizes = [8, 1536], strides = [1, 1]} : vector<1024x1536xi32> to vector<8x1536xi32>
    %add3A_703 = arith.addi %add3A_699, %slice3A_702 : vector<8x1536xi32>
    %slice3A_704 = vector.extract_strided_slice %shift_left3A_25 {offsets = [648, 0], sizes = [8, 1536], strides = [1, 1]} : vector<1024x1536xi32> to vector<8x1536xi32>
    %add3A_705 = arith.addi %add3A_701, %slice3A_704 : vector<8x1536xi32>
    %slice3A_706 = vector.extract_strided_slice %shift_left3A_30 {offsets = [648, 0], sizes = [8, 1536], strides = [1, 1]} : vector<1024x1536xi32> to vector<8x1536xi32>
    %add3A_707 = arith.addi %add3A_703, %slice3A_706 : vector<8x1536xi32>
    %slice3A_708 = vector.extract_strided_slice %shift_left3A_25 {offsets = [656, 0], sizes = [8, 1536], strides = [1, 1]} : vector<1024x1536xi32> to vector<8x1536xi32>
    %add3A_709 = arith.addi %add3A_705, %slice3A_708 : vector<8x1536xi32>
    %slice3A_710 = vector.extract_strided_slice %shift_left3A_30 {offsets = [656, 0], sizes = [8, 1536], strides = [1, 1]} : vector<1024x1536xi32> to vector<8x1536xi32>
    %add3A_711 = arith.addi %add3A_707, %slice3A_710 : vector<8x1536xi32>
    %slice3A_712 = vector.extract_strided_slice %shift_left3A_25 {offsets = [664, 0], sizes = [8, 1536], strides = [1, 1]} : vector<1024x1536xi32> to vector<8x1536xi32>
    %add3A_713 = arith.addi %add3A_709, %slice3A_712 : vector<8x1536xi32>
    %slice3A_714 = vector.extract_strided_slice %shift_left3A_30 {offsets = [664, 0], sizes = [8, 1536], strides = [1, 1]} : vector<1024x1536xi32> to vector<8x1536xi32>
    %add3A_715 = arith.addi %add3A_711, %slice3A_714 : vector<8x1536xi32>
    %slice3A_716 = vector.extract_strided_slice %shift_left3A_25 {offsets = [672, 0], sizes = [8, 1536], strides = [1, 1]} : vector<1024x1536xi32> to vector<8x1536xi32>
    %add3A_717 = arith.addi %add3A_713, %slice3A_716 : vector<8x1536xi32>
    %slice3A_718 = vector.extract_strided_slice %shift_left3A_30 {offsets = [672, 0], sizes = [8, 1536], strides = [1, 1]} : vector<1024x1536xi32> to vector<8x1536xi32>
    %add3A_719 = arith.addi %add3A_715, %slice3A_718 : vector<8x1536xi32>
    %slice3A_720 = vector.extract_strided_slice %shift_left3A_25 {offsets = [680, 0], sizes = [8, 1536], strides = [1, 1]} : vector<1024x1536xi32> to vector<8x1536xi32>
    %add3A_721 = arith.addi %add3A_717, %slice3A_720 : vector<8x1536xi32>
    %slice3A_722 = vector.extract_strided_slice %shift_left3A_30 {offsets = [680, 0], sizes = [8, 1536], strides = [1, 1]} : vector<1024x1536xi32> to vector<8x1536xi32>
    %add3A_723 = arith.addi %add3A_719, %slice3A_722 : vector<8x1536xi32>
    %slice3A_724 = vector.extract_strided_slice %shift_left3A_25 {offsets = [688, 0], sizes = [8, 1536], strides = [1, 1]} : vector<1024x1536xi32> to vector<8x1536xi32>
    %add3A_725 = arith.addi %add3A_721, %slice3A_724 : vector<8x1536xi32>
    %slice3A_726 = vector.extract_strided_slice %shift_left3A_30 {offsets = [688, 0], sizes = [8, 1536], strides = [1, 1]} : vector<1024x1536xi32> to vector<8x1536xi32>
    %add3A_727 = arith.addi %add3A_723, %slice3A_726 : vector<8x1536xi32>
    %slice3A_728 = vector.extract_strided_slice %shift_left3A_25 {offsets = [696, 0], sizes = [8, 1536], strides = [1, 1]} : vector<1024x1536xi32> to vector<8x1536xi32>
    %add3A_729 = arith.addi %add3A_725, %slice3A_728 : vector<8x1536xi32>
    %slice3A_730 = vector.extract_strided_slice %shift_left3A_30 {offsets = [696, 0], sizes = [8, 1536], strides = [1, 1]} : vector<1024x1536xi32> to vector<8x1536xi32>
    %add3A_731 = arith.addi %add3A_727, %slice3A_730 : vector<8x1536xi32>
    %slice3A_732 = vector.extract_strided_slice %shift_left3A_25 {offsets = [704, 0], sizes = [8, 1536], strides = [1, 1]} : vector<1024x1536xi32> to vector<8x1536xi32>
    %add3A_733 = arith.addi %add3A_729, %slice3A_732 : vector<8x1536xi32>
    %slice3A_734 = vector.extract_strided_slice %shift_left3A_30 {offsets = [704, 0], sizes = [8, 1536], strides = [1, 1]} : vector<1024x1536xi32> to vector<8x1536xi32>
    %add3A_735 = arith.addi %add3A_731, %slice3A_734 : vector<8x1536xi32>
    %slice3A_736 = vector.extract_strided_slice %shift_left3A_25 {offsets = [712, 0], sizes = [8, 1536], strides = [1, 1]} : vector<1024x1536xi32> to vector<8x1536xi32>
    %add3A_737 = arith.addi %add3A_733, %slice3A_736 : vector<8x1536xi32>
    %slice3A_738 = vector.extract_strided_slice %shift_left3A_30 {offsets = [712, 0], sizes = [8, 1536], strides = [1, 1]} : vector<1024x1536xi32> to vector<8x1536xi32>
    %add3A_739 = arith.addi %add3A_735, %slice3A_738 : vector<8x1536xi32>
    %get3A_740 = arith.constant 0 : index
    %get3A_741 = arith.constant 0 : index
    %get3A_742 = arith.constant 0 : index
    %get3A_743 = vector.load %arg6[%get3A_740, %get3A_741, %get3A_742] : memref<4x8x1536xi32, #tpu.memory_space<vmem>>, vector<1x8x1536xi32>
    %get3A_744 = vector.shape_cast %get3A_743 : vector<1x8x1536xi32> to vector<8x1536xi32>
    %and3A_745 = arith.constant 252645135 : i32
    %and3A_746 = vector.broadcast %and3A_745 : i32 to vector<8x1536xi32>
    %and3A_747 = arith.andi %add3A_737, %and3A_746 : vector<8x1536xi32>
    %add3A_748 = arith.addi %get3A_744, %and3A_747 : vector<8x1536xi32>
    %swap3A_749 = arith.constant 0 : index
    %swap3A_750 = arith.constant 0 : index
    %swap3A_751 = arith.constant 0 : index
    %swap3A_752 = vector.load %arg6[%swap3A_749, %swap3A_750, %swap3A_751] : memref<4x8x1536xi32, #tpu.memory_space<vmem>>, vector<1x8x1536xi32>
    %swap3A_753 = vector.shape_cast %swap3A_752 : vector<1x8x1536xi32> to vector<8x1536xi32>
    %swap3A_754 = vector.shape_cast %add3A_748 : vector<8x1536xi32> to vector<1x8x1536xi32>
    tpu.vector_store %arg6[%swap3A_749, %swap3A_750, %swap3A_751], %swap3A_754 {strides = array<i32>} : memref<4x8x1536xi32, #tpu.memory_space<vmem>>, vector<1x8x1536xi32>,
    %get3A_755 = arith.constant 1 : index
    %get3A_756 = arith.constant 0 : index
    %get3A_757 = arith.constant 0 : index
    %get3A_758 = vector.load %arg6[%get3A_755, %get3A_756, %get3A_757] : memref<4x8x1536xi32, #tpu.memory_space<vmem>>, vector<1x8x1536xi32>
    %get3A_759 = vector.shape_cast %get3A_758 : vector<1x8x1536xi32> to vector<8x1536xi32>
    %shift_right_arithmetic3A_760 = arith.constant 4 : i32
    %shift_right_arithmetic3A_761 = vector.broadcast %shift_right_arithmetic3A_760 : i32 to vector<8x1536xi32>
    %shift_right_arithmetic3A_762 = arith.shrsi %add3A_737, %shift_right_arithmetic3A_761 : vector<8x1536xi32>
    %and3A_763 = arith.constant 252645135 : i32
    %and3A_764 = vector.broadcast %and3A_763 : i32 to vector<8x1536xi32>
    %and3A_765 = arith.andi %shift_right_arithmetic3A_762, %and3A_764 : vector<8x1536xi32>
    %add3A_766 = arith.addi %get3A_759, %and3A_765 : vector<8x1536xi32>
    %swap3A_767 = arith.constant 1 : index
    %swap3A_768 = arith.constant 0 : index
    %swap3A_769 = arith.constant 0 : index
    %swap3A_770 = vector.load %arg6[%swap3A_767, %swap3A_768, %swap3A_769] : memref<4x8x1536xi32, #tpu.memory_space<vmem>>, vector<1x8x1536xi32>
    %swap3A_771 = vector.shape_cast %swap3A_770 : vector<1x8x1536xi32> to vector<8x1536xi32>
    %swap3A_772 = vector.shape_cast %add3A_766 : vector<8x1536xi32> to vector<1x8x1536xi32>
    tpu.vector_store %arg6[%swap3A_767, %swap3A_768, %swap3A_769], %swap3A_772 {strides = array<i32>} : memref<4x8x1536xi32, #tpu.memory_space<vmem>>, vector<1x8x1536xi32>,
    %get3A_773 = arith.constant 2 : index
    %get3A_774 = arith.constant 0 : index
    %get3A_775 = arith.constant 0 : index
    %get3A_776 = vector.load %arg6[%get3A_773, %get3A_774, %get3A_775] : memref<4x8x1536xi32, #tpu.memory_space<vmem>>, vector<1x8x1536xi32>
    %get3A_777 = vector.shape_cast %get3A_776 : vector<1x8x1536xi32> to vector<8x1536xi32>
    %and3A_778 = arith.constant 252645135 : i32
    %and3A_779 = vector.broadcast %and3A_778 : i32 to vector<8x1536xi32>
    %and3A_780 = arith.andi %add3A_739, %and3A_779 : vector<8x1536xi32>
    %add3A_781 = arith.addi %get3A_777, %and3A_780 : vector<8x1536xi32>
    %swap3A_782 = arith.constant 2 : index
    %swap3A_783 = arith.constant 0 : index
    %swap3A_784 = arith.constant 0 : index
    %swap3A_785 = vector.load %arg6[%swap3A_782, %swap3A_783, %swap3A_784] : memref<4x8x1536xi32, #tpu.memory_space<vmem>>, vector<1x8x1536xi32>
    %swap3A_786 = vector.shape_cast %swap3A_785 : vector<1x8x1536xi32> to vector<8x1536xi32>
    %swap3A_787 = vector.shape_cast %add3A_781 : vector<8x1536xi32> to vector<1x8x1536xi32>
    tpu.vector_store %arg6[%swap3A_782, %swap3A_783, %swap3A_784], %swap3A_787 {strides = array<i32>} : memref<4x8x1536xi32, #tpu.memory_space<vmem>>, vector<1x8x1536xi32>,
    %get3A_788 = arith.constant 3 : index
    %get3A_789 = arith.constant 0 : index
    %get3A_790 = arith.constant 0 : index
    %get3A_791 = vector.load %arg6[%get3A_788, %get3A_789, %get3A_790] : memref<4x8x1536xi32, #tpu.memory_space<vmem>>, vector<1x8x1536xi32>
    %get3A_792 = vector.shape_cast %get3A_791 : vector<1x8x1536xi32> to vector<8x1536xi32>
    %shift_right_arithmetic3A_793 = arith.constant 4 : i32
    %shift_right_arithmetic3A_794 = vector.broadcast %shift_right_arithmetic3A_793 : i32 to vector<8x1536xi32>
    %shift_right_arithmetic3A_795 = arith.shrsi %add3A_739, %shift_right_arithmetic3A_794 : vector<8x1536xi32>
    %and3A_796 = arith.constant 252645135 : i32
    %and3A_797 = vector.broadcast %and3A_796 : i32 to vector<8x1536xi32>
    %and3A_798 = arith.andi %shift_right_arithmetic3A_795, %and3A_797 : vector<8x1536xi32>
    %add3A_799 = arith.addi %get3A_792, %and3A_798 : vector<8x1536xi32>
    %swap3A_800 = arith.constant 3 : index
    %swap3A_801 = arith.constant 0 : index
    %swap3A_802 = arith.constant 0 : index
    %swap3A_803 = vector.load %arg6[%swap3A_800, %swap3A_801, %swap3A_802] : memref<4x8x1536xi32, #tpu.memory_space<vmem>>, vector<1x8x1536xi32>
    %swap3A_804 = vector.shape_cast %swap3A_803 : vector<1x8x1536xi32> to vector<8x1536xi32>
    %swap3A_805 = vector.shape_cast %add3A_799 : vector<8x1536xi32> to vector<1x8x1536xi32>
    tpu.vector_store %arg6[%swap3A_800, %swap3A_801, %swap3A_802], %swap3A_805 {strides = array<i32>} : memref<4x8x1536xi32, #tpu.memory_space<vmem>>, vector<1x8x1536xi32>,
    %broadcast_in_dim3A_806 = arith.constant 0 : i32
    %broadcast_in_dim3A_807 = vector.broadcast %broadcast_in_dim3A_806 : i32 to vector<8x1536xi32>
    %broadcast_in_dim3A_808 = arith.constant 0 : i32
    %broadcast_in_dim3A_809 = vector.broadcast %broadcast_in_dim3A_808 : i32 to vector<8x1536xi32>
    %slice3A_810 = vector.extract_strided_slice %shift_left3A_25 {offsets = [720, 0], sizes = [8, 1536], strides = [1, 1]} : vector<1024x1536xi32> to vector<8x1536xi32>
    %add3A_811 = arith.addi %broadcast_in_dim3A_807, %slice3A_810 : vector<8x1536xi32>
    %slice3A_812 = vector.extract_strided_slice %shift_left3A_30 {offsets = [720, 0], sizes = [8, 1536], strides = [1, 1]} : vector<1024x1536xi32> to vector<8x1536xi32>
    %add3A_813 = arith.addi %broadcast_in_dim3A_809, %slice3A_812 : vector<8x1536xi32>
    %slice3A_814 = vector.extract_strided_slice %shift_left3A_25 {offsets = [728, 0], sizes = [8, 1536], strides = [1, 1]} : vector<1024x1536xi32> to vector<8x1536xi32>
    %add3A_815 = arith.addi %add3A_811, %slice3A_814 : vector<8x1536xi32>
    %slice3A_816 = vector.extract_strided_slice %shift_left3A_30 {offsets = [728, 0], sizes = [8, 1536], strides = [1, 1]} : vector<1024x1536xi32> to vector<8x1536xi32>
    %add3A_817 = arith.addi %add3A_813, %slice3A_816 : vector<8x1536xi32>
    %slice3A_818 = vector.extract_strided_slice %shift_left3A_25 {offsets = [736, 0], sizes = [8, 1536], strides = [1, 1]} : vector<1024x1536xi32> to vector<8x1536xi32>
    %add3A_819 = arith.addi %add3A_815, %slice3A_818 : vector<8x1536xi32>
    %slice3A_820 = vector.extract_strided_slice %shift_left3A_30 {offsets = [736, 0], sizes = [8, 1536], strides = [1, 1]} : vector<1024x1536xi32> to vector<8x1536xi32>
    %add3A_821 = arith.addi %add3A_817, %slice3A_820 : vector<8x1536xi32>
    %slice3A_822 = vector.extract_strided_slice %shift_left3A_25 {offsets = [744, 0], sizes = [8, 1536], strides = [1, 1]} : vector<1024x1536xi32> to vector<8x1536xi32>
    %add3A_823 = arith.addi %add3A_819, %slice3A_822 : vector<8x1536xi32>
    %slice3A_824 = vector.extract_strided_slice %shift_left3A_30 {offsets = [744, 0], sizes = [8, 1536], strides = [1, 1]} : vector<1024x1536xi32> to vector<8x1536xi32>
    %add3A_825 = arith.addi %add3A_821, %slice3A_824 : vector<8x1536xi32>
    %slice3A_826 = vector.extract_strided_slice %shift_left3A_25 {offsets = [752, 0], sizes = [8, 1536], strides = [1, 1]} : vector<1024x1536xi32> to vector<8x1536xi32>
    %add3A_827 = arith.addi %add3A_823, %slice3A_826 : vector<8x1536xi32>
    %slice3A_828 = vector.extract_strided_slice %shift_left3A_30 {offsets = [752, 0], sizes = [8, 1536], strides = [1, 1]} : vector<1024x1536xi32> to vector<8x1536xi32>
    %add3A_829 = arith.addi %add3A_825, %slice3A_828 : vector<8x1536xi32>
    %slice3A_830 = vector.extract_strided_slice %shift_left3A_25 {offsets = [760, 0], sizes = [8, 1536], strides = [1, 1]} : vector<1024x1536xi32> to vector<8x1536xi32>
    %add3A_831 = arith.addi %add3A_827, %slice3A_830 : vector<8x1536xi32>
    %slice3A_832 = vector.extract_strided_slice %shift_left3A_30 {offsets = [760, 0], sizes = [8, 1536], strides = [1, 1]} : vector<1024x1536xi32> to vector<8x1536xi32>
    %add3A_833 = arith.addi %add3A_829, %slice3A_832 : vector<8x1536xi32>
    %slice3A_834 = vector.extract_strided_slice %shift_left3A_25 {offsets = [768, 0], sizes = [8, 1536], strides = [1, 1]} : vector<1024x1536xi32> to vector<8x1536xi32>
    %add3A_835 = arith.addi %add3A_831, %slice3A_834 : vector<8x1536xi32>
    %slice3A_836 = vector.extract_strided_slice %shift_left3A_30 {offsets = [768, 0], sizes = [8, 1536], strides = [1, 1]} : vector<1024x1536xi32> to vector<8x1536xi32>
    %add3A_837 = arith.addi %add3A_833, %slice3A_836 : vector<8x1536xi32>
    %slice3A_838 = vector.extract_strided_slice %shift_left3A_25 {offsets = [776, 0], sizes = [8, 1536], strides = [1, 1]} : vector<1024x1536xi32> to vector<8x1536xi32>
    %add3A_839 = arith.addi %add3A_835, %slice3A_838 : vector<8x1536xi32>
    %slice3A_840 = vector.extract_strided_slice %shift_left3A_30 {offsets = [776, 0], sizes = [8, 1536], strides = [1, 1]} : vector<1024x1536xi32> to vector<8x1536xi32>
    %add3A_841 = arith.addi %add3A_837, %slice3A_840 : vector<8x1536xi32>
    %slice3A_842 = vector.extract_strided_slice %shift_left3A_25 {offsets = [784, 0], sizes = [8, 1536], strides = [1, 1]} : vector<1024x1536xi32> to vector<8x1536xi32>
    %add3A_843 = arith.addi %add3A_839, %slice3A_842 : vector<8x1536xi32>
    %slice3A_844 = vector.extract_strided_slice %shift_left3A_30 {offsets = [784, 0], sizes = [8, 1536], strides = [1, 1]} : vector<1024x1536xi32> to vector<8x1536xi32>
    %add3A_845 = arith.addi %add3A_841, %slice3A_844 : vector<8x1536xi32>
    %slice3A_846 = vector.extract_strided_slice %shift_left3A_25 {offsets = [792, 0], sizes = [8, 1536], strides = [1, 1]} : vector<1024x1536xi32> to vector<8x1536xi32>
    %add3A_847 = arith.addi %add3A_843, %slice3A_846 : vector<8x1536xi32>
    %slice3A_848 = vector.extract_strided_slice %shift_left3A_30 {offsets = [792, 0], sizes = [8, 1536], strides = [1, 1]} : vector<1024x1536xi32> to vector<8x1536xi32>
    %add3A_849 = arith.addi %add3A_845, %slice3A_848 : vector<8x1536xi32>
    %slice3A_850 = vector.extract_strided_slice %shift_left3A_25 {offsets = [800, 0], sizes = [8, 1536], strides = [1, 1]} : vector<1024x1536xi32> to vector<8x1536xi32>
    %add3A_851 = arith.addi %add3A_847, %slice3A_850 : vector<8x1536xi32>
    %slice3A_852 = vector.extract_strided_slice %shift_left3A_30 {offsets = [800, 0], sizes = [8, 1536], strides = [1, 1]} : vector<1024x1536xi32> to vector<8x1536xi32>
    %add3A_853 = arith.addi %add3A_849, %slice3A_852 : vector<8x1536xi32>
    %slice3A_854 = vector.extract_strided_slice %shift_left3A_25 {offsets = [808, 0], sizes = [8, 1536], strides = [1, 1]} : vector<1024x1536xi32> to vector<8x1536xi32>
    %add3A_855 = arith.addi %add3A_851, %slice3A_854 : vector<8x1536xi32>
    %slice3A_856 = vector.extract_strided_slice %shift_left3A_30 {offsets = [808, 0], sizes = [8, 1536], strides = [1, 1]} : vector<1024x1536xi32> to vector<8x1536xi32>
    %add3A_857 = arith.addi %add3A_853, %slice3A_856 : vector<8x1536xi32>
    %slice3A_858 = vector.extract_strided_slice %shift_left3A_25 {offsets = [816, 0], sizes = [8, 1536], strides = [1, 1]} : vector<1024x1536xi32> to vector<8x1536xi32>
    %add3A_859 = arith.addi %add3A_855, %slice3A_858 : vector<8x1536xi32>
    %slice3A_860 = vector.extract_strided_slice %shift_left3A_30 {offsets = [816, 0], sizes = [8, 1536], strides = [1, 1]} : vector<1024x1536xi32> to vector<8x1536xi32>
    %add3A_861 = arith.addi %add3A_857, %slice3A_860 : vector<8x1536xi32>
    %slice3A_862 = vector.extract_strided_slice %shift_left3A_25 {offsets = [824, 0], sizes = [8, 1536], strides = [1, 1]} : vector<1024x1536xi32> to vector<8x1536xi32>
    %add3A_863 = arith.addi %add3A_859, %slice3A_862 : vector<8x1536xi32>
    %slice3A_864 = vector.extract_strided_slice %shift_left3A_30 {offsets = [824, 0], sizes = [8, 1536], strides = [1, 1]} : vector<1024x1536xi32> to vector<8x1536xi32>
    %add3A_865 = arith.addi %add3A_861, %slice3A_864 : vector<8x1536xi32>
    %slice3A_866 = vector.extract_strided_slice %shift_left3A_25 {offsets = [832, 0], sizes = [8, 1536], strides = [1, 1]} : vector<1024x1536xi32> to vector<8x1536xi32>
    %add3A_867 = arith.addi %add3A_863, %slice3A_866 : vector<8x1536xi32>
    %slice3A_868 = vector.extract_strided_slice %shift_left3A_30 {offsets = [832, 0], sizes = [8, 1536], strides = [1, 1]} : vector<1024x1536xi32> to vector<8x1536xi32>
    %add3A_869 = arith.addi %add3A_865, %slice3A_868 : vector<8x1536xi32>
    %get3A_870 = arith.constant 0 : index
    %get3A_871 = arith.constant 0 : index
    %get3A_872 = arith.constant 0 : index
    %get3A_873 = vector.load %arg6[%get3A_870, %get3A_871, %get3A_872] : memref<4x8x1536xi32, #tpu.memory_space<vmem>>, vector<1x8x1536xi32>
    %get3A_874 = vector.shape_cast %get3A_873 : vector<1x8x1536xi32> to vector<8x1536xi32>
    %and3A_875 = arith.constant 252645135 : i32
    %and3A_876 = vector.broadcast %and3A_875 : i32 to vector<8x1536xi32>
    %and3A_877 = arith.andi %add3A_867, %and3A_876 : vector<8x1536xi32>
    %add3A_878 = arith.addi %get3A_874, %and3A_877 : vector<8x1536xi32>
    %swap3A_879 = arith.constant 0 : index
    %swap3A_880 = arith.constant 0 : index
    %swap3A_881 = arith.constant 0 : index
    %swap3A_882 = vector.load %arg6[%swap3A_879, %swap3A_880, %swap3A_881] : memref<4x8x1536xi32, #tpu.memory_space<vmem>>, vector<1x8x1536xi32>
    %swap3A_883 = vector.shape_cast %swap3A_882 : vector<1x8x1536xi32> to vector<8x1536xi32>
    %swap3A_884 = vector.shape_cast %add3A_878 : vector<8x1536xi32> to vector<1x8x1536xi32>
    tpu.vector_store %arg6[%swap3A_879, %swap3A_880, %swap3A_881], %swap3A_884 {strides = array<i32>} : memref<4x8x1536xi32, #tpu.memory_space<vmem>>, vector<1x8x1536xi32>,
    %get3A_885 = arith.constant 1 : index
    %get3A_886 = arith.constant 0 : index
    %get3A_887 = arith.constant 0 : index
    %get3A_888 = vector.load %arg6[%get3A_885, %get3A_886, %get3A_887] : memref<4x8x1536xi32, #tpu.memory_space<vmem>>, vector<1x8x1536xi32>
    %get3A_889 = vector.shape_cast %get3A_888 : vector<1x8x1536xi32> to vector<8x1536xi32>
    %shift_right_arithmetic3A_890 = arith.constant 4 : i32
    %shift_right_arithmetic3A_891 = vector.broadcast %shift_right_arithmetic3A_890 : i32 to vector<8x1536xi32>
    %shift_right_arithmetic3A_892 = arith.shrsi %add3A_867, %shift_right_arithmetic3A_891 : vector<8x1536xi32>
    %and3A_893 = arith.constant 252645135 : i32
    %and3A_894 = vector.broadcast %and3A_893 : i32 to vector<8x1536xi32>
    %and3A_895 = arith.andi %shift_right_arithmetic3A_892, %and3A_894 : vector<8x1536xi32>
    %add3A_896 = arith.addi %get3A_889, %and3A_895 : vector<8x1536xi32>
    %swap3A_897 = arith.constant 1 : index
    %swap3A_898 = arith.constant 0 : index
    %swap3A_899 = arith.constant 0 : index
    %swap3A_900 = vector.load %arg6[%swap3A_897, %swap3A_898, %swap3A_899] : memref<4x8x1536xi32, #tpu.memory_space<vmem>>, vector<1x8x1536xi32>
    %swap3A_901 = vector.shape_cast %swap3A_900 : vector<1x8x1536xi32> to vector<8x1536xi32>
    %swap3A_902 = vector.shape_cast %add3A_896 : vector<8x1536xi32> to vector<1x8x1536xi32>
    tpu.vector_store %arg6[%swap3A_897, %swap3A_898, %swap3A_899], %swap3A_902 {strides = array<i32>} : memref<4x8x1536xi32, #tpu.memory_space<vmem>>, vector<1x8x1536xi32>,
    %get3A_903 = arith.constant 2 : index
    %get3A_904 = arith.constant 0 : index
    %get3A_905 = arith.constant 0 : index
    %get3A_906 = vector.load %arg6[%get3A_903, %get3A_904, %get3A_905] : memref<4x8x1536xi32, #tpu.memory_space<vmem>>, vector<1x8x1536xi32>
    %get3A_907 = vector.shape_cast %get3A_906 : vector<1x8x1536xi32> to vector<8x1536xi32>
    %and3A_908 = arith.constant 252645135 : i32
    %and3A_909 = vector.broadcast %and3A_908 : i32 to vector<8x1536xi32>
    %and3A_910 = arith.andi %add3A_869, %and3A_909 : vector<8x1536xi32>
    %add3A_911 = arith.addi %get3A_907, %and3A_910 : vector<8x1536xi32>
    %swap3A_912 = arith.constant 2 : index
    %swap3A_913 = arith.constant 0 : index
    %swap3A_914 = arith.constant 0 : index
    %swap3A_915 = vector.load %arg6[%swap3A_912, %swap3A_913, %swap3A_914] : memref<4x8x1536xi32, #tpu.memory_space<vmem>>, vector<1x8x1536xi32>
    %swap3A_916 = vector.shape_cast %swap3A_915 : vector<1x8x1536xi32> to vector<8x1536xi32>
    %swap3A_917 = vector.shape_cast %add3A_911 : vector<8x1536xi32> to vector<1x8x1536xi32>
    tpu.vector_store %arg6[%swap3A_912, %swap3A_913, %swap3A_914], %swap3A_917 {strides = array<i32>} : memref<4x8x1536xi32, #tpu.memory_space<vmem>>, vector<1x8x1536xi32>,
    %get3A_918 = arith.constant 3 : index
    %get3A_919 = arith.constant 0 : index
    %get3A_920 = arith.constant 0 : index
    %get3A_921 = vector.load %arg6[%get3A_918, %get3A_919, %get3A_920] : memref<4x8x1536xi32, #tpu.memory_space<vmem>>, vector<1x8x1536xi32>
    %get3A_922 = vector.shape_cast %get3A_921 : vector<1x8x1536xi32> to vector<8x1536xi32>
    %shift_right_arithmetic3A_923 = arith.constant 4 : i32
    %shift_right_arithmetic3A_924 = vector.broadcast %shift_right_arithmetic3A_923 : i32 to vector<8x1536xi32>
    %shift_right_arithmetic3A_925 = arith.shrsi %add3A_869, %shift_right_arithmetic3A_924 : vector<8x1536xi32>
    %and3A_926 = arith.constant 252645135 : i32
    %and3A_927 = vector.broadcast %and3A_926 : i32 to vector<8x1536xi32>
    %and3A_928 = arith.andi %shift_right_arithmetic3A_925, %and3A_927 : vector<8x1536xi32>
    %add3A_929 = arith.addi %get3A_922, %and3A_928 : vector<8x1536xi32>
    %swap3A_930 = arith.constant 3 : index
    %swap3A_931 = arith.constant 0 : index
    %swap3A_932 = arith.constant 0 : index
    %swap3A_933 = vector.load %arg6[%swap3A_930, %swap3A_931, %swap3A_932] : memref<4x8x1536xi32, #tpu.memory_space<vmem>>, vector<1x8x1536xi32>
    %swap3A_934 = vector.shape_cast %swap3A_933 : vector<1x8x1536xi32> to vector<8x1536xi32>
    %swap3A_935 = vector.shape_cast %add3A_929 : vector<8x1536xi32> to vector<1x8x1536xi32>
    tpu.vector_store %arg6[%swap3A_930, %swap3A_931, %swap3A_932], %swap3A_935 {strides = array<i32>} : memref<4x8x1536xi32, #tpu.memory_space<vmem>>, vector<1x8x1536xi32>,
    %broadcast_in_dim3A_936 = arith.constant 0 : i32
    %broadcast_in_dim3A_937 = vector.broadcast %broadcast_in_dim3A_936 : i32 to vector<8x1536xi32>
    %broadcast_in_dim3A_938 = arith.constant 0 : i32
    %broadcast_in_dim3A_939 = vector.broadcast %broadcast_in_dim3A_938 : i32 to vector<8x1536xi32>
    %slice3A_940 = vector.extract_strided_slice %shift_left3A_25 {offsets = [840, 0], sizes = [8, 1536], strides = [1, 1]} : vector<1024x1536xi32> to vector<8x1536xi32>
    %add3A_941 = arith.addi %broadcast_in_dim3A_937, %slice3A_940 : vector<8x1536xi32>
    %slice3A_942 = vector.extract_strided_slice %shift_left3A_30 {offsets = [840, 0], sizes = [8, 1536], strides = [1, 1]} : vector<1024x1536xi32> to vector<8x1536xi32>
    %add3A_943 = arith.addi %broadcast_in_dim3A_939, %slice3A_942 : vector<8x1536xi32>
    %slice3A_944 = vector.extract_strided_slice %shift_left3A_25 {offsets = [848, 0], sizes = [8, 1536], strides = [1, 1]} : vector<1024x1536xi32> to vector<8x1536xi32>
    %add3A_945 = arith.addi %add3A_941, %slice3A_944 : vector<8x1536xi32>
    %slice3A_946 = vector.extract_strided_slice %shift_left3A_30 {offsets = [848, 0], sizes = [8, 1536], strides = [1, 1]} : vector<1024x1536xi32> to vector<8x1536xi32>
    %add3A_947 = arith.addi %add3A_943, %slice3A_946 : vector<8x1536xi32>
    %slice3A_948 = vector.extract_strided_slice %shift_left3A_25 {offsets = [856, 0], sizes = [8, 1536], strides = [1, 1]} : vector<1024x1536xi32> to vector<8x1536xi32>
    %add3A_949 = arith.addi %add3A_945, %slice3A_948 : vector<8x1536xi32>
    %slice3A_950 = vector.extract_strided_slice %shift_left3A_30 {offsets = [856, 0], sizes = [8, 1536], strides = [1, 1]} : vector<1024x1536xi32> to vector<8x1536xi32>
    %add3A_951 = arith.addi %add3A_947, %slice3A_950 : vector<8x1536xi32>
    %slice3A_952 = vector.extract_strided_slice %shift_left3A_25 {offsets = [864, 0], sizes = [8, 1536], strides = [1, 1]} : vector<1024x1536xi32> to vector<8x1536xi32>
    %add3A_953 = arith.addi %add3A_949, %slice3A_952 : vector<8x1536xi32>
    %slice3A_954 = vector.extract_strided_slice %shift_left3A_30 {offsets = [864, 0], sizes = [8, 1536], strides = [1, 1]} : vector<1024x1536xi32> to vector<8x1536xi32>
    %add3A_955 = arith.addi %add3A_951, %slice3A_954 : vector<8x1536xi32>
    %slice3A_956 = vector.extract_strided_slice %shift_left3A_25 {offsets = [872, 0], sizes = [8, 1536], strides = [1, 1]} : vector<1024x1536xi32> to vector<8x1536xi32>
    %add3A_957 = arith.addi %add3A_953, %slice3A_956 : vector<8x1536xi32>
    %slice3A_958 = vector.extract_strided_slice %shift_left3A_30 {offsets = [872, 0], sizes = [8, 1536], strides = [1, 1]} : vector<1024x1536xi32> to vector<8x1536xi32>
    %add3A_959 = arith.addi %add3A_955, %slice3A_958 : vector<8x1536xi32>
    %slice3A_960 = vector.extract_strided_slice %shift_left3A_25 {offsets = [880, 0], sizes = [8, 1536], strides = [1, 1]} : vector<1024x1536xi32> to vector<8x1536xi32>
    %add3A_961 = arith.addi %add3A_957, %slice3A_960 : vector<8x1536xi32>
    %slice3A_962 = vector.extract_strided_slice %shift_left3A_30 {offsets = [880, 0], sizes = [8, 1536], strides = [1, 1]} : vector<1024x1536xi32> to vector<8x1536xi32>
    %add3A_963 = arith.addi %add3A_959, %slice3A_962 : vector<8x1536xi32>
    %slice3A_964 = vector.extract_strided_slice %shift_left3A_25 {offsets = [888, 0], sizes = [8, 1536], strides = [1, 1]} : vector<1024x1536xi32> to vector<8x1536xi32>
    %add3A_965 = arith.addi %add3A_961, %slice3A_964 : vector<8x1536xi32>
    %slice3A_966 = vector.extract_strided_slice %shift_left3A_30 {offsets = [888, 0], sizes = [8, 1536], strides = [1, 1]} : vector<1024x1536xi32> to vector<8x1536xi32>
    %add3A_967 = arith.addi %add3A_963, %slice3A_966 : vector<8x1536xi32>
    %slice3A_968 = vector.extract_strided_slice %shift_left3A_25 {offsets = [896, 0], sizes = [8, 1536], strides = [1, 1]} : vector<1024x1536xi32> to vector<8x1536xi32>
    %add3A_969 = arith.addi %add3A_965, %slice3A_968 : vector<8x1536xi32>
    %slice3A_970 = vector.extract_strided_slice %shift_left3A_30 {offsets = [896, 0], sizes = [8, 1536], strides = [1, 1]} : vector<1024x1536xi32> to vector<8x1536xi32>
    %add3A_971 = arith.addi %add3A_967, %slice3A_970 : vector<8x1536xi32>
    %slice3A_972 = vector.extract_strided_slice %shift_left3A_25 {offsets = [904, 0], sizes = [8, 1536], strides = [1, 1]} : vector<1024x1536xi32> to vector<8x1536xi32>
    %add3A_973 = arith.addi %add3A_969, %slice3A_972 : vector<8x1536xi32>
    %slice3A_974 = vector.extract_strided_slice %shift_left3A_30 {offsets = [904, 0], sizes = [8, 1536], strides = [1, 1]} : vector<1024x1536xi32> to vector<8x1536xi32>
    %add3A_975 = arith.addi %add3A_971, %slice3A_974 : vector<8x1536xi32>
    %slice3A_976 = vector.extract_strided_slice %shift_left3A_25 {offsets = [912, 0], sizes = [8, 1536], strides = [1, 1]} : vector<1024x1536xi32> to vector<8x1536xi32>
    %add3A_977 = arith.addi %add3A_973, %slice3A_976 : vector<8x1536xi32>
    %slice3A_978 = vector.extract_strided_slice %shift_left3A_30 {offsets = [912, 0], sizes = [8, 1536], strides = [1, 1]} : vector<1024x1536xi32> to vector<8x1536xi32>
    %add3A_979 = arith.addi %add3A_975, %slice3A_978 : vector<8x1536xi32>
    %slice3A_980 = vector.extract_strided_slice %shift_left3A_25 {offsets = [920, 0], sizes = [8, 1536], strides = [1, 1]} : vector<1024x1536xi32> to vector<8x1536xi32>
    %add3A_981 = arith.addi %add3A_977, %slice3A_980 : vector<8x1536xi32>
    %slice3A_982 = vector.extract_strided_slice %shift_left3A_30 {offsets = [920, 0], sizes = [8, 1536], strides = [1, 1]} : vector<1024x1536xi32> to vector<8x1536xi32>
    %add3A_983 = arith.addi %add3A_979, %slice3A_982 : vector<8x1536xi32>
    %slice3A_984 = vector.extract_strided_slice %shift_left3A_25 {offsets = [928, 0], sizes = [8, 1536], strides = [1, 1]} : vector<1024x1536xi32> to vector<8x1536xi32>
    %add3A_985 = arith.addi %add3A_981, %slice3A_984 : vector<8x1536xi32>
    %slice3A_986 = vector.extract_strided_slice %shift_left3A_30 {offsets = [928, 0], sizes = [8, 1536], strides = [1, 1]} : vector<1024x1536xi32> to vector<8x1536xi32>
    %add3A_987 = arith.addi %add3A_983, %slice3A_986 : vector<8x1536xi32>
    %slice3A_988 = vector.extract_strided_slice %shift_left3A_25 {offsets = [936, 0], sizes = [8, 1536], strides = [1, 1]} : vector<1024x1536xi32> to vector<8x1536xi32>
    %add3A_989 = arith.addi %add3A_985, %slice3A_988 : vector<8x1536xi32>
    %slice3A_990 = vector.extract_strided_slice %shift_left3A_30 {offsets = [936, 0], sizes = [8, 1536], strides = [1, 1]} : vector<1024x1536xi32> to vector<8x1536xi32>
    %add3A_991 = arith.addi %add3A_987, %slice3A_990 : vector<8x1536xi32>
    %slice3A_992 = vector.extract_strided_slice %shift_left3A_25 {offsets = [944, 0], sizes = [8, 1536], strides = [1, 1]} : vector<1024x1536xi32> to vector<8x1536xi32>
    %add3A_993 = arith.addi %add3A_989, %slice3A_992 : vector<8x1536xi32>
    %slice3A_994 = vector.extract_strided_slice %shift_left3A_30 {offsets = [944, 0], sizes = [8, 1536], strides = [1, 1]} : vector<1024x1536xi32> to vector<8x1536xi32>
    %add3A_995 = arith.addi %add3A_991, %slice3A_994 : vector<8x1536xi32>
    %slice3A_996 = vector.extract_strided_slice %shift_left3A_25 {offsets = [952, 0], sizes = [8, 1536], strides = [1, 1]} : vector<1024x1536xi32> to vector<8x1536xi32>
    %add3A_997 = arith.addi %add3A_993, %slice3A_996 : vector<8x1536xi32>
    %slice3A_998 = vector.extract_strided_slice %shift_left3A_30 {offsets = [952, 0], sizes = [8, 1536], strides = [1, 1]} : vector<1024x1536xi32> to vector<8x1536xi32>
    %add3A_999 = arith.addi %add3A_995, %slice3A_998 : vector<8x1536xi32>
    %get3A_1000 = arith.constant 0 : index
    %get3A_1001 = arith.constant 0 : index
    %get3A_1002 = arith.constant 0 : index
    %get3A_1003 = vector.load %arg6[%get3A_1000, %get3A_1001, %get3A_1002] : memref<4x8x1536xi32, #tpu.memory_space<vmem>>, vector<1x8x1536xi32>
    %get3A_1004 = vector.shape_cast %get3A_1003 : vector<1x8x1536xi32> to vector<8x1536xi32>
    %and3A_1005 = arith.constant 252645135 : i32
    %and3A_1006 = vector.broadcast %and3A_1005 : i32 to vector<8x1536xi32>
    %and3A_1007 = arith.andi %add3A_997, %and3A_1006 : vector<8x1536xi32>
    %add3A_1008 = arith.addi %get3A_1004, %and3A_1007 : vector<8x1536xi32>
    %swap3A_1009 = arith.constant 0 : index
    %swap3A_1010 = arith.constant 0 : index
    %swap3A_1011 = arith.constant 0 : index
    %swap3A_1012 = vector.load %arg6[%swap3A_1009, %swap3A_1010, %swap3A_1011] : memref<4x8x1536xi32, #tpu.memory_space<vmem>>, vector<1x8x1536xi32>
    %swap3A_1013 = vector.shape_cast %swap3A_1012 : vector<1x8x1536xi32> to vector<8x1536xi32>
    %swap3A_1014 = vector.shape_cast %add3A_1008 : vector<8x1536xi32> to vector<1x8x1536xi32>
    tpu.vector_store %arg6[%swap3A_1009, %swap3A_1010, %swap3A_1011], %swap3A_1014 {strides = array<i32>} : memref<4x8x1536xi32, #tpu.memory_space<vmem>>, vector<1x8x1536xi32>,
    %get3A_1015 = arith.constant 1 : index
    %get3A_1016 = arith.constant 0 : index
    %get3A_1017 = arith.constant 0 : index
    %get3A_1018 = vector.load %arg6[%get3A_1015, %get3A_1016, %get3A_1017] : memref<4x8x1536xi32, #tpu.memory_space<vmem>>, vector<1x8x1536xi32>
    %get3A_1019 = vector.shape_cast %get3A_1018 : vector<1x8x1536xi32> to vector<8x1536xi32>
    %shift_right_arithmetic3A_1020 = arith.constant 4 : i32
    %shift_right_arithmetic3A_1021 = vector.broadcast %shift_right_arithmetic3A_1020 : i32 to vector<8x1536xi32>
    %shift_right_arithmetic3A_1022 = arith.shrsi %add3A_997, %shift_right_arithmetic3A_1021 : vector<8x1536xi32>
    %and3A_1023 = arith.constant 252645135 : i32
    %and3A_1024 = vector.broadcast %and3A_1023 : i32 to vector<8x1536xi32>
    %and3A_1025 = arith.andi %shift_right_arithmetic3A_1022, %and3A_1024 : vector<8x1536xi32>
    %add3A_1026 = arith.addi %get3A_1019, %and3A_1025 : vector<8x1536xi32>
    %swap3A_1027 = arith.constant 1 : index
    %swap3A_1028 = arith.constant 0 : index
    %swap3A_1029 = arith.constant 0 : index
    %swap3A_1030 = vector.load %arg6[%swap3A_1027, %swap3A_1028, %swap3A_1029] : memref<4x8x1536xi32, #tpu.memory_space<vmem>>, vector<1x8x1536xi32>
    %swap3A_1031 = vector.shape_cast %swap3A_1030 : vector<1x8x1536xi32> to vector<8x1536xi32>
    %swap3A_1032 = vector.shape_cast %add3A_1026 : vector<8x1536xi32> to vector<1x8x1536xi32>
    tpu.vector_store %arg6[%swap3A_1027, %swap3A_1028, %swap3A_1029], %swap3A_1032 {strides = array<i32>} : memref<4x8x1536xi32, #tpu.memory_space<vmem>>, vector<1x8x1536xi32>,
    %get3A_1033 = arith.constant 2 : index
    %get3A_1034 = arith.constant 0 : index
    %get3A_1035 = arith.constant 0 : index
    %get3A_1036 = vector.load %arg6[%get3A_1033, %get3A_1034, %get3A_1035] : memref<4x8x1536xi32, #tpu.memory_space<vmem>>, vector<1x8x1536xi32>
    %get3A_1037 = vector.shape_cast %get3A_1036 : vector<1x8x1536xi32> to vector<8x1536xi32>
    %and3A_1038 = arith.constant 252645135 : i32
    %and3A_1039 = vector.broadcast %and3A_1038 : i32 to vector<8x1536xi32>
    %and3A_1040 = arith.andi %add3A_999, %and3A_1039 : vector<8x1536xi32>
    %add3A_1041 = arith.addi %get3A_1037, %and3A_1040 : vector<8x1536xi32>
    %swap3A_1042 = arith.constant 2 : index
    %swap3A_1043 = arith.constant 0 : index
    %swap3A_1044 = arith.constant 0 : index
    %swap3A_1045 = vector.load %arg6[%swap3A_1042, %swap3A_1043, %swap3A_1044] : memref<4x8x1536xi32, #tpu.memory_space<vmem>>, vector<1x8x1536xi32>
    %swap3A_1046 = vector.shape_cast %swap3A_1045 : vector<1x8x1536xi32> to vector<8x1536xi32>
    %swap3A_1047 = vector.shape_cast %add3A_1041 : vector<8x1536xi32> to vector<1x8x1536xi32>
    tpu.vector_store %arg6[%swap3A_1042, %swap3A_1043, %swap3A_1044], %swap3A_1047 {strides = array<i32>} : memref<4x8x1536xi32, #tpu.memory_space<vmem>>, vector<1x8x1536xi32>,
    %get3A_1048 = arith.constant 3 : index
    %get3A_1049 = arith.constant 0 : index
    %get3A_1050 = arith.constant 0 : index
    %get3A_1051 = vector.load %arg6[%get3A_1048, %get3A_1049, %get3A_1050] : memref<4x8x1536xi32, #tpu.memory_space<vmem>>, vector<1x8x1536xi32>
    %get3A_1052 = vector.shape_cast %get3A_1051 : vector<1x8x1536xi32> to vector<8x1536xi32>
    %shift_right_arithmetic3A_1053 = arith.constant 4 : i32
    %shift_right_arithmetic3A_1054 = vector.broadcast %shift_right_arithmetic3A_1053 : i32 to vector<8x1536xi32>
    %shift_right_arithmetic3A_1055 = arith.shrsi %add3A_999, %shift_right_arithmetic3A_1054 : vector<8x1536xi32>
    %and3A_1056 = arith.constant 252645135 : i32
    %and3A_1057 = vector.broadcast %and3A_1056 : i32 to vector<8x1536xi32>
    %and3A_1058 = arith.andi %shift_right_arithmetic3A_1055, %and3A_1057 : vector<8x1536xi32>
    %add3A_1059 = arith.addi %get3A_1052, %and3A_1058 : vector<8x1536xi32>
    %swap3A_1060 = arith.constant 3 : index
    %swap3A_1061 = arith.constant 0 : index
    %swap3A_1062 = arith.constant 0 : index
    %swap3A_1063 = vector.load %arg6[%swap3A_1060, %swap3A_1061, %swap3A_1062] : memref<4x8x1536xi32, #tpu.memory_space<vmem>>, vector<1x8x1536xi32>
    %swap3A_1064 = vector.shape_cast %swap3A_1063 : vector<1x8x1536xi32> to vector<8x1536xi32>
    %swap3A_1065 = vector.shape_cast %add3A_1059 : vector<8x1536xi32> to vector<1x8x1536xi32>
    tpu.vector_store %arg6[%swap3A_1060, %swap3A_1061, %swap3A_1062], %swap3A_1065 {strides = array<i32>} : memref<4x8x1536xi32, #tpu.memory_space<vmem>>, vector<1x8x1536xi32>,
    %broadcast_in_dim3A_1066 = arith.constant 0 : i32
    %broadcast_in_dim3A_1067 = vector.broadcast %broadcast_in_dim3A_1066 : i32 to vector<8x1536xi32>
    %broadcast_in_dim3A_1068 = arith.constant 0 : i32
    %broadcast_in_dim3A_1069 = vector.broadcast %broadcast_in_dim3A_1068 : i32 to vector<8x1536xi32>
    %slice3A_1070 = vector.extract_strided_slice %shift_left3A_25 {offsets = [960, 0], sizes = [8, 1536], strides = [1, 1]} : vector<1024x1536xi32> to vector<8x1536xi32>
    %add3A_1071 = arith.addi %broadcast_in_dim3A_1067, %slice3A_1070 : vector<8x1536xi32>
    %slice3A_1072 = vector.extract_strided_slice %shift_left3A_30 {offsets = [960, 0], sizes = [8, 1536], strides = [1, 1]} : vector<1024x1536xi32> to vector<8x1536xi32>
    %add3A_1073 = arith.addi %broadcast_in_dim3A_1069, %slice3A_1072 : vector<8x1536xi32>
    %slice3A_1074 = vector.extract_strided_slice %shift_left3A_25 {offsets = [968, 0], sizes = [8, 1536], strides = [1, 1]} : vector<1024x1536xi32> to vector<8x1536xi32>
    %add3A_1075 = arith.addi %add3A_1071, %slice3A_1074 : vector<8x1536xi32>
    %slice3A_1076 = vector.extract_strided_slice %shift_left3A_30 {offsets = [968, 0], sizes = [8, 1536], strides = [1, 1]} : vector<1024x1536xi32> to vector<8x1536xi32>
    %add3A_1077 = arith.addi %add3A_1073, %slice3A_1076 : vector<8x1536xi32>
    %slice3A_1078 = vector.extract_strided_slice %shift_left3A_25 {offsets = [976, 0], sizes = [8, 1536], strides = [1, 1]} : vector<1024x1536xi32> to vector<8x1536xi32>
    %add3A_1079 = arith.addi %add3A_1075, %slice3A_1078 : vector<8x1536xi32>
    %slice3A_1080 = vector.extract_strided_slice %shift_left3A_30 {offsets = [976, 0], sizes = [8, 1536], strides = [1, 1]} : vector<1024x1536xi32> to vector<8x1536xi32>
    %add3A_1081 = arith.addi %add3A_1077, %slice3A_1080 : vector<8x1536xi32>
    %slice3A_1082 = vector.extract_strided_slice %shift_left3A_25 {offsets = [984, 0], sizes = [8, 1536], strides = [1, 1]} : vector<1024x1536xi32> to vector<8x1536xi32>
    %add3A_1083 = arith.addi %add3A_1079, %slice3A_1082 : vector<8x1536xi32>
    %slice3A_1084 = vector.extract_strided_slice %shift_left3A_30 {offsets = [984, 0], sizes = [8, 1536], strides = [1, 1]} : vector<1024x1536xi32> to vector<8x1536xi32>
    %add3A_1085 = arith.addi %add3A_1081, %slice3A_1084 : vector<8x1536xi32>
    %slice3A_1086 = vector.extract_strided_slice %shift_left3A_25 {offsets = [992, 0], sizes = [8, 1536], strides = [1, 1]} : vector<1024x1536xi32> to vector<8x1536xi32>
    %add3A_1087 = arith.addi %add3A_1083, %slice3A_1086 : vector<8x1536xi32>
    %slice3A_1088 = vector.extract_strided_slice %shift_left3A_30 {offsets = [992, 0], sizes = [8, 1536], strides = [1, 1]} : vector<1024x1536xi32> to vector<8x1536xi32>
    %add3A_1089 = arith.addi %add3A_1085, %slice3A_1088 : vector<8x1536xi32>
    %slice3A_1090 = vector.extract_strided_slice %shift_left3A_25 {offsets = [1000, 0], sizes = [8, 1536], strides = [1, 1]} : vector<1024x1536xi32> to vector<8x1536xi32>
    %add3A_1091 = arith.addi %add3A_1087, %slice3A_1090 : vector<8x1536xi32>
    %slice3A_1092 = vector.extract_strided_slice %shift_left3A_30 {offsets = [1000, 0], sizes = [8, 1536], strides = [1, 1]} : vector<1024x1536xi32> to vector<8x1536xi32>
    %add3A_1093 = arith.addi %add3A_1089, %slice3A_1092 : vector<8x1536xi32>
    %slice3A_1094 = vector.extract_strided_slice %shift_left3A_25 {offsets = [1008, 0], sizes = [8, 1536], strides = [1, 1]} : vector<1024x1536xi32> to vector<8x1536xi32>
    %add3A_1095 = arith.addi %add3A_1091, %slice3A_1094 : vector<8x1536xi32>
    %slice3A_1096 = vector.extract_strided_slice %shift_left3A_30 {offsets = [1008, 0], sizes = [8, 1536], strides = [1, 1]} : vector<1024x1536xi32> to vector<8x1536xi32>
    %add3A_1097 = arith.addi %add3A_1093, %slice3A_1096 : vector<8x1536xi32>
    %slice3A_1098 = vector.extract_strided_slice %shift_left3A_25 {offsets = [1016, 0], sizes = [8, 1536], strides = [1, 1]} : vector<1024x1536xi32> to vector<8x1536xi32>
    %add3A_1099 = arith.addi %add3A_1095, %slice3A_1098 : vector<8x1536xi32>
    %slice3A_1100 = vector.extract_strided_slice %shift_left3A_30 {offsets = [1016, 0], sizes = [8, 1536], strides = [1, 1]} : vector<1024x1536xi32> to vector<8x1536xi32>
    %add3A_1101 = arith.addi %add3A_1097, %slice3A_1100 : vector<8x1536xi32>
    %get3A_1102 = arith.constant 0 : index
    %get3A_1103 = arith.constant 0 : index
    %get3A_1104 = arith.constant 0 : index
    %get3A_1105 = vector.load %arg6[%get3A_1102, %get3A_1103, %get3A_1104] : memref<4x8x1536xi32, #tpu.memory_space<vmem>>, vector<1x8x1536xi32>
    %get3A_1106 = vector.shape_cast %get3A_1105 : vector<1x8x1536xi32> to vector<8x1536xi32>
    %and3A_1107 = arith.constant 252645135 : i32
    %and3A_1108 = vector.broadcast %and3A_1107 : i32 to vector<8x1536xi32>
    %and3A_1109 = arith.andi %add3A_1099, %and3A_1108 : vector<8x1536xi32>
    %add3A_1110 = arith.addi %get3A_1106, %and3A_1109 : vector<8x1536xi32>
    %swap3A_1111 = arith.constant 0 : index
    %swap3A_1112 = arith.constant 0 : index
    %swap3A_1113 = arith.constant 0 : index
    %swap3A_1114 = vector.load %arg6[%swap3A_1111, %swap3A_1112, %swap3A_1113] : memref<4x8x1536xi32, #tpu.memory_space<vmem>>, vector<1x8x1536xi32>
    %swap3A_1115 = vector.shape_cast %swap3A_1114 : vector<1x8x1536xi32> to vector<8x1536xi32>
    %swap3A_1116 = vector.shape_cast %add3A_1110 : vector<8x1536xi32> to vector<1x8x1536xi32>
    tpu.vector_store %arg6[%swap3A_1111, %swap3A_1112, %swap3A_1113], %swap3A_1116 {strides = array<i32>} : memref<4x8x1536xi32, #tpu.memory_space<vmem>>, vector<1x8x1536xi32>,
    %get3A_1117 = arith.constant 1 : index
    %get3A_1118 = arith.constant 0 : index
    %get3A_1119 = arith.constant 0 : index
    %get3A_1120 = vector.load %arg6[%get3A_1117, %get3A_1118, %get3A_1119] : memref<4x8x1536xi32, #tpu.memory_space<vmem>>, vector<1x8x1536xi32>
    %get3A_1121 = vector.shape_cast %get3A_1120 : vector<1x8x1536xi32> to vector<8x1536xi32>
    %shift_right_arithmetic3A_1122 = arith.constant 4 : i32
    %shift_right_arithmetic3A_1123 = vector.broadcast %shift_right_arithmetic3A_1122 : i32 to vector<8x1536xi32>
    %shift_right_arithmetic3A_1124 = arith.shrsi %add3A_1099, %shift_right_arithmetic3A_1123 : vector<8x1536xi32>
    %and3A_1125 = arith.constant 252645135 : i32
    %and3A_1126 = vector.broadcast %and3A_1125 : i32 to vector<8x1536xi32>
    %and3A_1127 = arith.andi %shift_right_arithmetic3A_1124, %and3A_1126 : vector<8x1536xi32>
    %add3A_1128 = arith.addi %get3A_1121, %and3A_1127 : vector<8x1536xi32>
    %swap3A_1129 = arith.constant 1 : index
    %swap3A_1130 = arith.constant 0 : index
    %swap3A_1131 = arith.constant 0 : index
    %swap3A_1132 = vector.load %arg6[%swap3A_1129, %swap3A_1130, %swap3A_1131] : memref<4x8x1536xi32, #tpu.memory_space<vmem>>, vector<1x8x1536xi32>
    %swap3A_1133 = vector.shape_cast %swap3A_1132 : vector<1x8x1536xi32> to vector<8x1536xi32>
    %swap3A_1134 = vector.shape_cast %add3A_1128 : vector<8x1536xi32> to vector<1x8x1536xi32>
    tpu.vector_store %arg6[%swap3A_1129, %swap3A_1130, %swap3A_1131], %swap3A_1134 {strides = array<i32>} : memref<4x8x1536xi32, #tpu.memory_space<vmem>>, vector<1x8x1536xi32>,
    %get3A_1135 = arith.constant 2 : index
    %get3A_1136 = arith.constant 0 : index
    %get3A_1137 = arith.constant 0 : index
    %get3A_1138 = vector.load %arg6[%get3A_1135, %get3A_1136, %get3A_1137] : memref<4x8x1536xi32, #tpu.memory_space<vmem>>, vector<1x8x1536xi32>
    %get3A_1139 = vector.shape_cast %get3A_1138 : vector<1x8x1536xi32> to vector<8x1536xi32>
    %and3A_1140 = arith.constant 252645135 : i32
    %and3A_1141 = vector.broadcast %and3A_1140 : i32 to vector<8x1536xi32>
    %and3A_1142 = arith.andi %add3A_1101, %and3A_1141 : vector<8x1536xi32>
    %add3A_1143 = arith.addi %get3A_1139, %and3A_1142 : vector<8x1536xi32>
    %swap3A_1144 = arith.constant 2 : index
    %swap3A_1145 = arith.constant 0 : index
    %swap3A_1146 = arith.constant 0 : index
    %swap3A_1147 = vector.load %arg6[%swap3A_1144, %swap3A_1145, %swap3A_1146] : memref<4x8x1536xi32, #tpu.memory_space<vmem>>, vector<1x8x1536xi32>
    %swap3A_1148 = vector.shape_cast %swap3A_1147 : vector<1x8x1536xi32> to vector<8x1536xi32>
    %swap3A_1149 = vector.shape_cast %add3A_1143 : vector<8x1536xi32> to vector<1x8x1536xi32>
    tpu.vector_store %arg6[%swap3A_1144, %swap3A_1145, %swap3A_1146], %swap3A_1149 {strides = array<i32>} : memref<4x8x1536xi32, #tpu.memory_space<vmem>>, vector<1x8x1536xi32>,
    %get3A_1150 = arith.constant 3 : index
    %get3A_1151 = arith.constant 0 : index
    %get3A_1152 = arith.constant 0 : index
    %get3A_1153 = vector.load %arg6[%get3A_1150, %get3A_1151, %get3A_1152] : memref<4x8x1536xi32, #tpu.memory_space<vmem>>, vector<1x8x1536xi32>
    %get3A_1154 = vector.shape_cast %get3A_1153 : vector<1x8x1536xi32> to vector<8x1536xi32>
    %shift_right_arithmetic3A_1155 = arith.constant 4 : i32
    %shift_right_arithmetic3A_1156 = vector.broadcast %shift_right_arithmetic3A_1155 : i32 to vector<8x1536xi32>
    %shift_right_arithmetic3A_1157 = arith.shrsi %add3A_1101, %shift_right_arithmetic3A_1156 : vector<8x1536xi32>
    %and3A_1158 = arith.constant 252645135 : i32
    %and3A_1159 = vector.broadcast %and3A_1158 : i32 to vector<8x1536xi32>
    %and3A_1160 = arith.andi %shift_right_arithmetic3A_1157, %and3A_1159 : vector<8x1536xi32>
    %add3A_1161 = arith.addi %get3A_1154, %and3A_1160 : vector<8x1536xi32>
    %swap3A_1162 = arith.constant 3 : index
    %swap3A_1163 = arith.constant 0 : index
    %swap3A_1164 = arith.constant 0 : index
    %swap3A_1165 = vector.load %arg6[%swap3A_1162, %swap3A_1163, %swap3A_1164] : memref<4x8x1536xi32, #tpu.memory_space<vmem>>, vector<1x8x1536xi32>
    %swap3A_1166 = vector.shape_cast %swap3A_1165 : vector<1x8x1536xi32> to vector<8x1536xi32>
    %swap3A_1167 = vector.shape_cast %add3A_1161 : vector<8x1536xi32> to vector<1x8x1536xi32>
    tpu.vector_store %arg6[%swap3A_1162, %swap3A_1163, %swap3A_1164], %swap3A_1167 {strides = array<i32>} : memref<4x8x1536xi32, #tpu.memory_space<vmem>>, vector<1x8x1536xi32>,
    %get3A_1168 = arith.constant 0 : index
    %get3A_1169 = arith.constant 0 : index
    %get3A_1170 = arith.constant 0 : index
    %get3A_1171 = vector.load %arg5[%get3A_1168, %get3A_1169, %get3A_1170] : memref<15x8x1536xi32, #tpu.memory_space<vmem>>, vector<1x8x1536xi32>
    %get3A_1172 = vector.shape_cast %get3A_1171 : vector<1x8x1536xi32> to vector<8x1536xi32>
    %get3A_1173 = arith.constant 0 : index
    %get3A_1174 = arith.constant 0 : index
    %get3A_1175 = arith.constant 0 : index
    %get3A_1176 = vector.load %arg6[%get3A_1173, %get3A_1174, %get3A_1175] : memref<4x8x1536xi32, #tpu.memory_space<vmem>>, vector<1x8x1536xi32>
    %get3A_1177 = vector.shape_cast %get3A_1176 : vector<1x8x1536xi32> to vector<8x1536xi32>
    %shift_right_arithmetic3A_1178 = arith.constant 0 : i32
    %shift_right_arithmetic3A_1179 = vector.broadcast %shift_right_arithmetic3A_1178 : i32 to vector<8x1536xi32>
    %shift_right_arithmetic3A_1180 = arith.shrsi %get3A_1177, %shift_right_arithmetic3A_1179 : vector<8x1536xi32>
    %and3A_1181 = arith.constant 255 : i32
    %and3A_1182 = vector.broadcast %and3A_1181 : i32 to vector<8x1536xi32>
    %and3A_1183 = arith.andi %shift_right_arithmetic3A_1180, %and3A_1182 : vector<8x1536xi32>
    %add3A_1184 = arith.addi %get3A_1172, %and3A_1183 : vector<8x1536xi32>
    %swap3A_1185 = arith.constant 0 : index
    %swap3A_1186 = arith.constant 0 : index
    %swap3A_1187 = arith.constant 0 : index
    %swap3A_1188 = vector.load %arg5[%swap3A_1185, %swap3A_1186, %swap3A_1187] : memref<15x8x1536xi32, #tpu.memory_space<vmem>>, vector<1x8x1536xi32>
    %swap3A_1189 = vector.shape_cast %swap3A_1188 : vector<1x8x1536xi32> to vector<8x1536xi32>
    %swap3A_1190 = vector.shape_cast %add3A_1184 : vector<8x1536xi32> to vector<1x8x1536xi32>
    tpu.vector_store %arg5[%swap3A_1185, %swap3A_1186, %swap3A_1187], %swap3A_1190 {strides = array<i32>} : memref<15x8x1536xi32, #tpu.memory_space<vmem>>, vector<1x8x1536xi32>,
    %get3A_1191 = arith.constant 1 : index
    %get3A_1192 = arith.constant 0 : index
    %get3A_1193 = arith.constant 0 : index
    %get3A_1194 = vector.load %arg5[%get3A_1191, %get3A_1192, %get3A_1193] : memref<15x8x1536xi32, #tpu.memory_space<vmem>>, vector<1x8x1536xi32>
    %get3A_1195 = vector.shape_cast %get3A_1194 : vector<1x8x1536xi32> to vector<8x1536xi32>
    %get3A_1196 = arith.constant 1 : index
    %get3A_1197 = arith.constant 0 : index
    %get3A_1198 = arith.constant 0 : index
    %get3A_1199 = vector.load %arg6[%get3A_1196, %get3A_1197, %get3A_1198] : memref<4x8x1536xi32, #tpu.memory_space<vmem>>, vector<1x8x1536xi32>
    %get3A_1200 = vector.shape_cast %get3A_1199 : vector<1x8x1536xi32> to vector<8x1536xi32>
    %shift_right_arithmetic3A_1201 = arith.constant 0 : i32
    %shift_right_arithmetic3A_1202 = vector.broadcast %shift_right_arithmetic3A_1201 : i32 to vector<8x1536xi32>
    %shift_right_arithmetic3A_1203 = arith.shrsi %get3A_1200, %shift_right_arithmetic3A_1202 : vector<8x1536xi32>
    %and3A_1204 = arith.constant 255 : i32
    %and3A_1205 = vector.broadcast %and3A_1204 : i32 to vector<8x1536xi32>
    %and3A_1206 = arith.andi %shift_right_arithmetic3A_1203, %and3A_1205 : vector<8x1536xi32>
    %add3A_1207 = arith.addi %get3A_1195, %and3A_1206 : vector<8x1536xi32>
    %swap3A_1208 = arith.constant 1 : index
    %swap3A_1209 = arith.constant 0 : index
    %swap3A_1210 = arith.constant 0 : index
    %swap3A_1211 = vector.load %arg5[%swap3A_1208, %swap3A_1209, %swap3A_1210] : memref<15x8x1536xi32, #tpu.memory_space<vmem>>, vector<1x8x1536xi32>
    %swap3A_1212 = vector.shape_cast %swap3A_1211 : vector<1x8x1536xi32> to vector<8x1536xi32>
    %swap3A_1213 = vector.shape_cast %add3A_1207 : vector<8x1536xi32> to vector<1x8x1536xi32>
    tpu.vector_store %arg5[%swap3A_1208, %swap3A_1209, %swap3A_1210], %swap3A_1213 {strides = array<i32>} : memref<15x8x1536xi32, #tpu.memory_space<vmem>>, vector<1x8x1536xi32>,
    %get3A_1214 = arith.constant 2 : index
    %get3A_1215 = arith.constant 0 : index
    %get3A_1216 = arith.constant 0 : index
    %get3A_1217 = vector.load %arg5[%get3A_1214, %get3A_1215, %get3A_1216] : memref<15x8x1536xi32, #tpu.memory_space<vmem>>, vector<1x8x1536xi32>
    %get3A_1218 = vector.shape_cast %get3A_1217 : vector<1x8x1536xi32> to vector<8x1536xi32>
    %get3A_1219 = arith.constant 0 : index
    %get3A_1220 = arith.constant 0 : index
    %get3A_1221 = arith.constant 0 : index
    %get3A_1222 = vector.load %arg6[%get3A_1219, %get3A_1220, %get3A_1221] : memref<4x8x1536xi32, #tpu.memory_space<vmem>>, vector<1x8x1536xi32>
    %get3A_1223 = vector.shape_cast %get3A_1222 : vector<1x8x1536xi32> to vector<8x1536xi32>
    %shift_right_arithmetic3A_1224 = arith.constant 8 : i32
    %shift_right_arithmetic3A_1225 = vector.broadcast %shift_right_arithmetic3A_1224 : i32 to vector<8x1536xi32>
    %shift_right_arithmetic3A_1226 = arith.shrsi %get3A_1223, %shift_right_arithmetic3A_1225 : vector<8x1536xi32>
    %and3A_1227 = arith.constant 255 : i32
    %and3A_1228 = vector.broadcast %and3A_1227 : i32 to vector<8x1536xi32>
    %and3A_1229 = arith.andi %shift_right_arithmetic3A_1226, %and3A_1228 : vector<8x1536xi32>
    %add3A_1230 = arith.addi %get3A_1218, %and3A_1229 : vector<8x1536xi32>
    %swap3A_1231 = arith.constant 2 : index
    %swap3A_1232 = arith.constant 0 : index
    %swap3A_1233 = arith.constant 0 : index
    %swap3A_1234 = vector.load %arg5[%swap3A_1231, %swap3A_1232, %swap3A_1233] : memref<15x8x1536xi32, #tpu.memory_space<vmem>>, vector<1x8x1536xi32>
    %swap3A_1235 = vector.shape_cast %swap3A_1234 : vector<1x8x1536xi32> to vector<8x1536xi32>
    %swap3A_1236 = vector.shape_cast %add3A_1230 : vector<8x1536xi32> to vector<1x8x1536xi32>
    tpu.vector_store %arg5[%swap3A_1231, %swap3A_1232, %swap3A_1233], %swap3A_1236 {strides = array<i32>} : memref<15x8x1536xi32, #tpu.memory_space<vmem>>, vector<1x8x1536xi32>,
    %get3A_1237 = arith.constant 3 : index
    %get3A_1238 = arith.constant 0 : index
    %get3A_1239 = arith.constant 0 : index
    %get3A_1240 = vector.load %arg5[%get3A_1237, %get3A_1238, %get3A_1239] : memref<15x8x1536xi32, #tpu.memory_space<vmem>>, vector<1x8x1536xi32>
    %get3A_1241 = vector.shape_cast %get3A_1240 : vector<1x8x1536xi32> to vector<8x1536xi32>
    %get3A_1242 = arith.constant 1 : index
    %get3A_1243 = arith.constant 0 : index
    %get3A_1244 = arith.constant 0 : index
    %get3A_1245 = vector.load %arg6[%get3A_1242, %get3A_1243, %get3A_1244] : memref<4x8x1536xi32, #tpu.memory_space<vmem>>, vector<1x8x1536xi32>
    %get3A_1246 = vector.shape_cast %get3A_1245 : vector<1x8x1536xi32> to vector<8x1536xi32>
    %shift_right_arithmetic3A_1247 = arith.constant 8 : i32
    %shift_right_arithmetic3A_1248 = vector.broadcast %shift_right_arithmetic3A_1247 : i32 to vector<8x1536xi32>
    %shift_right_arithmetic3A_1249 = arith.shrsi %get3A_1246, %shift_right_arithmetic3A_1248 : vector<8x1536xi32>
    %and3A_1250 = arith.constant 255 : i32
    %and3A_1251 = vector.broadcast %and3A_1250 : i32 to vector<8x1536xi32>
    %and3A_1252 = arith.andi %shift_right_arithmetic3A_1249, %and3A_1251 : vector<8x1536xi32>
    %add3A_1253 = arith.addi %get3A_1241, %and3A_1252 : vector<8x1536xi32>
    %swap3A_1254 = arith.constant 3 : index
    %swap3A_1255 = arith.constant 0 : index
    %swap3A_1256 = arith.constant 0 : index
    %swap3A_1257 = vector.load %arg5[%swap3A_1254, %swap3A_1255, %swap3A_1256] : memref<15x8x1536xi32, #tpu.memory_space<vmem>>, vector<1x8x1536xi32>
    %swap3A_1258 = vector.shape_cast %swap3A_1257 : vector<1x8x1536xi32> to vector<8x1536xi32>
    %swap3A_1259 = vector.shape_cast %add3A_1253 : vector<8x1536xi32> to vector<1x8x1536xi32>
    tpu.vector_store %arg5[%swap3A_1254, %swap3A_1255, %swap3A_1256], %swap3A_1259 {strides = array<i32>} : memref<15x8x1536xi32, #tpu.memory_space<vmem>>, vector<1x8x1536xi32>,
    %get3A_1260 = arith.constant 4 : index
    %get3A_1261 = arith.constant 0 : index
    %get3A_1262 = arith.constant 0 : index
    %get3A_1263 = vector.load %arg5[%get3A_1260, %get3A_1261, %get3A_1262] : memref<15x8x1536xi32, #tpu.memory_space<vmem>>, vector<1x8x1536xi32>
    %get3A_1264 = vector.shape_cast %get3A_1263 : vector<1x8x1536xi32> to vector<8x1536xi32>
    %get3A_1265 = arith.constant 0 : index
    %get3A_1266 = arith.constant 0 : index
    %get3A_1267 = arith.constant 0 : index
    %get3A_1268 = vector.load %arg6[%get3A_1265, %get3A_1266, %get3A_1267] : memref<4x8x1536xi32, #tpu.memory_space<vmem>>, vector<1x8x1536xi32>
    %get3A_1269 = vector.shape_cast %get3A_1268 : vector<1x8x1536xi32> to vector<8x1536xi32>
    %shift_right_arithmetic3A_1270 = arith.constant 16 : i32
    %shift_right_arithmetic3A_1271 = vector.broadcast %shift_right_arithmetic3A_1270 : i32 to vector<8x1536xi32>
    %shift_right_arithmetic3A_1272 = arith.shrsi %get3A_1269, %shift_right_arithmetic3A_1271 : vector<8x1536xi32>
    %and3A_1273 = arith.constant 255 : i32
    %and3A_1274 = vector.broadcast %and3A_1273 : i32 to vector<8x1536xi32>
    %and3A_1275 = arith.andi %shift_right_arithmetic3A_1272, %and3A_1274 : vector<8x1536xi32>
    %add3A_1276 = arith.addi %get3A_1264, %and3A_1275 : vector<8x1536xi32>
    %swap3A_1277 = arith.constant 4 : index
    %swap3A_1278 = arith.constant 0 : index
    %swap3A_1279 = arith.constant 0 : index
    %swap3A_1280 = vector.load %arg5[%swap3A_1277, %swap3A_1278, %swap3A_1279] : memref<15x8x1536xi32, #tpu.memory_space<vmem>>, vector<1x8x1536xi32>
    %swap3A_1281 = vector.shape_cast %swap3A_1280 : vector<1x8x1536xi32> to vector<8x1536xi32>
    %swap3A_1282 = vector.shape_cast %add3A_1276 : vector<8x1536xi32> to vector<1x8x1536xi32>
    tpu.vector_store %arg5[%swap3A_1277, %swap3A_1278, %swap3A_1279], %swap3A_1282 {strides = array<i32>} : memref<15x8x1536xi32, #tpu.memory_space<vmem>>, vector<1x8x1536xi32>,
    %get3A_1283 = arith.constant 5 : index
    %get3A_1284 = arith.constant 0 : index
    %get3A_1285 = arith.constant 0 : index
    %get3A_1286 = vector.load %arg5[%get3A_1283, %get3A_1284, %get3A_1285] : memref<15x8x1536xi32, #tpu.memory_space<vmem>>, vector<1x8x1536xi32>
    %get3A_1287 = vector.shape_cast %get3A_1286 : vector<1x8x1536xi32> to vector<8x1536xi32>
    %get3A_1288 = arith.constant 1 : index
    %get3A_1289 = arith.constant 0 : index
    %get3A_1290 = arith.constant 0 : index
    %get3A_1291 = vector.load %arg6[%get3A_1288, %get3A_1289, %get3A_1290] : memref<4x8x1536xi32, #tpu.memory_space<vmem>>, vector<1x8x1536xi32>
    %get3A_1292 = vector.shape_cast %get3A_1291 : vector<1x8x1536xi32> to vector<8x1536xi32>
    %shift_right_arithmetic3A_1293 = arith.constant 16 : i32
    %shift_right_arithmetic3A_1294 = vector.broadcast %shift_right_arithmetic3A_1293 : i32 to vector<8x1536xi32>
    %shift_right_arithmetic3A_1295 = arith.shrsi %get3A_1292, %shift_right_arithmetic3A_1294 : vector<8x1536xi32>
    %and3A_1296 = arith.constant 255 : i32
    %and3A_1297 = vector.broadcast %and3A_1296 : i32 to vector<8x1536xi32>
    %and3A_1298 = arith.andi %shift_right_arithmetic3A_1295, %and3A_1297 : vector<8x1536xi32>
    %add3A_1299 = arith.addi %get3A_1287, %and3A_1298 : vector<8x1536xi32>
    %swap3A_1300 = arith.constant 5 : index
    %swap3A_1301 = arith.constant 0 : index
    %swap3A_1302 = arith.constant 0 : index
    %swap3A_1303 = vector.load %arg5[%swap3A_1300, %swap3A_1301, %swap3A_1302] : memref<15x8x1536xi32, #tpu.memory_space<vmem>>, vector<1x8x1536xi32>
    %swap3A_1304 = vector.shape_cast %swap3A_1303 : vector<1x8x1536xi32> to vector<8x1536xi32>
    %swap3A_1305 = vector.shape_cast %add3A_1299 : vector<8x1536xi32> to vector<1x8x1536xi32>
    tpu.vector_store %arg5[%swap3A_1300, %swap3A_1301, %swap3A_1302], %swap3A_1305 {strides = array<i32>} : memref<15x8x1536xi32, #tpu.memory_space<vmem>>, vector<1x8x1536xi32>,
    %get3A_1306 = arith.constant 6 : index
    %get3A_1307 = arith.constant 0 : index
    %get3A_1308 = arith.constant 0 : index
    %get3A_1309 = vector.load %arg5[%get3A_1306, %get3A_1307, %get3A_1308] : memref<15x8x1536xi32, #tpu.memory_space<vmem>>, vector<1x8x1536xi32>
    %get3A_1310 = vector.shape_cast %get3A_1309 : vector<1x8x1536xi32> to vector<8x1536xi32>
    %get3A_1311 = arith.constant 0 : index
    %get3A_1312 = arith.constant 0 : index
    %get3A_1313 = arith.constant 0 : index
    %get3A_1314 = vector.load %arg6[%get3A_1311, %get3A_1312, %get3A_1313] : memref<4x8x1536xi32, #tpu.memory_space<vmem>>, vector<1x8x1536xi32>
    %get3A_1315 = vector.shape_cast %get3A_1314 : vector<1x8x1536xi32> to vector<8x1536xi32>
    %shift_right_arithmetic3A_1316 = arith.constant 24 : i32
    %shift_right_arithmetic3A_1317 = vector.broadcast %shift_right_arithmetic3A_1316 : i32 to vector<8x1536xi32>
    %shift_right_arithmetic3A_1318 = arith.shrsi %get3A_1315, %shift_right_arithmetic3A_1317 : vector<8x1536xi32>
    %and3A_1319 = arith.constant 255 : i32
    %and3A_1320 = vector.broadcast %and3A_1319 : i32 to vector<8x1536xi32>
    %and3A_1321 = arith.andi %shift_right_arithmetic3A_1318, %and3A_1320 : vector<8x1536xi32>
    %add3A_1322 = arith.addi %get3A_1310, %and3A_1321 : vector<8x1536xi32>
    %swap3A_1323 = arith.constant 6 : index
    %swap3A_1324 = arith.constant 0 : index
    %swap3A_1325 = arith.constant 0 : index
    %swap3A_1326 = vector.load %arg5[%swap3A_1323, %swap3A_1324, %swap3A_1325] : memref<15x8x1536xi32, #tpu.memory_space<vmem>>, vector<1x8x1536xi32>
    %swap3A_1327 = vector.shape_cast %swap3A_1326 : vector<1x8x1536xi32> to vector<8x1536xi32>
    %swap3A_1328 = vector.shape_cast %add3A_1322 : vector<8x1536xi32> to vector<1x8x1536xi32>
    tpu.vector_store %arg5[%swap3A_1323, %swap3A_1324, %swap3A_1325], %swap3A_1328 {strides = array<i32>} : memref<15x8x1536xi32, #tpu.memory_space<vmem>>, vector<1x8x1536xi32>,
    %get3A_1329 = arith.constant 7 : index
    %get3A_1330 = arith.constant 0 : index
    %get3A_1331 = arith.constant 0 : index
    %get3A_1332 = vector.load %arg5[%get3A_1329, %get3A_1330, %get3A_1331] : memref<15x8x1536xi32, #tpu.memory_space<vmem>>, vector<1x8x1536xi32>
    %get3A_1333 = vector.shape_cast %get3A_1332 : vector<1x8x1536xi32> to vector<8x1536xi32>
    %get3A_1334 = arith.constant 1 : index
    %get3A_1335 = arith.constant 0 : index
    %get3A_1336 = arith.constant 0 : index
    %get3A_1337 = vector.load %arg6[%get3A_1334, %get3A_1335, %get3A_1336] : memref<4x8x1536xi32, #tpu.memory_space<vmem>>, vector<1x8x1536xi32>
    %get3A_1338 = vector.shape_cast %get3A_1337 : vector<1x8x1536xi32> to vector<8x1536xi32>
    %shift_right_arithmetic3A_1339 = arith.constant 24 : i32
    %shift_right_arithmetic3A_1340 = vector.broadcast %shift_right_arithmetic3A_1339 : i32 to vector<8x1536xi32>
    %shift_right_arithmetic3A_1341 = arith.shrsi %get3A_1338, %shift_right_arithmetic3A_1340 : vector<8x1536xi32>
    %and3A_1342 = arith.constant 255 : i32
    %and3A_1343 = vector.broadcast %and3A_1342 : i32 to vector<8x1536xi32>
    %and3A_1344 = arith.andi %shift_right_arithmetic3A_1341, %and3A_1343 : vector<8x1536xi32>
    %add3A_1345 = arith.addi %get3A_1333, %and3A_1344 : vector<8x1536xi32>
    %swap3A_1346 = arith.constant 7 : index
    %swap3A_1347 = arith.constant 0 : index
    %swap3A_1348 = arith.constant 0 : index
    %swap3A_1349 = vector.load %arg5[%swap3A_1346, %swap3A_1347, %swap3A_1348] : memref<15x8x1536xi32, #tpu.memory_space<vmem>>, vector<1x8x1536xi32>
    %swap3A_1350 = vector.shape_cast %swap3A_1349 : vector<1x8x1536xi32> to vector<8x1536xi32>
    %swap3A_1351 = vector.shape_cast %add3A_1345 : vector<8x1536xi32> to vector<1x8x1536xi32>
    tpu.vector_store %arg5[%swap3A_1346, %swap3A_1347, %swap3A_1348], %swap3A_1351 {strides = array<i32>} : memref<15x8x1536xi32, #tpu.memory_space<vmem>>, vector<1x8x1536xi32>,
    %get3A_1352 = arith.constant 8 : index
    %get3A_1353 = arith.constant 0 : index
    %get3A_1354 = arith.constant 0 : index
    %get3A_1355 = vector.load %arg5[%get3A_1352, %get3A_1353, %get3A_1354] : memref<15x8x1536xi32, #tpu.memory_space<vmem>>, vector<1x8x1536xi32>
    %get3A_1356 = vector.shape_cast %get3A_1355 : vector<1x8x1536xi32> to vector<8x1536xi32>
    %get3A_1357 = arith.constant 2 : index
    %get3A_1358 = arith.constant 0 : index
    %get3A_1359 = arith.constant 0 : index
    %get3A_1360 = vector.load %arg6[%get3A_1357, %get3A_1358, %get3A_1359] : memref<4x8x1536xi32, #tpu.memory_space<vmem>>, vector<1x8x1536xi32>
    %get3A_1361 = vector.shape_cast %get3A_1360 : vector<1x8x1536xi32> to vector<8x1536xi32>
    %shift_right_arithmetic3A_1362 = arith.constant 0 : i32
    %shift_right_arithmetic3A_1363 = vector.broadcast %shift_right_arithmetic3A_1362 : i32 to vector<8x1536xi32>
    %shift_right_arithmetic3A_1364 = arith.shrsi %get3A_1361, %shift_right_arithmetic3A_1363 : vector<8x1536xi32>
    %and3A_1365 = arith.constant 255 : i32
    %and3A_1366 = vector.broadcast %and3A_1365 : i32 to vector<8x1536xi32>
    %and3A_1367 = arith.andi %shift_right_arithmetic3A_1364, %and3A_1366 : vector<8x1536xi32>
    %add3A_1368 = arith.addi %get3A_1356, %and3A_1367 : vector<8x1536xi32>
    %swap3A_1369 = arith.constant 8 : index
    %swap3A_1370 = arith.constant 0 : index
    %swap3A_1371 = arith.constant 0 : index
    %swap3A_1372 = vector.load %arg5[%swap3A_1369, %swap3A_1370, %swap3A_1371] : memref<15x8x1536xi32, #tpu.memory_space<vmem>>, vector<1x8x1536xi32>
    %swap3A_1373 = vector.shape_cast %swap3A_1372 : vector<1x8x1536xi32> to vector<8x1536xi32>
    %swap3A_1374 = vector.shape_cast %add3A_1368 : vector<8x1536xi32> to vector<1x8x1536xi32>
    tpu.vector_store %arg5[%swap3A_1369, %swap3A_1370, %swap3A_1371], %swap3A_1374 {strides = array<i32>} : memref<15x8x1536xi32, #tpu.memory_space<vmem>>, vector<1x8x1536xi32>,
    %get3A_1375 = arith.constant 9 : index
    %get3A_1376 = arith.constant 0 : index
    %get3A_1377 = arith.constant 0 : index
    %get3A_1378 = vector.load %arg5[%get3A_1375, %get3A_1376, %get3A_1377] : memref<15x8x1536xi32, #tpu.memory_space<vmem>>, vector<1x8x1536xi32>
    %get3A_1379 = vector.shape_cast %get3A_1378 : vector<1x8x1536xi32> to vector<8x1536xi32>
    %get3A_1380 = arith.constant 3 : index
    %get3A_1381 = arith.constant 0 : index
    %get3A_1382 = arith.constant 0 : index
    %get3A_1383 = vector.load %arg6[%get3A_1380, %get3A_1381, %get3A_1382] : memref<4x8x1536xi32, #tpu.memory_space<vmem>>, vector<1x8x1536xi32>
    %get3A_1384 = vector.shape_cast %get3A_1383 : vector<1x8x1536xi32> to vector<8x1536xi32>
    %shift_right_arithmetic3A_1385 = arith.constant 0 : i32
    %shift_right_arithmetic3A_1386 = vector.broadcast %shift_right_arithmetic3A_1385 : i32 to vector<8x1536xi32>
    %shift_right_arithmetic3A_1387 = arith.shrsi %get3A_1384, %shift_right_arithmetic3A_1386 : vector<8x1536xi32>
    %and3A_1388 = arith.constant 255 : i32
    %and3A_1389 = vector.broadcast %and3A_1388 : i32 to vector<8x1536xi32>
    %and3A_1390 = arith.andi %shift_right_arithmetic3A_1387, %and3A_1389 : vector<8x1536xi32>
    %add3A_1391 = arith.addi %get3A_1379, %and3A_1390 : vector<8x1536xi32>
    %swap3A_1392 = arith.constant 9 : index
    %swap3A_1393 = arith.constant 0 : index
    %swap3A_1394 = arith.constant 0 : index
    %swap3A_1395 = vector.load %arg5[%swap3A_1392, %swap3A_1393, %swap3A_1394] : memref<15x8x1536xi32, #tpu.memory_space<vmem>>, vector<1x8x1536xi32>
    %swap3A_1396 = vector.shape_cast %swap3A_1395 : vector<1x8x1536xi32> to vector<8x1536xi32>
    %swap3A_1397 = vector.shape_cast %add3A_1391 : vector<8x1536xi32> to vector<1x8x1536xi32>
    tpu.vector_store %arg5[%swap3A_1392, %swap3A_1393, %swap3A_1394], %swap3A_1397 {strides = array<i32>} : memref<15x8x1536xi32, #tpu.memory_space<vmem>>, vector<1x8x1536xi32>,
    %get3A_1398 = arith.constant 10 : index
    %get3A_1399 = arith.constant 0 : index
    %get3A_1400 = arith.constant 0 : index
    %get3A_1401 = vector.load %arg5[%get3A_1398, %get3A_1399, %get3A_1400] : memref<15x8x1536xi32, #tpu.memory_space<vmem>>, vector<1x8x1536xi32>
    %get3A_1402 = vector.shape_cast %get3A_1401 : vector<1x8x1536xi32> to vector<8x1536xi32>
    %get3A_1403 = arith.constant 2 : index
    %get3A_1404 = arith.constant 0 : index
    %get3A_1405 = arith.constant 0 : index
    %get3A_1406 = vector.load %arg6[%get3A_1403, %get3A_1404, %get3A_1405] : memref<4x8x1536xi32, #tpu.memory_space<vmem>>, vector<1x8x1536xi32>
    %get3A_1407 = vector.shape_cast %get3A_1406 : vector<1x8x1536xi32> to vector<8x1536xi32>
    %shift_right_arithmetic3A_1408 = arith.constant 8 : i32
    %shift_right_arithmetic3A_1409 = vector.broadcast %shift_right_arithmetic3A_1408 : i32 to vector<8x1536xi32>
    %shift_right_arithmetic3A_1410 = arith.shrsi %get3A_1407, %shift_right_arithmetic3A_1409 : vector<8x1536xi32>
    %and3A_1411 = arith.constant 255 : i32
    %and3A_1412 = vector.broadcast %and3A_1411 : i32 to vector<8x1536xi32>
    %and3A_1413 = arith.andi %shift_right_arithmetic3A_1410, %and3A_1412 : vector<8x1536xi32>
    %add3A_1414 = arith.addi %get3A_1402, %and3A_1413 : vector<8x1536xi32>
    %swap3A_1415 = arith.constant 10 : index
    %swap3A_1416 = arith.constant 0 : index
    %swap3A_1417 = arith.constant 0 : index
    %swap3A_1418 = vector.load %arg5[%swap3A_1415, %swap3A_1416, %swap3A_1417] : memref<15x8x1536xi32, #tpu.memory_space<vmem>>, vector<1x8x1536xi32>
    %swap3A_1419 = vector.shape_cast %swap3A_1418 : vector<1x8x1536xi32> to vector<8x1536xi32>
    %swap3A_1420 = vector.shape_cast %add3A_1414 : vector<8x1536xi32> to vector<1x8x1536xi32>
    tpu.vector_store %arg5[%swap3A_1415, %swap3A_1416, %swap3A_1417], %swap3A_1420 {strides = array<i32>} : memref<15x8x1536xi32, #tpu.memory_space<vmem>>, vector<1x8x1536xi32>,
    %get3A_1421 = arith.constant 11 : index
    %get3A_1422 = arith.constant 0 : index
    %get3A_1423 = arith.constant 0 : index
    %get3A_1424 = vector.load %arg5[%get3A_1421, %get3A_1422, %get3A_1423] : memref<15x8x1536xi32, #tpu.memory_space<vmem>>, vector<1x8x1536xi32>
    %get3A_1425 = vector.shape_cast %get3A_1424 : vector<1x8x1536xi32> to vector<8x1536xi32>
    %get3A_1426 = arith.constant 3 : index
    %get3A_1427 = arith.constant 0 : index
    %get3A_1428 = arith.constant 0 : index
    %get3A_1429 = vector.load %arg6[%get3A_1426, %get3A_1427, %get3A_1428] : memref<4x8x1536xi32, #tpu.memory_space<vmem>>, vector<1x8x1536xi32>
    %get3A_1430 = vector.shape_cast %get3A_1429 : vector<1x8x1536xi32> to vector<8x1536xi32>
    %shift_right_arithmetic3A_1431 = arith.constant 8 : i32
    %shift_right_arithmetic3A_1432 = vector.broadcast %shift_right_arithmetic3A_1431 : i32 to vector<8x1536xi32>
    %shift_right_arithmetic3A_1433 = arith.shrsi %get3A_1430, %shift_right_arithmetic3A_1432 : vector<8x1536xi32>
    %and3A_1434 = arith.constant 255 : i32
    %and3A_1435 = vector.broadcast %and3A_1434 : i32 to vector<8x1536xi32>
    %and3A_1436 = arith.andi %shift_right_arithmetic3A_1433, %and3A_1435 : vector<8x1536xi32>
    %add3A_1437 = arith.addi %get3A_1425, %and3A_1436 : vector<8x1536xi32>
    %swap3A_1438 = arith.constant 11 : index
    %swap3A_1439 = arith.constant 0 : index
    %swap3A_1440 = arith.constant 0 : index
    %swap3A_1441 = vector.load %arg5[%swap3A_1438, %swap3A_1439, %swap3A_1440] : memref<15x8x1536xi32, #tpu.memory_space<vmem>>, vector<1x8x1536xi32>
    %swap3A_1442 = vector.shape_cast %swap3A_1441 : vector<1x8x1536xi32> to vector<8x1536xi32>
    %swap3A_1443 = vector.shape_cast %add3A_1437 : vector<8x1536xi32> to vector<1x8x1536xi32>
    tpu.vector_store %arg5[%swap3A_1438, %swap3A_1439, %swap3A_1440], %swap3A_1443 {strides = array<i32>} : memref<15x8x1536xi32, #tpu.memory_space<vmem>>, vector<1x8x1536xi32>,
    %get3A_1444 = arith.constant 12 : index
    %get3A_1445 = arith.constant 0 : index
    %get3A_1446 = arith.constant 0 : index
    %get3A_1447 = vector.load %arg5[%get3A_1444, %get3A_1445, %get3A_1446] : memref<15x8x1536xi32, #tpu.memory_space<vmem>>, vector<1x8x1536xi32>
    %get3A_1448 = vector.shape_cast %get3A_1447 : vector<1x8x1536xi32> to vector<8x1536xi32>
    %get3A_1449 = arith.constant 2 : index
    %get3A_1450 = arith.constant 0 : index
    %get3A_1451 = arith.constant 0 : index
    %get3A_1452 = vector.load %arg6[%get3A_1449, %get3A_1450, %get3A_1451] : memref<4x8x1536xi32, #tpu.memory_space<vmem>>, vector<1x8x1536xi32>
    %get3A_1453 = vector.shape_cast %get3A_1452 : vector<1x8x1536xi32> to vector<8x1536xi32>
    %shift_right_arithmetic3A_1454 = arith.constant 16 : i32
    %shift_right_arithmetic3A_1455 = vector.broadcast %shift_right_arithmetic3A_1454 : i32 to vector<8x1536xi32>
    %shift_right_arithmetic3A_1456 = arith.shrsi %get3A_1453, %shift_right_arithmetic3A_1455 : vector<8x1536xi32>
    %and3A_1457 = arith.constant 255 : i32
    %and3A_1458 = vector.broadcast %and3A_1457 : i32 to vector<8x1536xi32>
    %and3A_1459 = arith.andi %shift_right_arithmetic3A_1456, %and3A_1458 : vector<8x1536xi32>
    %add3A_1460 = arith.addi %get3A_1448, %and3A_1459 : vector<8x1536xi32>
    %swap3A_1461 = arith.constant 12 : index
    %swap3A_1462 = arith.constant 0 : index
    %swap3A_1463 = arith.constant 0 : index
    %swap3A_1464 = vector.load %arg5[%swap3A_1461, %swap3A_1462, %swap3A_1463] : memref<15x8x1536xi32, #tpu.memory_space<vmem>>, vector<1x8x1536xi32>
    %swap3A_1465 = vector.shape_cast %swap3A_1464 : vector<1x8x1536xi32> to vector<8x1536xi32>
    %swap3A_1466 = vector.shape_cast %add3A_1460 : vector<8x1536xi32> to vector<1x8x1536xi32>
    tpu.vector_store %arg5[%swap3A_1461, %swap3A_1462, %swap3A_1463], %swap3A_1466 {strides = array<i32>} : memref<15x8x1536xi32, #tpu.memory_space<vmem>>, vector<1x8x1536xi32>,
    %get3A_1467 = arith.constant 13 : index
    %get3A_1468 = arith.constant 0 : index
    %get3A_1469 = arith.constant 0 : index
    %get3A_1470 = vector.load %arg5[%get3A_1467, %get3A_1468, %get3A_1469] : memref<15x8x1536xi32, #tpu.memory_space<vmem>>, vector<1x8x1536xi32>
    %get3A_1471 = vector.shape_cast %get3A_1470 : vector<1x8x1536xi32> to vector<8x1536xi32>
    %get3A_1472 = arith.constant 3 : index
    %get3A_1473 = arith.constant 0 : index
    %get3A_1474 = arith.constant 0 : index
    %get3A_1475 = vector.load %arg6[%get3A_1472, %get3A_1473, %get3A_1474] : memref<4x8x1536xi32, #tpu.memory_space<vmem>>, vector<1x8x1536xi32>
    %get3A_1476 = vector.shape_cast %get3A_1475 : vector<1x8x1536xi32> to vector<8x1536xi32>
    %shift_right_arithmetic3A_1477 = arith.constant 16 : i32
    %shift_right_arithmetic3A_1478 = vector.broadcast %shift_right_arithmetic3A_1477 : i32 to vector<8x1536xi32>
    %shift_right_arithmetic3A_1479 = arith.shrsi %get3A_1476, %shift_right_arithmetic3A_1478 : vector<8x1536xi32>
    %and3A_1480 = arith.constant 255 : i32
    %and3A_1481 = vector.broadcast %and3A_1480 : i32 to vector<8x1536xi32>
    %and3A_1482 = arith.andi %shift_right_arithmetic3A_1479, %and3A_1481 : vector<8x1536xi32>
    %add3A_1483 = arith.addi %get3A_1471, %and3A_1482 : vector<8x1536xi32>
    %swap3A_1484 = arith.constant 13 : index
    %swap3A_1485 = arith.constant 0 : index
    %swap3A_1486 = arith.constant 0 : index
    %swap3A_1487 = vector.load %arg5[%swap3A_1484, %swap3A_1485, %swap3A_1486] : memref<15x8x1536xi32, #tpu.memory_space<vmem>>, vector<1x8x1536xi32>
    %swap3A_1488 = vector.shape_cast %swap3A_1487 : vector<1x8x1536xi32> to vector<8x1536xi32>
    %swap3A_1489 = vector.shape_cast %add3A_1483 : vector<8x1536xi32> to vector<1x8x1536xi32>
    tpu.vector_store %arg5[%swap3A_1484, %swap3A_1485, %swap3A_1486], %swap3A_1489 {strides = array<i32>} : memref<15x8x1536xi32, #tpu.memory_space<vmem>>, vector<1x8x1536xi32>,
    %get3A_1490 = arith.constant 14 : index
    %get3A_1491 = arith.constant 0 : index
    %get3A_1492 = arith.constant 0 : index
    %get3A_1493 = vector.load %arg5[%get3A_1490, %get3A_1491, %get3A_1492] : memref<15x8x1536xi32, #tpu.memory_space<vmem>>, vector<1x8x1536xi32>
    %get3A_1494 = vector.shape_cast %get3A_1493 : vector<1x8x1536xi32> to vector<8x1536xi32>
    %get3A_1495 = arith.constant 2 : index
    %get3A_1496 = arith.constant 0 : index
    %get3A_1497 = arith.constant 0 : index
    %get3A_1498 = vector.load %arg6[%get3A_1495, %get3A_1496, %get3A_1497] : memref<4x8x1536xi32, #tpu.memory_space<vmem>>, vector<1x8x1536xi32>
    %get3A_1499 = vector.shape_cast %get3A_1498 : vector<1x8x1536xi32> to vector<8x1536xi32>
    %shift_right_arithmetic3A_1500 = arith.constant 24 : i32
    %shift_right_arithmetic3A_1501 = vector.broadcast %shift_right_arithmetic3A_1500 : i32 to vector<8x1536xi32>
    %shift_right_arithmetic3A_1502 = arith.shrsi %get3A_1499, %shift_right_arithmetic3A_1501 : vector<8x1536xi32>
    %and3A_1503 = arith.constant 255 : i32
    %and3A_1504 = vector.broadcast %and3A_1503 : i32 to vector<8x1536xi32>
    %and3A_1505 = arith.andi %shift_right_arithmetic3A_1502, %and3A_1504 : vector<8x1536xi32>
    %add3A_1506 = arith.addi %get3A_1494, %and3A_1505 : vector<8x1536xi32>
    %swap3A_1507 = arith.constant 14 : index
    %swap3A_1508 = arith.constant 0 : index
    %swap3A_1509 = arith.constant 0 : index
    %swap3A_1510 = vector.load %arg5[%swap3A_1507, %swap3A_1508, %swap3A_1509] : memref<15x8x1536xi32, #tpu.memory_space<vmem>>, vector<1x8x1536xi32>
    %swap3A_1511 = vector.shape_cast %swap3A_1510 : vector<1x8x1536xi32> to vector<8x1536xi32>
    %swap3A_1512 = vector.shape_cast %add3A_1506 : vector<8x1536xi32> to vector<1x8x1536xi32>
    tpu.vector_store %arg5[%swap3A_1507, %swap3A_1508, %swap3A_1509], %swap3A_1512 {strides = array<i32>} : memref<15x8x1536xi32, #tpu.memory_space<vmem>>, vector<1x8x1536xi32>,
    %broadcast_in_dim3A_1513 = arith.constant 0 : i32
    %broadcast_in_dim3A_1514 = vector.broadcast %broadcast_in_dim3A_1513 : i32 to vector<4x8x1536xi32>
    %swap3A_1515 = arith.constant 0 : index
    %swap3A_1516 = arith.constant 0 : index
    %swap3A_1517 = arith.constant 0 : index
    %swap3A_1518 = vector.load %arg6[%swap3A_1515, %swap3A_1516, %swap3A_1517] : memref<4x8x1536xi32, #tpu.memory_space<vmem>>, vector<4x8x1536xi32>
    tpu.vector_store %arg6[%swap3A_1515, %swap3A_1516, %swap3A_1517], %broadcast_in_dim3A_1514 {strides = array<i32>} : memref<4x8x1536xi32, #tpu.memory_space<vmem>>, vector<4x8x1536xi32>,
    %eq3A_1519 = arith.constant 3 : i32
    %eq3A_1520 = arith.cmpi eq, %arg1, %eq3A_1519 : i32
    %convert_element_type3A_1521 = arith.extui %eq3A_1520 : i1 to i32
    %cond3A_1522 = arith.constant 0 : i32
    %cond3A_1523 = arith.cmpi ne, %convert_element_type3A_1521, %cond3A_1522 : i32
    scf.if %cond3A_1523 {
      %broadcast_in_dim3A_1524 = arith.constant 0 : i32
      %broadcast_in_dim3A_1525 = vector.broadcast %broadcast_in_dim3A_1524 : i32 to vector<1x1536xi32>
      %get3A_1526 = arith.constant 0 : index
      %get3A_1527 = arith.constant 0 : index
      %get3A_1528 = arith.constant 0 : index
      %get3A_1529 = vector.load %arg5[%get3A_1526, %get3A_1527, %get3A_1528] : memref<15x8x1536xi32, #tpu.memory_space<vmem>>, vector<1x8x1536xi32>
      %get3A_1530 = vector.shape_cast %get3A_1529 : vector<1x8x1536xi32> to vector<8x1536xi32>
      %reduce_sum3A = arith.constant dense<0> : vector<1536xi32>
      %reduce_sum3A_1531 = vector.multi_reduction <add>, %get3A_1530, %reduce_sum3A [0] : vector<8x1536xi32> to vector<1536xi32>
      %broadcast_in_dim3A_1532 = vector.shape_cast %reduce_sum3A_1531 : vector<1536xi32> to vector<1x1536xi32>
      %add3A_1533 = arith.addi %broadcast_in_dim3A_1525, %broadcast_in_dim3A_1532 : vector<1x1536xi32>
      %convert_element_type3A_1534 = arith.sitofp %add3A_1533 : vector<1x1536xi32> to vector<1x1536xf32>
      %mul3A_1535 = arith.constant 2.44140625E-4 : f32
      %mul3A_1536 = vector.broadcast %mul3A_1535 : f32 to vector<1x1536xf32>
      %mul3A_1537 = arith.mulf %convert_element_type3A_1534, %mul3A_1536 : vector<1x1536xf32>
      %get3A_1538 = arith.constant 1 : index
      %get3A_1539 = arith.constant 0 : index
      %get3A_1540 = arith.constant 0 : index
      %get3A_1541 = vector.load %arg5[%get3A_1538, %get3A_1539, %get3A_1540] : memref<15x8x1536xi32, #tpu.memory_space<vmem>>, vector<1x8x1536xi32>
      %get3A_1542 = vector.shape_cast %get3A_1541 : vector<1x8x1536xi32> to vector<8x1536xi32>
      %reduce_sum3A_1543 = arith.constant dense<0> : vector<1536xi32>
      %reduce_sum3A_1544 = vector.multi_reduction <add>, %get3A_1542, %reduce_sum3A_1543 [0] : vector<8x1536xi32> to vector<1536xi32>
      %broadcast_in_dim3A_1545 = vector.shape_cast %reduce_sum3A_1544 : vector<1536xi32> to vector<1x1536xi32>
      %add3A_1546 = arith.addi %add3A_1533, %broadcast_in_dim3A_1545 : vector<1x1536xi32>
      %convert_element_type3A_1547 = arith.sitofp %add3A_1546 : vector<1x1536xi32> to vector<1x1536xf32>
      %mul3A_1548 = arith.constant 2.44140625E-4 : f32
      %mul3A_1549 = vector.broadcast %mul3A_1548 : f32 to vector<1x1536xf32>
      %mul3A_1550 = arith.mulf %convert_element_type3A_1547, %mul3A_1549 : vector<1x1536xf32>
      %get3A_1551 = arith.constant 2 : index
      %get3A_1552 = arith.constant 0 : index
      %get3A_1553 = arith.constant 0 : index
      %get3A_1554 = vector.load %arg5[%get3A_1551, %get3A_1552, %get3A_1553] : memref<15x8x1536xi32, #tpu.memory_space<vmem>>, vector<1x8x1536xi32>
      %get3A_1555 = vector.shape_cast %get3A_1554 : vector<1x8x1536xi32> to vector<8x1536xi32>
      %reduce_sum3A_1556 = arith.constant dense<0> : vector<1536xi32>
      %reduce_sum3A_1557 = vector.multi_reduction <add>, %get3A_1555, %reduce_sum3A_1556 [0] : vector<8x1536xi32> to vector<1536xi32>
      %broadcast_in_dim3A_1558 = vector.shape_cast %reduce_sum3A_1557 : vector<1536xi32> to vector<1x1536xi32>
      %add3A_1559 = arith.addi %add3A_1546, %broadcast_in_dim3A_1558 : vector<1x1536xi32>
      %convert_element_type3A_1560 = arith.sitofp %add3A_1559 : vector<1x1536xi32> to vector<1x1536xf32>
      %mul3A_1561 = arith.constant 2.44140625E-4 : f32
      %mul3A_1562 = vector.broadcast %mul3A_1561 : f32 to vector<1x1536xf32>
      %mul3A_1563 = arith.mulf %convert_element_type3A_1560, %mul3A_1562 : vector<1x1536xf32>
      %get3A_1564 = arith.constant 3 : index
      %get3A_1565 = arith.constant 0 : index
      %get3A_1566 = arith.constant 0 : index
      %get3A_1567 = vector.load %arg5[%get3A_1564, %get3A_1565, %get3A_1566] : memref<15x8x1536xi32, #tpu.memory_space<vmem>>, vector<1x8x1536xi32>
      %get3A_1568 = vector.shape_cast %get3A_1567 : vector<1x8x1536xi32> to vector<8x1536xi32>
      %reduce_sum3A_1569 = arith.constant dense<0> : vector<1536xi32>
      %reduce_sum3A_1570 = vector.multi_reduction <add>, %get3A_1568, %reduce_sum3A_1569 [0] : vector<8x1536xi32> to vector<1536xi32>
      %broadcast_in_dim3A_1571 = vector.shape_cast %reduce_sum3A_1570 : vector<1536xi32> to vector<1x1536xi32>
      %add3A_1572 = arith.addi %add3A_1559, %broadcast_in_dim3A_1571 : vector<1x1536xi32>
      %convert_element_type3A_1573 = arith.sitofp %add3A_1572 : vector<1x1536xi32> to vector<1x1536xf32>
      %mul3A_1574 = arith.constant 2.44140625E-4 : f32
      %mul3A_1575 = vector.broadcast %mul3A_1574 : f32 to vector<1x1536xf32>
      %mul3A_1576 = arith.mulf %convert_element_type3A_1573, %mul3A_1575 : vector<1x1536xf32>
      %get3A_1577 = arith.constant 4 : index
      %get3A_1578 = arith.constant 0 : index
      %get3A_1579 = arith.constant 0 : index
      %get3A_1580 = vector.load %arg5[%get3A_1577, %get3A_1578, %get3A_1579] : memref<15x8x1536xi32, #tpu.memory_space<vmem>>, vector<1x8x1536xi32>
      %get3A_1581 = vector.shape_cast %get3A_1580 : vector<1x8x1536xi32> to vector<8x1536xi32>
      %reduce_sum3A_1582 = arith.constant dense<0> : vector<1536xi32>
      %reduce_sum3A_1583 = vector.multi_reduction <add>, %get3A_1581, %reduce_sum3A_1582 [0] : vector<8x1536xi32> to vector<1536xi32>
      %broadcast_in_dim3A_1584 = vector.shape_cast %reduce_sum3A_1583 : vector<1536xi32> to vector<1x1536xi32>
      %add3A_1585 = arith.addi %add3A_1572, %broadcast_in_dim3A_1584 : vector<1x1536xi32>
      %convert_element_type3A_1586 = arith.sitofp %add3A_1585 : vector<1x1536xi32> to vector<1x1536xf32>
      %mul3A_1587 = arith.constant 2.44140625E-4 : f32
      %mul3A_1588 = vector.broadcast %mul3A_1587 : f32 to vector<1x1536xf32>
      %mul3A_1589 = arith.mulf %convert_element_type3A_1586, %mul3A_1588 : vector<1x1536xf32>
      %get3A_1590 = arith.constant 5 : index
      %get3A_1591 = arith.constant 0 : index
      %get3A_1592 = arith.constant 0 : index
      %get3A_1593 = vector.load %arg5[%get3A_1590, %get3A_1591, %get3A_1592] : memref<15x8x1536xi32, #tpu.memory_space<vmem>>, vector<1x8x1536xi32>
      %get3A_1594 = vector.shape_cast %get3A_1593 : vector<1x8x1536xi32> to vector<8x1536xi32>
      %reduce_sum3A_1595 = arith.constant dense<0> : vector<1536xi32>
      %reduce_sum3A_1596 = vector.multi_reduction <add>, %get3A_1594, %reduce_sum3A_1595 [0] : vector<8x1536xi32> to vector<1536xi32>
      %broadcast_in_dim3A_1597 = vector.shape_cast %reduce_sum3A_1596 : vector<1536xi32> to vector<1x1536xi32>
      %add3A_1598 = arith.addi %add3A_1585, %broadcast_in_dim3A_1597 : vector<1x1536xi32>
      %convert_element_type3A_1599 = arith.sitofp %add3A_1598 : vector<1x1536xi32> to vector<1x1536xf32>
      %mul3A_1600 = arith.constant 2.44140625E-4 : f32
      %mul3A_1601 = vector.broadcast %mul3A_1600 : f32 to vector<1x1536xf32>
      %mul3A_1602 = arith.mulf %convert_element_type3A_1599, %mul3A_1601 : vector<1x1536xf32>
      %get3A_1603 = arith.constant 6 : index
      %get3A_1604 = arith.constant 0 : index
      %get3A_1605 = arith.constant 0 : index
      %get3A_1606 = vector.load %arg5[%get3A_1603, %get3A_1604, %get3A_1605] : memref<15x8x1536xi32, #tpu.memory_space<vmem>>, vector<1x8x1536xi32>
      %get3A_1607 = vector.shape_cast %get3A_1606 : vector<1x8x1536xi32> to vector<8x1536xi32>
      %reduce_sum3A_1608 = arith.constant dense<0> : vector<1536xi32>
      %reduce_sum3A_1609 = vector.multi_reduction <add>, %get3A_1607, %reduce_sum3A_1608 [0] : vector<8x1536xi32> to vector<1536xi32>
      %broadcast_in_dim3A_1610 = vector.shape_cast %reduce_sum3A_1609 : vector<1536xi32> to vector<1x1536xi32>
      %add3A_1611 = arith.addi %add3A_1598, %broadcast_in_dim3A_1610 : vector<1x1536xi32>
      %convert_element_type3A_1612 = arith.sitofp %add3A_1611 : vector<1x1536xi32> to vector<1x1536xf32>
      %mul3A_1613 = arith.constant 2.44140625E-4 : f32
      %mul3A_1614 = vector.broadcast %mul3A_1613 : f32 to vector<1x1536xf32>
      %mul3A_1615 = arith.mulf %convert_element_type3A_1612, %mul3A_1614 : vector<1x1536xf32>
      %get3A_1616 = arith.constant 7 : index
      %get3A_1617 = arith.constant 0 : index
      %get3A_1618 = arith.constant 0 : index
      %get3A_1619 = vector.load %arg5[%get3A_1616, %get3A_1617, %get3A_1618] : memref<15x8x1536xi32, #tpu.memory_space<vmem>>, vector<1x8x1536xi32>
      %get3A_1620 = vector.shape_cast %get3A_1619 : vector<1x8x1536xi32> to vector<8x1536xi32>
      %reduce_sum3A_1621 = arith.constant dense<0> : vector<1536xi32>
      %reduce_sum3A_1622 = vector.multi_reduction <add>, %get3A_1620, %reduce_sum3A_1621 [0] : vector<8x1536xi32> to vector<1536xi32>
      %broadcast_in_dim3A_1623 = vector.shape_cast %reduce_sum3A_1622 : vector<1536xi32> to vector<1x1536xi32>
      %add3A_1624 = arith.addi %add3A_1611, %broadcast_in_dim3A_1623 : vector<1x1536xi32>
      %convert_element_type3A_1625 = arith.sitofp %add3A_1624 : vector<1x1536xi32> to vector<1x1536xf32>
      %mul3A_1626 = arith.constant 2.44140625E-4 : f32
      %mul3A_1627 = vector.broadcast %mul3A_1626 : f32 to vector<1x1536xf32>
      %mul3A_1628 = arith.mulf %convert_element_type3A_1625, %mul3A_1627 : vector<1x1536xf32>
      %get3A_1629 = arith.constant 8 : index
      %get3A_1630 = arith.constant 0 : index
      %get3A_1631 = arith.constant 0 : index
      %get3A_1632 = vector.load %arg5[%get3A_1629, %get3A_1630, %get3A_1631] : memref<15x8x1536xi32, #tpu.memory_space<vmem>>, vector<1x8x1536xi32>
      %get3A_1633 = vector.shape_cast %get3A_1632 : vector<1x8x1536xi32> to vector<8x1536xi32>
      %reduce_sum3A_1634 = arith.constant dense<0> : vector<1536xi32>
      %reduce_sum3A_1635 = vector.multi_reduction <add>, %get3A_1633, %reduce_sum3A_1634 [0] : vector<8x1536xi32> to vector<1536xi32>
      %broadcast_in_dim3A_1636 = vector.shape_cast %reduce_sum3A_1635 : vector<1536xi32> to vector<1x1536xi32>
      %add3A_1637 = arith.addi %add3A_1624, %broadcast_in_dim3A_1636 : vector<1x1536xi32>
      %convert_element_type3A_1638 = arith.sitofp %add3A_1637 : vector<1x1536xi32> to vector<1x1536xf32>
      %mul3A_1639 = arith.constant 2.44140625E-4 : f32
      %mul3A_1640 = vector.broadcast %mul3A_1639 : f32 to vector<1x1536xf32>
      %mul3A_1641 = arith.mulf %convert_element_type3A_1638, %mul3A_1640 : vector<1x1536xf32>
      %get3A_1642 = arith.constant 9 : index
      %get3A_1643 = arith.constant 0 : index
      %get3A_1644 = arith.constant 0 : index
      %get3A_1645 = vector.load %arg5[%get3A_1642, %get3A_1643, %get3A_1644] : memref<15x8x1536xi32, #tpu.memory_space<vmem>>, vector<1x8x1536xi32>
      %get3A_1646 = vector.shape_cast %get3A_1645 : vector<1x8x1536xi32> to vector<8x1536xi32>
      %reduce_sum3A_1647 = arith.constant dense<0> : vector<1536xi32>
      %reduce_sum3A_1648 = vector.multi_reduction <add>, %get3A_1646, %reduce_sum3A_1647 [0] : vector<8x1536xi32> to vector<1536xi32>
      %broadcast_in_dim3A_1649 = vector.shape_cast %reduce_sum3A_1648 : vector<1536xi32> to vector<1x1536xi32>
      %add3A_1650 = arith.addi %add3A_1637, %broadcast_in_dim3A_1649 : vector<1x1536xi32>
      %convert_element_type3A_1651 = arith.sitofp %add3A_1650 : vector<1x1536xi32> to vector<1x1536xf32>
      %mul3A_1652 = arith.constant 2.44140625E-4 : f32
      %mul3A_1653 = vector.broadcast %mul3A_1652 : f32 to vector<1x1536xf32>
      %mul3A_1654 = arith.mulf %convert_element_type3A_1651, %mul3A_1653 : vector<1x1536xf32>
      %get3A_1655 = arith.constant 10 : index
      %get3A_1656 = arith.constant 0 : index
      %get3A_1657 = arith.constant 0 : index
      %get3A_1658 = vector.load %arg5[%get3A_1655, %get3A_1656, %get3A_1657] : memref<15x8x1536xi32, #tpu.memory_space<vmem>>, vector<1x8x1536xi32>
      %get3A_1659 = vector.shape_cast %get3A_1658 : vector<1x8x1536xi32> to vector<8x1536xi32>
      %reduce_sum3A_1660 = arith.constant dense<0> : vector<1536xi32>
      %reduce_sum3A_1661 = vector.multi_reduction <add>, %get3A_1659, %reduce_sum3A_1660 [0] : vector<8x1536xi32> to vector<1536xi32>
      %broadcast_in_dim3A_1662 = vector.shape_cast %reduce_sum3A_1661 : vector<1536xi32> to vector<1x1536xi32>
      %add3A_1663 = arith.addi %add3A_1650, %broadcast_in_dim3A_1662 : vector<1x1536xi32>
      %convert_element_type3A_1664 = arith.sitofp %add3A_1663 : vector<1x1536xi32> to vector<1x1536xf32>
      %mul3A_1665 = arith.constant 2.44140625E-4 : f32
      %mul3A_1666 = vector.broadcast %mul3A_1665 : f32 to vector<1x1536xf32>
      %mul3A_1667 = arith.mulf %convert_element_type3A_1664, %mul3A_1666 : vector<1x1536xf32>
      %get3A_1668 = arith.constant 11 : index
      %get3A_1669 = arith.constant 0 : index
      %get3A_1670 = arith.constant 0 : index
      %get3A_1671 = vector.load %arg5[%get3A_1668, %get3A_1669, %get3A_1670] : memref<15x8x1536xi32, #tpu.memory_space<vmem>>, vector<1x8x1536xi32>
      %get3A_1672 = vector.shape_cast %get3A_1671 : vector<1x8x1536xi32> to vector<8x1536xi32>
      %reduce_sum3A_1673 = arith.constant dense<0> : vector<1536xi32>
      %reduce_sum3A_1674 = vector.multi_reduction <add>, %get3A_1672, %reduce_sum3A_1673 [0] : vector<8x1536xi32> to vector<1536xi32>
      %broadcast_in_dim3A_1675 = vector.shape_cast %reduce_sum3A_1674 : vector<1536xi32> to vector<1x1536xi32>
      %add3A_1676 = arith.addi %add3A_1663, %broadcast_in_dim3A_1675 : vector<1x1536xi32>
      %convert_element_type3A_1677 = arith.sitofp %add3A_1676 : vector<1x1536xi32> to vector<1x1536xf32>
      %mul3A_1678 = arith.constant 2.44140625E-4 : f32
      %mul3A_1679 = vector.broadcast %mul3A_1678 : f32 to vector<1x1536xf32>
      %mul3A_1680 = arith.mulf %convert_element_type3A_1677, %mul3A_1679 : vector<1x1536xf32>
      %get3A_1681 = arith.constant 12 : index
      %get3A_1682 = arith.constant 0 : index
      %get3A_1683 = arith.constant 0 : index
      %get3A_1684 = vector.load %arg5[%get3A_1681, %get3A_1682, %get3A_1683] : memref<15x8x1536xi32, #tpu.memory_space<vmem>>, vector<1x8x1536xi32>
      %get3A_1685 = vector.shape_cast %get3A_1684 : vector<1x8x1536xi32> to vector<8x1536xi32>
      %reduce_sum3A_1686 = arith.constant dense<0> : vector<1536xi32>
      %reduce_sum3A_1687 = vector.multi_reduction <add>, %get3A_1685, %reduce_sum3A_1686 [0] : vector<8x1536xi32> to vector<1536xi32>
      %broadcast_in_dim3A_1688 = vector.shape_cast %reduce_sum3A_1687 : vector<1536xi32> to vector<1x1536xi32>
      %add3A_1689 = arith.addi %add3A_1676, %broadcast_in_dim3A_1688 : vector<1x1536xi32>
      %convert_element_type3A_1690 = arith.sitofp %add3A_1689 : vector<1x1536xi32> to vector<1x1536xf32>
      %mul3A_1691 = arith.constant 2.44140625E-4 : f32
      %mul3A_1692 = vector.broadcast %mul3A_1691 : f32 to vector<1x1536xf32>
      %mul3A_1693 = arith.mulf %convert_element_type3A_1690, %mul3A_1692 : vector<1x1536xf32>
      %get3A_1694 = arith.constant 13 : index
      %get3A_1695 = arith.constant 0 : index
      %get3A_1696 = arith.constant 0 : index
      %get3A_1697 = vector.load %arg5[%get3A_1694, %get3A_1695, %get3A_1696] : memref<15x8x1536xi32, #tpu.memory_space<vmem>>, vector<1x8x1536xi32>
      %get3A_1698 = vector.shape_cast %get3A_1697 : vector<1x8x1536xi32> to vector<8x1536xi32>
      %reduce_sum3A_1699 = arith.constant dense<0> : vector<1536xi32>
      %reduce_sum3A_1700 = vector.multi_reduction <add>, %get3A_1698, %reduce_sum3A_1699 [0] : vector<8x1536xi32> to vector<1536xi32>
      %broadcast_in_dim3A_1701 = vector.shape_cast %reduce_sum3A_1700 : vector<1536xi32> to vector<1x1536xi32>
      %add3A_1702 = arith.addi %add3A_1689, %broadcast_in_dim3A_1701 : vector<1x1536xi32>
      %convert_element_type3A_1703 = arith.sitofp %add3A_1702 : vector<1x1536xi32> to vector<1x1536xf32>
      %mul3A_1704 = arith.constant 2.44140625E-4 : f32
      %mul3A_1705 = vector.broadcast %mul3A_1704 : f32 to vector<1x1536xf32>
      %mul3A_1706 = arith.mulf %convert_element_type3A_1703, %mul3A_1705 : vector<1x1536xf32>
      %get3A_1707 = arith.constant 14 : index
      %get3A_1708 = arith.constant 0 : index
      %get3A_1709 = arith.constant 0 : index
      %get3A_1710 = vector.load %arg5[%get3A_1707, %get3A_1708, %get3A_1709] : memref<15x8x1536xi32, #tpu.memory_space<vmem>>, vector<1x8x1536xi32>
      %get3A_1711 = vector.shape_cast %get3A_1710 : vector<1x8x1536xi32> to vector<8x1536xi32>
      %reduce_sum3A_1712 = arith.constant dense<0> : vector<1536xi32>
      %reduce_sum3A_1713 = vector.multi_reduction <add>, %get3A_1711, %reduce_sum3A_1712 [0] : vector<8x1536xi32> to vector<1536xi32>
      %broadcast_in_dim3A_1714 = vector.shape_cast %reduce_sum3A_1713 : vector<1536xi32> to vector<1x1536xi32>
      %add3A_1715 = arith.addi %add3A_1702, %broadcast_in_dim3A_1714 : vector<1x1536xi32>
      %convert_element_type3A_1716 = arith.sitofp %add3A_1715 : vector<1x1536xi32> to vector<1x1536xf32>
      %mul3A_1717 = arith.constant 2.44140625E-4 : f32
      %mul3A_1718 = vector.broadcast %mul3A_1717 : f32 to vector<1x1536xf32>
      %mul3A_1719 = arith.mulf %convert_element_type3A_1716, %mul3A_1718 : vector<1x1536xf32>
      %broadcast_in_dim3A_1720 = arith.constant 0.000000e+00 : f32
      %broadcast_in_dim3A_1721 = vector.broadcast %broadcast_in_dim3A_1720 : f32 to vector<1x1536xf32>
      %concatenate3A_1722 = tpu.concatenate %mul3A_1537, %mul3A_1550, %mul3A_1563, %mul3A_1576, %mul3A_1589, %mul3A_1602, %mul3A_1615, %mul3A_1628, %mul3A_1641, %mul3A_1654, %mul3A_1667, %mul3A_1680, %mul3A_1693, %mul3A_1706, %mul3A_1719, %broadcast_in_dim3A_1721 in 0 : vector<1x1536xf32>, vector<1x1536xf32>, vector<1x1536xf32>, vector<1x1536xf32>, vector<1x1536xf32>, vector<1x1536xf32>, vector<1x1536xf32>, vector<1x1536xf32>, vector<1x1536xf32>, vector<1x1536xf32>, vector<1x1536xf32>, vector<1x1536xf32>, vector<1x1536xf32>, vector<1x1536xf32>, vector<1x1536xf32>, vector<1x1536xf32> -> vector<16x1536xf32>
      %swap3A_1723 = arith.constant 0 : index
      %swap3A_1724 = arith.constant 0 : index
      %swap3A_1725 = arith.constant 0 : index
      %swap3A_1726 = vector.load %arg4[%swap3A_1723, %swap3A_1724, %swap3A_1725] : memref<1x16x1536xf32, #tpu.memory_space<vmem>>, vector<1x16x1536xf32>
      %swap3A_1727 = vector.shape_cast %swap3A_1726 : vector<1x16x1536xf32> to vector<16x1536xf32>
      %swap3A_1728 = vector.shape_cast %concatenate3A_1722 : vector<16x1536xf32> to vector<1x16x1536xf32>
      tpu.vector_store %arg4[%swap3A_1723, %swap3A_1724, %swap3A_1725], %swap3A_1728 {strides = array<i32>} : memref<1x16x1536xf32, #tpu.memory_space<vmem>>, vector<1x16x1536xf32>,
    } else {
    }
    return
  }
  func.func @transform_0(%arg0: i32, %arg1: i32) -> (i32, i32, i32) {
    %c0_i32 = arith.constant 0 : i32
    %c0_i32_0 = arith.constant 0 : i32
    return %arg0, %arg1, %c0_i32 : i32, i32, i32
  }
  func.func @transform_1(%arg0: i32, %arg1: i32) -> (i32, i32) {
    %c0_i32 = arith.constant 0 : i32
    %c0_i32_0 = arith.constant 0 : i32
    %c0_i32_1 = arith.constant 0 : i32
    return %c0_i32, %c0_i32_0 : i32, i32
  }
  func.func @transform_2(%arg0: i32, %arg1: i32) -> (i32, i32, i32) {
    %c0_i32 = arith.constant 0 : i32
    %c0_i32_0 = arith.constant 0 : i32
    %c0_i32_1 = arith.constant 0 : i32
    return %arg0, %c0_i32, %c0_i32_0 : i32, i32, i32
  }
}

</mosaic_0001>

<sc_bundles>
// kernel: kernel.4.cloned.1.call-start
scs
__scs_entry_jumppad:
0x0: {  	(pc) =	sbr.rel $0x88, $3  }
0x1: {  	(tag) =	ssettag $0x0;
	lr =	simm.s32 $0x1  }
0x2: {  	[smem:$0x3FA0] =	sst lr;
	_ =	strace $0xD0000000  }
0x3: {  	_ = 	snop  }
0x4: {  	_ = 	snop  }
0x5: {  	_ = 	snop  }
0x6: {  	_ = 	snop  }
0x7: {  	_ = 	snop  }
__scs_overlays_trampoline_lowered:
0x8: {  	[smem:$0x3FAF] =	sst s0  }
0x9: {  	[smem:$0x3FB0] =	sst s1  }
0xa: {  	[smem:$0x3FB1] =	sst s2  }
0xb: {  	[smem:$0x3FB2] =	sst s3  }
0xc: {  	[smem:$0x3FB3] =	sst s4  }
0xd: {  	[smem:$0x3FB4] =	sst s5  }
0xe: {  	[smem:$0x3FB5] =	sst s6  }
0xf: {  	[smem:$0x3FB6] =	sst s7  }
0x10: {  	[smem:$0x3FB7] =	sst s8  }
0x11: {  	[smem:$0x3FB8] =	sst s9;
	s0 =	simm.s32 @!p0 $0x0  }
0x12: {  	s1 =	sld [smem:$0x3F9E];
	s0 =	simm.s32 @p0 $0x1  }
0x13: {  	[smem:$0x3FB9] =	sst s0;
	s0 =	simm.s32 @!p1 $0x0  }
0x14: {  	s2 =	sld [smem:$0x3F9D];
	s0 =	simm.s32 @p1 $0x1  }
0x15: {  	[smem:$0x3FBA] =	sst s0;
	s0 =	simm.s32 @!p2 $0x0  }
0x16: {  	s3 =	sld [smem:$0x3FDB];
	s0 =	simm.s32 @p2 $0x1  }
0x17: {  	s4 =	simm.s32 $0x1BF5;
	[smem:$0x3FBC] =	sst s0  }
0x18: {  	s0 =	sld [smem:$0x3F9F];
	_ =	swait.ge [sflag:s4], $0x0  }
0x19: {  	s7 =	sld [smem:$0x3FA0]  }
0x1a: {  	s8 =	sadd.s32 $0xFFFFE003, lr  }
0x1b: {  	s9 =	sadd.s32 $0xFFFFFEF7, lr;
	s5 =	simm.s32 $0xFFFFFFFF;
	p2 =	slt.u32 s8, $0xFFFFF086  }
0x1c: {  	p1 =	slt.u32 s9, $0xF7A;
	s5 =	simm.s32 @!p2 $0x0  }
0x1d: {  	s5 =	simm.s32 @p1 $0x1;
	p0 =	seq.s32 s7, s2  }
0x1e: {  	s7 =	smul.u32 @!p0 $0xF7A, s2;
	p2 =	seq.s32 @!p0 s5, $0x0  }
0x1f: {  	s9 =	smul.u32 $0xF7A, s1;
	s8 =	simm.s32 @!p0 $0x1BF5;
	p2 =	por !p2, p0  }
0x20: {  	[sflag:s8] =	ssyncset.s32 @!p0 $0xFFFFF086;
	s6 =	sadd.s32 @!p0 s3, s7;
	s7 =	simm.s32 @!p0 $0x108  }
0x21: {  	s3 =	sadd.s32 s3, s9;
	s6 =	sadd.s32 @!p0 $0x88, s6;
	s7 =	simm.s32 @p2 $0x1082  }
0x22: {  	[simem:s7], [sflag:s8] =	dma.local @!p0 [hbm:s6], $0xF7A  }
0x23: {  	s9 =	sor.u32 $0xD0000000, s2;
	s6 =	simm.s32 $0x108;
	_ =	swait.ge @!p0 [sflag:s8], $0x0  }
0x24: {  	s3 =	sadd.s32 $0x88, s3;
	s6 =	simm.s32 @!p1 $0x1082;
	[sflag:s4] =	ssyncset.s32 $0xFFFFF086  }
0x25: {  	[simem:s6], [sflag:s4] =	dma.local [hbm:s3], $0xF7A  }
0x26: {  	[smem:$0x3FA0] =	sst s1;
	(tag) =	ssettag s2;
	_ =	strace s9  }
0x27: {  	s1 =	sld [smem:$0x3FB0]  }
0x28: {  	s2 =	sld [smem:$0x3FB1]  }
0x29: {  	s4 =	sld [smem:$0x3FB3]  }
0x2a: {  	p0 =	seq.s32 s5, $0x0;
	s5 =	sld [smem:$0x3FB4]  }
0x2b: {  	s6 =	sld [smem:$0x3FB5]  }
0x2c: {  	s7 =	sld [smem:$0x3FB6]  }
0x2d: {  	s3 =	simm.s32 $0x108;
	s8 =	sld [smem:$0x3FB7]  }
0x2e: {  	s3 =	simm.s32 @!p0 $0x1082;
	s9 =	sld [smem:$0x3FB8]  }
0x2f: {  	lr =	sadd.s32 s0, s3;
	s0 =	sld [smem:$0x3FAF]  }
0x30: {  	s3 =	sld [smem:$0x3FB2]  }
0x31: {  	[smem:$0x3FBB] =	sst s10  }
0x32: {  	s10 =	sld [smem:$0x3FB9];
	_ =	sdelay $0x3  }
0x33: {  	p0 =	seq.s32 s10, $0x1;
	s10 =	sld [smem:$0x3FBB];
	_ =	sdelay $0x3  }
0x34: {  	[smem:$0x3FBB] =	sst s10  }
0x35: {  	s10 =	sld [smem:$0x3FBA];
	_ =	sdelay $0x3  }
0x36: {  	p1 =	seq.s32 s10, $0x1;
	s10 =	sld [smem:$0x3FBB];
	_ =	sdelay $0x3  }
0x37: {  	[smem:$0x3FBB] =	sst s10  }
0x38: {  	s10 =	sld [smem:$0x3FBC]  }
0x39: {  	_ = 	snop;
	(pc) =	sbr.ind lr, $3  }
0x3a: {  	_ = 	snop  }
0x3b: {  	_ = 	snop  }
0x3c: {  	p2 =	seq.s32 s10, $0x1;
	s10 =	sld [smem:$0x3FBB]  }
0x3d: {  	_ =	shalt  }
0x3e: {  	_ =	shalt  }
0x3f: {  	_ =	shalt  }
0x40: {  	_ =	shalt  }
0x41: {  	_ =	shalt  }
0x42: {  	_ =	shalt  }
0x43: {  	_ =	shalt  }
0x44: {  	_ =	shalt  }
0x45: {  	_ =	shalt  }
0x46: {  	_ =	shalt  }
0x47: {  	_ =	shalt  }
0x48: {  	_ =	shalt  }
0x49: {  	_ =	shalt  }
0x4a: {  	_ =	shalt  }
0x4b: {  	_ =	shalt  }
0x4c: {  	_ =	shalt  }
0x4d: {  	_ =	shalt  }
0x4e: {  	_ =	shalt  }
0x4f: {  	_ =	shalt  }
0x50: {  	_ =	shalt  }
0x51: {  	_ =	shalt  }
0x52: {  	_ =	shalt  }
0x53: {  	_ =	shalt  }
0x54: {  	_ =	shalt  }
0x55: {  	_ =	shalt  }
0x56: {  	_ =	shalt  }
0x57: {  	_ =	shalt  }
0x58: {  	_ =	shalt  }
0x59: {  	_ =	shalt  }
0x5a: {  	_ =	shalt  }
0x5b: {  	_ =	shalt  }
0x5c: {  	_ =	shalt  }
0x5d: {  	_ =	shalt  }
0x5e: {  	_ =	shalt  }
0x5f: {  	_ =	shalt  }
0x60: {  	_ =	shalt  }
0x61: {  	_ =	shalt  }
0x62: {  	_ =	shalt  }
0x63: {  	_ =	shalt  }
0x64: {  	_ =	shalt  }
0x65: {  	_ =	shalt  }
0x66: {  	_ =	shalt  }
0x67: {  	_ =	shalt  }
0x68: {  	_ =	shalt  }
0x69: {  	_ =	shalt  }
0x6a: {  	_ =	shalt  }
0x6b: {  	_ =	shalt  }
0x6c: {  	_ =	shalt  }
0x6d: {  	_ =	shalt  }
0x6e: {  	_ =	shalt  }
0x6f: {  	_ =	shalt  }
0x70: {  	_ =	shalt  }
0x71: {  	_ =	shalt  }
0x72: {  	_ =	shalt  }
0x73: {  	_ =	shalt  }
0x74: {  	_ =	shalt  }
0x75: {  	_ =	shalt  }
0x76: {  	_ =	shalt  }
0x77: {  	_ =	shalt  }
0x78: {  	_ =	shalt  }
0x79: {  	_ =	shalt  }
0x7a: {  	_ =	shalt  }
0x7b: {  	_ =	shalt  }
0x7c: {  	_ =	shalt  }
0x7d: {  	_ =	shalt  }
0x7e: {  	_ =	shalt  }
0x7f: {  	_ =	shalt  }
0x80: {  	_ =	shalt  }
0x81: {  	_ =	shalt  }
0x82: {  	_ =	shalt  }
0x83: {  	_ =	shalt  }
0x84: {  	_ =	shalt  }
0x85: {  	_ =	shalt  }
0x86: {  	_ =	shalt  }
0x87: {  	_ =	shalt  }
.Lfunc_end0:
.L_simem_size_0:
called_computation_lowered:
.L_overlay_start_0:
0x88: {  	s2 =	sld [smem:$0x3FD9]  }
0x89: {  	s3 =	sld [smem:$0x3FFE];
	_ =	sdelay $0x1  }
0x8a: {  	s1 =	srdreg.scid  }
0x8b: {  	s0 =	sand.u32 $0x1, s1  }
0x8c: {  	s17 =	sshll.u32 s0, $0xA;
	s2 =	sadd.s32 s3, s2  }
0x8d: {  	s2 =	sadd.s32 s2, s17  }
0x8e: {  	[smem:$0x3FC7] =	sst s2  }
0x8f: {  	_ = 	snop  }
0x90: {  	s2 =	sld [smem:$0x3FD0];
	(tm) =	ssettm $0x1  }
0x91: {  	s18 =	sld [smem:$0x3FFB];
	_ =	sdelay $0x3  }
0x92: {  	_ =	strace s18  }
0x93: {  	s3 =	sld [smem:$0x3FFC];
	_ =	sdelay $0x3  }
0x94: {  	_ =	strace s3  }
0x95: {  	s3 =	sld [smem:$0x3FFD];
	_ =	sdelay $0x3  }
0x96: {  	_ =	strace s3  }
0x97: {  	_ =	strace $0x8FFFFFFF  }
0x98: {  	s19 =	sld [smem:$0x3FDB];
	_ =	sdelay $0x1  }
0x99: {  	s4 =	simm.s32 $_scs_section_size  }
0x9a: {  	s5 =	simm.s32 $_size__tile_overlayer_lowered;
	s6 =	simm.s32 $_tile_overlayer_lowered  }
0x9b: {  	s22 =	simm.s32 $0x1BFF;
	s21 =	sshll.u32 s6, $0x1;
	s3 =	sadd.s32 s4, s19  }
0x9c: {  	s7 =	simm.s32 $0x0;
	s20 =	sshll.u32 s5, $0x1;
	s5 =	sadd.s32 s21, s3  }
0x9d: {  	[timem:s7], [sflag:s22] =	dma.local [hbm:s5], s20  }
0x9e: {  	_ =	swait.ge [sflag:s22], s20  }
0x9f: {  	s4 =	ssub.s32 $0x0, s20;
	[sflag:s22] =	ssyncset.done $0x0  }
0xa0: {  	[sflag:s22] =	ssyncadd.s32 s4;
	_ =	sdelay $0x1  }
0xa1: {  	s23 =	simm.s32 $0x1B8B  }
0xa2: {  	_ =	swait.ge [sflag:s23], $0x1  }
0xa3: {  	[sflag:s23] =	ssyncset.done $0x0  }
0xa4: {  	s25 =	simm.s32 $0x1B8E;
	s24 =	sld [smem:$0x3FFE];
	[sflag:s23] =	ssyncadd.s32 $0xFFFFFFFF  }
0xa5: {  	s26 =	simm.s32 $execute0_lowered;
	[smem:$0x3FD2] =	sst s25  }
0xa6: {  	s5 =	sshll.u32 s26, $0x1;
	_ =	strace $0x80000046;
	[dreg:$0x1] =	wrdreg $0xFFFFFFFF  }
0xa7: {  	s28 =	simm.s32 $_size_execute0_lowered;
	s3 =	sadd.s32 s3, s5;
	[dreg:$0x0] =	wrdreg $0x0  }
0xa8: {  	s5 =	sshll.u32 s28, $0x1;
	[dreg:$0x2] =	wrdreg s3  }
0xa9: {  	[dreg:$0x3] =	wrdreg s5  }
0xaa: {  	[dreg:$0x4] =	wrdreg $0xC0  }
0xab: {  	_ =	task [dreg:s7], $0x5FFFF  }
0xac: {  	[dreg:$0x1] =	wrdreg $0xFFFFFFFF  }
0xad: {  	[dreg:$0x0] =	wrdreg $0x60  }
0xae: {  	[dreg:$0x2] =	wrdreg s24  }
0xaf: {  	[dreg:$0x3] =	wrdreg s2  }
0xb0: {  	[dreg:$0x4] =	wrdreg $0x3C800  }
0xb1: {  	[dreg:$0x5] =	wrdreg $0x9  }
0xb2: {  	_ =	task.clear_ibuf [dreg:s7], $0x6FFFF;
	_ =	strace $0x90000046  }
0xb3: {  	s29 =	simm.s32 $0x9;
	_ =	strace $0x80000048  }
0xb4: {  	_ =	swait.ge [sflag:s29], $0x1  }
0xb5: {  	[sflag:s29] =	ssyncadd.s32 $0xFFFFFFFF  }
0xb6: {  	_ =	strace $0x90000048  }
0xb7: {  	_ =	sfence  }
0xb8: {  	s30 =	sld [smem:$0x0];
	_ =	sdelay $0x2  }
0xb9: {  	s31 =	sshll.u32 s1, $0xD;
	s1 =	sshrl.u32 s1, $0x2  }
0xba: {  	s3 =	sand.u32 $0x4000, s31;
	s1 =	sadd.s32 s1, s30  }
0xbb: {  	s0 =	sor.u32 s3, s0;
	s1 =	sshll.u32 s1, $0x11  }
0xbc: {  	s0 =	sor.u32 s1, s0  }
0xbd: {  	s0 =	sadd.s32 $0x8F2B, s0  }
0xbe: {  	[sflag:s0] =	ssyncadd.remote.s32 $0x1  }
0xbf: {  	_ =	sfence.sel $0xFFFF  }
0xc0: {  	[dreg:$0x0] =	wrdreg $0xFFFFFFFF;
	(pc) =	sbr.abs _section_cstart, $3  }
0xc1: {  	[dreg:$0x1] =	wrdreg $0xFFFFFFFF  }
0xc2: {  	_ =	task.clear_ibuf [dreg:s7], $0x2FFFF;
	_ =	strace $0x9FFFFFFF  }
0xc3: {  	(tm) =	ssettm $0x7FFFFFFF  }
tec
execute0_lowered:
.L_overlay_start_1:
0x0: {  	(tag) =	ssettag $0x1  }
0x1: {  	s3 =	rddreg [dreg:$0x0]  }
0x2: {  	s10 =	rddreg [dreg:$0x1];
	s1 =	srdreg.scid  }
0x3: {  	s0 =	stileid.u32;
	s9 =	rddreg [dreg:$0x2]  }
0x4: {  	s2 =	simm.s32 $0x0;
	s16 =	simm.s32 $0x3080;
	s17 =	simm.s32 $0x400  }
0x5: {  	s18 =	simm.s32 $0x3680;
	s4 =	sand.u32 $0x1, s1;
	s1 =	rddreg [dreg:$0x3]  }
0x6: {  	s19 =	simm.s32 $0x0;
	s5 =	sshll.u32 s0, $0x1;
	[smem:$0x7FF] =	sst s2  }
0x7: {  	s7 =	sshll.u32 s0, $0x3;
	s23 =	sshrl.u32 s0, $0x2;
	s11 =	sadd.s32 $0xFFFFFFF8, s0  }
0x8: {  	s28 =	sshrl.u32 s0, $0x3;
	s29 =	sshll.u32 s0, $0x7;
	p0 =	sgt.u32 s0, $0x7  }
0x9: {  	s5 =	sor.u32 s4, s5;
	_ =	strace $0x80000047;
	s7 =	sand.u32 $0x70, s7  }
0xa: {  	s4 =	ssub.s32 $0x2, s4;
	s25 =	sshrl.u32 s11, $0x3;
	s15 =	smul.u32 $0xC000, s28  }
0xb: {  	s11 =	sand.u32 $0x380, s29;
	s6 =	sshll.u32 s5, $0x4;
	s8 =	sadd.s32 s7, s3  }
0xc: {  	s5 =	sshll.u32 s5, $0x7;
	s24 =	sshrl.u32 s4, $0x1;
	s26 =	smul.u32 $0xC000, s25  }
0xd: {  	s6 =	sand.u32 $0x30, s6;
	s5 =	sand.u32 $0x380, s5;
	s12 =	ssub.s32 s4, s24  }
0xe: {  	s4 =	sadd.s32 $0x2000, s8;
	s31 =	sshrl.u32 s15, $0x2;
	s15 =	simm.s32 $0x3000  }
0xf: {  	s6 =	sadd.s32 s6, s3;
	s3 =	smul.u32 $0x3000, s23;
	s14 =	sshra.s32 s26, $0x2  }
0x10: {  	s30 =	sadd.s32 s14, s9;
	s9 =	sadd.s32 s31, s9;
	s14 =	simm.s32 $0x1  }
.Ltmp0:
0x11: {  	s13 =	sor.u32 s3, s5;
	s3 =	sadd.s32 $0x800, s6;
	(pc) =	sbr.rel .LBB2_1-.Ltmp0, $4  }
0x12: {  	v0 =	vlaneseq.u32;
	s6 =	sadd.s32 $0x2040, s8;
	s7 =	sadd.s32 s11, s30;
	s8 =	sadd.s32 $0x2080, s8  }
0x13: {  	v0 =	vmul.u32 $0x3, v0;
	s9 =	sadd.s32 s11, s9;
	s5 =	sshrl.u32 s13, $0x3;
	s13 =	sadd.s32 $0xC000, s13  }
0x14: {  	v1 =	vimm.f32 $0.0e+00;
	v4 =	vimm.s32 $0x0;
	s11 =	smax.u32 s12, $0x1;
	s12 =	simm.s32 $0x80;
	s13 =	sshrl.u32 s13, $0x3  }
0x15: {  	v5 =	vimm.f32 $2.441406250e-04;
	v2 =	vadd.s32 $0x1, v0;
	v3 =	vadd.s32 $0x2, v0;
	s5 =	sadd.s32 s10, s5;
	s10 =	sadd.s32 s10, s13;
	s13 =	simm.s32 $0x200  }
.LBB2_10:
0x16: {  	s19 =	sadd.s32 $0x1, s19  }
0x17: {  	p1 =	sne.s32 s19, s11  }
.Ltmp1:
0x18: {  	_ = 	snop;
	(pc) =	sbr.rel @!p1 .LBB2_11-.Ltmp1, $1  }
0x19: {  	_ =	sdelay $0x3  }
.LBB2_1:
0x1a: {  	[tilespmem:s2], [sflag:$0x1] =	stream.strided.gather [hbm4b:s3+s12], $0x3000, s13, s12, $0x38;
	[tilespmem:$0x3F58] =	vst v63  }
0x1b: {  	_ =	swait.ge [sflag:s14], $0x3000  }
0x1c: {  	[sflag:s14] =	ssyncset.done $0x0  }
0x1d: {  	[sflag:s14] =	ssyncadd.s32 $0xFFFFD000  }
0x1e: {  	[tilespmem:s15], [sflag:$0x1] =	stream.linear.gather [hbm4b:s4+s2], $0x80, $0x38;
	[tilespmem:$0x3F58] =	vst v63  }
0x1f: {  	_ =	swait.ge [sflag:s14], $0x80  }
0x20: {  	[sflag:s14] =	ssyncset.done $0x0  }
0x21: {  	[sflag:s14] =	ssyncadd.s32 $0xFFFFFF80  }
0x22: {  	[tilespmem:$0x3080] =	vst v1  }
0x23: {  	[tilespmem:$0x3090] =	vst v1  }
0x24: {  	[tilespmem:$0x30A0] =	vst v1  }
0x25: {  	[tilespmem:$0x30B0] =	vst v1  }
0x26: {  	[tilespmem:$0x30C0] =	vst v1  }
0x27: {  	[tilespmem:$0x30D0] =	vst v1  }
0x28: {  	[tilespmem:$0x30E0] =	vst v1  }
0x29: {  	[tilespmem:$0x30F0] =	vst v1  }
0x2a: {  	[tilespmem:$0x3100] =	vst v1  }
0x2b: {  	[tilespmem:$0x3110] =	vst v1  }
0x2c: {  	[tilespmem:$0x3120] =	vst v1  }
0x2d: {  	[tilespmem:$0x3130] =	vst v1  }
0x2e: {  	[tilespmem:$0x3140] =	vst v1  }
0x2f: {  	[tilespmem:$0x3150] =	vst v1  }
0x30: {  	[tilespmem:$0x3160] =	vst v1  }
0x31: {  	[tilespmem:$0x3170] =	vst v1  }
0x32: {  	[tilespmem:$0x3180] =	vst v1  }
0x33: {  	[tilespmem:$0x3190] =	vst v1  }
0x34: {  	[tilespmem:$0x31A0] =	vst v1  }
0x35: {  	[tilespmem:$0x31B0] =	vst v1  }
0x36: {  	[tilespmem:$0x31C0] =	vst v1  }
0x37: {  	[tilespmem:$0x31D0] =	vst v1  }
0x38: {  	[tilespmem:$0x31E0] =	vst v1  }
0x39: {  	[tilespmem:$0x31F0] =	vst v1  }
0x3a: {  	[tilespmem:$0x3200] =	vst v1  }
0x3b: {  	[tilespmem:$0x3210] =	vst v1  }
0x3c: {  	[tilespmem:$0x3220] =	vst v1  }
0x3d: {  	[tilespmem:$0x3230] =	vst v1  }
0x3e: {  	[tilespmem:$0x3240] =	vst v1  }
0x3f: {  	[tilespmem:$0x3250] =	vst v1  }
0x40: {  	[tilespmem:$0x3260] =	vst v1  }
0x41: {  	[tilespmem:$0x3270] =	vst v1  }
0x42: {  	[tilespmem:$0x3280] =	vst v1  }
0x43: {  	[tilespmem:$0x3290] =	vst v1  }
0x44: {  	[tilespmem:$0x32A0] =	vst v1  }
0x45: {  	[tilespmem:$0x32B0] =	vst v1  }
0x46: {  	[tilespmem:$0x32C0] =	vst v1  }
0x47: {  	[tilespmem:$0x32D0] =	vst v1  }
0x48: {  	[tilespmem:$0x32E0] =	vst v1  }
0x49: {  	[tilespmem:$0x32F0] =	vst v1  }
0x4a: {  	[tilespmem:$0x3300] =	vst v1  }
0x4b: {  	[tilespmem:$0x3310] =	vst v1  }
0x4c: {  	[tilespmem:$0x3320] =	vst v1  }
0x4d: {  	[tilespmem:$0x3330] =	vst v1  }
0x4e: {  	[tilespmem:$0x3340] =	vst v1  }
0x4f: {  	[tilespmem:$0x3350] =	vst v1  }
0x50: {  	[tilespmem:$0x3360] =	vst v1  }
0x51: {  	[tilespmem:$0x3370] =	vst v1  }
0x52: {  	[tilespmem:$0x3380] =	vst v1  }
0x53: {  	[tilespmem:$0x3390] =	vst v1  }
0x54: {  	[tilespmem:$0x33A0] =	vst v1  }
0x55: {  	[tilespmem:$0x33B0] =	vst v1  }
0x56: {  	[tilespmem:$0x33C0] =	vst v1  }
0x57: {  	[tilespmem:$0x33D0] =	vst v1  }
0x58: {  	[tilespmem:$0x33E0] =	vst v1  }
0x59: {  	[tilespmem:$0x33F0] =	vst v1  }
0x5a: {  	[tilespmem:$0x3400] =	vst v1  }
0x5b: {  	[tilespmem:$0x3410] =	vst v1  }
0x5c: {  	[tilespmem:$0x3420] =	vst v1  }
0x5d: {  	[tilespmem:$0x3430] =	vst v1  }
0x5e: {  	[tilespmem:$0x3440] =	vst v1  }
0x5f: {  	[tilespmem:$0x3450] =	vst v1  }
0x60: {  	[tilespmem:$0x3460] =	vst v1  }
0x61: {  	[tilespmem:$0x3470] =	vst v1  }
0x62: {  	[tilespmem:$0x3480] =	vst v1  }
0x63: {  	[tilespmem:$0x3490] =	vst v1  }
0x64: {  	[tilespmem:$0x34A0] =	vst v1  }
0x65: {  	[tilespmem:$0x34B0] =	vst v1  }
0x66: {  	[tilespmem:$0x34C0] =	vst v1  }
0x67: {  	[tilespmem:$0x34D0] =	vst v1  }
0x68: {  	[tilespmem:$0x34E0] =	vst v1  }
0x69: {  	[tilespmem:$0x34F0] =	vst v1  }
0x6a: {  	[tilespmem:$0x3500] =	vst v1  }
0x6b: {  	[tilespmem:$0x3510] =	vst v1  }
0x6c: {  	[tilespmem:$0x3520] =	vst v1  }
0x6d: {  	[tilespmem:$0x3530] =	vst v1  }
0x6e: {  	[tilespmem:$0x3540] =	vst v1  }
0x6f: {  	[tilespmem:$0x3550] =	vst v1  }
0x70: {  	[tilespmem:$0x3560] =	vst v1  }
0x71: {  	[tilespmem:$0x3570] =	vst v1  }
0x72: {  	[tilespmem:$0x3580] =	vst v1  }
0x73: {  	[tilespmem:$0x3590] =	vst v1  }
0x74: {  	[tilespmem:$0x35A0] =	vst v1  }
0x75: {  	[tilespmem:$0x35B0] =	vst v1  }
0x76: {  	[tilespmem:$0x35C0] =	vst v1  }
0x77: {  	[tilespmem:$0x35D0] =	vst v1  }
0x78: {  	[tilespmem:$0x35E0] =	vst v1  }
0x79: {  	[tilespmem:$0x35F0] =	vst v1  }
0x7a: {  	[tilespmem:$0x3600] =	vst v1  }
0x7b: {  	[tilespmem:$0x3610] =	vst v1;
	v6 =	vld [tilespmem:$0x3000]  }
0x7c: {  	s20 =	simm.s32 $0x90;
	[tilespmem:$0x3620] =	vst v1;
	v7 =	vld [tilespmem:$0x3010]  }
.LBB2_2:
0x7d: {  	s21 =	sadd.s32 $0xFFFFFF70, s20  }
0x7e: {  	v8 =	vor.u32 s21, v0  }
0x7f: {  	v9 =	vor.u32 s21, v2;
	_ =	sdelay $0x3  }
0x80: {  	v10 =	vor.u32 s21, v3;
	v8 =	vld.idx.msk [tilespmem:v8+s2+$0x0], $0xffff  }
0x81: {  	v9 =	vld.idx.msk [tilespmem:v9+s2+$0x0], $0xffff;
	_ =	sdelay $0x3  }
0x82: {  	v10 =	vld.idx.msk [tilespmem:v10+s2+$0x0], $0xffff  }
0x83: {  	v11 =	vmul.f32 v8, v6;
	v12 =	vmul.f32 v9, v7  }
0x84: {  	v8 =	vmul.f32 v8, v7;
	v9 =	vmul.f32 v9, v6;
	_ =	sdelay $0x1  }
0x85: {  	v8 =	vadd.f32 v9, v8  }
0x86: {  	v10 =	vadd.f32 $2.500000000e+00, v10;
	v11 =	vsub.f32 v11, v12  }
0x87: {  	v8 =	vadd.f32 $8.500000000e+00, v8  }
0x88: {  	v10 =	vmax.f32 v10, $-1.600000000e+04;
	v56 =	vadd.f32 $8.500000000e+00, v11  }
0x89: {  	v60 =	vmin.f32 v10, $1.600000000e+04;
	v8 =	vmax.f32 v8, $-1.600000000e+04  }
0x8a: {  	v62 =	vtrunc.f32 v60;
	v9 =	vmax.f32 v56, $-1.600000000e+04;
	v8 =	vmin.f32 v8, $1.600000000e+04  }
0x8b: {  	vm14 =	vlt.f32 v60, v62;
	v9 =	vmin.f32 v9, $1.600000000e+04;
	v58 =	vtrunc.f32 v8  }
0x8c: {  	v57 =	vtrunc.f32 v9;
	vm0 =	vlt.f32 v8, v58;
	v8 =	vcvt.f32.s32 v58  }
0x8d: {  	vm13 =	vlt.f32 v9, v57;
	v61 =	vcvt.f32.s32 v57;
	v59 =	vsel vm0, $0xFFFFFFFF, v4  }
0x8e: {  	v14 =	vcvt.f32.s32 v62;
	v63 =	vsel vm13, $0xFFFFFFFF, v4;
	v8 =	vadd.s32 v8, v59  }
0x8f: {  	v15 =	vsel vm14, $0xFFFFFFFF, v4;
	v10 =	vadd.s32 v61, v63;
	v8 =	vmul.u32 $0x5, v8  }
0x90: {  	v9 =	vadd.s32 v14, v15;
	v10 =	vmul.u32 $0x55, v10  }
0x91: {  	v8 =	vadd.s32 v8, v9  }
0x92: {  	v8 =	vadd.s32 v10, v8  }
0x93: {  	vm15 =	vlt.u32 v8, $0x5A5  }
0x94: {  	s30 =	sadd.s32 $0xFFFFFFA0, s20  }
0x95: {  	v16 =	vadd.s32 s30, v0  }
0x96: {  	v17 =	vadd.s32 s30, v2;
	_ =	sdelay $0x2  }
0x97: {  	v19 =	vadd.s32 s30, v3;
	[tilespmem:v8+s16+$0x0] =	vst.idx.add.f32.msk vm15, v5  }
0x98: {  	v8 =	vld.idx.msk [tilespmem:v16+s2+$0x0], $0xffff  }
0x99: {  	v18 =	vld.idx.msk [tilespmem:v17+s2+$0x0], $0xffff;
	_ =	sdelay $0x2  }
0x9a: {  	v10 =	vld.idx.msk [tilespmem:v19+s2+$0x0], $0xffff  }
0x9b: {  	v20 =	vmul.f32 v8, v6  }
0x9c: {  	v8 =	vmul.f32 v8, v7;
	v9 =	vmul.f32 v18, v6  }
0x9d: {  	v21 =	vmul.f32 v18, v7  }
0x9e: {  	v8 =	vadd.f32 v9, v8  }
0x9f: {  	v10 =	vadd.f32 $2.500000000e+00, v10;
	v11 =	vsub.f32 v20, v21  }
0xa0: {  	v8 =	vadd.f32 $8.500000000e+00, v8  }
0xa1: {  	v10 =	vmax.f32 v10, $-1.600000000e+04;
	v22 =	vadd.f32 $8.500000000e+00, v11  }
0xa2: {  	v26 =	vmin.f32 v10, $1.600000000e+04;
	v8 =	vmax.f32 v8, $-1.600000000e+04  }
0xa3: {  	v28 =	vtrunc.f32 v26;
	v9 =	vmax.f32 v22, $-1.600000000e+04;
	v8 =	vmin.f32 v8, $1.600000000e+04  }
0xa4: {  	vm6 =	vlt.f32 v26, v28;
	v9 =	vmin.f32 v9, $1.600000000e+04;
	v24 =	vtrunc.f32 v8  }
0xa5: {  	v23 =	vtrunc.f32 v9;
	vm4 =	vlt.f32 v8, v24;
	v8 =	vcvt.f32.s32 v24  }
0xa6: {  	vm5 =	vlt.f32 v9, v23;
	v27 =	vcvt.f32.s32 v23;
	v25 =	vsel vm4, $0xFFFFFFFF, v4  }
0xa7: {  	v30 =	vcvt.f32.s32 v28;
	v29 =	vsel vm5, $0xFFFFFFFF, v4;
	v8 =	vadd.s32 v8, v25  }
0xa8: {  	v31 =	vsel vm6, $0xFFFFFFFF, v4;
	v10 =	vadd.s32 v27, v29;
	v8 =	vmul.u32 $0x5, v8  }
0xa9: {  	v9 =	vadd.s32 v30, v31;
	v10 =	vmul.u32 $0x55, v10  }
0xaa: {  	v8 =	vadd.s32 v8, v9  }
0xab: {  	v8 =	vadd.s32 v10, v8  }
0xac: {  	vm7 =	vlt.u32 v8, $0x5A5  }
0xad: {  	s31 =	sadd.s32 $0xFFFFFFD0, s20  }
0xae: {  	v32 =	vadd.s32 s31, v0  }
0xaf: {  	v33 =	vadd.s32 s31, v2;
	_ =	sdelay $0x2  }
0xb0: {  	v35 =	vadd.s32 s31, v3;
	[tilespmem:v8+s16+$0x0] =	vst.idx.add.f32.msk vm7, v5  }
0xb1: {  	v8 =	vld.idx.msk [tilespmem:v32+s2+$0x0], $0xffff  }
0xb2: {  	v34 =	vld.idx.msk [tilespmem:v33+s2+$0x0], $0xffff;
	_ =	sdelay $0x2  }
0xb3: {  	v10 =	vld.idx.msk [tilespmem:v35+s2+$0x0], $0xffff  }
0xb4: {  	v36 =	vmul.f32 v8, v6  }
0xb5: {  	v8 =	vmul.f32 v8, v7;
	v9 =	vmul.f32 v34, v6  }
0xb6: {  	v37 =	vmul.f32 v34, v7  }
0xb7: {  	v8 =	vadd.f32 v9, v8  }
0xb8: {  	v10 =	vadd.f32 $2.500000000e+00, v10;
	v11 =	vsub.f32 v36, v37  }
0xb9: {  	v8 =	vadd.f32 $8.500000000e+00, v8  }
0xba: {  	v10 =	vmax.f32 v10, $-1.600000000e+04;
	v38 =	vadd.f32 $8.500000000e+00, v11  }
0xbb: {  	v42 =	vmin.f32 v10, $1.600000000e+04;
	v8 =	vmax.f32 v8, $-1.600000000e+04  }
0xbc: {  	v44 =	vtrunc.f32 v42;
	v9 =	vmax.f32 v38, $-1.600000000e+04;
	v8 =	vmin.f32 v8, $1.600000000e+04  }
0xbd: {  	vm10 =	vlt.f32 v42, v44;
	v9 =	vmin.f32 v9, $1.600000000e+04;
	v40 =	vtrunc.f32 v8  }
0xbe: {  	v39 =	vtrunc.f32 v9;
	vm8 =	vlt.f32 v8, v40;
	v8 =	vcvt.f32.s32 v40  }
0xbf: {  	vm9 =	vlt.f32 v9, v39;
	v43 =	vcvt.f32.s32 v39;
	v41 =	vsel vm8, $0xFFFFFFFF, v4  }
0xc0: {  	v46 =	vcvt.f32.s32 v44;
	v45 =	vsel vm9, $0xFFFFFFFF, v4;
	v8 =	vadd.s32 v8, v41  }
0xc1: {  	v47 =	vsel vm10, $0xFFFFFFFF, v4;
	v10 =	vadd.s32 v43, v45;
	v8 =	vmul.u32 $0x5, v8  }
0xc2: {  	v9 =	vadd.s32 v46, v47;
	v10 =	vmul.u32 $0x55, v10  }
0xc3: {  	v8 =	vadd.s32 v8, v9  }
0xc4: {  	v8 =	vadd.s32 v10, v8  }
0xc5: {  	vm11 =	vlt.u32 v8, $0x5A5;
	_ =	sdelay $0x1  }
0xc6: {  	v48 =	vadd.s32 s20, v0  }
0xc7: {  	v49 =	vadd.s32 s20, v2;
	_ =	sdelay $0x2  }
0xc8: {  	v51 =	vadd.s32 s20, v3;
	[tilespmem:v8+s16+$0x0] =	vst.idx.add.f32.msk vm11, v5  }
0xc9: {  	v8 =	vld.idx.msk [tilespmem:v48+s2+$0x0], $0xffff  }
0xca: {  	v50 =	vld.idx.msk [tilespmem:v49+s2+$0x0], $0xffff;
	_ =	sdelay $0x2  }
0xcb: {  	v10 =	vld.idx.msk [tilespmem:v51+s2+$0x0], $0xffff  }
0xcc: {  	v52 =	vmul.f32 v8, v6  }
0xcd: {  	v8 =	vmul.f32 v8, v7;
	v9 =	vmul.f32 v50, v6  }
0xce: {  	v53 =	vmul.f32 v50, v7  }
0xcf: {  	v8 =	vadd.f32 v9, v8  }
0xd0: {  	v10 =	vadd.f32 $2.500000000e+00, v10;
	v11 =	vsub.f32 v52, v53  }
0xd1: {  	v8 =	vadd.f32 $8.500000000e+00, v8  }
0xd2: {  	v10 =	vmax.f32 v10, $-1.600000000e+04;
	v54 =	vadd.f32 $8.500000000e+00, v11  }
0xd3: {  	v58 =	vmin.f32 v10, $1.600000000e+04;
	v8 =	vmax.f32 v8, $-1.600000000e+04  }
0xd4: {  	v60 =	vtrunc.f32 v58;
	v9 =	vmax.f32 v54, $-1.600000000e+04;
	v8 =	vmin.f32 v8, $1.600000000e+04  }
0xd5: {  	vm14 =	vlt.f32 v58, v60;
	v9 =	vmin.f32 v9, $1.600000000e+04;
	v56 =	vtrunc.f32 v8  }
0xd6: {  	v55 =	vtrunc.f32 v9;
	vm12 =	vlt.f32 v8, v56;
	v8 =	vcvt.f32.s32 v56  }
0xd7: {  	vm13 =	vlt.f32 v9, v55;
	v59 =	vcvt.f32.s32 v55;
	v57 =	vsel vm12, $0xFFFFFFFF, v4  }
0xd8: {  	v62 =	vcvt.f32.s32 v60;
	v61 =	vsel vm13, $0xFFFFFFFF, v4;
	v8 =	vadd.s32 v8, v57  }
0xd9: {  	v63 =	vsel vm14, $0xFFFFFFFF, v4;
	v10 =	vadd.s32 v59, v61;
	v8 =	vmul.u32 $0x5, v8  }
0xda: {  	v9 =	vadd.s32 v62, v63;
	v10 =	vmul.u32 $0x55, v10  }
0xdb: {  	v8 =	vadd.s32 v8, v9  }
0xdc: {  	v8 =	vadd.s32 v10, v8  }
0xdd: {  	vm15 =	vlt.u32 v8, $0x5A5  }
0xde: {  	p1 =	sne.s32 s20, $0x2FD0  }
.Ltmp2:
0xdf: {  	_ = 	snop;
	(pc) =	sbr.rel @p1 .LBB2_2-.Ltmp2, $2  }
0xe0: {  	_ =	sdelay $0x2  }
0xe1: {  	s20 =	sadd.s32 $0xC0, s20;
	[tilespmem:v8+s16+$0x0] =	vst.idx.add.f32.msk vm15, v5  }
0xe2: {  	[hbm4b:s5+s12] =	stream.strided.scatter [tilespmem:s16], [sflag:$0x1], $0x600, s17, s12, $0x38;
	[tilespmem:$0x3F58] =	vst v63  }
0xe3: {  	_ =	swait.ge [sflag:s14], $0x600  }
0xe4: {  	[sflag:s14] =	ssyncset.done $0x0  }
0xe5: {  	[sflag:s14] =	ssyncadd.s32 $0xFFFFFA00  }
0xe6: {  	[tilespmem:$0x3080] =	vst v1  }
0xe7: {  	[tilespmem:$0x3090] =	vst v1  }
0xe8: {  	[tilespmem:$0x30A0] =	vst v1  }
0xe9: {  	[tilespmem:$0x30B0] =	vst v1  }
0xea: {  	[tilespmem:$0x30C0] =	vst v1  }
0xeb: {  	[tilespmem:$0x30D0] =	vst v1  }
0xec: {  	[tilespmem:$0x30E0] =	vst v1  }
0xed: {  	[tilespmem:$0x30F0] =	vst v1  }
0xee: {  	[tilespmem:$0x3100] =	vst v1  }
0xef: {  	[tilespmem:$0x3110] =	vst v1  }
0xf0: {  	[tilespmem:$0x3120] =	vst v1  }
0xf1: {  	[tilespmem:$0x3130] =	vst v1  }
0xf2: {  	[tilespmem:$0x3140] =	vst v1  }
0xf3: {  	[tilespmem:$0x3150] =	vst v1  }
0xf4: {  	[tilespmem:$0x3160] =	vst v1  }
0xf5: {  	[tilespmem:$0x3170] =	vst v1  }
0xf6: {  	[tilespmem:$0x3180] =	vst v1  }
0xf7: {  	[tilespmem:$0x3190] =	vst v1  }
0xf8: {  	[tilespmem:$0x31A0] =	vst v1  }
0xf9: {  	[tilespmem:$0x31B0] =	vst v1  }
0xfa: {  	[tilespmem:$0x31C0] =	vst v1  }
0xfb: {  	[tilespmem:$0x31D0] =	vst v1  }
0xfc: {  	[tilespmem:$0x31E0] =	vst v1  }
0xfd: {  	[tilespmem:$0x31F0] =	vst v1  }
0xfe: {  	[tilespmem:$0x3200] =	vst v1  }
0xff: {  	[tilespmem:$0x3210] =	vst v1  }
0x100: {  	[tilespmem:$0x3220] =	vst v1  }
0x101: {  	[tilespmem:$0x3230] =	vst v1  }
0x102: {  	[tilespmem:$0x3240] =	vst v1  }
0x103: {  	[tilespmem:$0x3250] =	vst v1  }
0x104: {  	[tilespmem:$0x3260] =	vst v1  }
0x105: {  	[tilespmem:$0x3270] =	vst v1  }
0x106: {  	[tilespmem:$0x3280] =	vst v1  }
0x107: {  	[tilespmem:$0x3290] =	vst v1  }
0x108: {  	[tilespmem:$0x32A0] =	vst v1  }
0x109: {  	[tilespmem:$0x32B0] =	vst v1  }
0x10a: {  	[tilespmem:$0x32C0] =	vst v1  }
0x10b: {  	[tilespmem:$0x32D0] =	vst v1  }
0x10c: {  	[tilespmem:$0x32E0] =	vst v1  }
0x10d: {  	[tilespmem:$0x32F0] =	vst v1  }
0x10e: {  	[tilespmem:$0x3300] =	vst v1  }
0x10f: {  	[tilespmem:$0x3310] =	vst v1  }
0x110: {  	[tilespmem:$0x3320] =	vst v1  }
0x111: {  	[tilespmem:$0x3330] =	vst v1  }
0x112: {  	[tilespmem:$0x3340] =	vst v1  }
0x113: {  	[tilespmem:$0x3350] =	vst v1  }
0x114: {  	[tilespmem:$0x3360] =	vst v1  }
0x115: {  	[tilespmem:$0x3370] =	vst v1  }
0x116: {  	[tilespmem:$0x3380] =	vst v1  }
0x117: {  	[tilespmem:$0x3390] =	vst v1  }
0x118: {  	[tilespmem:$0x33A0] =	vst v1  }
0x119: {  	[tilespmem:$0x33B0] =	vst v1  }
0x11a: {  	[tilespmem:$0x33C0] =	vst v1  }
0x11b: {  	[tilespmem:$0x33D0] =	vst v1  }
0x11c: {  	[tilespmem:$0x33E0] =	vst v1  }
0x11d: {  	[tilespmem:$0x33F0] =	vst v1  }
0x11e: {  	[tilespmem:$0x3400] =	vst v1  }
0x11f: {  	[tilespmem:$0x3410] =	vst v1  }
0x120: {  	[tilespmem:$0x3420] =	vst v1  }
0x121: {  	[tilespmem:$0x3430] =	vst v1  }
0x122: {  	[tilespmem:$0x3440] =	vst v1  }
0x123: {  	[tilespmem:$0x3450] =	vst v1  }
0x124: {  	[tilespmem:$0x3460] =	vst v1  }
0x125: {  	[tilespmem:$0x3470] =	vst v1  }
0x126: {  	[tilespmem:$0x3480] =	vst v1  }
0x127: {  	[tilespmem:$0x3490] =	vst v1  }
0x128: {  	[tilespmem:$0x34A0] =	vst v1  }
0x129: {  	[tilespmem:$0x34B0] =	vst v1  }
0x12a: {  	[tilespmem:$0x34C0] =	vst v1  }
0x12b: {  	[tilespmem:$0x34D0] =	vst v1  }
0x12c: {  	[tilespmem:$0x34E0] =	vst v1  }
0x12d: {  	[tilespmem:$0x34F0] =	vst v1  }
0x12e: {  	[tilespmem:$0x3500] =	vst v1  }
0x12f: {  	[tilespmem:$0x3510] =	vst v1  }
0x130: {  	[tilespmem:$0x3520] =	vst v1  }
0x131: {  	[tilespmem:$0x3530] =	vst v1  }
0x132: {  	[tilespmem:$0x3540] =	vst v1  }
0x133: {  	[tilespmem:$0x3550] =	vst v1  }
0x134: {  	[tilespmem:$0x3560] =	vst v1  }
0x135: {  	[tilespmem:$0x3570] =	vst v1  }
0x136: {  	[tilespmem:$0x3580] =	vst v1  }
0x137: {  	[tilespmem:$0x3590] =	vst v1  }
0x138: {  	[tilespmem:$0x35A0] =	vst v1  }
0x139: {  	[tilespmem:$0x35B0] =	vst v1  }
0x13a: {  	[tilespmem:$0x35C0] =	vst v1  }
0x13b: {  	[tilespmem:$0x35D0] =	vst v1  }
.Ltmp3:
0x13c: {  	[tilespmem:$0x35E0] =	vst v1;
	(pc) =	sbr.rel @p0 .LBB2_7-.Ltmp3, $4  }
0x13d: {  	[tilespmem:$0x35F0] =	vst v1  }
0x13e: {  	[tilespmem:$0x3600] =	vst v1  }
0x13f: {  	[tilespmem:$0x3610] =	vst v1  }
0x140: {  	[tilespmem:$0x3620] =	vst v1  }
0x141: {  	[tilespmem:s15], [sflag:$0x1] =	stream.linear.gather [hbm4b:s8+s2], $0x80, $0x38;
	[tilespmem:$0x3F58] =	vst v63  }
0x142: {  	_ =	swait.ge [sflag:s14], $0x80  }
0x143: {  	[sflag:s14] =	ssyncset.done $0x0  }
0x144: {  	[sflag:s14] =	ssyncadd.s32 $0xFFFFFF80  }
0x145: {  	v6 =	vld [tilespmem:$0x3000]  }
0x146: {  	s20 =	simm.s32 $0x90;
	v7 =	vld [tilespmem:$0x3010]  }
.LBB2_5:
0x147: {  	s21 =	sadd.s32 $0xFFFFFF70, s20  }
0x148: {  	v8 =	vor.u32 s21, v0  }
0x149: {  	v9 =	vor.u32 s21, v2;
	_ =	sdelay $0x3  }
0x14a: {  	v10 =	vor.u32 s21, v3;
	v8 =	vld.idx.msk [tilespmem:v8+s2+$0x0], $0xffff  }
0x14b: {  	v9 =	vld.idx.msk [tilespmem:v9+s2+$0x0], $0xffff;
	_ =	sdelay $0x3  }
0x14c: {  	v10 =	vld.idx.msk [tilespmem:v10+s2+$0x0], $0xffff  }
0x14d: {  	v11 =	vmul.f32 v8, v6;
	v12 =	vmul.f32 v9, v7  }
0x14e: {  	v8 =	vmul.f32 v8, v7;
	v9 =	vmul.f32 v9, v6;
	_ =	sdelay $0x1  }
0x14f: {  	v8 =	vadd.f32 v9, v8  }
0x150: {  	v10 =	vadd.f32 $2.500000000e+00, v10;
	v11 =	vsub.f32 v11, v12  }
0x151: {  	v8 =	vadd.f32 $8.500000000e+00, v8  }
0x152: {  	v10 =	vmax.f32 v10, $-1.600000000e+04;
	v56 =	vadd.f32 $8.500000000e+00, v11  }
0x153: {  	v60 =	vmin.f32 v10, $1.600000000e+04;
	v8 =	vmax.f32 v8, $-1.600000000e+04  }
0x154: {  	v62 =	vtrunc.f32 v60;
	v9 =	vmax.f32 v56, $-1.600000000e+04;
	v8 =	vmin.f32 v8, $1.600000000e+04  }
0x155: {  	vm14 =	vlt.f32 v60, v62;
	v9 =	vmin.f32 v9, $1.600000000e+04;
	v58 =	vtrunc.f32 v8  }
0x156: {  	v57 =	vtrunc.f32 v9;
	vm0 =	vlt.f32 v8, v58;
	v8 =	vcvt.f32.s32 v58  }
0x157: {  	vm13 =	vlt.f32 v9, v57;
	v61 =	vcvt.f32.s32 v57;
	v59 =	vsel vm0, $0xFFFFFFFF, v4  }
0x158: {  	v14 =	vcvt.f32.s32 v62;
	v63 =	vsel vm13, $0xFFFFFFFF, v4;
	v8 =	vadd.s32 v8, v59  }
0x159: {  	v15 =	vsel vm14, $0xFFFFFFFF, v4;
	v10 =	vadd.s32 v61, v63;
	v8 =	vmul.u32 $0x5, v8  }
0x15a: {  	v9 =	vadd.s32 v14, v15;
	v10 =	vmul.u32 $0x55, v10  }
0x15b: {  	v8 =	vadd.s32 v8, v9  }
0x15c: {  	v8 =	vadd.s32 v10, v8  }
0x15d: {  	vm15 =	vlt.u32 v8, $0x5A5  }
0x15e: {  	s30 =	sadd.s32 $0xFFFFFFA0, s20  }
0x15f: {  	v16 =	vadd.s32 s30, v0  }
0x160: {  	v17 =	vadd.s32 s30, v2;
	_ =	sdelay $0x2  }
0x161: {  	v19 =	vadd.s32 s30, v3;
	[tilespmem:v8+s16+$0x0] =	vst.idx.add.f32.msk vm15, v5  }
0x162: {  	v8 =	vld.idx.msk [tilespmem:v16+s2+$0x0], $0xffff  }
0x163: {  	v18 =	vld.idx.msk [tilespmem:v17+s2+$0x0], $0xffff;
	_ =	sdelay $0x2  }
0x164: {  	v10 =	vld.idx.msk [tilespmem:v19+s2+$0x0], $0xffff  }
0x165: {  	v20 =	vmul.f32 v8, v6  }
0x166: {  	v8 =	vmul.f32 v8, v7;
	v9 =	vmul.f32 v18, v6  }
0x167: {  	v21 =	vmul.f32 v18, v7  }
0x168: {  	v8 =	vadd.f32 v9, v8  }
0x169: {  	v10 =	vadd.f32 $2.500000000e+00, v10;
	v11 =	vsub.f32 v20, v21  }
0x16a: {  	v8 =	vadd.f32 $8.500000000e+00, v8  }
0x16b: {  	v10 =	vmax.f32 v10, $-1.600000000e+04;
	v22 =	vadd.f32 $8.500000000e+00, v11  }
0x16c: {  	v26 =	vmin.f32 v10, $1.600000000e+04;
	v8 =	vmax.f32 v8, $-1.600000000e+04  }
0x16d: {  	v28 =	vtrunc.f32 v26;
	v9 =	vmax.f32 v22, $-1.600000000e+04;
	v8 =	vmin.f32 v8, $1.600000000e+04  }
0x16e: {  	vm6 =	vlt.f32 v26, v28;
	v9 =	vmin.f32 v9, $1.600000000e+04;
	v24 =	vtrunc.f32 v8  }
0x16f: {  	v23 =	vtrunc.f32 v9;
	vm4 =	vlt.f32 v8, v24;
	v8 =	vcvt.f32.s32 v24  }
0x170: {  	vm5 =	vlt.f32 v9, v23;
	v27 =	vcvt.f32.s32 v23;
	v25 =	vsel vm4, $0xFFFFFFFF, v4  }
0x171: {  	v30 =	vcvt.f32.s32 v28;
	v29 =	vsel vm5, $0xFFFFFFFF, v4;
	v8 =	vadd.s32 v8, v25  }
0x172: {  	v31 =	vsel vm6, $0xFFFFFFFF, v4;
	v10 =	vadd.s32 v27, v29;
	v8 =	vmul.u32 $0x5, v8  }
0x173: {  	v9 =	vadd.s32 v30, v31;
	v10 =	vmul.u32 $0x55, v10  }
0x174: {  	v8 =	vadd.s32 v8, v9  }
0x175: {  	v8 =	vadd.s32 v10, v8  }
0x176: {  	vm7 =	vlt.u32 v8, $0x5A5  }
0x177: {  	s31 =	sadd.s32 $0xFFFFFFD0, s20  }
0x178: {  	v32 =	vadd.s32 s31, v0  }
0x179: {  	v33 =	vadd.s32 s31, v2;
	_ =	sdelay $0x2  }
0x17a: {  	v35 =	vadd.s32 s31, v3;
	[tilespmem:v8+s16+$0x0] =	vst.idx.add.f32.msk vm7, v5  }
0x17b: {  	v8 =	vld.idx.msk [tilespmem:v32+s2+$0x0], $0xffff  }
0x17c: {  	v34 =	vld.idx.msk [tilespmem:v33+s2+$0x0], $0xffff;
	_ =	sdelay $0x2  }
0x17d: {  	v10 =	vld.idx.msk [tilespmem:v35+s2+$0x0], $0xffff  }
0x17e: {  	v36 =	vmul.f32 v8, v6  }
0x17f: {  	v8 =	vmul.f32 v8, v7;
	v9 =	vmul.f32 v34, v6  }
0x180: {  	v37 =	vmul.f32 v34, v7  }
0x181: {  	v8 =	vadd.f32 v9, v8  }
0x182: {  	v10 =	vadd.f32 $2.500000000e+00, v10;
	v11 =	vsub.f32 v36, v37  }
0x183: {  	v8 =	vadd.f32 $8.500000000e+00, v8  }
0x184: {  	v10 =	vmax.f32 v10, $-1.600000000e+04;
	v38 =	vadd.f32 $8.500000000e+00, v11  }
0x185: {  	v42 =	vmin.f32 v10, $1.600000000e+04;
	v8 =	vmax.f32 v8, $-1.600000000e+04  }
0x186: {  	v44 =	vtrunc.f32 v42;
	v9 =	vmax.f32 v38, $-1.600000000e+04;
	v8 =	vmin.f32 v8, $1.600000000e+04  }
0x187: {  	vm10 =	vlt.f32 v42, v44;
	v9 =	vmin.f32 v9, $1.600000000e+04;
	v40 =	vtrunc.f32 v8  }
0x188: {  	v39 =	vtrunc.f32 v9;
	vm8 =	vlt.f32 v8, v40;
	v8 =	vcvt.f32.s32 v40  }
0x189: {  	vm9 =	vlt.f32 v9, v39;
	v43 =	vcvt.f32.s32 v39;
	v41 =	vsel vm8, $0xFFFFFFFF, v4  }
0x18a: {  	v46 =	vcvt.f32.s32 v44;
	v45 =	vsel vm9, $0xFFFFFFFF, v4;
	v8 =	vadd.s32 v8, v41  }
0x18b: {  	v47 =	vsel vm10, $0xFFFFFFFF, v4;
	v10 =	vadd.s32 v43, v45;
	v8 =	vmul.u32 $0x5, v8  }
0x18c: {  	v9 =	vadd.s32 v46, v47;
	v10 =	vmul.u32 $0x55, v10  }
0x18d: {  	v8 =	vadd.s32 v8, v9  }
0x18e: {  	v8 =	vadd.s32 v10, v8  }
0x18f: {  	vm11 =	vlt.u32 v8, $0x5A5;
	_ =	sdelay $0x1  }
0x190: {  	v48 =	vadd.s32 s20, v0  }
0x191: {  	v49 =	vadd.s32 s20, v2;
	_ =	sdelay $0x2  }
0x192: {  	v51 =	vadd.s32 s20, v3;
	[tilespmem:v8+s16+$0x0] =	vst.idx.add.f32.msk vm11, v5  }
0x193: {  	v8 =	vld.idx.msk [tilespmem:v48+s2+$0x0], $0xffff  }
0x194: {  	v50 =	vld.idx.msk [tilespmem:v49+s2+$0x0], $0xffff;
	_ =	sdelay $0x2  }
0x195: {  	v10 =	vld.idx.msk [tilespmem:v51+s2+$0x0], $0xffff  }
0x196: {  	v52 =	vmul.f32 v8, v6  }
0x197: {  	v8 =	vmul.f32 v8, v7;
	v9 =	vmul.f32 v50, v6  }
0x198: {  	v53 =	vmul.f32 v50, v7  }
0x199: {  	v8 =	vadd.f32 v9, v8  }
0x19a: {  	v10 =	vadd.f32 $2.500000000e+00, v10;
	v11 =	vsub.f32 v52, v53  }
0x19b: {  	v8 =	vadd.f32 $8.500000000e+00, v8  }
0x19c: {  	v10 =	vmax.f32 v10, $-1.600000000e+04;
	v54 =	vadd.f32 $8.500000000e+00, v11  }
0x19d: {  	v58 =	vmin.f32 v10, $1.600000000e+04;
	v8 =	vmax.f32 v8, $-1.600000000e+04  }
0x19e: {  	v60 =	vtrunc.f32 v58;
	v9 =	vmax.f32 v54, $-1.600000000e+04;
	v8 =	vmin.f32 v8, $1.600000000e+04  }
0x19f: {  	vm14 =	vlt.f32 v58, v60;
	v9 =	vmin.f32 v9, $1.600000000e+04;
	v56 =	vtrunc.f32 v8  }
0x1a0: {  	v55 =	vtrunc.f32 v9;
	vm12 =	vlt.f32 v8, v56;
	v8 =	vcvt.f32.s32 v56  }
0x1a1: {  	vm13 =	vlt.f32 v9, v55;
	v59 =	vcvt.f32.s32 v55;
	v57 =	vsel vm12, $0xFFFFFFFF, v4  }
0x1a2: {  	v62 =	vcvt.f32.s32 v60;
	v61 =	vsel vm13, $0xFFFFFFFF, v4;
	v8 =	vadd.s32 v8, v57  }
0x1a3: {  	v63 =	vsel vm14, $0xFFFFFFFF, v4;
	v10 =	vadd.s32 v59, v61;
	v8 =	vmul.u32 $0x5, v8  }
0x1a4: {  	v9 =	vadd.s32 v62, v63;
	v10 =	vmul.u32 $0x55, v10  }
0x1a5: {  	v8 =	vadd.s32 v8, v9  }
0x1a6: {  	v8 =	vadd.s32 v10, v8  }
0x1a7: {  	vm15 =	vlt.u32 v8, $0x5A5  }
0x1a8: {  	p1 =	sne.s32 s20, $0x17D0  }
.Ltmp4:
0x1a9: {  	_ = 	snop;
	(pc) =	sbr.rel @p1 .LBB2_5-.Ltmp4, $2  }
0x1aa: {  	_ =	sdelay $0x2  }
0x1ab: {  	s20 =	sadd.s32 $0xC0, s20;
	[tilespmem:v8+s16+$0x0] =	vst.idx.add.f32.msk vm15, v5  }
0x1ac: {  	[bflag:$0x0] =	sbarrier.arrive $0xFFFF  }
0x1ad: {  	[tilespmem:s18], [sflag:$0x1] =	stream.strided.gather [spmem:s9], $0x600, s17, s12, $0x38;
	[tilespmem:$0x3F58] =	vst v63  }
0x1ae: {  	_ =	swait.ge [sflag:s14], $0x600  }
0x1af: {  	[sflag:s14] =	ssyncset.done $0x0  }
0x1b0: {  	[sflag:s14] =	ssyncadd.s32 $0xFFFFFA00  }
0x1b1: {  	v6 =	vld [tilespmem:$0x3240];
	_ =	sdelay $0x4  }
0x1b2: {  	[tilespmem:$0x1FD90] =	vst v6;
	v6 =	vld [tilespmem:$0x3250];
	_ =	sdelay $0x4  }
0x1b3: {  	[tilespmem:$0x1FDA0] =	vst v6;
	v6 =	vld [tilespmem:$0x3850];
	_ =	sdelay $0x4  }
0x1b4: {  	[tilespmem:$0x1FDB0] =	vst v6;
	v6 =	vld [tilespmem:$0x3260];
	_ =	sdelay $0x4  }
0x1b5: {  	[tilespmem:$0x1FDC0] =	vst v6;
	v6 =	vld [tilespmem:$0x3860];
	_ =	sdelay $0x4  }
0x1b6: {  	[tilespmem:$0x1FDD0] =	vst v6;
	v6 =	vld [tilespmem:$0x3270];
	_ =	sdelay $0x4  }
0x1b7: {  	[tilespmem:$0x1FDE0] =	vst v6;
	v6 =	vld [tilespmem:$0x3870];
	_ =	sdelay $0x4  }
0x1b8: {  	[tilespmem:$0x1FDF0] =	vst v6;
	v6 =	vld [tilespmem:$0x3280];
	_ =	sdelay $0x4  }
0x1b9: {  	[tilespmem:$0x1FE00] =	vst v6;
	v6 =	vld [tilespmem:$0x3880];
	_ =	sdelay $0x4  }
0x1ba: {  	[tilespmem:$0x1FE10] =	vst v6;
	v6 =	vld [tilespmem:$0x3290];
	_ =	sdelay $0x4  }
0x1bb: {  	[tilespmem:$0x1FE20] =	vst v6;
	v6 =	vld [tilespmem:$0x3890];
	_ =	sdelay $0x4  }
0x1bc: {  	[tilespmem:$0x1FE30] =	vst v6;
	v6 =	vld [tilespmem:$0x32A0];
	_ =	sdelay $0x4  }
0x1bd: {  	[tilespmem:$0x1FE40] =	vst v6;
	v6 =	vld [tilespmem:$0x38A0];
	_ =	sdelay $0x4  }
0x1be: {  	[tilespmem:$0x1FE50] =	vst v6;
	v6 =	vld [tilespmem:$0x32B0];
	_ =	sdelay $0x4  }
0x1bf: {  	[tilespmem:$0x1FE60] =	vst v6;
	v6 =	vld [tilespmem:$0x38B0];
	_ =	sdelay $0x4  }
0x1c0: {  	[tilespmem:$0x1FE70] =	vst v6;
	v6 =	vld [tilespmem:$0x32C0];
	_ =	sdelay $0x4  }
0x1c1: {  	[tilespmem:$0x1FE80] =	vst v6;
	v6 =	vld [tilespmem:$0x38C0];
	_ =	sdelay $0x4  }
0x1c2: {  	[tilespmem:$0x1FE90] =	vst v6;
	v6 =	vld [tilespmem:$0x32D0];
	_ =	sdelay $0x4  }
0x1c3: {  	[tilespmem:$0x1FEA0] =	vst v6;
	v6 =	vld [tilespmem:$0x38D0];
	_ =	sdelay $0x4  }
0x1c4: {  	[tilespmem:$0x1FEB0] =	vst v6;
	v6 =	vld [tilespmem:$0x32E0];
	_ =	sdelay $0x4  }
0x1c5: {  	[tilespmem:$0x1FEC0] =	vst v6;
	v6 =	vld [tilespmem:$0x38E0];
	_ =	sdelay $0x4  }
0x1c6: {  	[tilespmem:$0x1FED0] =	vst v6;
	v6 =	vld [tilespmem:$0x32F0];
	_ =	sdelay $0x4  }
0x1c7: {  	[tilespmem:$0x1FEE0] =	vst v6;
	v6 =	vld [tilespmem:$0x38F0];
	_ =	sdelay $0x4  }
0x1c8: {  	[tilespmem:$0x1FEF0] =	vst v6;
	v6 =	vld [tilespmem:$0x3300];
	_ =	sdelay $0x4  }
0x1c9: {  	[tilespmem:$0x1FF00] =	vst v6;
	v6 =	vld [tilespmem:$0x3900];
	_ =	sdelay $0x4  }
0x1ca: {  	[tilespmem:$0x1FF10] =	vst v6;
	v6 =	vld [tilespmem:$0x3310];
	_ =	sdelay $0x4  }
0x1cb: {  	[tilespmem:$0x1FF20] =	vst v6;
	v6 =	vld [tilespmem:$0x3910];
	_ =	sdelay $0x4  }
0x1cc: {  	[tilespmem:$0x1FF30] =	vst v6;
	v6 =	vld [tilespmem:$0x3320];
	_ =	sdelay $0x2  }
0x1cd: {  	v7 =	vld [tilespmem:$0x3080]  }
0x1ce: {  	v12 =	vld [tilespmem:$0x3680]  }
0x1cf: {  	[tilespmem:$0x1FF40] =	vst v6;
	v6 =	vld [tilespmem:$0x3920]  }
0x1d0: {  	v13 =	vld [tilespmem:$0x3090]  }
0x1d1: {  	v20 =	vld [tilespmem:$0x3690]  }
0x1d2: {  	v21 =	vld [tilespmem:$0x30A0]  }
0x1d3: {  	v28 =	vld [tilespmem:$0x36A0]  }
0x1d4: {  	[tilespmem:$0x1FF50] =	vst v6;
	v6 =	vld [tilespmem:$0x3330]  }
0x1d5: {  	v29 =	vld [tilespmem:$0x30B0]  }
0x1d6: {  	v36 =	vld [tilespmem:$0x36B0]  }
0x1d7: {  	v37 =	vld [tilespmem:$0x30C0]  }
0x1d8: {  	v42 =	vld [tilespmem:$0x36C0]  }
0x1d9: {  	[tilespmem:$0x1FF60] =	vst v6;
	v6 =	vld [tilespmem:$0x3930]  }
0x1da: {  	v43 =	vld [tilespmem:$0x30D0]  }
0x1db: {  	v44 =	vld [tilespmem:$0x36D0]  }
0x1dc: {  	v45 =	vld [tilespmem:$0x30E0]  }
0x1dd: {  	v46 =	vld [tilespmem:$0x36E0]  }
0x1de: {  	[tilespmem:$0x1FF70] =	vst v6;
	v6 =	vld [tilespmem:$0x3340]  }
0x1df: {  	v47 =	vld [tilespmem:$0x30F0]  }
0x1e0: {  	v48 =	vld [tilespmem:$0x36F0]  }
0x1e1: {  	v49 =	vld [tilespmem:$0x3100]  }
0x1e2: {  	v50 =	vld [tilespmem:$0x3700]  }
0x1e3: {  	[tilespmem:$0x1FF80] =	vst v6;
	v6 =	vld [tilespmem:$0x3940]  }
0x1e4: {  	v51 =	vld [tilespmem:$0x3110]  }
0x1e5: {  	v52 =	vld [tilespmem:$0x3710]  }
0x1e6: {  	v53 =	vld [tilespmem:$0x3120]  }
0x1e7: {  	v54 =	vld [tilespmem:$0x3720]  }
0x1e8: {  	[tilespmem:$0x1FF90] =	vst v6;
	v6 =	vld [tilespmem:$0x3350]  }
0x1e9: {  	v55 =	vld [tilespmem:$0x3130]  }
0x1ea: {  	v56 =	vld [tilespmem:$0x3730]  }
0x1eb: {  	v57 =	vld [tilespmem:$0x3140]  }
0x1ec: {  	v58 =	vld [tilespmem:$0x3740]  }
0x1ed: {  	[tilespmem:$0x1FFA0] =	vst v6;
	v6 =	vld [tilespmem:$0x3950]  }
0x1ee: {  	v59 =	vld [tilespmem:$0x3150]  }
0x1ef: {  	v60 =	vld [tilespmem:$0x3750]  }
0x1f0: {  	v61 =	vld [tilespmem:$0x3160]  }
0x1f1: {  	v62 =	vld [tilespmem:$0x3760]  }
0x1f2: {  	[tilespmem:$0x1FFB0] =	vst v6;
	v6 =	vld [tilespmem:$0x3360]  }
0x1f3: {  	v63 =	vld [tilespmem:$0x3170]  }
0x1f4: {  	v8 =	vld [tilespmem:$0x3770]  }
0x1f5: {  	v11 =	vld [tilespmem:$0x3180]  }
0x1f6: {  	v9 =	vld [tilespmem:$0x3780]  }
0x1f7: {  	[tilespmem:$0x1FFC0] =	vst v6;
	v6 =	vld [tilespmem:$0x3960]  }
0x1f8: {  	v15 =	vld [tilespmem:$0x3190]  }
0x1f9: {  	v10 =	vld [tilespmem:$0x3790]  }
0x1fa: {  	v17 =	vld [tilespmem:$0x31A0]  }
0x1fb: {  	v14 =	vld [tilespmem:$0x37A0]  }
0x1fc: {  	[tilespmem:$0x1FFD0] =	vst v6;
	v6 =	vld [tilespmem:$0x3370]  }
0x1fd: {  	v19 =	vld [tilespmem:$0x31B0]  }
0x1fe: {  	v16 =	vld [tilespmem:$0x37B0]  }
0x1ff: {  	v23 =	vld [tilespmem:$0x31C0]  }
0x200: {  	v18 =	vld [tilespmem:$0x37C0]  }
0x201: {  	[tilespmem:$0x1FFE0] =	vst v6;
	v6 =	vld [tilespmem:$0x3970]  }
0x202: {  	v25 =	vld [tilespmem:$0x31D0]  }
0x203: {  	v22 =	vld [tilespmem:$0x37D0]  }
0x204: {  	v27 =	vld [tilespmem:$0x31E0]  }
0x205: {  	v24 =	vld [tilespmem:$0x37E0]  }
0x206: {  	v31 =	vld [tilespmem:$0x31F0];
	[tilespmem:$0x1FFF0] =	vst v6;
	v6 =	vadd.f32 v12, v7  }
0x207: {  	v26 =	vld [tilespmem:$0x37F0]  }
0x208: {  	v33 =	vld [tilespmem:$0x3200];
	[tilespmem:$0x3080] =	vst v6;
	v6 =	vadd.f32 v28, v21  }
0x209: {  	v30 =	vld [tilespmem:$0x3800]  }
0x20a: {  	v35 =	vld [tilespmem:$0x3210];
	[tilespmem:$0x30A0] =	vst v6;
	v6 =	vadd.f32 v42, v37  }
0x20b: {  	v32 =	vld [tilespmem:$0x3810]  }
0x20c: {  	v39 =	vld [tilespmem:$0x3220];
	[tilespmem:$0x30C0] =	vst v6;
	v6 =	vadd.f32 v46, v45  }
0x20d: {  	v34 =	vld [tilespmem:$0x3820]  }
0x20e: {  	v41 =	vld [tilespmem:$0x3230];
	[tilespmem:$0x30E0] =	vst v6;
	v6 =	vadd.f32 v50, v49  }
0x20f: {  	v38 =	vld [tilespmem:$0x3830]  }
0x210: {  	v40 =	vld [tilespmem:$0x3840];
	[tilespmem:$0x3100] =	vst v6;
	v6 =	vadd.f32 v54, v53  }
0x211: {  	v20 =	vadd.f32 v20, v13;
	v13 =	vld [tilespmem:$0x3390]  }
0x212: {  	v36 =	vadd.f32 v36, v29;
	v29 =	vld [tilespmem:$0x33B0];
	[tilespmem:$0x3120] =	vst v6;
	v6 =	vadd.f32 v58, v57  }
0x213: {  	v44 =	vadd.f32 v44, v43;
	v43 =	vld [tilespmem:$0x39C0];
	[tilespmem:$0x3090] =	vst v20  }
0x214: {  	v48 =	vadd.f32 v48, v47;
	v47 =	vld [tilespmem:$0x39E0];
	[tilespmem:$0x3140] =	vst v6;
	v6 =	vadd.f32 v62, v61  }
0x215: {  	v52 =	vadd.f32 v52, v51;
	v15 =	vadd.f32 v10, v15;
	v10 =	vld [tilespmem:$0x3A00];
	[tilespmem:$0x30B0] =	vst v36  }
0x216: {  	v51 =	vadd.f32 v26, v31;
	v26 =	vld [tilespmem:$0x3A60];
	[tilespmem:$0x3160] =	vst v6;
	v6 =	vadd.f32 v9, v11  }
0x217: {  	v31 =	vld [tilespmem:$0x3480];
	[tilespmem:$0x30D0] =	vst v44  }
0x218: {  	v20 =	vld [tilespmem:$0x3990];
	[tilespmem:$0x3180] =	vst v6;
	v6 =	vadd.f32 v14, v17  }
0x219: {  	v36 =	vld [tilespmem:$0x39B0];
	[tilespmem:$0x30F0] =	vst v48  }
0x21a: {  	v44 =	vld [tilespmem:$0x33D0];
	[tilespmem:$0x31A0] =	vst v6;
	v6 =	vadd.f32 v18, v23  }
0x21b: {  	v48 =	vld [tilespmem:$0x33F0];
	[tilespmem:$0x3190] =	vst v15  }
0x21c: {  	v15 =	vld [tilespmem:$0x3420];
	[tilespmem:$0x31C0] =	vst v6;
	v6 =	vadd.f32 v24, v27  }
0x21d: {  	[tilespmem:$0x3110] =	vst v52;
	v52 =	vadd.f32 v32, v35;
	v32 =	vld [tilespmem:$0x3A80]  }
0x21e: {  	v35 =	vld [tilespmem:$0x34A0];
	[tilespmem:$0x31E0] =	vst v6;
	v6 =	vadd.f32 v30, v33  }
0x21f: {  	v20 =	vadd.f32 v20, v13;
	v13 =	vld [tilespmem:$0x3510]  }
0x220: {  	v36 =	vadd.f32 v36, v29;
	v29 =	vld [tilespmem:$0x3530];
	[tilespmem:$0x3200] =	vst v6;
	v6 =	vadd.f32 v34, v39  }
0x221: {  	[tilespmem:$0x3390] =	vst v20;
	v20 =	vld [tilespmem:$0x3B10]  }
0x222: {  	v56 =	vadd.f32 v56, v55;
	[tilespmem:$0x3220] =	vst v6;
	v6 =	vld [tilespmem:$0x1FD90]  }
0x223: {  	v55 =	vld [tilespmem:$0x1FDB0]  }
0x224: {  	v60 =	vadd.f32 v60, v59;
	[tilespmem:$0x3130] =	vst v56;
	v56 =	vld [tilespmem:$0x1FDD0]  }
0x225: {  	v59 =	vld [tilespmem:$0x1FE10]  }
0x226: {  	[tilespmem:$0x3150] =	vst v60;
	v60 =	vld [tilespmem:$0x1FE20]  }
0x227: {  	v8 =	vadd.f32 v8, v63;
	v63 =	vld [tilespmem:$0x1FE60];
	v6 =	vadd.f32 v40, v6  }
0x228: {  	[tilespmem:$0x31F0] =	vst v51;
	v51 =	vld [tilespmem:$0x1FEF0]  }
0x229: {  	[tilespmem:$0x3240] =	vst v6;
	v6 =	vld [tilespmem:$0x1FDC0]  }
0x22a: {  	[tilespmem:$0x3210] =	vst v52;
	v52 =	vld [tilespmem:$0x1FF10]  }
0x22b: {  	v7 =	vld [tilespmem:$0x3380]  }
0x22c: {  	v12 =	vld [tilespmem:$0x3980]  }
0x22d: {  	v21 =	vld [tilespmem:$0x33A0]  }
0x22e: {  	v28 =	vld [tilespmem:$0x39A0];
	v6 =	vadd.f32 v56, v6  }
0x22f: {  	v37 =	vld [tilespmem:$0x33C0]  }
0x230: {  	[tilespmem:$0x3260] =	vst v6;
	v6 =	vld [tilespmem:$0x1FE00]  }
0x231: {  	v42 =	vld [tilespmem:$0x39F0]  }
0x232: {  	v45 =	vld [tilespmem:$0x39D0]  }
0x233: {  	v46 =	vld [tilespmem:$0x33E0]  }
0x234: {  	v49 =	vadd.f32 v16, v19;
	v16 =	vld [tilespmem:$0x3A20]  }
0x235: {  	v19 =	vld [tilespmem:$0x3440];
	v6 =	vadd.f32 v59, v6  }
0x236: {  	v62 =	vld [tilespmem:$0x1FE50]  }
0x237: {  	[tilespmem:$0x3280] =	vst v6;
	v6 =	vld [tilespmem:$0x1FE40]  }
0x238: {  	v50 =	vadd.f32 v22, v25;
	v22 =	vld [tilespmem:$0x3A40]  }
0x239: {  	v25 =	vld [tilespmem:$0x3460]  }
0x23a: {  	v54 =	vld [tilespmem:$0x1FDA0]  }
0x23b: {  	v53 =	vadd.f32 v38, v41;
	v38 =	vld [tilespmem:$0x1FE70]  }
0x23c: {  	v41 =	vld [tilespmem:$0x1FEB0];
	v6 =	vadd.f32 v62, v6  }
0x23d: {  	v39 =	vld [tilespmem:$0x1FE90]  }
0x23e: {  	[tilespmem:$0x32A0] =	vst v6;
	v6 =	vld [tilespmem:$0x1FE80]  }
0x23f: {  	[tilespmem:$0x31B0] =	vst v49;
	v49 =	vld [tilespmem:$0x1FED0]  }
0x240: {  	[tilespmem:$0x31D0] =	vst v50;
	v50 =	vld [tilespmem:$0x1FEE0]  }
0x241: {  	v44 =	vadd.f32 v45, v44;
	v45 =	vadd.f32 v42, v48;
	v42 =	vld [tilespmem:$0x3BB0]  }
0x242: {  	v57 =	vld [tilespmem:$0x1FDE0]  }
0x243: {  	v58 =	vld [tilespmem:$0x1FDF0];
	v6 =	vadd.f32 v39, v6  }
0x244: {  	[tilespmem:$0x3230] =	vst v53;
	v53 =	vld [tilespmem:$0x1FF20]  }
0x245: {  	[tilespmem:$0x32C0] =	vst v6;
	v6 =	vld [tilespmem:$0x1FEC0]  }
0x246: {  	[tilespmem:$0x33D0] =	vst v44;
	v44 =	vld [tilespmem:$0x3BC0]  }
0x247: {  	[tilespmem:$0x33F0] =	vst v45;
	v45 =	vld [tilespmem:$0x35D0]  }
0x248: {  	v61 =	vld [tilespmem:$0x1FE30]  }
0x249: {  	[tilespmem:$0x3170] =	vst v8;
	v8 =	vadd.f32 v55, v54;
	v54 =	vld [tilespmem:$0x1FF30]  }
0x24a: {  	v55 =	vld [tilespmem:$0x1FF50];
	v6 =	vadd.f32 v49, v6  }
0x24b: {  	v9 =	vld [tilespmem:$0x3400]  }
0x24c: {  	[tilespmem:$0x32E0] =	vst v6;
	v6 =	vld [tilespmem:$0x1FF00]  }
0x24d: {  	v11 =	vld [tilespmem:$0x3410]  }
0x24e: {  	[tilespmem:$0x3250] =	vst v8;
	v8 =	vadd.f32 v58, v57;
	v57 =	vld [tilespmem:$0x1FF70]  }
0x24f: {  	v58 =	vld [tilespmem:$0x1FF90]  }
0x250: {  	v14 =	vld [tilespmem:$0x3A10]  }
0x251: {  	v17 =	vld [tilespmem:$0x3430];
	v6 =	vadd.f32 v52, v6  }
0x252: {  	[tilespmem:$0x3270] =	vst v8;
	v8 =	vadd.f32 v61, v60;
	v60 =	vld [tilespmem:$0x1FFB0]  }
0x253: {  	[tilespmem:$0x3300] =	vst v6;
	v6 =	vld [tilespmem:$0x1FF40]  }
0x254: {  	v61 =	vld [tilespmem:$0x1FFD0]  }
0x255: {  	v18 =	vld [tilespmem:$0x3A30]  }
0x256: {  	v23 =	vld [tilespmem:$0x3450]  }
0x257: {  	[tilespmem:$0x3290] =	vst v8;
	v8 =	vadd.f32 v38, v63;
	v38 =	vld [tilespmem:$0x3AA0]  }
0x258: {  	v63 =	vld [tilespmem:$0x1FFF0];
	v6 =	vadd.f32 v55, v6  }
0x259: {  	v24 =	vld [tilespmem:$0x3A50]  }
0x25a: {  	[tilespmem:$0x3320] =	vst v6;
	v6 =	vld [tilespmem:$0x1FF80]  }
0x25b: {  	v27 =	vld [tilespmem:$0x3470]  }
0x25c: {  	v40 =	vld [tilespmem:$0x1FEA0]  }
0x25d: {  	v30 =	vld [tilespmem:$0x3A70]  }
0x25e: {  	v33 =	vld [tilespmem:$0x3490];
	v48 =	vadd.f32 v18, v17  }
0x25f: {  	[tilespmem:$0x32B0] =	vst v8;
	v34 =	vld [tilespmem:$0x3A90];
	v6 =	vadd.f32 v58, v6  }
0x260: {  	[tilespmem:$0x3430] =	vst v48;
	v48 =	vld [tilespmem:$0x35E0]  }
0x261: {  	v8 =	vadd.f32 v41, v40;
	[tilespmem:$0x3340] =	vst v6;
	v6 =	vld [tilespmem:$0x1FFC0]  }
0x262: {  	v56 =	vld [tilespmem:$0x1FF60]  }
0x263: {  	v40 =	vld [tilespmem:$0x3AB0];
	[tilespmem:$0x32D0] =	vst v8;
	v8 =	vadd.f32 v51, v50  }
0x264: {  	v41 =	vld [tilespmem:$0x34C0]  }
0x265: {  	v50 =	vld [tilespmem:$0x34D0];
	[tilespmem:$0x32F0] =	vst v8;
	v8 =	vadd.f32 v54, v53  }
0x266: {  	v59 =	vld [tilespmem:$0x1FFA0];
	v6 =	vadd.f32 v61, v6  }
0x267: {  	v51 =	vld [tilespmem:$0x3AD0];
	[tilespmem:$0x3310] =	vst v8;
	v8 =	vadd.f32 v57, v56  }
0x268: {  	v53 =	vld [tilespmem:$0x3AE0];
	[tilespmem:$0x3360] =	vst v6;
	v6 =	vadd.f32 v12, v7  }
0x269: {  	v54 =	vld [tilespmem:$0x34F0];
	v56 =	vadd.f32 v24, v23;
	[tilespmem:$0x3330] =	vst v8  }
0x26a: {  	v57 =	vld [tilespmem:$0x3B60];
	[tilespmem:$0x3380] =	vst v6;
	v6 =	vadd.f32 v28, v21  }
0x26b: {  	[tilespmem:$0x3450] =	vst v56;
	v8 =	vadd.f32 v60, v59;
	v62 =	vld [tilespmem:$0x1FFE0]  }
0x26c: {  	v56 =	vld [tilespmem:$0x3C00];
	[tilespmem:$0x33A0] =	vst v6;
	v6 =	vadd.f32 v43, v37  }
0x26d: {  	v59 =	vadd.f32 v30, v27;
	[tilespmem:$0x3350] =	vst v8;
	v39 =	vld [tilespmem:$0x34B0]  }
0x26e: {  	v60 =	vld [tilespmem:$0x3B70];
	[tilespmem:$0x33C0] =	vst v6;
	v6 =	vadd.f32 v47, v46  }
0x26f: {  	[tilespmem:$0x3470] =	vst v59;
	v59 =	vld [tilespmem:$0x3C10]  }
0x270: {  	v8 =	vadd.f32 v63, v62;
	v63 =	vld [tilespmem:$0x3B80];
	[tilespmem:$0x33E0] =	vst v6;
	v6 =	vadd.f32 v10, v9  }
0x271: {  	v62 =	vadd.f32 v34, v33;
	v33 =	vld [tilespmem:$0x3590]  }
0x272: {  	v34 =	vadd.f32 v40, v39;
	v39 =	vld [tilespmem:$0x3BA0];
	[tilespmem:$0x3400] =	vst v6;
	v6 =	vadd.f32 v16, v15  }
0x273: {  	v40 =	vld [tilespmem:$0x35B0]  }
0x274: {  	v49 =	vld [tilespmem:$0x3AC0];
	[tilespmem:$0x3420] =	vst v6;
	v6 =	vadd.f32 v22, v19  }
0x275: {  	[tilespmem:$0x33B0] =	vst v36;
	v52 =	vld [tilespmem:$0x34E0]  }
0x276: {  	v55 =	vld [tilespmem:$0x3AF0];
	[tilespmem:$0x3440] =	vst v6;
	v6 =	vadd.f32 v26, v25  }
0x277: {  	[tilespmem:$0x3370] =	vst v8;
	v58 =	vld [tilespmem:$0x3570]  }
0x278: {  	v7 =	vld [tilespmem:$0x3500];
	[tilespmem:$0x3460] =	vst v6;
	v6 =	vadd.f32 v32, v31  }
0x279: {  	[tilespmem:$0x3490] =	vst v62;
	v12 =	vld [tilespmem:$0x3B00]  }
0x27a: {  	v46 =	vld [tilespmem:$0x3B30];
	[tilespmem:$0x3480] =	vst v6;
	v6 =	vadd.f32 v38, v35  }
0x27b: {  	[tilespmem:$0x34B0] =	vst v34;
	v21 =	vld [tilespmem:$0x3520];
	v43 =	vadd.f32 v20, v13  }
0x27c: {  	v28 =	vld [tilespmem:$0x3B20];
	[tilespmem:$0x34A0] =	vst v6;
	v6 =	vadd.f32 v49, v41  }
0x27d: {  	v47 =	vadd.f32 v14, v11;
	v11 =	vld [tilespmem:$0x3550];
	[tilespmem:$0x3510] =	vst v43  }
0x27e: {  	v9 =	vld [tilespmem:$0x3540];
	[tilespmem:$0x34C0] =	vst v6;
	v6 =	vadd.f32 v53, v52  }
0x27f: {  	v10 =	vld [tilespmem:$0x3B40];
	[tilespmem:$0x3410] =	vst v47;
	v46 =	vadd.f32 v46, v29  }
0x280: {  	v14 =	vld [tilespmem:$0x3B50];
	[tilespmem:$0x34E0] =	vst v6;
	v6 =	vadd.f32 v12, v7  }
0x281: {  	v15 =	vld [tilespmem:$0x3560];
	[tilespmem:$0x3530] =	vst v46;
	v38 =	vadd.f32 v51, v50  }
0x282: {  	v61 =	vld [tilespmem:$0x3580];
	[tilespmem:$0x3500] =	vst v6;
	v6 =	vadd.f32 v28, v21  }
0x283: {  	v37 =	vld [tilespmem:$0x35A0];
	[tilespmem:$0x34D0] =	vst v38;
	v41 =	vadd.f32 v55, v54  }
0x284: {  	v47 =	vld [tilespmem:$0x3BD0];
	[tilespmem:$0x3520] =	vst v6;
	v6 =	vadd.f32 v10, v9  }
0x285: {  	v35 =	vld [tilespmem:$0x3B90];
	v49 =	vadd.f32 v14, v11;
	[tilespmem:$0x34F0] =	vst v41  }
0x286: {  	v50 =	vld [tilespmem:$0x3BE0];
	[tilespmem:$0x3540] =	vst v6;
	v6 =	vadd.f32 v57, v15  }
0x287: {  	[tilespmem:$0x3550] =	vst v49;
	v52 =	vadd.f32 v60, v58;
	v7 =	vld [tilespmem:$0x35C0]  }
0x288: {  	v51 =	vld [tilespmem:$0x35F0];
	[tilespmem:$0x3560] =	vst v6;
	v6 =	vadd.f32 v63, v61  }
0x289: {  	v54 =	vld [tilespmem:$0x3600];
	v58 =	vadd.f32 v42, v40;
	[tilespmem:$0x3570] =	vst v52  }
0x28a: {  	v53 =	vld [tilespmem:$0x3BF0];
	[tilespmem:$0x3580] =	vst v6;
	v6 =	vadd.f32 v39, v37  }
0x28b: {  	v60 =	vadd.f32 v47, v45;
	[tilespmem:$0x35B0] =	vst v58;
	v57 =	vld [tilespmem:$0x3610]  }
0x28c: {  	v61 =	vld [tilespmem:$0x3C20];
	[tilespmem:$0x35A0] =	vst v6;
	v6 =	vadd.f32 v44, v7  }
0x28d: {  	v55 =	vadd.f32 v35, v33;
	[tilespmem:$0x35D0] =	vst v60;
	v7 =	vld [tilespmem:$0x3620]  }
0x28e: {  	[tilespmem:$0x35C0] =	vst v6;
	v6 =	vadd.f32 v50, v48  }
0x28f: {  	[tilespmem:$0x3590] =	vst v55;
	v62 =	vadd.f32 v53, v51  }
0x290: {  	[tilespmem:$0x35E0] =	vst v6;
	v6 =	vadd.f32 v56, v54  }
0x291: {  	[tilespmem:$0x35F0] =	vst v62;
	v63 =	vadd.f32 v59, v57  }
0x292: {  	[tilespmem:$0x3600] =	vst v6;
	v6 =	vadd.f32 v61, v7  }
0x293: {  	[tilespmem:$0x3610] =	vst v63  }
.Ltmp5:
0x294: {  	[tilespmem:$0x3620] =	vst v6;
	(pc) =	sbr.rel .LBB2_10-.Ltmp5, $4  }
0x295: {  	[hbm4b:s10+s12] =	stream.strided.scatter [tilespmem:s16], [sflag:$0x1], $0x600, s17, s12, $0x38;
	[tilespmem:$0x3F58] =	vst v63  }
0x296: {  	_ =	swait.ge [sflag:s14], $0x600  }
0x297: {  	[sflag:s14] =	ssyncset.done $0x0  }
0x298: {  	[sflag:s14] =	ssyncadd.s32 $0xFFFFFA00  }
.LBB2_7:
0x299: {  	[tilespmem:s15], [sflag:$0x1] =	stream.linear.gather [hbm4b:s6+s2], $0x80, $0x38;
	[tilespmem:$0x3F58] =	vst v63  }
0x29a: {  	_ =	swait.ge [sflag:s14], $0x80  }
0x29b: {  	[sflag:s14] =	ssyncset.done $0x0  }
0x29c: {  	[sflag:s14] =	ssyncadd.s32 $0xFFFFFF80  }
0x29d: {  	v6 =	vld [tilespmem:$0x3000]  }
0x29e: {  	s20 =	simm.s32 $0x1800;
	v7 =	vld [tilespmem:$0x3010]  }
.LBB2_8:
0x29f: {  	v8 =	vor.u32 s20, v0  }
0x2a0: {  	v9 =	vor.u32 s20, v2;
	_ =	sdelay $0x3  }
0x2a1: {  	v10 =	vor.u32 s20, v3;
	v8 =	vld.idx.msk [tilespmem:v8+s2+$0x0], $0xffff  }
0x2a2: {  	v9 =	vld.idx.msk [tilespmem:v9+s2+$0x0], $0xffff;
	_ =	sdelay $0x3  }
0x2a3: {  	v10 =	vld.idx.msk [tilespmem:v10+s2+$0x0], $0xffff  }
0x2a4: {  	v11 =	vmul.f32 v8, v6;
	v12 =	vmul.f32 v9, v7  }
0x2a5: {  	v8 =	vmul.f32 v8, v7;
	v9 =	vmul.f32 v9, v6;
	_ =	sdelay $0x1  }
0x2a6: {  	v8 =	vadd.f32 v9, v8  }
0x2a7: {  	v10 =	vadd.f32 $2.500000000e+00, v10;
	v11 =	vsub.f32 v11, v12  }
0x2a8: {  	v8 =	vadd.f32 $8.500000000e+00, v8  }
0x2a9: {  	v10 =	vmax.f32 v10, $-1.600000000e+04;
	v56 =	vadd.f32 $8.500000000e+00, v11  }
0x2aa: {  	v60 =	vmin.f32 v10, $1.600000000e+04;
	v8 =	vmax.f32 v8, $-1.600000000e+04  }
0x2ab: {  	v62 =	vtrunc.f32 v60;
	v9 =	vmax.f32 v56, $-1.600000000e+04;
	v8 =	vmin.f32 v8, $1.600000000e+04  }
0x2ac: {  	vm14 =	vlt.f32 v60, v62;
	v9 =	vmin.f32 v9, $1.600000000e+04;
	v58 =	vtrunc.f32 v8  }
0x2ad: {  	v57 =	vtrunc.f32 v9;
	vm0 =	vlt.f32 v8, v58;
	v8 =	vcvt.f32.s32 v58  }
0x2ae: {  	vm13 =	vlt.f32 v9, v57;
	v61 =	vcvt.f32.s32 v57;
	v59 =	vsel vm0, $0xFFFFFFFF, v4  }
0x2af: {  	v14 =	vcvt.f32.s32 v62;
	v63 =	vsel vm13, $0xFFFFFFFF, v4;
	v8 =	vadd.s32 v8, v59  }
0x2b0: {  	v15 =	vsel vm14, $0xFFFFFFFF, v4;
	v10 =	vadd.s32 v61, v63;
	v8 =	vmul.u32 $0x5, v8  }
0x2b1: {  	v9 =	vadd.s32 v14, v15;
	v10 =	vmul.u32 $0x55, v10  }
0x2b2: {  	v8 =	vadd.s32 v8, v9  }
0x2b3: {  	v8 =	vadd.s32 v10, v8  }
0x2b4: {  	vm15 =	vlt.u32 v8, $0x5A5  }
0x2b5: {  	s21 =	sadd.s32 $0x30, s20  }
0x2b6: {  	v16 =	vadd.s32 s21, v0  }
0x2b7: {  	v17 =	vadd.s32 s21, v2;
	_ =	sdelay $0x2  }
0x2b8: {  	v19 =	vadd.s32 s21, v3;
	[tilespmem:v8+s16+$0x0] =	vst.idx.add.f32.msk vm15, v5  }
0x2b9: {  	v8 =	vld.idx.msk [tilespmem:v16+s2+$0x0], $0xffff  }
0x2ba: {  	v18 =	vld.idx.msk [tilespmem:v17+s2+$0x0], $0xffff;
	_ =	sdelay $0x2  }
0x2bb: {  	v10 =	vld.idx.msk [tilespmem:v19+s2+$0x0], $0xffff  }
0x2bc: {  	v20 =	vmul.f32 v8, v6  }
0x2bd: {  	v8 =	vmul.f32 v8, v7;
	v9 =	vmul.f32 v18, v6  }
0x2be: {  	v21 =	vmul.f32 v18, v7  }
0x2bf: {  	v8 =	vadd.f32 v9, v8  }
0x2c0: {  	v10 =	vadd.f32 $2.500000000e+00, v10;
	v11 =	vsub.f32 v20, v21  }
0x2c1: {  	v8 =	vadd.f32 $8.500000000e+00, v8  }
0x2c2: {  	v10 =	vmax.f32 v10, $-1.600000000e+04;
	v22 =	vadd.f32 $8.500000000e+00, v11  }
0x2c3: {  	v26 =	vmin.f32 v10, $1.600000000e+04;
	v8 =	vmax.f32 v8, $-1.600000000e+04  }
0x2c4: {  	v28 =	vtrunc.f32 v26;
	v9 =	vmax.f32 v22, $-1.600000000e+04;
	v8 =	vmin.f32 v8, $1.600000000e+04  }
0x2c5: {  	vm6 =	vlt.f32 v26, v28;
	v9 =	vmin.f32 v9, $1.600000000e+04;
	v24 =	vtrunc.f32 v8  }
0x2c6: {  	v23 =	vtrunc.f32 v9;
	vm4 =	vlt.f32 v8, v24;
	v8 =	vcvt.f32.s32 v24  }
0x2c7: {  	vm5 =	vlt.f32 v9, v23;
	v27 =	vcvt.f32.s32 v23;
	v25 =	vsel vm4, $0xFFFFFFFF, v4  }
0x2c8: {  	v30 =	vcvt.f32.s32 v28;
	v29 =	vsel vm5, $0xFFFFFFFF, v4;
	v8 =	vadd.s32 v8, v25  }
0x2c9: {  	v31 =	vsel vm6, $0xFFFFFFFF, v4;
	v10 =	vadd.s32 v27, v29;
	v8 =	vmul.u32 $0x5, v8  }
0x2ca: {  	v9 =	vadd.s32 v30, v31;
	v10 =	vmul.u32 $0x55, v10  }
0x2cb: {  	v8 =	vadd.s32 v8, v9  }
0x2cc: {  	v8 =	vadd.s32 v10, v8  }
0x2cd: {  	vm7 =	vlt.u32 v8, $0x5A5  }
0x2ce: {  	s30 =	sadd.s32 $0x60, s20  }
0x2cf: {  	v32 =	vadd.s32 s30, v0  }
0x2d0: {  	v33 =	vadd.s32 s30, v2;
	_ =	sdelay $0x2  }
0x2d1: {  	v35 =	vadd.s32 s30, v3;
	[tilespmem:v8+s16+$0x0] =	vst.idx.add.f32.msk vm7, v5  }
0x2d2: {  	v8 =	vld.idx.msk [tilespmem:v32+s2+$0x0], $0xffff  }
0x2d3: {  	v34 =	vld.idx.msk [tilespmem:v33+s2+$0x0], $0xffff;
	_ =	sdelay $0x2  }
0x2d4: {  	v10 =	vld.idx.msk [tilespmem:v35+s2+$0x0], $0xffff  }
0x2d5: {  	v36 =	vmul.f32 v8, v6  }
0x2d6: {  	v8 =	vmul.f32 v8, v7;
	v9 =	vmul.f32 v34, v6  }
0x2d7: {  	v37 =	vmul.f32 v34, v7  }
0x2d8: {  	v8 =	vadd.f32 v9, v8  }
0x2d9: {  	v10 =	vadd.f32 $2.500000000e+00, v10;
	v11 =	vsub.f32 v36, v37  }
0x2da: {  	v8 =	vadd.f32 $8.500000000e+00, v8  }
0x2db: {  	v10 =	vmax.f32 v10, $-1.600000000e+04;
	v38 =	vadd.f32 $8.500000000e+00, v11  }
0x2dc: {  	v42 =	vmin.f32 v10, $1.600000000e+04;
	v8 =	vmax.f32 v8, $-1.600000000e+04  }
0x2dd: {  	v44 =	vtrunc.f32 v42;
	v9 =	vmax.f32 v38, $-1.600000000e+04;
	v8 =	vmin.f32 v8, $1.600000000e+04  }
0x2de: {  	vm10 =	vlt.f32 v42, v44;
	v9 =	vmin.f32 v9, $1.600000000e+04;
	v40 =	vtrunc.f32 v8  }
0x2df: {  	v39 =	vtrunc.f32 v9;
	vm8 =	vlt.f32 v8, v40;
	v8 =	vcvt.f32.s32 v40  }
0x2e0: {  	vm9 =	vlt.f32 v9, v39;
	v43 =	vcvt.f32.s32 v39;
	v41 =	vsel vm8, $0xFFFFFFFF, v4  }
0x2e1: {  	v46 =	vcvt.f32.s32 v44;
	v45 =	vsel vm9, $0xFFFFFFFF, v4;
	v8 =	vadd.s32 v8, v41  }
0x2e2: {  	v47 =	vsel vm10, $0xFFFFFFFF, v4;
	v10 =	vadd.s32 v43, v45;
	v8 =	vmul.u32 $0x5, v8  }
0x2e3: {  	v9 =	vadd.s32 v46, v47;
	v10 =	vmul.u32 $0x55, v10  }
0x2e4: {  	v8 =	vadd.s32 v8, v9  }
0x2e5: {  	v8 =	vadd.s32 v10, v8  }
0x2e6: {  	vm11 =	vlt.u32 v8, $0x5A5  }
0x2e7: {  	s31 =	sadd.s32 $0x90, s20  }
0x2e8: {  	v48 =	vadd.s32 s31, v0  }
0x2e9: {  	v49 =	vadd.s32 s31, v2;
	_ =	sdelay $0x2  }
0x2ea: {  	v51 =	vadd.s32 s31, v3;
	[tilespmem:v8+s16+$0x0] =	vst.idx.add.f32.msk vm11, v5  }
0x2eb: {  	v8 =	vld.idx.msk [tilespmem:v48+s2+$0x0], $0xffff  }
0x2ec: {  	v50 =	vld.idx.msk [tilespmem:v49+s2+$0x0], $0xffff;
	_ =	sdelay $0x2  }
0x2ed: {  	v10 =	vld.idx.msk [tilespmem:v51+s2+$0x0], $0xffff  }
0x2ee: {  	v52 =	vmul.f32 v8, v6  }
0x2ef: {  	v8 =	vmul.f32 v8, v7;
	v9 =	vmul.f32 v50, v6  }
0x2f0: {  	v53 =	vmul.f32 v50, v7  }
0x2f1: {  	v8 =	vadd.f32 v9, v8  }
0x2f2: {  	v10 =	vadd.f32 $2.500000000e+00, v10;
	v11 =	vsub.f32 v52, v53  }
0x2f3: {  	v8 =	vadd.f32 $8.500000000e+00, v8  }
0x2f4: {  	v10 =	vmax.f32 v10, $-1.600000000e+04;
	v54 =	vadd.f32 $8.500000000e+00, v11  }
0x2f5: {  	v58 =	vmin.f32 v10, $1.600000000e+04;
	v8 =	vmax.f32 v8, $-1.600000000e+04  }
0x2f6: {  	v60 =	vtrunc.f32 v58;
	v9 =	vmax.f32 v54, $-1.600000000e+04;
	v8 =	vmin.f32 v8, $1.600000000e+04  }
0x2f7: {  	vm14 =	vlt.f32 v58, v60;
	v9 =	vmin.f32 v9, $1.600000000e+04;
	v56 =	vtrunc.f32 v8  }
0x2f8: {  	v55 =	vtrunc.f32 v9;
	vm12 =	vlt.f32 v8, v56;
	v8 =	vcvt.f32.s32 v56  }
0x2f9: {  	vm13 =	vlt.f32 v9, v55;
	v59 =	vcvt.f32.s32 v55;
	v57 =	vsel vm12, $0xFFFFFFFF, v4  }
0x2fa: {  	v62 =	vcvt.f32.s32 v60;
	v61 =	vsel vm13, $0xFFFFFFFF, v4;
	v8 =	vadd.s32 v8, v57  }
0x2fb: {  	v63 =	vsel vm14, $0xFFFFFFFF, v4;
	v10 =	vadd.s32 v59, v61;
	v8 =	vmul.u32 $0x5, v8  }
0x2fc: {  	v9 =	vadd.s32 v62, v63;
	v10 =	vmul.u32 $0x55, v10  }
0x2fd: {  	v8 =	vadd.s32 v8, v9  }
0x2fe: {  	v8 =	vadd.s32 v10, v8  }
0x2ff: {  	vm15 =	vlt.u32 v8, $0x5A5  }
0x300: {  	p1 =	sne.s32 s20, $0x2F40  }
.Ltmp6:
0x301: {  	_ = 	snop;
	(pc) =	sbr.rel @p1 .LBB2_8-.Ltmp6, $2  }
0x302: {  	_ =	sdelay $0x2  }
0x303: {  	s20 =	sadd.s32 $0xC0, s20;
	[tilespmem:v8+s16+$0x0] =	vst.idx.add.f32.msk vm15, v5  }
0x304: {  	[spmem:s7] =	stream.strided.scatter [tilespmem:s16], [sflag:$0x1], $0x600, s17, s12, $0x38;
	[tilespmem:$0x3F58] =	vst v63  }
.Ltmp7:
0x305: {  	_ =	swait.ge [sflag:s14], $0x600;
	(pc) =	sbr.rel .LBB2_10-.Ltmp7, $3  }
0x306: {  	[sflag:s14] =	ssyncset.done $0x0  }
0x307: {  	[sflag:s14] =	ssyncadd.s32 $0xFFFFFA00  }
0x308: {  	[bflag:$0x0] =	sbarrier.arrive $0xFFFF;
	_ =	sdelay $0x1  }
.LBB2_11:
0x309: {  	_ =	sfence.sel $0x180000  }
0x30a: {  	[bflag:$0x0] =	sbarrier.arrive $0xFFFF  }
0x30b: {  	p0 =	sne.s32 s0, $0x0;
	_ =	strace $0x90000047  }
0x30c: {  	s0 =	sadd.s32 @!p0 $0x100000, s1;
	[bflag:$0x2] =	sbarrier.arrive $0xFFFF  }
0x30d: {  	[sflag:s0] =	ssyncadd.tile.s32 @!p0 $0x1;
	_ =	shalt  }
.Lfunc_end2:
_tile_overlayer_lowered:
.L_overlay_start_2:
0x30e: {  	(tag) =	ssettag $0x2  }
0x30f: {  	s0 =	rddreg [dreg:$0x0];
	s2 =	stileid.u32  }
0x310: {  	s1 =	rddreg [dreg:$0x1];
	p0 =	sne.s32 s2, $0x0  }
0x311: {  	s3 =	rddreg [dreg:$0x2];
	[bflag:$0x3] =	sbarrier.arrive $0xFFFF;
	s2 =	simm.s32 @!p0 $0x1C01  }
0x312: {  	[timem:s3], [sflag:s2] =	dma.local @!p0 [hbm:s0], s1  }
0x313: {  	s0 =	simm.s32 @!p0 $0x1  }
0x314: {  	_ =	swait.ge @!p0 [sflag:s0], s1  }
0x315: {  	s1 =	ssub.s32 @!p0 $0x0, s1;
	[sflag:s0] =	ssyncset.done @!p0 $0x0  }
0x316: {  	[sflag:s0] =	ssyncadd.s32 @!p0 s1  }
0x317: {  	[bflag:$0x3] =	sbarrier.arrive $0xFFFF  }
0x318: {  	_ =	shalt  }

</sc_bundles>
